<compile_context>
chip_gen: v7x
topology: tpu7x:2x2x1
jax: 0.10.2.dev20260603
libtpu: 0.0.44.dev20260713+nightly
codegen_flags: <defaults>
</compile_context>

<pallas_src>
import jax
import jax.numpy as jnp
from jax import lax
from jax.experimental import pallas as pl
from jax.experimental.pallas import tpu as pltpu
from jax.experimental.pallas import tpu_sc as plsc

_BATCH = 16384
_D = 32
_NC = 2
_NS = 16
_NW = _NC * _NS
_BPW = _BATCH // _NW
_CHUNK = 128
_NCHUNK = _BPW // _CHUNK
_L = 16
_NBUF = 8


def _mf_body(uid_hbm, iid_hbm, pt_hbm, qt_hbm, ub_hbm, ib_hbm, out_hbm,
             uidx, iidx, pblk, qblk, bu_v, bi_v, out_v,
             semp0, semp1, semp2, semp3, semp4, semp5, semp6, semp7,
             semq0, semq1, semq2, semq3, semq4, semq5, semq6, semq7,
             semb):
    wid = lax.axis_index("s") * _NC + lax.axis_index("c")
    semp = (semp0, semp1, semp2, semp3, semp4, semp5, semp6, semp7)
    semq = (semq0, semq1, semq2, semq3, semq4, semq5, semq6, semq7)

    pltpu.sync_copy(uid_hbm.at[wid], uidx)
    pltpu.sync_copy(iid_hbm.at[wid], iidx)

    bias_cps = []
    for c in range(_NCHUNK):
        sl = pl.ds(c * _CHUNK, _CHUNK)
        bias_cps.append(pltpu.async_copy(
            ub_hbm.at[0].at[uidx.at[sl]], bu_v.at[sl], semb))
        bias_cps.append(pltpu.async_copy(
            ib_hbm.at[0].at[iidx.at[sl]], bi_v.at[sl], semb))

    def fire(u, i, slot):
        ubase = pl.multiple_of((u // _CHUNK) * _CHUNK, _CHUNK)
        ibase = pl.multiple_of((i // _CHUNK) * _CHUNK, _CHUNK)
        pltpu.async_copy(pt_hbm.at[:, pl.ds(ubase, _CHUNK)], pblk.at[slot], semp[slot])
        pltpu.async_copy(qt_hbm.at[:, pl.ds(ibase, _CHUNK)], qblk.at[slot], semq[slot])

    def drain(slot):
        pltpu.make_async_copy(
            pt_hbm.at[:, pl.ds(0, _CHUNK)], pblk.at[slot], semp[slot]).wait()
        pltpu.make_async_copy(
            qt_hbm.at[:, pl.ds(0, _CHUNK)], qblk.at[slot], semq[slot]).wait()

    uvec0 = uidx[pl.ds(0, _L)]
    ivec0 = iidx[pl.ds(0, _L)]
    for e in range(_NBUF):
        fire(uvec0[e], ivec0[e], e)
    for cp in bias_cps:
        cp.wait()

    kr = lax.broadcasted_iota(jnp.int32, (_L,), 0)

    def group(g, carry):
        base = g * _L
        nbase = jnp.minimum(base + _L, _BPW - _L)
        uvec = uidx[pl.ds(base, _L)]
        ivec = iidx[pl.ds(base, _L)]
        unext = uidx[pl.ds(nbase, _L)]
        inext = iidx[pl.ds(nbase, _L)]
        acc = jnp.zeros((_L,), jnp.float32)
        for e in range(_L):
            slot = e % _NBUF
            drain(slot)
            u = uvec[e]
            i = ivec[e]
            ul = jnp.full((_L,), u % _CHUNK, jnp.int32)
            il = jnp.full((_L,), i % _CHUNK, jnp.int32)
            p0 = plsc.load_gather(pblk.at[slot], [kr, ul])
            p1 = plsc.load_gather(pblk.at[slot], [kr + _L, ul])
            q0 = plsc.load_gather(qblk.at[slot], [kr, il])
            q1 = plsc.load_gather(qblk.at[slot], [kr + _L, il])
            prod = p0 * q0 + p1 * q1
            s = jnp.sum(prod)
            acc = jnp.where(kr == e, s, acc)
            if e < _L - _NBUF:
                fire(uvec[e + _NBUF], ivec[e + _NBUF], slot)
            else:
                fire(unext[e - (_L - _NBUF)], inext[e - (_L - _NBUF)], slot)
        out_v[pl.ds(base, _L)] = (
            acc + bu_v[pl.ds(base, _L)] + bi_v[pl.ds(base, _L)])
        return carry

    lax.fori_loop(0, _BPW // _L, group, 0)

    for e in range(_NBUF):
        drain(e)

    pltpu.sync_copy(out_v, out_hbm.at[pl.ds(wid * _BPW, _BPW)])


@jax.jit
def _mf(uid2, iid2, PT, QT, ub, ib):
    mesh = plsc.VectorSubcoreMesh(core_axis_name="c", subcore_axis_name="s")
    return pl.kernel(
        _mf_body,
        mesh=mesh,
        compiler_params=pltpu.CompilerParams(needs_layout_passes=False),
        out_type=jax.ShapeDtypeStruct((_BATCH,), jnp.float32),
        scratch_types=[
            pltpu.VMEM((_BPW,), jnp.int32),
            pltpu.VMEM((_BPW,), jnp.int32),
            pltpu.VMEM((_NBUF, _D, _CHUNK), jnp.float32),
            pltpu.VMEM((_NBUF, _D, _CHUNK), jnp.float32),
            pltpu.VMEM((_BPW,), jnp.float32),
            pltpu.VMEM((_BPW,), jnp.float32),
            pltpu.VMEM((_BPW,), jnp.float32),
        ] + [pltpu.SemaphoreType.DMA] * (2 * _NBUF + 1),
    )(uid2, iid2, PT, QT, ub, ib)


def kernel(user_id, item_id, P, Q, user_bias, item_bias):
    uid2 = user_id.reshape(_NW, _BPW)
    iid2 = item_id.reshape(_NW, _BPW)
    return _mf(uid2, iid2, P.T, Q.T, user_bias.T, item_bias.T)

# --- scband reference (transcript-rebuilt; emitter-appended) ---
"""Pipeline reference for scband-mf-48284022341904 (READ-ONLY COPY).

The authoritative reference and input builder live on the scoring server;
editing this copy changes nothing except your own understanding.
"""

import jax, jax.numpy as jnp
import numpy as np

NUM_USERS = 1000000
NUM_ITEMS = 1000000
NUM_FACTORS = 32
BATCH = 16384


def setup_inputs(seed: int = 0) -> dict:
    key = jax.random.key(seed)
    k1, k2, k3, k4, k5, k6 = jax.random.split(key, 6)
    user_id = jax.random.randint(k1, (BATCH,), 0, NUM_USERS, dtype=jnp.int64 if jax.config.jax_enable_x64 else jnp.int32).astype(jnp.int32)
    item_id = jax.random.randint(k2, (BATCH,), 0, NUM_ITEMS, dtype=jnp.int64 if jax.config.jax_enable_x64 else jnp.int32).astype(jnp.int32)
    P = jax.random.normal(k3, (NUM_USERS, NUM_FACTORS), dtype=jnp.float32) * 0.01
    Q = jax.random.normal(k4, (NUM_ITEMS, NUM_FACTORS), dtype=jnp.float32) * 0.01
    user_bias = jax.random.normal(k5, (NUM_USERS, 1), dtype=jnp.float32) * 0.01
    item_bias = jax.random.normal(k6, (NUM_ITEMS, 1), dtype=jnp.float32) * 0.01
    return {"user_id": user_id, "item_id": item_id, "P": P, "Q": Q, "user_bias": user_bias, "item_bias": item_bias}


def reference(user_id, item_id, P, Q, user_bias, item_bias):
    P_u = jnp.take(P, user_id, axis=0)
    Q_i = jnp.take(Q, item_id, axis=0)
    b_u = jnp.take(user_bias, user_id, axis=0)[:, 0]
    b_i = jnp.take(item_bias, item_id, axis=0)[:, 0]
    outputs = (P_u * Q_i).sum(axis=1) + b_u + b_i
    return outputs.reshape(-1)

if __name__ == "__main__":
    import jax
    _d = setup_inputs()
    print(jax.jit(kernel)(*tuple(_d.values())))

</pallas_src>

<mosaic_0001>
#map = affine_map<(d0, d1) -> (0, 0)>
#map1 = affine_map<(d0, d1) -> (0)>
module attributes {stable_mosaic.version = 14 : i64} {
  func.func @_mf_body(%arg0: i32, %arg1: i32, %arg2: memref<32x512xi32, #tpu.memory_space<hbm>>, %arg3: memref<32x512xi32, #tpu.memory_space<hbm>>, %arg4: memref<32x1000000xf32, #tpu.memory_space<hbm>>, %arg5: memref<32x1000000xf32, #tpu.memory_space<hbm>>, %arg6: memref<1x1000000xf32, #tpu.memory_space<hbm>>, %arg7: memref<1x1000000xf32, #tpu.memory_space<hbm>>, %arg8: memref<16384xf32, #tpu.memory_space<hbm>>, %arg9: memref<512xi32, #tpu.memory_space<vmem>>, %arg10: memref<512xi32, #tpu.memory_space<vmem>>, %arg11: memref<8x32x128xf32, #tpu.memory_space<vmem>>, %arg12: memref<8x32x128xf32, #tpu.memory_space<vmem>>, %arg13: memref<512xf32, #tpu.memory_space<vmem>>, %arg14: memref<512xf32, #tpu.memory_space<vmem>>, %arg15: memref<512xf32, #tpu.memory_space<vmem>>, %arg16: memref<!tpu.dma_semaphore, #tpu.memory_space<semaphore_mem>>, %arg17: memref<!tpu.dma_semaphore, #tpu.memory_space<semaphore_mem>>, %arg18: memref<!tpu.dma_semaphore, #tpu.memory_space<semaphore_mem>>, %arg19: memref<!tpu.dma_semaphore, #tpu.memory_space<semaphore_mem>>, %arg20: memref<!tpu.dma_semaphore, #tpu.memory_space<semaphore_mem>>, %arg21: memref<!tpu.dma_semaphore, #tpu.memory_space<semaphore_mem>>, %arg22: memref<!tpu.dma_semaphore, #tpu.memory_space<semaphore_mem>>, %arg23: memref<!tpu.dma_semaphore, #tpu.memory_space<semaphore_mem>>, %arg24: memref<!tpu.dma_semaphore, #tpu.memory_space<semaphore_mem>>, %arg25: memref<!tpu.dma_semaphore, #tpu.memory_space<semaphore_mem>>, %arg26: memref<!tpu.dma_semaphore, #tpu.memory_space<semaphore_mem>>, %arg27: memref<!tpu.dma_semaphore, #tpu.memory_space<semaphore_mem>>, %arg28: memref<!tpu.dma_semaphore, #tpu.memory_space<semaphore_mem>>, %arg29: memref<!tpu.dma_semaphore, #tpu.memory_space<semaphore_mem>>, %arg30: memref<!tpu.dma_semaphore, #tpu.memory_space<semaphore_mem>>, %arg31: memref<!tpu.dma_semaphore, #tpu.memory_space<semaphore_mem>>, %arg32: memref<!tpu.dma_semaphore, #tpu.memory_space<semaphore_mem>>) attributes {dimension_semantics = [#tpu.dimension_semantics<core_parallel>, #tpu.dimension_semantics<subcore_parallel>], iteration_bounds = array<i64: 2, 16>, scalar_prefetch = 0 : i64, scratch_operands = 24 : i64, tpu.core_type = #tpu.core_type<sc_vector_subcore>, window_params = [{transform_indices = #map}, {transform_indices = #map}, {transform_indices = #map}, {transform_indices = #map}, {transform_indices = #map}, {transform_indices = #map}, {transform_indices = #map1}]} {
    %mul3A = arith.constant 2 : i32
    %mul3A_0 = arith.muli %arg1, %mul3A : i32
    %add3A = arith.addi %mul3A_0, %arg0 : i32
    "tpu.region"() ({
      %run_scoped3A = tpu.sem_alloc : memref<!tpu.dma_semaphore, #tpu.memory_space<semaphore_mem>>
      %dma_start3A_1070 = arith.constant 0 : i32
      %dma_start3A_1071 = tpu.memref_slice %arg2[%add3A, %dma_start3A_1070] : memref<32x512xi32, #tpu.memory_space<hbm>> -> memref<1x512xi32, #tpu.memory_space<hbm>>
      %dma_start3A_1072 = tpu.memref_squeeze %dma_start3A_1071 : memref<1x512xi32, #tpu.memory_space<hbm>> -> memref<512xi32, #tpu.memory_space<hbm>>
      %dma_start3A_1073 = arith.constant 0 : i32
      %dma_start3A_1074 = tpu.memref_slice %arg2[%add3A, %dma_start3A_1073] : memref<32x512xi32, #tpu.memory_space<hbm>> -> memref<1x512xi32, #tpu.memory_space<hbm>>
      %dma_start3A_1075 = tpu.memref_squeeze %dma_start3A_1074 : memref<1x512xi32, #tpu.memory_space<hbm>> -> memref<512xi32, #tpu.memory_space<hbm>>
      tpu.enqueue_dma source(%dma_start3A_1075 : memref<512xi32, #tpu.memory_space<hbm>>) target(%arg9 : memref<512xi32, #tpu.memory_space<vmem>>) target_semaphore(%run_scoped3A : memref<!tpu.dma_semaphore, #tpu.memory_space<semaphore_mem>>)
      %dma_wait3A_1076 = arith.constant 0 : i32
      %dma_wait3A_1077 = tpu.memref_slice %arg2[%add3A, %dma_wait3A_1076] : memref<32x512xi32, #tpu.memory_space<hbm>> -> memref<1x512xi32, #tpu.memory_space<hbm>>
      %dma_wait3A_1078 = tpu.memref_squeeze %dma_wait3A_1077 : memref<1x512xi32, #tpu.memory_space<hbm>> -> memref<512xi32, #tpu.memory_space<hbm>>
      %dma_wait3A_1079 = arith.constant 0 : i32
      %dma_wait3A_1080 = tpu.memref_slice %arg2[%add3A, %dma_wait3A_1079] : memref<32x512xi32, #tpu.memory_space<hbm>> -> memref<1x512xi32, #tpu.memory_space<hbm>>
      %dma_wait3A_1081 = tpu.memref_squeeze %dma_wait3A_1080 : memref<1x512xi32, #tpu.memory_space<hbm>> -> memref<512xi32, #tpu.memory_space<hbm>>
      tpu.wait_dma2 semaphore(%run_scoped3A : memref<!tpu.dma_semaphore, #tpu.memory_space<semaphore_mem>>) src(%dma_wait3A_1081 : memref<512xi32, #tpu.memory_space<hbm>>) dst(%arg9 : memref<512xi32, #tpu.memory_space<vmem>>)
      tpu.yield
    }) : () -> ()
    "tpu.region"() ({
      %run_scoped3A = tpu.sem_alloc : memref<!tpu.dma_semaphore, #tpu.memory_space<semaphore_mem>>
      %dma_start3A_1070 = arith.constant 0 : i32
      %dma_start3A_1071 = tpu.memref_slice %arg3[%add3A, %dma_start3A_1070] : memref<32x512xi32, #tpu.memory_space<hbm>> -> memref<1x512xi32, #tpu.memory_space<hbm>>
      %dma_start3A_1072 = tpu.memref_squeeze %dma_start3A_1071 : memref<1x512xi32, #tpu.memory_space<hbm>> -> memref<512xi32, #tpu.memory_space<hbm>>
      %dma_start3A_1073 = arith.constant 0 : i32
      %dma_start3A_1074 = tpu.memref_slice %arg3[%add3A, %dma_start3A_1073] : memref<32x512xi32, #tpu.memory_space<hbm>> -> memref<1x512xi32, #tpu.memory_space<hbm>>
      %dma_start3A_1075 = tpu.memref_squeeze %dma_start3A_1074 : memref<1x512xi32, #tpu.memory_space<hbm>> -> memref<512xi32, #tpu.memory_space<hbm>>
      tpu.enqueue_dma source(%dma_start3A_1075 : memref<512xi32, #tpu.memory_space<hbm>>) target(%arg10 : memref<512xi32, #tpu.memory_space<vmem>>) target_semaphore(%run_scoped3A : memref<!tpu.dma_semaphore, #tpu.memory_space<semaphore_mem>>)
      %dma_wait3A_1076 = arith.constant 0 : i32
      %dma_wait3A_1077 = tpu.memref_slice %arg3[%add3A, %dma_wait3A_1076] : memref<32x512xi32, #tpu.memory_space<hbm>> -> memref<1x512xi32, #tpu.memory_space<hbm>>
      %dma_wait3A_1078 = tpu.memref_squeeze %dma_wait3A_1077 : memref<1x512xi32, #tpu.memory_space<hbm>> -> memref<512xi32, #tpu.memory_space<hbm>>
      %dma_wait3A_1079 = arith.constant 0 : i32
      %dma_wait3A_1080 = tpu.memref_slice %arg3[%add3A, %dma_wait3A_1079] : memref<32x512xi32, #tpu.memory_space<hbm>> -> memref<1x512xi32, #tpu.memory_space<hbm>>
      %dma_wait3A_1081 = tpu.memref_squeeze %dma_wait3A_1080 : memref<1x512xi32, #tpu.memory_space<hbm>> -> memref<512xi32, #tpu.memory_space<hbm>>
      tpu.wait_dma2 semaphore(%run_scoped3A : memref<!tpu.dma_semaphore, #tpu.memory_space<semaphore_mem>>) src(%dma_wait3A_1081 : memref<512xi32, #tpu.memory_space<hbm>>) dst(%arg10 : memref<512xi32, #tpu.memory_space<vmem>>)
      tpu.yield
    }) : () -> ()
    %dma_start3A = arith.constant 0 : i32
    %dma_start3A_1 = arith.constant 0 : i32
    %dma_start3A_2 = tpu.memref_slice %arg13[%dma_start3A_1] : memref<512xf32, #tpu.memory_space<vmem>> -> memref<128xf32, #tpu.memory_space<vmem>>
    %dma_start3A_3 = arith.constant 0 : i32
    %dma_start3A_4 = tpu.memref_slice %arg9[%dma_start3A_3] : memref<512xi32, #tpu.memory_space<vmem>> -> memref<128xi32, #tpu.memory_space<vmem>>
    %dma_start3A_5 = arith.constant 0 : i32
    %dma_start3A_6 = tpu.memref_slice %arg6[%dma_start3A, %dma_start3A_5] : memref<1x1000000xf32, #tpu.memory_space<hbm>> -> memref<1x1000000xf32, #tpu.memory_space<hbm>>
    %dma_start3A_7 = tpu.memref_squeeze %dma_start3A_6 : memref<1x1000000xf32, #tpu.memory_space<hbm>> -> memref<1000000xf32, #tpu.memory_space<hbm>>
    %dma_start3A_8 = arith.constant 0 : i32
    %dma_start3A_9 = tpu.memref_slice %dma_start3A_7[%dma_start3A_8] : memref<1000000xf32, #tpu.memory_space<hbm>> -> memref<1000000xf32, #tpu.memory_space<hbm>>
    tpu.enqueue_indirect_dma source(%dma_start3A_9 : memref<1000000xf32, #tpu.memory_space<hbm>>) target(%dma_start3A_2 : memref<128xf32, #tpu.memory_space<vmem>>) offsets(%dma_start3A_4 : memref<128xi32, #tpu.memory_space<vmem>>) semaphore(%arg32 : memref<!tpu.dma_semaphore, #tpu.memory_space<semaphore_mem>>)
    %dma_start3A_10 = arith.constant 0 : i32
    %dma_start3A_11 = arith.constant 0 : i32
    %dma_start3A_12 = tpu.memref_slice %arg14[%dma_start3A_11] : memref<512xf32, #tpu.memory_space<vmem>> -> memref<128xf32, #tpu.memory_space<vmem>>
    %dma_start3A_13 = arith.constant 0 : i32
    %dma_start3A_14 = tpu.memref_slice %arg10[%dma_start3A_13] : memref<512xi32, #tpu.memory_space<vmem>> -> memref<128xi32, #tpu.memory_space<vmem>>
    %dma_start3A_15 = arith.constant 0 : i32
    %dma_start3A_16 = tpu.memref_slice %arg7[%dma_start3A_10, %dma_start3A_15] : memref<1x1000000xf32, #tpu.memory_space<hbm>> -> memref<1x1000000xf32, #tpu.memory_space<hbm>>
    %dma_start3A_17 = tpu.memref_squeeze %dma_start3A_16 : memref<1x1000000xf32, #tpu.memory_space<hbm>> -> memref<1000000xf32, #tpu.memory_space<hbm>>
    %dma_start3A_18 = arith.constant 0 : i32
    %dma_start3A_19 = tpu.memref_slice %dma_start3A_17[%dma_start3A_18] : memref<1000000xf32, #tpu.memory_space<hbm>> -> memref<1000000xf32, #tpu.memory_space<hbm>>
    tpu.enqueue_indirect_dma source(%dma_start3A_19 : memref<1000000xf32, #tpu.memory_space<hbm>>) target(%dma_start3A_12 : memref<128xf32, #tpu.memory_space<vmem>>) offsets(%dma_start3A_14 : memref<128xi32, #tpu.memory_space<vmem>>) semaphore(%arg32 : memref<!tpu.dma_semaphore, #tpu.memory_space<semaphore_mem>>)
    %dma_start3A_20 = arith.constant 0 : i32
    %dma_start3A_21 = arith.constant 128 : i32
    %dma_start3A_22 = tpu.memref_slice %arg13[%dma_start3A_21] : memref<512xf32, #tpu.memory_space<vmem>> -> memref<128xf32, #tpu.memory_space<vmem>>
    %dma_start3A_23 = arith.constant 128 : i32
    %dma_start3A_24 = tpu.memref_slice %arg9[%dma_start3A_23] : memref<512xi32, #tpu.memory_space<vmem>> -> memref<128xi32, #tpu.memory_space<vmem>>
    %dma_start3A_25 = arith.constant 0 : i32
    %dma_start3A_26 = tpu.memref_slice %arg6[%dma_start3A_20, %dma_start3A_25] : memref<1x1000000xf32, #tpu.memory_space<hbm>> -> memref<1x1000000xf32, #tpu.memory_space<hbm>>
    %dma_start3A_27 = tpu.memref_squeeze %dma_start3A_26 : memref<1x1000000xf32, #tpu.memory_space<hbm>> -> memref<1000000xf32, #tpu.memory_space<hbm>>
    %dma_start3A_28 = arith.constant 0 : i32
    %dma_start3A_29 = tpu.memref_slice %dma_start3A_27[%dma_start3A_28] : memref<1000000xf32, #tpu.memory_space<hbm>> -> memref<1000000xf32, #tpu.memory_space<hbm>>
    tpu.enqueue_indirect_dma source(%dma_start3A_29 : memref<1000000xf32, #tpu.memory_space<hbm>>) target(%dma_start3A_22 : memref<128xf32, #tpu.memory_space<vmem>>) offsets(%dma_start3A_24 : memref<128xi32, #tpu.memory_space<vmem>>) semaphore(%arg32 : memref<!tpu.dma_semaphore, #tpu.memory_space<semaphore_mem>>)
    %dma_start3A_30 = arith.constant 0 : i32
    %dma_start3A_31 = arith.constant 128 : i32
    %dma_start3A_32 = tpu.memref_slice %arg14[%dma_start3A_31] : memref<512xf32, #tpu.memory_space<vmem>> -> memref<128xf32, #tpu.memory_space<vmem>>
    %dma_start3A_33 = arith.constant 128 : i32
    %dma_start3A_34 = tpu.memref_slice %arg10[%dma_start3A_33] : memref<512xi32, #tpu.memory_space<vmem>> -> memref<128xi32, #tpu.memory_space<vmem>>
    %dma_start3A_35 = arith.constant 0 : i32
    %dma_start3A_36 = tpu.memref_slice %arg7[%dma_start3A_30, %dma_start3A_35] : memref<1x1000000xf32, #tpu.memory_space<hbm>> -> memref<1x1000000xf32, #tpu.memory_space<hbm>>
    %dma_start3A_37 = tpu.memref_squeeze %dma_start3A_36 : memref<1x1000000xf32, #tpu.memory_space<hbm>> -> memref<1000000xf32, #tpu.memory_space<hbm>>
    %dma_start3A_38 = arith.constant 0 : i32
    %dma_start3A_39 = tpu.memref_slice %dma_start3A_37[%dma_start3A_38] : memref<1000000xf32, #tpu.memory_space<hbm>> -> memref<1000000xf32, #tpu.memory_space<hbm>>
    tpu.enqueue_indirect_dma source(%dma_start3A_39 : memref<1000000xf32, #tpu.memory_space<hbm>>) target(%dma_start3A_32 : memref<128xf32, #tpu.memory_space<vmem>>) offsets(%dma_start3A_34 : memref<128xi32, #tpu.memory_space<vmem>>) semaphore(%arg32 : memref<!tpu.dma_semaphore, #tpu.memory_space<semaphore_mem>>)
    %dma_start3A_40 = arith.constant 0 : i32
    %dma_start3A_41 = arith.constant 256 : i32
    %dma_start3A_42 = tpu.memref_slice %arg13[%dma_start3A_41] : memref<512xf32, #tpu.memory_space<vmem>> -> memref<128xf32, #tpu.memory_space<vmem>>
    %dma_start3A_43 = arith.constant 256 : i32
    %dma_start3A_44 = tpu.memref_slice %arg9[%dma_start3A_43] : memref<512xi32, #tpu.memory_space<vmem>> -> memref<128xi32, #tpu.memory_space<vmem>>
    %dma_start3A_45 = arith.constant 0 : i32
    %dma_start3A_46 = tpu.memref_slice %arg6[%dma_start3A_40, %dma_start3A_45] : memref<1x1000000xf32, #tpu.memory_space<hbm>> -> memref<1x1000000xf32, #tpu.memory_space<hbm>>
    %dma_start3A_47 = tpu.memref_squeeze %dma_start3A_46 : memref<1x1000000xf32, #tpu.memory_space<hbm>> -> memref<1000000xf32, #tpu.memory_space<hbm>>
    %dma_start3A_48 = arith.constant 0 : i32
    %dma_start3A_49 = tpu.memref_slice %dma_start3A_47[%dma_start3A_48] : memref<1000000xf32, #tpu.memory_space<hbm>> -> memref<1000000xf32, #tpu.memory_space<hbm>>
    tpu.enqueue_indirect_dma source(%dma_start3A_49 : memref<1000000xf32, #tpu.memory_space<hbm>>) target(%dma_start3A_42 : memref<128xf32, #tpu.memory_space<vmem>>) offsets(%dma_start3A_44 : memref<128xi32, #tpu.memory_space<vmem>>) semaphore(%arg32 : memref<!tpu.dma_semaphore, #tpu.memory_space<semaphore_mem>>)
    %dma_start3A_50 = arith.constant 0 : i32
    %dma_start3A_51 = arith.constant 256 : i32
    %dma_start3A_52 = tpu.memref_slice %arg14[%dma_start3A_51] : memref<512xf32, #tpu.memory_space<vmem>> -> memref<128xf32, #tpu.memory_space<vmem>>
    %dma_start3A_53 = arith.constant 256 : i32
    %dma_start3A_54 = tpu.memref_slice %arg10[%dma_start3A_53] : memref<512xi32, #tpu.memory_space<vmem>> -> memref<128xi32, #tpu.memory_space<vmem>>
    %dma_start3A_55 = arith.constant 0 : i32
    %dma_start3A_56 = tpu.memref_slice %arg7[%dma_start3A_50, %dma_start3A_55] : memref<1x1000000xf32, #tpu.memory_space<hbm>> -> memref<1x1000000xf32, #tpu.memory_space<hbm>>
    %dma_start3A_57 = tpu.memref_squeeze %dma_start3A_56 : memref<1x1000000xf32, #tpu.memory_space<hbm>> -> memref<1000000xf32, #tpu.memory_space<hbm>>
    %dma_start3A_58 = arith.constant 0 : i32
    %dma_start3A_59 = tpu.memref_slice %dma_start3A_57[%dma_start3A_58] : memref<1000000xf32, #tpu.memory_space<hbm>> -> memref<1000000xf32, #tpu.memory_space<hbm>>
    tpu.enqueue_indirect_dma source(%dma_start3A_59 : memref<1000000xf32, #tpu.memory_space<hbm>>) target(%dma_start3A_52 : memref<128xf32, #tpu.memory_space<vmem>>) offsets(%dma_start3A_54 : memref<128xi32, #tpu.memory_space<vmem>>) semaphore(%arg32 : memref<!tpu.dma_semaphore, #tpu.memory_space<semaphore_mem>>)
    %dma_start3A_60 = arith.constant 0 : i32
    %dma_start3A_61 = arith.constant 384 : i32
    %dma_start3A_62 = tpu.memref_slice %arg13[%dma_start3A_61] : memref<512xf32, #tpu.memory_space<vmem>> -> memref<128xf32, #tpu.memory_space<vmem>>
    %dma_start3A_63 = arith.constant 384 : i32
    %dma_start3A_64 = tpu.memref_slice %arg9[%dma_start3A_63] : memref<512xi32, #tpu.memory_space<vmem>> -> memref<128xi32, #tpu.memory_space<vmem>>
    %dma_start3A_65 = arith.constant 0 : i32
    %dma_start3A_66 = tpu.memref_slice %arg6[%dma_start3A_60, %dma_start3A_65] : memref<1x1000000xf32, #tpu.memory_space<hbm>> -> memref<1x1000000xf32, #tpu.memory_space<hbm>>
    %dma_start3A_67 = tpu.memref_squeeze %dma_start3A_66 : memref<1x1000000xf32, #tpu.memory_space<hbm>> -> memref<1000000xf32, #tpu.memory_space<hbm>>
    %dma_start3A_68 = arith.constant 0 : i32
    %dma_start3A_69 = tpu.memref_slice %dma_start3A_67[%dma_start3A_68] : memref<1000000xf32, #tpu.memory_space<hbm>> -> memref<1000000xf32, #tpu.memory_space<hbm>>
    tpu.enqueue_indirect_dma source(%dma_start3A_69 : memref<1000000xf32, #tpu.memory_space<hbm>>) target(%dma_start3A_62 : memref<128xf32, #tpu.memory_space<vmem>>) offsets(%dma_start3A_64 : memref<128xi32, #tpu.memory_space<vmem>>) semaphore(%arg32 : memref<!tpu.dma_semaphore, #tpu.memory_space<semaphore_mem>>)
    %dma_start3A_70 = arith.constant 0 : i32
    %dma_start3A_71 = arith.constant 384 : i32
    %dma_start3A_72 = tpu.memref_slice %arg14[%dma_start3A_71] : memref<512xf32, #tpu.memory_space<vmem>> -> memref<128xf32, #tpu.memory_space<vmem>>
    %dma_start3A_73 = arith.constant 384 : i32
    %dma_start3A_74 = tpu.memref_slice %arg10[%dma_start3A_73] : memref<512xi32, #tpu.memory_space<vmem>> -> memref<128xi32, #tpu.memory_space<vmem>>
    %dma_start3A_75 = arith.constant 0 : i32
    %dma_start3A_76 = tpu.memref_slice %arg7[%dma_start3A_70, %dma_start3A_75] : memref<1x1000000xf32, #tpu.memory_space<hbm>> -> memref<1x1000000xf32, #tpu.memory_space<hbm>>
    %dma_start3A_77 = tpu.memref_squeeze %dma_start3A_76 : memref<1x1000000xf32, #tpu.memory_space<hbm>> -> memref<1000000xf32, #tpu.memory_space<hbm>>
    %dma_start3A_78 = arith.constant 0 : i32
    %dma_start3A_79 = tpu.memref_slice %dma_start3A_77[%dma_start3A_78] : memref<1000000xf32, #tpu.memory_space<hbm>> -> memref<1000000xf32, #tpu.memory_space<hbm>>
    tpu.enqueue_indirect_dma source(%dma_start3A_79 : memref<1000000xf32, #tpu.memory_space<hbm>>) target(%dma_start3A_72 : memref<128xf32, #tpu.memory_space<vmem>>) offsets(%dma_start3A_74 : memref<128xi32, #tpu.memory_space<vmem>>) semaphore(%arg32 : memref<!tpu.dma_semaphore, #tpu.memory_space<semaphore_mem>>)
    %get3A = arith.constant 0 : index
    %get3A_80 = tpu.vector_load %arg9[%get3A] {strides = array<i32>} : memref<512xi32, #tpu.memory_space<vmem>>, vector<16xi32>,
    %get3A_81 = arith.constant 0 : index
    %get3A_82 = tpu.vector_load %arg10[%get3A_81] {strides = array<i32>} : memref<512xi32, #tpu.memory_space<vmem>>, vector<16xi32>,
    %slice3A = vector.extract_strided_slice %get3A_80 {offsets = [0], sizes = [1], strides = [1]} : vector<16xi32> to vector<1xi32>
    %squeeze3A = vector.extract %slice3A[0] : i32 from vector<1xi32>
    %slice3A_83 = vector.extract_strided_slice %get3A_82 {offsets = [0], sizes = [1], strides = [1]} : vector<16xi32> to vector<1xi32>
    %squeeze3A_84 = vector.extract %slice3A_83[0] : i32 from vector<1xi32>
    %jit3A = arith.constant 128 : i32
    %div3A = arith.divsi %squeeze3A, %jit3A : i32
    %sign3A = arith.constant 0 : i32
    %sign3A_85 = arith.cmpi sgt, %squeeze3A, %sign3A : i32
    %sign3A_86 = arith.extui %sign3A_85 : i1 to i32
    %sign3A_87 = arith.constant 0 : i32
    %sign3A_88 = arith.cmpi slt, %squeeze3A, %sign3A_87 : i32
    %sign3A_89 = arith.extui %sign3A_88 : i1 to i32
    %sign3A_90 = arith.subi %sign3A_86, %sign3A_89 : i32
    %sign3A_91 = arith.constant 0 : i32
    %sign3A_92 = arith.cmpi sgt, %jit3A, %sign3A_91 : i32
    %sign3A_93 = arith.extui %sign3A_92 : i1 to i32
    %sign3A_94 = arith.constant 0 : i32
    %sign3A_95 = arith.cmpi slt, %jit3A, %sign3A_94 : i32
    %sign3A_96 = arith.extui %sign3A_95 : i1 to i32
    %sign3A_97 = arith.subi %sign3A_93, %sign3A_96 : i32
    %ne3A = arith.cmpi ne, %sign3A_90, %sign3A_97 : i32
    %rem3A = arith.remsi %squeeze3A, %jit3A : i32
    %ne3A_98 = arith.constant 0 : i32
    %ne3A_99 = arith.cmpi ne, %rem3A, %ne3A_98 : i32
    %and3A = arith.andi %ne3A, %ne3A_99 : i1
    %sub3A = arith.constant 1 : i32
    %sub3A_100 = arith.subi %div3A, %sub3A : i32
    %select_n3A = arith.select %and3A, %sub3A_100, %div3A : i32
    %mul3A_101 = arith.constant 128 : i32
    %mul3A_102 = arith.muli %select_n3A, %mul3A_101 : i32
    %multiple_of3A = tpu.assume_multiple %mul3A_102, 128 : i32
    %jit3A_103 = arith.constant 128 : i32
    %div3A_104 = arith.divsi %squeeze3A_84, %jit3A_103 : i32
    %sign3A_105 = arith.constant 0 : i32
    %sign3A_106 = arith.cmpi sgt, %squeeze3A_84, %sign3A_105 : i32
    %sign3A_107 = arith.extui %sign3A_106 : i1 to i32
    %sign3A_108 = arith.constant 0 : i32
    %sign3A_109 = arith.cmpi slt, %squeeze3A_84, %sign3A_108 : i32
    %sign3A_110 = arith.extui %sign3A_109 : i1 to i32
    %sign3A_111 = arith.subi %sign3A_107, %sign3A_110 : i32
    %sign3A_112 = arith.constant 0 : i32
    %sign3A_113 = arith.cmpi sgt, %jit3A_103, %sign3A_112 : i32
    %sign3A_114 = arith.extui %sign3A_113 : i1 to i32
    %sign3A_115 = arith.constant 0 : i32
    %sign3A_116 = arith.cmpi slt, %jit3A_103, %sign3A_115 : i32
    %sign3A_117 = arith.extui %sign3A_116 : i1 to i32
    %sign3A_118 = arith.subi %sign3A_114, %sign3A_117 : i32
    %ne3A_119 = arith.cmpi ne, %sign3A_111, %sign3A_118 : i32
    %rem3A_120 = arith.remsi %squeeze3A_84, %jit3A_103 : i32
    %ne3A_121 = arith.constant 0 : i32
    %ne3A_122 = arith.cmpi ne, %rem3A_120, %ne3A_121 : i32
    %and3A_123 = arith.andi %ne3A_119, %ne3A_122 : i1
    %sub3A_124 = arith.constant 1 : i32
    %sub3A_125 = arith.subi %div3A_104, %sub3A_124 : i32
    %select_n3A_126 = arith.select %and3A_123, %sub3A_125, %div3A_104 : i32
    %mul3A_127 = arith.constant 128 : i32
    %mul3A_128 = arith.muli %select_n3A_126, %mul3A_127 : i32
    %multiple_of3A_129 = tpu.assume_multiple %mul3A_128, 128 : i32
    %dma_start3A_130 = arith.constant 0 : i32
    %dma_start3A_131 = arith.constant 0 : i32
    %dma_start3A_132 = arith.constant 0 : i32
    %dma_start3A_133 = tpu.memref_slice %arg11[%dma_start3A_130, %dma_start3A_131, %dma_start3A_132] : memref<8x32x128xf32, #tpu.memory_space<vmem>> -> memref<1x32x128xf32, #tpu.memory_space<vmem>>
    %dma_start3A_134 = tpu.memref_squeeze %dma_start3A_133 : memref<1x32x128xf32, #tpu.memory_space<vmem>> -> memref<32x128xf32, #tpu.memory_space<vmem>>
    %dma_start3A_135 = arith.constant 0 : i32
    %dma_start3A_136 = tpu.memref_slice %arg4[%dma_start3A_135, %multiple_of3A] : memref<32x1000000xf32, #tpu.memory_space<hbm>> -> memref<32x128xf32, #tpu.memory_space<hbm>>
    %dma_start3A_137 = arith.constant 0 : i32
    %dma_start3A_138 = arith.constant 0 : i32
    %dma_start3A_139 = tpu.memref_slice %arg11[%dma_start3A_130, %dma_start3A_137, %dma_start3A_138] : memref<8x32x128xf32, #tpu.memory_space<vmem>> -> memref<1x32x128xf32, #tpu.memory_space<vmem>>
    %dma_start3A_140 = tpu.memref_squeeze %dma_start3A_139 : memref<1x32x128xf32, #tpu.memory_space<vmem>> -> memref<32x128xf32, #tpu.memory_space<vmem>>
    %dma_start3A_141 = arith.constant 0 : i32
    %dma_start3A_142 = tpu.memref_slice %arg4[%dma_start3A_141, %multiple_of3A] : memref<32x1000000xf32, #tpu.memory_space<hbm>> -> memref<32x128xf32, #tpu.memory_space<hbm>>
    tpu.enqueue_dma source(%dma_start3A_142 : memref<32x128xf32, #tpu.memory_space<hbm>>) target(%dma_start3A_140 : memref<32x128xf32, #tpu.memory_space<vmem>>) target_semaphore(%arg16 : memref<!tpu.dma_semaphore, #tpu.memory_space<semaphore_mem>>)
    %dma_start3A_143 = arith.constant 0 : i32
    %dma_start3A_144 = arith.constant 0 : i32
    %dma_start3A_145 = arith.constant 0 : i32
    %dma_start3A_146 = tpu.memref_slice %arg12[%dma_start3A_143, %dma_start3A_144, %dma_start3A_145] : memref<8x32x128xf32, #tpu.memory_space<vmem>> -> memref<1x32x128xf32, #tpu.memory_space<vmem>>
    %dma_start3A_147 = tpu.memref_squeeze %dma_start3A_146 : memref<1x32x128xf32, #tpu.memory_space<vmem>> -> memref<32x128xf32, #tpu.memory_space<vmem>>
    %dma_start3A_148 = arith.constant 0 : i32
    %dma_start3A_149 = tpu.memref_slice %arg5[%dma_start3A_148, %multiple_of3A_129] : memref<32x1000000xf32, #tpu.memory_space<hbm>> -> memref<32x128xf32, #tpu.memory_space<hbm>>
    %dma_start3A_150 = arith.constant 0 : i32
    %dma_start3A_151 = arith.constant 0 : i32
    %dma_start3A_152 = tpu.memref_slice %arg12[%dma_start3A_143, %dma_start3A_150, %dma_start3A_151] : memref<8x32x128xf32, #tpu.memory_space<vmem>> -> memref<1x32x128xf32, #tpu.memory_space<vmem>>
    %dma_start3A_153 = tpu.memref_squeeze %dma_start3A_152 : memref<1x32x128xf32, #tpu.memory_space<vmem>> -> memref<32x128xf32, #tpu.memory_space<vmem>>
    %dma_start3A_154 = arith.constant 0 : i32
    %dma_start3A_155 = tpu.memref_slice %arg5[%dma_start3A_154, %multiple_of3A_129] : memref<32x1000000xf32, #tpu.memory_space<hbm>> -> memref<32x128xf32, #tpu.memory_space<hbm>>
    tpu.enqueue_dma source(%dma_start3A_155 : memref<32x128xf32, #tpu.memory_space<hbm>>) target(%dma_start3A_153 : memref<32x128xf32, #tpu.memory_space<vmem>>) target_semaphore(%arg24 : memref<!tpu.dma_semaphore, #tpu.memory_space<semaphore_mem>>)
    %slice3A_156 = vector.extract_strided_slice %get3A_80 {offsets = [1], sizes = [1], strides = [1]} : vector<16xi32> to vector<1xi32>
    %squeeze3A_157 = vector.extract %slice3A_156[0] : i32 from vector<1xi32>
    %slice3A_158 = vector.extract_strided_slice %get3A_82 {offsets = [1], sizes = [1], strides = [1]} : vector<16xi32> to vector<1xi32>
    %squeeze3A_159 = vector.extract %slice3A_158[0] : i32 from vector<1xi32>
    %jit3A_160 = arith.constant 128 : i32
    %div3A_161 = arith.divsi %squeeze3A_157, %jit3A_160 : i32
    %sign3A_162 = arith.constant 0 : i32
    %sign3A_163 = arith.cmpi sgt, %squeeze3A_157, %sign3A_162 : i32
    %sign3A_164 = arith.extui %sign3A_163 : i1 to i32
    %sign3A_165 = arith.constant 0 : i32
    %sign3A_166 = arith.cmpi slt, %squeeze3A_157, %sign3A_165 : i32
    %sign3A_167 = arith.extui %sign3A_166 : i1 to i32
    %sign3A_168 = arith.subi %sign3A_164, %sign3A_167 : i32
    %sign3A_169 = arith.constant 0 : i32
    %sign3A_170 = arith.cmpi sgt, %jit3A_160, %sign3A_169 : i32
    %sign3A_171 = arith.extui %sign3A_170 : i1 to i32
    %sign3A_172 = arith.constant 0 : i32
    %sign3A_173 = arith.cmpi slt, %jit3A_160, %sign3A_172 : i32
    %sign3A_174 = arith.extui %sign3A_173 : i1 to i32
    %sign3A_175 = arith.subi %sign3A_171, %sign3A_174 : i32
    %ne3A_176 = arith.cmpi ne, %sign3A_168, %sign3A_175 : i32
    %rem3A_177 = arith.remsi %squeeze3A_157, %jit3A_160 : i32
    %ne3A_178 = arith.constant 0 : i32
    %ne3A_179 = arith.cmpi ne, %rem3A_177, %ne3A_178 : i32
    %and3A_180 = arith.andi %ne3A_176, %ne3A_179 : i1
    %sub3A_181 = arith.constant 1 : i32
    %sub3A_182 = arith.subi %div3A_161, %sub3A_181 : i32
    %select_n3A_183 = arith.select %and3A_180, %sub3A_182, %div3A_161 : i32
    %mul3A_184 = arith.constant 128 : i32
    %mul3A_185 = arith.muli %select_n3A_183, %mul3A_184 : i32
    %multiple_of3A_186 = tpu.assume_multiple %mul3A_185, 128 : i32
    %jit3A_187 = arith.constant 128 : i32
    %div3A_188 = arith.divsi %squeeze3A_159, %jit3A_187 : i32
    %sign3A_189 = arith.constant 0 : i32
    %sign3A_190 = arith.cmpi sgt, %squeeze3A_159, %sign3A_189 : i32
    %sign3A_191 = arith.extui %sign3A_190 : i1 to i32
    %sign3A_192 = arith.constant 0 : i32
    %sign3A_193 = arith.cmpi slt, %squeeze3A_159, %sign3A_192 : i32
    %sign3A_194 = arith.extui %sign3A_193 : i1 to i32
    %sign3A_195 = arith.subi %sign3A_191, %sign3A_194 : i32
    %sign3A_196 = arith.constant 0 : i32
    %sign3A_197 = arith.cmpi sgt, %jit3A_187, %sign3A_196 : i32
    %sign3A_198 = arith.extui %sign3A_197 : i1 to i32
    %sign3A_199 = arith.constant 0 : i32
    %sign3A_200 = arith.cmpi slt, %jit3A_187, %sign3A_199 : i32
    %sign3A_201 = arith.extui %sign3A_200 : i1 to i32
    %sign3A_202 = arith.subi %sign3A_198, %sign3A_201 : i32
    %ne3A_203 = arith.cmpi ne, %sign3A_195, %sign3A_202 : i32
    %rem3A_204 = arith.remsi %squeeze3A_159, %jit3A_187 : i32
    %ne3A_205 = arith.constant 0 : i32
    %ne3A_206 = arith.cmpi ne, %rem3A_204, %ne3A_205 : i32
    %and3A_207 = arith.andi %ne3A_203, %ne3A_206 : i1
    %sub3A_208 = arith.constant 1 : i32
    %sub3A_209 = arith.subi %div3A_188, %sub3A_208 : i32
    %select_n3A_210 = arith.select %and3A_207, %sub3A_209, %div3A_188 : i32
    %mul3A_211 = arith.constant 128 : i32
    %mul3A_212 = arith.muli %select_n3A_210, %mul3A_211 : i32
    %multiple_of3A_213 = tpu.assume_multiple %mul3A_212, 128 : i32
    %dma_start3A_214 = arith.constant 1 : i32
    %dma_start3A_215 = arith.constant 0 : i32
    %dma_start3A_216 = arith.constant 0 : i32
    %dma_start3A_217 = tpu.memref_slice %arg11[%dma_start3A_214, %dma_start3A_215, %dma_start3A_216] : memref<8x32x128xf32, #tpu.memory_space<vmem>> -> memref<1x32x128xf32, #tpu.memory_space<vmem>>
    %dma_start3A_218 = tpu.memref_squeeze %dma_start3A_217 : memref<1x32x128xf32, #tpu.memory_space<vmem>> -> memref<32x128xf32, #tpu.memory_space<vmem>>
    %dma_start3A_219 = arith.constant 0 : i32
    %dma_start3A_220 = tpu.memref_slice %arg4[%dma_start3A_219, %multiple_of3A_186] : memref<32x1000000xf32, #tpu.memory_space<hbm>> -> memref<32x128xf32, #tpu.memory_space<hbm>>
    %dma_start3A_221 = arith.constant 0 : i32
    %dma_start3A_222 = arith.constant 0 : i32
    %dma_start3A_223 = tpu.memref_slice %arg11[%dma_start3A_214, %dma_start3A_221, %dma_start3A_222] : memref<8x32x128xf32, #tpu.memory_space<vmem>> -> memref<1x32x128xf32, #tpu.memory_space<vmem>>
    %dma_start3A_224 = tpu.memref_squeeze %dma_start3A_223 : memref<1x32x128xf32, #tpu.memory_space<vmem>> -> memref<32x128xf32, #tpu.memory_space<vmem>>
    %dma_start3A_225 = arith.constant 0 : i32
    %dma_start3A_226 = tpu.memref_slice %arg4[%dma_start3A_225, %multiple_of3A_186] : memref<32x1000000xf32, #tpu.memory_space<hbm>> -> memref<32x128xf32, #tpu.memory_space<hbm>>
    tpu.enqueue_dma source(%dma_start3A_226 : memref<32x128xf32, #tpu.memory_space<hbm>>) target(%dma_start3A_224 : memref<32x128xf32, #tpu.memory_space<vmem>>) target_semaphore(%arg17 : memref<!tpu.dma_semaphore, #tpu.memory_space<semaphore_mem>>)
    %dma_start3A_227 = arith.constant 1 : i32
    %dma_start3A_228 = arith.constant 0 : i32
    %dma_start3A_229 = arith.constant 0 : i32
    %dma_start3A_230 = tpu.memref_slice %arg12[%dma_start3A_227, %dma_start3A_228, %dma_start3A_229] : memref<8x32x128xf32, #tpu.memory_space<vmem>> -> memref<1x32x128xf32, #tpu.memory_space<vmem>>
    %dma_start3A_231 = tpu.memref_squeeze %dma_start3A_230 : memref<1x32x128xf32, #tpu.memory_space<vmem>> -> memref<32x128xf32, #tpu.memory_space<vmem>>
    %dma_start3A_232 = arith.constant 0 : i32
    %dma_start3A_233 = tpu.memref_slice %arg5[%dma_start3A_232, %multiple_of3A_213] : memref<32x1000000xf32, #tpu.memory_space<hbm>> -> memref<32x128xf32, #tpu.memory_space<hbm>>
    %dma_start3A_234 = arith.constant 0 : i32
    %dma_start3A_235 = arith.constant 0 : i32
    %dma_start3A_236 = tpu.memref_slice %arg12[%dma_start3A_227, %dma_start3A_234, %dma_start3A_235] : memref<8x32x128xf32, #tpu.memory_space<vmem>> -> memref<1x32x128xf32, #tpu.memory_space<vmem>>
    %dma_start3A_237 = tpu.memref_squeeze %dma_start3A_236 : memref<1x32x128xf32, #tpu.memory_space<vmem>> -> memref<32x128xf32, #tpu.memory_space<vmem>>
    %dma_start3A_238 = arith.constant 0 : i32
    %dma_start3A_239 = tpu.memref_slice %arg5[%dma_start3A_238, %multiple_of3A_213] : memref<32x1000000xf32, #tpu.memory_space<hbm>> -> memref<32x128xf32, #tpu.memory_space<hbm>>
    tpu.enqueue_dma source(%dma_start3A_239 : memref<32x128xf32, #tpu.memory_space<hbm>>) target(%dma_start3A_237 : memref<32x128xf32, #tpu.memory_space<vmem>>) target_semaphore(%arg25 : memref<!tpu.dma_semaphore, #tpu.memory_space<semaphore_mem>>)
    %slice3A_240 = vector.extract_strided_slice %get3A_80 {offsets = [2], sizes = [1], strides = [1]} : vector<16xi32> to vector<1xi32>
    %squeeze3A_241 = vector.extract %slice3A_240[0] : i32 from vector<1xi32>
    %slice3A_242 = vector.extract_strided_slice %get3A_82 {offsets = [2], sizes = [1], strides = [1]} : vector<16xi32> to vector<1xi32>
    %squeeze3A_243 = vector.extract %slice3A_242[0] : i32 from vector<1xi32>
    %jit3A_244 = arith.constant 128 : i32
    %div3A_245 = arith.divsi %squeeze3A_241, %jit3A_244 : i32
    %sign3A_246 = arith.constant 0 : i32
    %sign3A_247 = arith.cmpi sgt, %squeeze3A_241, %sign3A_246 : i32
    %sign3A_248 = arith.extui %sign3A_247 : i1 to i32
    %sign3A_249 = arith.constant 0 : i32
    %sign3A_250 = arith.cmpi slt, %squeeze3A_241, %sign3A_249 : i32
    %sign3A_251 = arith.extui %sign3A_250 : i1 to i32
    %sign3A_252 = arith.subi %sign3A_248, %sign3A_251 : i32
    %sign3A_253 = arith.constant 0 : i32
    %sign3A_254 = arith.cmpi sgt, %jit3A_244, %sign3A_253 : i32
    %sign3A_255 = arith.extui %sign3A_254 : i1 to i32
    %sign3A_256 = arith.constant 0 : i32
    %sign3A_257 = arith.cmpi slt, %jit3A_244, %sign3A_256 : i32
    %sign3A_258 = arith.extui %sign3A_257 : i1 to i32
    %sign3A_259 = arith.subi %sign3A_255, %sign3A_258 : i32
    %ne3A_260 = arith.cmpi ne, %sign3A_252, %sign3A_259 : i32
    %rem3A_261 = arith.remsi %squeeze3A_241, %jit3A_244 : i32
    %ne3A_262 = arith.constant 0 : i32
    %ne3A_263 = arith.cmpi ne, %rem3A_261, %ne3A_262 : i32
    %and3A_264 = arith.andi %ne3A_260, %ne3A_263 : i1
    %sub3A_265 = arith.constant 1 : i32
    %sub3A_266 = arith.subi %div3A_245, %sub3A_265 : i32
    %select_n3A_267 = arith.select %and3A_264, %sub3A_266, %div3A_245 : i32
    %mul3A_268 = arith.constant 128 : i32
    %mul3A_269 = arith.muli %select_n3A_267, %mul3A_268 : i32
    %multiple_of3A_270 = tpu.assume_multiple %mul3A_269, 128 : i32
    %jit3A_271 = arith.constant 128 : i32
    %div3A_272 = arith.divsi %squeeze3A_243, %jit3A_271 : i32
    %sign3A_273 = arith.constant 0 : i32
    %sign3A_274 = arith.cmpi sgt, %squeeze3A_243, %sign3A_273 : i32
    %sign3A_275 = arith.extui %sign3A_274 : i1 to i32
    %sign3A_276 = arith.constant 0 : i32
    %sign3A_277 = arith.cmpi slt, %squeeze3A_243, %sign3A_276 : i32
    %sign3A_278 = arith.extui %sign3A_277 : i1 to i32
    %sign3A_279 = arith.subi %sign3A_275, %sign3A_278 : i32
    %sign3A_280 = arith.constant 0 : i32
    %sign3A_281 = arith.cmpi sgt, %jit3A_271, %sign3A_280 : i32
    %sign3A_282 = arith.extui %sign3A_281 : i1 to i32
    %sign3A_283 = arith.constant 0 : i32
    %sign3A_284 = arith.cmpi slt, %jit3A_271, %sign3A_283 : i32
    %sign3A_285 = arith.extui %sign3A_284 : i1 to i32
    %sign3A_286 = arith.subi %sign3A_282, %sign3A_285 : i32
    %ne3A_287 = arith.cmpi ne, %sign3A_279, %sign3A_286 : i32
    %rem3A_288 = arith.remsi %squeeze3A_243, %jit3A_271 : i32
    %ne3A_289 = arith.constant 0 : i32
    %ne3A_290 = arith.cmpi ne, %rem3A_288, %ne3A_289 : i32
    %and3A_291 = arith.andi %ne3A_287, %ne3A_290 : i1
    %sub3A_292 = arith.constant 1 : i32
    %sub3A_293 = arith.subi %div3A_272, %sub3A_292 : i32
    %select_n3A_294 = arith.select %and3A_291, %sub3A_293, %div3A_272 : i32
    %mul3A_295 = arith.constant 128 : i32
    %mul3A_296 = arith.muli %select_n3A_294, %mul3A_295 : i32
    %multiple_of3A_297 = tpu.assume_multiple %mul3A_296, 128 : i32
    %dma_start3A_298 = arith.constant 2 : i32
    %dma_start3A_299 = arith.constant 0 : i32
    %dma_start3A_300 = arith.constant 0 : i32
    %dma_start3A_301 = tpu.memref_slice %arg11[%dma_start3A_298, %dma_start3A_299, %dma_start3A_300] : memref<8x32x128xf32, #tpu.memory_space<vmem>> -> memref<1x32x128xf32, #tpu.memory_space<vmem>>
    %dma_start3A_302 = tpu.memref_squeeze %dma_start3A_301 : memref<1x32x128xf32, #tpu.memory_space<vmem>> -> memref<32x128xf32, #tpu.memory_space<vmem>>
    %dma_start3A_303 = arith.constant 0 : i32
    %dma_start3A_304 = tpu.memref_slice %arg4[%dma_start3A_303, %multiple_of3A_270] : memref<32x1000000xf32, #tpu.memory_space<hbm>> -> memref<32x128xf32, #tpu.memory_space<hbm>>
    %dma_start3A_305 = arith.constant 0 : i32
    %dma_start3A_306 = arith.constant 0 : i32
    %dma_start3A_307 = tpu.memref_slice %arg11[%dma_start3A_298, %dma_start3A_305, %dma_start3A_306] : memref<8x32x128xf32, #tpu.memory_space<vmem>> -> memref<1x32x128xf32, #tpu.memory_space<vmem>>
    %dma_start3A_308 = tpu.memref_squeeze %dma_start3A_307 : memref<1x32x128xf32, #tpu.memory_space<vmem>> -> memref<32x128xf32, #tpu.memory_space<vmem>>
    %dma_start3A_309 = arith.constant 0 : i32
    %dma_start3A_310 = tpu.memref_slice %arg4[%dma_start3A_309, %multiple_of3A_270] : memref<32x1000000xf32, #tpu.memory_space<hbm>> -> memref<32x128xf32, #tpu.memory_space<hbm>>
    tpu.enqueue_dma source(%dma_start3A_310 : memref<32x128xf32, #tpu.memory_space<hbm>>) target(%dma_start3A_308 : memref<32x128xf32, #tpu.memory_space<vmem>>) target_semaphore(%arg18 : memref<!tpu.dma_semaphore, #tpu.memory_space<semaphore_mem>>)
    %dma_start3A_311 = arith.constant 2 : i32
    %dma_start3A_312 = arith.constant 0 : i32
    %dma_start3A_313 = arith.constant 0 : i32
    %dma_start3A_314 = tpu.memref_slice %arg12[%dma_start3A_311, %dma_start3A_312, %dma_start3A_313] : memref<8x32x128xf32, #tpu.memory_space<vmem>> -> memref<1x32x128xf32, #tpu.memory_space<vmem>>
    %dma_start3A_315 = tpu.memref_squeeze %dma_start3A_314 : memref<1x32x128xf32, #tpu.memory_space<vmem>> -> memref<32x128xf32, #tpu.memory_space<vmem>>
    %dma_start3A_316 = arith.constant 0 : i32
    %dma_start3A_317 = tpu.memref_slice %arg5[%dma_start3A_316, %multiple_of3A_297] : memref<32x1000000xf32, #tpu.memory_space<hbm>> -> memref<32x128xf32, #tpu.memory_space<hbm>>
    %dma_start3A_318 = arith.constant 0 : i32
    %dma_start3A_319 = arith.constant 0 : i32
    %dma_start3A_320 = tpu.memref_slice %arg12[%dma_start3A_311, %dma_start3A_318, %dma_start3A_319] : memref<8x32x128xf32, #tpu.memory_space<vmem>> -> memref<1x32x128xf32, #tpu.memory_space<vmem>>
    %dma_start3A_321 = tpu.memref_squeeze %dma_start3A_320 : memref<1x32x128xf32, #tpu.memory_space<vmem>> -> memref<32x128xf32, #tpu.memory_space<vmem>>
    %dma_start3A_322 = arith.constant 0 : i32
    %dma_start3A_323 = tpu.memref_slice %arg5[%dma_start3A_322, %multiple_of3A_297] : memref<32x1000000xf32, #tpu.memory_space<hbm>> -> memref<32x128xf32, #tpu.memory_space<hbm>>
    tpu.enqueue_dma source(%dma_start3A_323 : memref<32x128xf32, #tpu.memory_space<hbm>>) target(%dma_start3A_321 : memref<32x128xf32, #tpu.memory_space<vmem>>) target_semaphore(%arg26 : memref<!tpu.dma_semaphore, #tpu.memory_space<semaphore_mem>>)
    %slice3A_324 = vector.extract_strided_slice %get3A_80 {offsets = [3], sizes = [1], strides = [1]} : vector<16xi32> to vector<1xi32>
    %squeeze3A_325 = vector.extract %slice3A_324[0] : i32 from vector<1xi32>
    %slice3A_326 = vector.extract_strided_slice %get3A_82 {offsets = [3], sizes = [1], strides = [1]} : vector<16xi32> to vector<1xi32>
    %squeeze3A_327 = vector.extract %slice3A_326[0] : i32 from vector<1xi32>
    %jit3A_328 = arith.constant 128 : i32
    %div3A_329 = arith.divsi %squeeze3A_325, %jit3A_328 : i32
    %sign3A_330 = arith.constant 0 : i32
    %sign3A_331 = arith.cmpi sgt, %squeeze3A_325, %sign3A_330 : i32
    %sign3A_332 = arith.extui %sign3A_331 : i1 to i32
    %sign3A_333 = arith.constant 0 : i32
    %sign3A_334 = arith.cmpi slt, %squeeze3A_325, %sign3A_333 : i32
    %sign3A_335 = arith.extui %sign3A_334 : i1 to i32
    %sign3A_336 = arith.subi %sign3A_332, %sign3A_335 : i32
    %sign3A_337 = arith.constant 0 : i32
    %sign3A_338 = arith.cmpi sgt, %jit3A_328, %sign3A_337 : i32
    %sign3A_339 = arith.extui %sign3A_338 : i1 to i32
    %sign3A_340 = arith.constant 0 : i32
    %sign3A_341 = arith.cmpi slt, %jit3A_328, %sign3A_340 : i32
    %sign3A_342 = arith.extui %sign3A_341 : i1 to i32
    %sign3A_343 = arith.subi %sign3A_339, %sign3A_342 : i32
    %ne3A_344 = arith.cmpi ne, %sign3A_336, %sign3A_343 : i32
    %rem3A_345 = arith.remsi %squeeze3A_325, %jit3A_328 : i32
    %ne3A_346 = arith.constant 0 : i32
    %ne3A_347 = arith.cmpi ne, %rem3A_345, %ne3A_346 : i32
    %and3A_348 = arith.andi %ne3A_344, %ne3A_347 : i1
    %sub3A_349 = arith.constant 1 : i32
    %sub3A_350 = arith.subi %div3A_329, %sub3A_349 : i32
    %select_n3A_351 = arith.select %and3A_348, %sub3A_350, %div3A_329 : i32
    %mul3A_352 = arith.constant 128 : i32
    %mul3A_353 = arith.muli %select_n3A_351, %mul3A_352 : i32
    %multiple_of3A_354 = tpu.assume_multiple %mul3A_353, 128 : i32
    %jit3A_355 = arith.constant 128 : i32
    %div3A_356 = arith.divsi %squeeze3A_327, %jit3A_355 : i32
    %sign3A_357 = arith.constant 0 : i32
    %sign3A_358 = arith.cmpi sgt, %squeeze3A_327, %sign3A_357 : i32
    %sign3A_359 = arith.extui %sign3A_358 : i1 to i32
    %sign3A_360 = arith.constant 0 : i32
    %sign3A_361 = arith.cmpi slt, %squeeze3A_327, %sign3A_360 : i32
    %sign3A_362 = arith.extui %sign3A_361 : i1 to i32
    %sign3A_363 = arith.subi %sign3A_359, %sign3A_362 : i32
    %sign3A_364 = arith.constant 0 : i32
    %sign3A_365 = arith.cmpi sgt, %jit3A_355, %sign3A_364 : i32
    %sign3A_366 = arith.extui %sign3A_365 : i1 to i32
    %sign3A_367 = arith.constant 0 : i32
    %sign3A_368 = arith.cmpi slt, %jit3A_355, %sign3A_367 : i32
    %sign3A_369 = arith.extui %sign3A_368 : i1 to i32
    %sign3A_370 = arith.subi %sign3A_366, %sign3A_369 : i32
    %ne3A_371 = arith.cmpi ne, %sign3A_363, %sign3A_370 : i32
    %rem3A_372 = arith.remsi %squeeze3A_327, %jit3A_355 : i32
    %ne3A_373 = arith.constant 0 : i32
    %ne3A_374 = arith.cmpi ne, %rem3A_372, %ne3A_373 : i32
    %and3A_375 = arith.andi %ne3A_371, %ne3A_374 : i1
    %sub3A_376 = arith.constant 1 : i32
    %sub3A_377 = arith.subi %div3A_356, %sub3A_376 : i32
    %select_n3A_378 = arith.select %and3A_375, %sub3A_377, %div3A_356 : i32
    %mul3A_379 = arith.constant 128 : i32
    %mul3A_380 = arith.muli %select_n3A_378, %mul3A_379 : i32
    %multiple_of3A_381 = tpu.assume_multiple %mul3A_380, 128 : i32
    %dma_start3A_382 = arith.constant 3 : i32
    %dma_start3A_383 = arith.constant 0 : i32
    %dma_start3A_384 = arith.constant 0 : i32
    %dma_start3A_385 = tpu.memref_slice %arg11[%dma_start3A_382, %dma_start3A_383, %dma_start3A_384] : memref<8x32x128xf32, #tpu.memory_space<vmem>> -> memref<1x32x128xf32, #tpu.memory_space<vmem>>
    %dma_start3A_386 = tpu.memref_squeeze %dma_start3A_385 : memref<1x32x128xf32, #tpu.memory_space<vmem>> -> memref<32x128xf32, #tpu.memory_space<vmem>>
    %dma_start3A_387 = arith.constant 0 : i32
    %dma_start3A_388 = tpu.memref_slice %arg4[%dma_start3A_387, %multiple_of3A_354] : memref<32x1000000xf32, #tpu.memory_space<hbm>> -> memref<32x128xf32, #tpu.memory_space<hbm>>
    %dma_start3A_389 = arith.constant 0 : i32
    %dma_start3A_390 = arith.constant 0 : i32
    %dma_start3A_391 = tpu.memref_slice %arg11[%dma_start3A_382, %dma_start3A_389, %dma_start3A_390] : memref<8x32x128xf32, #tpu.memory_space<vmem>> -> memref<1x32x128xf32, #tpu.memory_space<vmem>>
    %dma_start3A_392 = tpu.memref_squeeze %dma_start3A_391 : memref<1x32x128xf32, #tpu.memory_space<vmem>> -> memref<32x128xf32, #tpu.memory_space<vmem>>
    %dma_start3A_393 = arith.constant 0 : i32
    %dma_start3A_394 = tpu.memref_slice %arg4[%dma_start3A_393, %multiple_of3A_354] : memref<32x1000000xf32, #tpu.memory_space<hbm>> -> memref<32x128xf32, #tpu.memory_space<hbm>>
    tpu.enqueue_dma source(%dma_start3A_394 : memref<32x128xf32, #tpu.memory_space<hbm>>) target(%dma_start3A_392 : memref<32x128xf32, #tpu.memory_space<vmem>>) target_semaphore(%arg19 : memref<!tpu.dma_semaphore, #tpu.memory_space<semaphore_mem>>)
    %dma_start3A_395 = arith.constant 3 : i32
    %dma_start3A_396 = arith.constant 0 : i32
    %dma_start3A_397 = arith.constant 0 : i32
    %dma_start3A_398 = tpu.memref_slice %arg12[%dma_start3A_395, %dma_start3A_396, %dma_start3A_397] : memref<8x32x128xf32, #tpu.memory_space<vmem>> -> memref<1x32x128xf32, #tpu.memory_space<vmem>>
    %dma_start3A_399 = tpu.memref_squeeze %dma_start3A_398 : memref<1x32x128xf32, #tpu.memory_space<vmem>> -> memref<32x128xf32, #tpu.memory_space<vmem>>
    %dma_start3A_400 = arith.constant 0 : i32
    %dma_start3A_401 = tpu.memref_slice %arg5[%dma_start3A_400, %multiple_of3A_381] : memref<32x1000000xf32, #tpu.memory_space<hbm>> -> memref<32x128xf32, #tpu.memory_space<hbm>>
    %dma_start3A_402 = arith.constant 0 : i32
    %dma_start3A_403 = arith.constant 0 : i32
    %dma_start3A_404 = tpu.memref_slice %arg12[%dma_start3A_395, %dma_start3A_402, %dma_start3A_403] : memref<8x32x128xf32, #tpu.memory_space<vmem>> -> memref<1x32x128xf32, #tpu.memory_space<vmem>>
    %dma_start3A_405 = tpu.memref_squeeze %dma_start3A_404 : memref<1x32x128xf32, #tpu.memory_space<vmem>> -> memref<32x128xf32, #tpu.memory_space<vmem>>
    %dma_start3A_406 = arith.constant 0 : i32
    %dma_start3A_407 = tpu.memref_slice %arg5[%dma_start3A_406, %multiple_of3A_381] : memref<32x1000000xf32, #tpu.memory_space<hbm>> -> memref<32x128xf32, #tpu.memory_space<hbm>>
    tpu.enqueue_dma source(%dma_start3A_407 : memref<32x128xf32, #tpu.memory_space<hbm>>) target(%dma_start3A_405 : memref<32x128xf32, #tpu.memory_space<vmem>>) target_semaphore(%arg27 : memref<!tpu.dma_semaphore, #tpu.memory_space<semaphore_mem>>)
    %slice3A_408 = vector.extract_strided_slice %get3A_80 {offsets = [4], sizes = [1], strides = [1]} : vector<16xi32> to vector<1xi32>
    %squeeze3A_409 = vector.extract %slice3A_408[0] : i32 from vector<1xi32>
    %slice3A_410 = vector.extract_strided_slice %get3A_82 {offsets = [4], sizes = [1], strides = [1]} : vector<16xi32> to vector<1xi32>
    %squeeze3A_411 = vector.extract %slice3A_410[0] : i32 from vector<1xi32>
    %jit3A_412 = arith.constant 128 : i32
    %div3A_413 = arith.divsi %squeeze3A_409, %jit3A_412 : i32
    %sign3A_414 = arith.constant 0 : i32
    %sign3A_415 = arith.cmpi sgt, %squeeze3A_409, %sign3A_414 : i32
    %sign3A_416 = arith.extui %sign3A_415 : i1 to i32
    %sign3A_417 = arith.constant 0 : i32
    %sign3A_418 = arith.cmpi slt, %squeeze3A_409, %sign3A_417 : i32
    %sign3A_419 = arith.extui %sign3A_418 : i1 to i32
    %sign3A_420 = arith.subi %sign3A_416, %sign3A_419 : i32
    %sign3A_421 = arith.constant 0 : i32
    %sign3A_422 = arith.cmpi sgt, %jit3A_412, %sign3A_421 : i32
    %sign3A_423 = arith.extui %sign3A_422 : i1 to i32
    %sign3A_424 = arith.constant 0 : i32
    %sign3A_425 = arith.cmpi slt, %jit3A_412, %sign3A_424 : i32
    %sign3A_426 = arith.extui %sign3A_425 : i1 to i32
    %sign3A_427 = arith.subi %sign3A_423, %sign3A_426 : i32
    %ne3A_428 = arith.cmpi ne, %sign3A_420, %sign3A_427 : i32
    %rem3A_429 = arith.remsi %squeeze3A_409, %jit3A_412 : i32
    %ne3A_430 = arith.constant 0 : i32
    %ne3A_431 = arith.cmpi ne, %rem3A_429, %ne3A_430 : i32
    %and3A_432 = arith.andi %ne3A_428, %ne3A_431 : i1
    %sub3A_433 = arith.constant 1 : i32
    %sub3A_434 = arith.subi %div3A_413, %sub3A_433 : i32
    %select_n3A_435 = arith.select %and3A_432, %sub3A_434, %div3A_413 : i32
    %mul3A_436 = arith.constant 128 : i32
    %mul3A_437 = arith.muli %select_n3A_435, %mul3A_436 : i32
    %multiple_of3A_438 = tpu.assume_multiple %mul3A_437, 128 : i32
    %jit3A_439 = arith.constant 128 : i32
    %div3A_440 = arith.divsi %squeeze3A_411, %jit3A_439 : i32
    %sign3A_441 = arith.constant 0 : i32
    %sign3A_442 = arith.cmpi sgt, %squeeze3A_411, %sign3A_441 : i32
    %sign3A_443 = arith.extui %sign3A_442 : i1 to i32
    %sign3A_444 = arith.constant 0 : i32
    %sign3A_445 = arith.cmpi slt, %squeeze3A_411, %sign3A_444 : i32
    %sign3A_446 = arith.extui %sign3A_445 : i1 to i32
    %sign3A_447 = arith.subi %sign3A_443, %sign3A_446 : i32
    %sign3A_448 = arith.constant 0 : i32
    %sign3A_449 = arith.cmpi sgt, %jit3A_439, %sign3A_448 : i32
    %sign3A_450 = arith.extui %sign3A_449 : i1 to i32
    %sign3A_451 = arith.constant 0 : i32
    %sign3A_452 = arith.cmpi slt, %jit3A_439, %sign3A_451 : i32
    %sign3A_453 = arith.extui %sign3A_452 : i1 to i32
    %sign3A_454 = arith.subi %sign3A_450, %sign3A_453 : i32
    %ne3A_455 = arith.cmpi ne, %sign3A_447, %sign3A_454 : i32
    %rem3A_456 = arith.remsi %squeeze3A_411, %jit3A_439 : i32
    %ne3A_457 = arith.constant 0 : i32
    %ne3A_458 = arith.cmpi ne, %rem3A_456, %ne3A_457 : i32
    %and3A_459 = arith.andi %ne3A_455, %ne3A_458 : i1
    %sub3A_460 = arith.constant 1 : i32
    %sub3A_461 = arith.subi %div3A_440, %sub3A_460 : i32
    %select_n3A_462 = arith.select %and3A_459, %sub3A_461, %div3A_440 : i32
    %mul3A_463 = arith.constant 128 : i32
    %mul3A_464 = arith.muli %select_n3A_462, %mul3A_463 : i32
    %multiple_of3A_465 = tpu.assume_multiple %mul3A_464, 128 : i32
    %dma_start3A_466 = arith.constant 4 : i32
    %dma_start3A_467 = arith.constant 0 : i32
    %dma_start3A_468 = arith.constant 0 : i32
    %dma_start3A_469 = tpu.memref_slice %arg11[%dma_start3A_466, %dma_start3A_467, %dma_start3A_468] : memref<8x32x128xf32, #tpu.memory_space<vmem>> -> memref<1x32x128xf32, #tpu.memory_space<vmem>>
    %dma_start3A_470 = tpu.memref_squeeze %dma_start3A_469 : memref<1x32x128xf32, #tpu.memory_space<vmem>> -> memref<32x128xf32, #tpu.memory_space<vmem>>
    %dma_start3A_471 = arith.constant 0 : i32
    %dma_start3A_472 = tpu.memref_slice %arg4[%dma_start3A_471, %multiple_of3A_438] : memref<32x1000000xf32, #tpu.memory_space<hbm>> -> memref<32x128xf32, #tpu.memory_space<hbm>>
    %dma_start3A_473 = arith.constant 0 : i32
    %dma_start3A_474 = arith.constant 0 : i32
    %dma_start3A_475 = tpu.memref_slice %arg11[%dma_start3A_466, %dma_start3A_473, %dma_start3A_474] : memref<8x32x128xf32, #tpu.memory_space<vmem>> -> memref<1x32x128xf32, #tpu.memory_space<vmem>>
    %dma_start3A_476 = tpu.memref_squeeze %dma_start3A_475 : memref<1x32x128xf32, #tpu.memory_space<vmem>> -> memref<32x128xf32, #tpu.memory_space<vmem>>
    %dma_start3A_477 = arith.constant 0 : i32
    %dma_start3A_478 = tpu.memref_slice %arg4[%dma_start3A_477, %multiple_of3A_438] : memref<32x1000000xf32, #tpu.memory_space<hbm>> -> memref<32x128xf32, #tpu.memory_space<hbm>>
    tpu.enqueue_dma source(%dma_start3A_478 : memref<32x128xf32, #tpu.memory_space<hbm>>) target(%dma_start3A_476 : memref<32x128xf32, #tpu.memory_space<vmem>>) target_semaphore(%arg20 : memref<!tpu.dma_semaphore, #tpu.memory_space<semaphore_mem>>)
    %dma_start3A_479 = arith.constant 4 : i32
    %dma_start3A_480 = arith.constant 0 : i32
    %dma_start3A_481 = arith.constant 0 : i32
    %dma_start3A_482 = tpu.memref_slice %arg12[%dma_start3A_479, %dma_start3A_480, %dma_start3A_481] : memref<8x32x128xf32, #tpu.memory_space<vmem>> -> memref<1x32x128xf32, #tpu.memory_space<vmem>>
    %dma_start3A_483 = tpu.memref_squeeze %dma_start3A_482 : memref<1x32x128xf32, #tpu.memory_space<vmem>> -> memref<32x128xf32, #tpu.memory_space<vmem>>
    %dma_start3A_484 = arith.constant 0 : i32
    %dma_start3A_485 = tpu.memref_slice %arg5[%dma_start3A_484, %multiple_of3A_465] : memref<32x1000000xf32, #tpu.memory_space<hbm>> -> memref<32x128xf32, #tpu.memory_space<hbm>>
    %dma_start3A_486 = arith.constant 0 : i32
    %dma_start3A_487 = arith.constant 0 : i32
    %dma_start3A_488 = tpu.memref_slice %arg12[%dma_start3A_479, %dma_start3A_486, %dma_start3A_487] : memref<8x32x128xf32, #tpu.memory_space<vmem>> -> memref<1x32x128xf32, #tpu.memory_space<vmem>>
    %dma_start3A_489 = tpu.memref_squeeze %dma_start3A_488 : memref<1x32x128xf32, #tpu.memory_space<vmem>> -> memref<32x128xf32, #tpu.memory_space<vmem>>
    %dma_start3A_490 = arith.constant 0 : i32
    %dma_start3A_491 = tpu.memref_slice %arg5[%dma_start3A_490, %multiple_of3A_465] : memref<32x1000000xf32, #tpu.memory_space<hbm>> -> memref<32x128xf32, #tpu.memory_space<hbm>>
    tpu.enqueue_dma source(%dma_start3A_491 : memref<32x128xf32, #tpu.memory_space<hbm>>) target(%dma_start3A_489 : memref<32x128xf32, #tpu.memory_space<vmem>>) target_semaphore(%arg28 : memref<!tpu.dma_semaphore, #tpu.memory_space<semaphore_mem>>)
    %slice3A_492 = vector.extract_strided_slice %get3A_80 {offsets = [5], sizes = [1], strides = [1]} : vector<16xi32> to vector<1xi32>
    %squeeze3A_493 = vector.extract %slice3A_492[0] : i32 from vector<1xi32>
    %slice3A_494 = vector.extract_strided_slice %get3A_82 {offsets = [5], sizes = [1], strides = [1]} : vector<16xi32> to vector<1xi32>
    %squeeze3A_495 = vector.extract %slice3A_494[0] : i32 from vector<1xi32>
    %jit3A_496 = arith.constant 128 : i32
    %div3A_497 = arith.divsi %squeeze3A_493, %jit3A_496 : i32
    %sign3A_498 = arith.constant 0 : i32
    %sign3A_499 = arith.cmpi sgt, %squeeze3A_493, %sign3A_498 : i32
    %sign3A_500 = arith.extui %sign3A_499 : i1 to i32
    %sign3A_501 = arith.constant 0 : i32
    %sign3A_502 = arith.cmpi slt, %squeeze3A_493, %sign3A_501 : i32
    %sign3A_503 = arith.extui %sign3A_502 : i1 to i32
    %sign3A_504 = arith.subi %sign3A_500, %sign3A_503 : i32
    %sign3A_505 = arith.constant 0 : i32
    %sign3A_506 = arith.cmpi sgt, %jit3A_496, %sign3A_505 : i32
    %sign3A_507 = arith.extui %sign3A_506 : i1 to i32
    %sign3A_508 = arith.constant 0 : i32
    %sign3A_509 = arith.cmpi slt, %jit3A_496, %sign3A_508 : i32
    %sign3A_510 = arith.extui %sign3A_509 : i1 to i32
    %sign3A_511 = arith.subi %sign3A_507, %sign3A_510 : i32
    %ne3A_512 = arith.cmpi ne, %sign3A_504, %sign3A_511 : i32
    %rem3A_513 = arith.remsi %squeeze3A_493, %jit3A_496 : i32
    %ne3A_514 = arith.constant 0 : i32
    %ne3A_515 = arith.cmpi ne, %rem3A_513, %ne3A_514 : i32
    %and3A_516 = arith.andi %ne3A_512, %ne3A_515 : i1
    %sub3A_517 = arith.constant 1 : i32
    %sub3A_518 = arith.subi %div3A_497, %sub3A_517 : i32
    %select_n3A_519 = arith.select %and3A_516, %sub3A_518, %div3A_497 : i32
    %mul3A_520 = arith.constant 128 : i32
    %mul3A_521 = arith.muli %select_n3A_519, %mul3A_520 : i32
    %multiple_of3A_522 = tpu.assume_multiple %mul3A_521, 128 : i32
    %jit3A_523 = arith.constant 128 : i32
    %div3A_524 = arith.divsi %squeeze3A_495, %jit3A_523 : i32
    %sign3A_525 = arith.constant 0 : i32
    %sign3A_526 = arith.cmpi sgt, %squeeze3A_495, %sign3A_525 : i32
    %sign3A_527 = arith.extui %sign3A_526 : i1 to i32
    %sign3A_528 = arith.constant 0 : i32
    %sign3A_529 = arith.cmpi slt, %squeeze3A_495, %sign3A_528 : i32
    %sign3A_530 = arith.extui %sign3A_529 : i1 to i32
    %sign3A_531 = arith.subi %sign3A_527, %sign3A_530 : i32
    %sign3A_532 = arith.constant 0 : i32
    %sign3A_533 = arith.cmpi sgt, %jit3A_523, %sign3A_532 : i32
    %sign3A_534 = arith.extui %sign3A_533 : i1 to i32
    %sign3A_535 = arith.constant 0 : i32
    %sign3A_536 = arith.cmpi slt, %jit3A_523, %sign3A_535 : i32
    %sign3A_537 = arith.extui %sign3A_536 : i1 to i32
    %sign3A_538 = arith.subi %sign3A_534, %sign3A_537 : i32
    %ne3A_539 = arith.cmpi ne, %sign3A_531, %sign3A_538 : i32
    %rem3A_540 = arith.remsi %squeeze3A_495, %jit3A_523 : i32
    %ne3A_541 = arith.constant 0 : i32
    %ne3A_542 = arith.cmpi ne, %rem3A_540, %ne3A_541 : i32
    %and3A_543 = arith.andi %ne3A_539, %ne3A_542 : i1
    %sub3A_544 = arith.constant 1 : i32
    %sub3A_545 = arith.subi %div3A_524, %sub3A_544 : i32
    %select_n3A_546 = arith.select %and3A_543, %sub3A_545, %div3A_524 : i32
    %mul3A_547 = arith.constant 128 : i32
    %mul3A_548 = arith.muli %select_n3A_546, %mul3A_547 : i32
    %multiple_of3A_549 = tpu.assume_multiple %mul3A_548, 128 : i32
    %dma_start3A_550 = arith.constant 5 : i32
    %dma_start3A_551 = arith.constant 0 : i32
    %dma_start3A_552 = arith.constant 0 : i32
    %dma_start3A_553 = tpu.memref_slice %arg11[%dma_start3A_550, %dma_start3A_551, %dma_start3A_552] : memref<8x32x128xf32, #tpu.memory_space<vmem>> -> memref<1x32x128xf32, #tpu.memory_space<vmem>>
    %dma_start3A_554 = tpu.memref_squeeze %dma_start3A_553 : memref<1x32x128xf32, #tpu.memory_space<vmem>> -> memref<32x128xf32, #tpu.memory_space<vmem>>
    %dma_start3A_555 = arith.constant 0 : i32
    %dma_start3A_556 = tpu.memref_slice %arg4[%dma_start3A_555, %multiple_of3A_522] : memref<32x1000000xf32, #tpu.memory_space<hbm>> -> memref<32x128xf32, #tpu.memory_space<hbm>>
    %dma_start3A_557 = arith.constant 0 : i32
    %dma_start3A_558 = arith.constant 0 : i32
    %dma_start3A_559 = tpu.memref_slice %arg11[%dma_start3A_550, %dma_start3A_557, %dma_start3A_558] : memref<8x32x128xf32, #tpu.memory_space<vmem>> -> memref<1x32x128xf32, #tpu.memory_space<vmem>>
    %dma_start3A_560 = tpu.memref_squeeze %dma_start3A_559 : memref<1x32x128xf32, #tpu.memory_space<vmem>> -> memref<32x128xf32, #tpu.memory_space<vmem>>
    %dma_start3A_561 = arith.constant 0 : i32
    %dma_start3A_562 = tpu.memref_slice %arg4[%dma_start3A_561, %multiple_of3A_522] : memref<32x1000000xf32, #tpu.memory_space<hbm>> -> memref<32x128xf32, #tpu.memory_space<hbm>>
    tpu.enqueue_dma source(%dma_start3A_562 : memref<32x128xf32, #tpu.memory_space<hbm>>) target(%dma_start3A_560 : memref<32x128xf32, #tpu.memory_space<vmem>>) target_semaphore(%arg21 : memref<!tpu.dma_semaphore, #tpu.memory_space<semaphore_mem>>)
    %dma_start3A_563 = arith.constant 5 : i32
    %dma_start3A_564 = arith.constant 0 : i32
    %dma_start3A_565 = arith.constant 0 : i32
    %dma_start3A_566 = tpu.memref_slice %arg12[%dma_start3A_563, %dma_start3A_564, %dma_start3A_565] : memref<8x32x128xf32, #tpu.memory_space<vmem>> -> memref<1x32x128xf32, #tpu.memory_space<vmem>>
    %dma_start3A_567 = tpu.memref_squeeze %dma_start3A_566 : memref<1x32x128xf32, #tpu.memory_space<vmem>> -> memref<32x128xf32, #tpu.memory_space<vmem>>
    %dma_start3A_568 = arith.constant 0 : i32
    %dma_start3A_569 = tpu.memref_slice %arg5[%dma_start3A_568, %multiple_of3A_549] : memref<32x1000000xf32, #tpu.memory_space<hbm>> -> memref<32x128xf32, #tpu.memory_space<hbm>>
    %dma_start3A_570 = arith.constant 0 : i32
    %dma_start3A_571 = arith.constant 0 : i32
    %dma_start3A_572 = tpu.memref_slice %arg12[%dma_start3A_563, %dma_start3A_570, %dma_start3A_571] : memref<8x32x128xf32, #tpu.memory_space<vmem>> -> memref<1x32x128xf32, #tpu.memory_space<vmem>>
    %dma_start3A_573 = tpu.memref_squeeze %dma_start3A_572 : memref<1x32x128xf32, #tpu.memory_space<vmem>> -> memref<32x128xf32, #tpu.memory_space<vmem>>
    %dma_start3A_574 = arith.constant 0 : i32
    %dma_start3A_575 = tpu.memref_slice %arg5[%dma_start3A_574, %multiple_of3A_549] : memref<32x1000000xf32, #tpu.memory_space<hbm>> -> memref<32x128xf32, #tpu.memory_space<hbm>>
    tpu.enqueue_dma source(%dma_start3A_575 : memref<32x128xf32, #tpu.memory_space<hbm>>) target(%dma_start3A_573 : memref<32x128xf32, #tpu.memory_space<vmem>>) target_semaphore(%arg29 : memref<!tpu.dma_semaphore, #tpu.memory_space<semaphore_mem>>)
    %slice3A_576 = vector.extract_strided_slice %get3A_80 {offsets = [6], sizes = [1], strides = [1]} : vector<16xi32> to vector<1xi32>
    %squeeze3A_577 = vector.extract %slice3A_576[0] : i32 from vector<1xi32>
    %slice3A_578 = vector.extract_strided_slice %get3A_82 {offsets = [6], sizes = [1], strides = [1]} : vector<16xi32> to vector<1xi32>
    %squeeze3A_579 = vector.extract %slice3A_578[0] : i32 from vector<1xi32>
    %jit3A_580 = arith.constant 128 : i32
    %div3A_581 = arith.divsi %squeeze3A_577, %jit3A_580 : i32
    %sign3A_582 = arith.constant 0 : i32
    %sign3A_583 = arith.cmpi sgt, %squeeze3A_577, %sign3A_582 : i32
    %sign3A_584 = arith.extui %sign3A_583 : i1 to i32
    %sign3A_585 = arith.constant 0 : i32
    %sign3A_586 = arith.cmpi slt, %squeeze3A_577, %sign3A_585 : i32
    %sign3A_587 = arith.extui %sign3A_586 : i1 to i32
    %sign3A_588 = arith.subi %sign3A_584, %sign3A_587 : i32
    %sign3A_589 = arith.constant 0 : i32
    %sign3A_590 = arith.cmpi sgt, %jit3A_580, %sign3A_589 : i32
    %sign3A_591 = arith.extui %sign3A_590 : i1 to i32
    %sign3A_592 = arith.constant 0 : i32
    %sign3A_593 = arith.cmpi slt, %jit3A_580, %sign3A_592 : i32
    %sign3A_594 = arith.extui %sign3A_593 : i1 to i32
    %sign3A_595 = arith.subi %sign3A_591, %sign3A_594 : i32
    %ne3A_596 = arith.cmpi ne, %sign3A_588, %sign3A_595 : i32
    %rem3A_597 = arith.remsi %squeeze3A_577, %jit3A_580 : i32
    %ne3A_598 = arith.constant 0 : i32
    %ne3A_599 = arith.cmpi ne, %rem3A_597, %ne3A_598 : i32
    %and3A_600 = arith.andi %ne3A_596, %ne3A_599 : i1
    %sub3A_601 = arith.constant 1 : i32
    %sub3A_602 = arith.subi %div3A_581, %sub3A_601 : i32
    %select_n3A_603 = arith.select %and3A_600, %sub3A_602, %div3A_581 : i32
    %mul3A_604 = arith.constant 128 : i32
    %mul3A_605 = arith.muli %select_n3A_603, %mul3A_604 : i32
    %multiple_of3A_606 = tpu.assume_multiple %mul3A_605, 128 : i32
    %jit3A_607 = arith.constant 128 : i32
    %div3A_608 = arith.divsi %squeeze3A_579, %jit3A_607 : i32
    %sign3A_609 = arith.constant 0 : i32
    %sign3A_610 = arith.cmpi sgt, %squeeze3A_579, %sign3A_609 : i32
    %sign3A_611 = arith.extui %sign3A_610 : i1 to i32
    %sign3A_612 = arith.constant 0 : i32
    %sign3A_613 = arith.cmpi slt, %squeeze3A_579, %sign3A_612 : i32
    %sign3A_614 = arith.extui %sign3A_613 : i1 to i32
    %sign3A_615 = arith.subi %sign3A_611, %sign3A_614 : i32
    %sign3A_616 = arith.constant 0 : i32
    %sign3A_617 = arith.cmpi sgt, %jit3A_607, %sign3A_616 : i32
    %sign3A_618 = arith.extui %sign3A_617 : i1 to i32
    %sign3A_619 = arith.constant 0 : i32
    %sign3A_620 = arith.cmpi slt, %jit3A_607, %sign3A_619 : i32
    %sign3A_621 = arith.extui %sign3A_620 : i1 to i32
    %sign3A_622 = arith.subi %sign3A_618, %sign3A_621 : i32
    %ne3A_623 = arith.cmpi ne, %sign3A_615, %sign3A_622 : i32
    %rem3A_624 = arith.remsi %squeeze3A_579, %jit3A_607 : i32
    %ne3A_625 = arith.constant 0 : i32
    %ne3A_626 = arith.cmpi ne, %rem3A_624, %ne3A_625 : i32
    %and3A_627 = arith.andi %ne3A_623, %ne3A_626 : i1
    %sub3A_628 = arith.constant 1 : i32
    %sub3A_629 = arith.subi %div3A_608, %sub3A_628 : i32
    %select_n3A_630 = arith.select %and3A_627, %sub3A_629, %div3A_608 : i32
    %mul3A_631 = arith.constant 128 : i32
    %mul3A_632 = arith.muli %select_n3A_630, %mul3A_631 : i32
    %multiple_of3A_633 = tpu.assume_multiple %mul3A_632, 128 : i32
    %dma_start3A_634 = arith.constant 6 : i32
    %dma_start3A_635 = arith.constant 0 : i32
    %dma_start3A_636 = arith.constant 0 : i32
    %dma_start3A_637 = tpu.memref_slice %arg11[%dma_start3A_634, %dma_start3A_635, %dma_start3A_636] : memref<8x32x128xf32, #tpu.memory_space<vmem>> -> memref<1x32x128xf32, #tpu.memory_space<vmem>>
    %dma_start3A_638 = tpu.memref_squeeze %dma_start3A_637 : memref<1x32x128xf32, #tpu.memory_space<vmem>> -> memref<32x128xf32, #tpu.memory_space<vmem>>
    %dma_start3A_639 = arith.constant 0 : i32
    %dma_start3A_640 = tpu.memref_slice %arg4[%dma_start3A_639, %multiple_of3A_606] : memref<32x1000000xf32, #tpu.memory_space<hbm>> -> memref<32x128xf32, #tpu.memory_space<hbm>>
    %dma_start3A_641 = arith.constant 0 : i32
    %dma_start3A_642 = arith.constant 0 : i32
    %dma_start3A_643 = tpu.memref_slice %arg11[%dma_start3A_634, %dma_start3A_641, %dma_start3A_642] : memref<8x32x128xf32, #tpu.memory_space<vmem>> -> memref<1x32x128xf32, #tpu.memory_space<vmem>>
    %dma_start3A_644 = tpu.memref_squeeze %dma_start3A_643 : memref<1x32x128xf32, #tpu.memory_space<vmem>> -> memref<32x128xf32, #tpu.memory_space<vmem>>
    %dma_start3A_645 = arith.constant 0 : i32
    %dma_start3A_646 = tpu.memref_slice %arg4[%dma_start3A_645, %multiple_of3A_606] : memref<32x1000000xf32, #tpu.memory_space<hbm>> -> memref<32x128xf32, #tpu.memory_space<hbm>>
    tpu.enqueue_dma source(%dma_start3A_646 : memref<32x128xf32, #tpu.memory_space<hbm>>) target(%dma_start3A_644 : memref<32x128xf32, #tpu.memory_space<vmem>>) target_semaphore(%arg22 : memref<!tpu.dma_semaphore, #tpu.memory_space<semaphore_mem>>)
    %dma_start3A_647 = arith.constant 6 : i32
    %dma_start3A_648 = arith.constant 0 : i32
    %dma_start3A_649 = arith.constant 0 : i32
    %dma_start3A_650 = tpu.memref_slice %arg12[%dma_start3A_647, %dma_start3A_648, %dma_start3A_649] : memref<8x32x128xf32, #tpu.memory_space<vmem>> -> memref<1x32x128xf32, #tpu.memory_space<vmem>>
    %dma_start3A_651 = tpu.memref_squeeze %dma_start3A_650 : memref<1x32x128xf32, #tpu.memory_space<vmem>> -> memref<32x128xf32, #tpu.memory_space<vmem>>
    %dma_start3A_652 = arith.constant 0 : i32
    %dma_start3A_653 = tpu.memref_slice %arg5[%dma_start3A_652, %multiple_of3A_633] : memref<32x1000000xf32, #tpu.memory_space<hbm>> -> memref<32x128xf32, #tpu.memory_space<hbm>>
    %dma_start3A_654 = arith.constant 0 : i32
    %dma_start3A_655 = arith.constant 0 : i32
    %dma_start3A_656 = tpu.memref_slice %arg12[%dma_start3A_647, %dma_start3A_654, %dma_start3A_655] : memref<8x32x128xf32, #tpu.memory_space<vmem>> -> memref<1x32x128xf32, #tpu.memory_space<vmem>>
    %dma_start3A_657 = tpu.memref_squeeze %dma_start3A_656 : memref<1x32x128xf32, #tpu.memory_space<vmem>> -> memref<32x128xf32, #tpu.memory_space<vmem>>
    %dma_start3A_658 = arith.constant 0 : i32
    %dma_start3A_659 = tpu.memref_slice %arg5[%dma_start3A_658, %multiple_of3A_633] : memref<32x1000000xf32, #tpu.memory_space<hbm>> -> memref<32x128xf32, #tpu.memory_space<hbm>>
    tpu.enqueue_dma source(%dma_start3A_659 : memref<32x128xf32, #tpu.memory_space<hbm>>) target(%dma_start3A_657 : memref<32x128xf32, #tpu.memory_space<vmem>>) target_semaphore(%arg30 : memref<!tpu.dma_semaphore, #tpu.memory_space<semaphore_mem>>)
    %slice3A_660 = vector.extract_strided_slice %get3A_80 {offsets = [7], sizes = [1], strides = [1]} : vector<16xi32> to vector<1xi32>
    %squeeze3A_661 = vector.extract %slice3A_660[0] : i32 from vector<1xi32>
    %slice3A_662 = vector.extract_strided_slice %get3A_82 {offsets = [7], sizes = [1], strides = [1]} : vector<16xi32> to vector<1xi32>
    %squeeze3A_663 = vector.extract %slice3A_662[0] : i32 from vector<1xi32>
    %jit3A_664 = arith.constant 128 : i32
    %div3A_665 = arith.divsi %squeeze3A_661, %jit3A_664 : i32
    %sign3A_666 = arith.constant 0 : i32
    %sign3A_667 = arith.cmpi sgt, %squeeze3A_661, %sign3A_666 : i32
    %sign3A_668 = arith.extui %sign3A_667 : i1 to i32
    %sign3A_669 = arith.constant 0 : i32
    %sign3A_670 = arith.cmpi slt, %squeeze3A_661, %sign3A_669 : i32
    %sign3A_671 = arith.extui %sign3A_670 : i1 to i32
    %sign3A_672 = arith.subi %sign3A_668, %sign3A_671 : i32
    %sign3A_673 = arith.constant 0 : i32
    %sign3A_674 = arith.cmpi sgt, %jit3A_664, %sign3A_673 : i32
    %sign3A_675 = arith.extui %sign3A_674 : i1 to i32
    %sign3A_676 = arith.constant 0 : i32
    %sign3A_677 = arith.cmpi slt, %jit3A_664, %sign3A_676 : i32
    %sign3A_678 = arith.extui %sign3A_677 : i1 to i32
    %sign3A_679 = arith.subi %sign3A_675, %sign3A_678 : i32
    %ne3A_680 = arith.cmpi ne, %sign3A_672, %sign3A_679 : i32
    %rem3A_681 = arith.remsi %squeeze3A_661, %jit3A_664 : i32
    %ne3A_682 = arith.constant 0 : i32
    %ne3A_683 = arith.cmpi ne, %rem3A_681, %ne3A_682 : i32
    %and3A_684 = arith.andi %ne3A_680, %ne3A_683 : i1
    %sub3A_685 = arith.constant 1 : i32
    %sub3A_686 = arith.subi %div3A_665, %sub3A_685 : i32
    %select_n3A_687 = arith.select %and3A_684, %sub3A_686, %div3A_665 : i32
    %mul3A_688 = arith.constant 128 : i32
    %mul3A_689 = arith.muli %select_n3A_687, %mul3A_688 : i32
    %multiple_of3A_690 = tpu.assume_multiple %mul3A_689, 128 : i32
    %jit3A_691 = arith.constant 128 : i32
    %div3A_692 = arith.divsi %squeeze3A_663, %jit3A_691 : i32
    %sign3A_693 = arith.constant 0 : i32
    %sign3A_694 = arith.cmpi sgt, %squeeze3A_663, %sign3A_693 : i32
    %sign3A_695 = arith.extui %sign3A_694 : i1 to i32
    %sign3A_696 = arith.constant 0 : i32
    %sign3A_697 = arith.cmpi slt, %squeeze3A_663, %sign3A_696 : i32
    %sign3A_698 = arith.extui %sign3A_697 : i1 to i32
    %sign3A_699 = arith.subi %sign3A_695, %sign3A_698 : i32
    %sign3A_700 = arith.constant 0 : i32
    %sign3A_701 = arith.cmpi sgt, %jit3A_691, %sign3A_700 : i32
    %sign3A_702 = arith.extui %sign3A_701 : i1 to i32
    %sign3A_703 = arith.constant 0 : i32
    %sign3A_704 = arith.cmpi slt, %jit3A_691, %sign3A_703 : i32
    %sign3A_705 = arith.extui %sign3A_704 : i1 to i32
    %sign3A_706 = arith.subi %sign3A_702, %sign3A_705 : i32
    %ne3A_707 = arith.cmpi ne, %sign3A_699, %sign3A_706 : i32
    %rem3A_708 = arith.remsi %squeeze3A_663, %jit3A_691 : i32
    %ne3A_709 = arith.constant 0 : i32
    %ne3A_710 = arith.cmpi ne, %rem3A_708, %ne3A_709 : i32
    %and3A_711 = arith.andi %ne3A_707, %ne3A_710 : i1
    %sub3A_712 = arith.constant 1 : i32
    %sub3A_713 = arith.subi %div3A_692, %sub3A_712 : i32
    %select_n3A_714 = arith.select %and3A_711, %sub3A_713, %div3A_692 : i32
    %mul3A_715 = arith.constant 128 : i32
    %mul3A_716 = arith.muli %select_n3A_714, %mul3A_715 : i32
    %multiple_of3A_717 = tpu.assume_multiple %mul3A_716, 128 : i32
    %dma_start3A_718 = arith.constant 7 : i32
    %dma_start3A_719 = arith.constant 0 : i32
    %dma_start3A_720 = arith.constant 0 : i32
    %dma_start3A_721 = tpu.memref_slice %arg11[%dma_start3A_718, %dma_start3A_719, %dma_start3A_720] : memref<8x32x128xf32, #tpu.memory_space<vmem>> -> memref<1x32x128xf32, #tpu.memory_space<vmem>>
    %dma_start3A_722 = tpu.memref_squeeze %dma_start3A_721 : memref<1x32x128xf32, #tpu.memory_space<vmem>> -> memref<32x128xf32, #tpu.memory_space<vmem>>
    %dma_start3A_723 = arith.constant 0 : i32
    %dma_start3A_724 = tpu.memref_slice %arg4[%dma_start3A_723, %multiple_of3A_690] : memref<32x1000000xf32, #tpu.memory_space<hbm>> -> memref<32x128xf32, #tpu.memory_space<hbm>>
    %dma_start3A_725 = arith.constant 0 : i32
    %dma_start3A_726 = arith.constant 0 : i32
    %dma_start3A_727 = tpu.memref_slice %arg11[%dma_start3A_718, %dma_start3A_725, %dma_start3A_726] : memref<8x32x128xf32, #tpu.memory_space<vmem>> -> memref<1x32x128xf32, #tpu.memory_space<vmem>>
    %dma_start3A_728 = tpu.memref_squeeze %dma_start3A_727 : memref<1x32x128xf32, #tpu.memory_space<vmem>> -> memref<32x128xf32, #tpu.memory_space<vmem>>
    %dma_start3A_729 = arith.constant 0 : i32
    %dma_start3A_730 = tpu.memref_slice %arg4[%dma_start3A_729, %multiple_of3A_690] : memref<32x1000000xf32, #tpu.memory_space<hbm>> -> memref<32x128xf32, #tpu.memory_space<hbm>>
    tpu.enqueue_dma source(%dma_start3A_730 : memref<32x128xf32, #tpu.memory_space<hbm>>) target(%dma_start3A_728 : memref<32x128xf32, #tpu.memory_space<vmem>>) target_semaphore(%arg23 : memref<!tpu.dma_semaphore, #tpu.memory_space<semaphore_mem>>)
    %dma_start3A_731 = arith.constant 7 : i32
    %dma_start3A_732 = arith.constant 0 : i32
    %dma_start3A_733 = arith.constant 0 : i32
    %dma_start3A_734 = tpu.memref_slice %arg12[%dma_start3A_731, %dma_start3A_732, %dma_start3A_733] : memref<8x32x128xf32, #tpu.memory_space<vmem>> -> memref<1x32x128xf32, #tpu.memory_space<vmem>>
    %dma_start3A_735 = tpu.memref_squeeze %dma_start3A_734 : memref<1x32x128xf32, #tpu.memory_space<vmem>> -> memref<32x128xf32, #tpu.memory_space<vmem>>
    %dma_start3A_736 = arith.constant 0 : i32
    %dma_start3A_737 = tpu.memref_slice %arg5[%dma_start3A_736, %multiple_of3A_717] : memref<32x1000000xf32, #tpu.memory_space<hbm>> -> memref<32x128xf32, #tpu.memory_space<hbm>>
    %dma_start3A_738 = arith.constant 0 : i32
    %dma_start3A_739 = arith.constant 0 : i32
    %dma_start3A_740 = tpu.memref_slice %arg12[%dma_start3A_731, %dma_start3A_738, %dma_start3A_739] : memref<8x32x128xf32, #tpu.memory_space<vmem>> -> memref<1x32x128xf32, #tpu.memory_space<vmem>>
    %dma_start3A_741 = tpu.memref_squeeze %dma_start3A_740 : memref<1x32x128xf32, #tpu.memory_space<vmem>> -> memref<32x128xf32, #tpu.memory_space<vmem>>
    %dma_start3A_742 = arith.constant 0 : i32
    %dma_start3A_743 = tpu.memref_slice %arg5[%dma_start3A_742, %multiple_of3A_717] : memref<32x1000000xf32, #tpu.memory_space<hbm>> -> memref<32x128xf32, #tpu.memory_space<hbm>>
    tpu.enqueue_dma source(%dma_start3A_743 : memref<32x128xf32, #tpu.memory_space<hbm>>) target(%dma_start3A_741 : memref<32x128xf32, #tpu.memory_space<vmem>>) target_semaphore(%arg31 : memref<!tpu.dma_semaphore, #tpu.memory_space<semaphore_mem>>)
    %dma_wait3A = arith.constant 0 : i32
    %dma_wait3A_744 = arith.constant 0 : i32
    %dma_wait3A_745 = tpu.memref_slice %arg13[%dma_wait3A_744] : memref<512xf32, #tpu.memory_space<vmem>> -> memref<128xf32, #tpu.memory_space<vmem>>
    %dma_wait3A_746 = arith.constant 0 : i32
    %dma_wait3A_747 = tpu.memref_slice %arg9[%dma_wait3A_746] : memref<512xi32, #tpu.memory_space<vmem>> -> memref<128xi32, #tpu.memory_space<vmem>>
    %dma_wait3A_748 = arith.constant 0 : i32
    %dma_wait3A_749 = tpu.memref_slice %arg6[%dma_wait3A, %dma_wait3A_748] : memref<1x1000000xf32, #tpu.memory_space<hbm>> -> memref<1x1000000xf32, #tpu.memory_space<hbm>>
    %dma_wait3A_750 = tpu.memref_squeeze %dma_wait3A_749 : memref<1x1000000xf32, #tpu.memory_space<hbm>> -> memref<1000000xf32, #tpu.memory_space<hbm>>
    %dma_wait3A_751 = arith.constant 0 : i32
    %dma_wait3A_752 = tpu.memref_slice %dma_wait3A_750[%dma_wait3A_751] : memref<1000000xf32, #tpu.memory_space<hbm>> -> memref<1000000xf32, #tpu.memory_space<hbm>>
    tpu.wait_indirect_dma semaphore(%arg32 : memref<!tpu.dma_semaphore, #tpu.memory_space<semaphore_mem>>) src(%dma_wait3A_752 : memref<1000000xf32, #tpu.memory_space<hbm>>) dst(%dma_wait3A_745 : memref<128xf32, #tpu.memory_space<vmem>>)
    %dma_wait3A_753 = arith.constant 0 : i32
    %dma_wait3A_754 = arith.constant 0 : i32
    %dma_wait3A_755 = tpu.memref_slice %arg14[%dma_wait3A_754] : memref<512xf32, #tpu.memory_space<vmem>> -> memref<128xf32, #tpu.memory_space<vmem>>
    %dma_wait3A_756 = arith.constant 0 : i32
    %dma_wait3A_757 = tpu.memref_slice %arg10[%dma_wait3A_756] : memref<512xi32, #tpu.memory_space<vmem>> -> memref<128xi32, #tpu.memory_space<vmem>>
    %dma_wait3A_758 = arith.constant 0 : i32
    %dma_wait3A_759 = tpu.memref_slice %arg7[%dma_wait3A_753, %dma_wait3A_758] : memref<1x1000000xf32, #tpu.memory_space<hbm>> -> memref<1x1000000xf32, #tpu.memory_space<hbm>>
    %dma_wait3A_760 = tpu.memref_squeeze %dma_wait3A_759 : memref<1x1000000xf32, #tpu.memory_space<hbm>> -> memref<1000000xf32, #tpu.memory_space<hbm>>
    %dma_wait3A_761 = arith.constant 0 : i32
    %dma_wait3A_762 = tpu.memref_slice %dma_wait3A_760[%dma_wait3A_761] : memref<1000000xf32, #tpu.memory_space<hbm>> -> memref<1000000xf32, #tpu.memory_space<hbm>>
    tpu.wait_indirect_dma semaphore(%arg32 : memref<!tpu.dma_semaphore, #tpu.memory_space<semaphore_mem>>) src(%dma_wait3A_762 : memref<1000000xf32, #tpu.memory_space<hbm>>) dst(%dma_wait3A_755 : memref<128xf32, #tpu.memory_space<vmem>>)
    %dma_wait3A_763 = arith.constant 0 : i32
    %dma_wait3A_764 = arith.constant 128 : i32
    %dma_wait3A_765 = tpu.memref_slice %arg13[%dma_wait3A_764] : memref<512xf32, #tpu.memory_space<vmem>> -> memref<128xf32, #tpu.memory_space<vmem>>
    %dma_wait3A_766 = arith.constant 128 : i32
    %dma_wait3A_767 = tpu.memref_slice %arg9[%dma_wait3A_766] : memref<512xi32, #tpu.memory_space<vmem>> -> memref<128xi32, #tpu.memory_space<vmem>>
    %dma_wait3A_768 = arith.constant 0 : i32
    %dma_wait3A_769 = tpu.memref_slice %arg6[%dma_wait3A_763, %dma_wait3A_768] : memref<1x1000000xf32, #tpu.memory_space<hbm>> -> memref<1x1000000xf32, #tpu.memory_space<hbm>>
    %dma_wait3A_770 = tpu.memref_squeeze %dma_wait3A_769 : memref<1x1000000xf32, #tpu.memory_space<hbm>> -> memref<1000000xf32, #tpu.memory_space<hbm>>
    %dma_wait3A_771 = arith.constant 0 : i32
    %dma_wait3A_772 = tpu.memref_slice %dma_wait3A_770[%dma_wait3A_771] : memref<1000000xf32, #tpu.memory_space<hbm>> -> memref<1000000xf32, #tpu.memory_space<hbm>>
    tpu.wait_indirect_dma semaphore(%arg32 : memref<!tpu.dma_semaphore, #tpu.memory_space<semaphore_mem>>) src(%dma_wait3A_772 : memref<1000000xf32, #tpu.memory_space<hbm>>) dst(%dma_wait3A_765 : memref<128xf32, #tpu.memory_space<vmem>>)
    %dma_wait3A_773 = arith.constant 0 : i32
    %dma_wait3A_774 = arith.constant 128 : i32
    %dma_wait3A_775 = tpu.memref_slice %arg14[%dma_wait3A_774] : memref<512xf32, #tpu.memory_space<vmem>> -> memref<128xf32, #tpu.memory_space<vmem>>
    %dma_wait3A_776 = arith.constant 128 : i32
    %dma_wait3A_777 = tpu.memref_slice %arg10[%dma_wait3A_776] : memref<512xi32, #tpu.memory_space<vmem>> -> memref<128xi32, #tpu.memory_space<vmem>>
    %dma_wait3A_778 = arith.constant 0 : i32
    %dma_wait3A_779 = tpu.memref_slice %arg7[%dma_wait3A_773, %dma_wait3A_778] : memref<1x1000000xf32, #tpu.memory_space<hbm>> -> memref<1x1000000xf32, #tpu.memory_space<hbm>>
    %dma_wait3A_780 = tpu.memref_squeeze %dma_wait3A_779 : memref<1x1000000xf32, #tpu.memory_space<hbm>> -> memref<1000000xf32, #tpu.memory_space<hbm>>
    %dma_wait3A_781 = arith.constant 0 : i32
    %dma_wait3A_782 = tpu.memref_slice %dma_wait3A_780[%dma_wait3A_781] : memref<1000000xf32, #tpu.memory_space<hbm>> -> memref<1000000xf32, #tpu.memory_space<hbm>>
    tpu.wait_indirect_dma semaphore(%arg32 : memref<!tpu.dma_semaphore, #tpu.memory_space<semaphore_mem>>) src(%dma_wait3A_782 : memref<1000000xf32, #tpu.memory_space<hbm>>) dst(%dma_wait3A_775 : memref<128xf32, #tpu.memory_space<vmem>>)
    %dma_wait3A_783 = arith.constant 0 : i32
    %dma_wait3A_784 = arith.constant 256 : i32
    %dma_wait3A_785 = tpu.memref_slice %arg13[%dma_wait3A_784] : memref<512xf32, #tpu.memory_space<vmem>> -> memref<128xf32, #tpu.memory_space<vmem>>
    %dma_wait3A_786 = arith.constant 256 : i32
    %dma_wait3A_787 = tpu.memref_slice %arg9[%dma_wait3A_786] : memref<512xi32, #tpu.memory_space<vmem>> -> memref<128xi32, #tpu.memory_space<vmem>>
    %dma_wait3A_788 = arith.constant 0 : i32
    %dma_wait3A_789 = tpu.memref_slice %arg6[%dma_wait3A_783, %dma_wait3A_788] : memref<1x1000000xf32, #tpu.memory_space<hbm>> -> memref<1x1000000xf32, #tpu.memory_space<hbm>>
    %dma_wait3A_790 = tpu.memref_squeeze %dma_wait3A_789 : memref<1x1000000xf32, #tpu.memory_space<hbm>> -> memref<1000000xf32, #tpu.memory_space<hbm>>
    %dma_wait3A_791 = arith.constant 0 : i32
    %dma_wait3A_792 = tpu.memref_slice %dma_wait3A_790[%dma_wait3A_791] : memref<1000000xf32, #tpu.memory_space<hbm>> -> memref<1000000xf32, #tpu.memory_space<hbm>>
    tpu.wait_indirect_dma semaphore(%arg32 : memref<!tpu.dma_semaphore, #tpu.memory_space<semaphore_mem>>) src(%dma_wait3A_792 : memref<1000000xf32, #tpu.memory_space<hbm>>) dst(%dma_wait3A_785 : memref<128xf32, #tpu.memory_space<vmem>>)
    %dma_wait3A_793 = arith.constant 0 : i32
    %dma_wait3A_794 = arith.constant 256 : i32
    %dma_wait3A_795 = tpu.memref_slice %arg14[%dma_wait3A_794] : memref<512xf32, #tpu.memory_space<vmem>> -> memref<128xf32, #tpu.memory_space<vmem>>
    %dma_wait3A_796 = arith.constant 256 : i32
    %dma_wait3A_797 = tpu.memref_slice %arg10[%dma_wait3A_796] : memref<512xi32, #tpu.memory_space<vmem>> -> memref<128xi32, #tpu.memory_space<vmem>>
    %dma_wait3A_798 = arith.constant 0 : i32
    %dma_wait3A_799 = tpu.memref_slice %arg7[%dma_wait3A_793, %dma_wait3A_798] : memref<1x1000000xf32, #tpu.memory_space<hbm>> -> memref<1x1000000xf32, #tpu.memory_space<hbm>>
    %dma_wait3A_800 = tpu.memref_squeeze %dma_wait3A_799 : memref<1x1000000xf32, #tpu.memory_space<hbm>> -> memref<1000000xf32, #tpu.memory_space<hbm>>
    %dma_wait3A_801 = arith.constant 0 : i32
    %dma_wait3A_802 = tpu.memref_slice %dma_wait3A_800[%dma_wait3A_801] : memref<1000000xf32, #tpu.memory_space<hbm>> -> memref<1000000xf32, #tpu.memory_space<hbm>>
    tpu.wait_indirect_dma semaphore(%arg32 : memref<!tpu.dma_semaphore, #tpu.memory_space<semaphore_mem>>) src(%dma_wait3A_802 : memref<1000000xf32, #tpu.memory_space<hbm>>) dst(%dma_wait3A_795 : memref<128xf32, #tpu.memory_space<vmem>>)
    %dma_wait3A_803 = arith.constant 0 : i32
    %dma_wait3A_804 = arith.constant 384 : i32
    %dma_wait3A_805 = tpu.memref_slice %arg13[%dma_wait3A_804] : memref<512xf32, #tpu.memory_space<vmem>> -> memref<128xf32, #tpu.memory_space<vmem>>
    %dma_wait3A_806 = arith.constant 384 : i32
    %dma_wait3A_807 = tpu.memref_slice %arg9[%dma_wait3A_806] : memref<512xi32, #tpu.memory_space<vmem>> -> memref<128xi32, #tpu.memory_space<vmem>>
    %dma_wait3A_808 = arith.constant 0 : i32
    %dma_wait3A_809 = tpu.memref_slice %arg6[%dma_wait3A_803, %dma_wait3A_808] : memref<1x1000000xf32, #tpu.memory_space<hbm>> -> memref<1x1000000xf32, #tpu.memory_space<hbm>>
    %dma_wait3A_810 = tpu.memref_squeeze %dma_wait3A_809 : memref<1x1000000xf32, #tpu.memory_space<hbm>> -> memref<1000000xf32, #tpu.memory_space<hbm>>
    %dma_wait3A_811 = arith.constant 0 : i32
    %dma_wait3A_812 = tpu.memref_slice %dma_wait3A_810[%dma_wait3A_811] : memref<1000000xf32, #tpu.memory_space<hbm>> -> memref<1000000xf32, #tpu.memory_space<hbm>>
    tpu.wait_indirect_dma semaphore(%arg32 : memref<!tpu.dma_semaphore, #tpu.memory_space<semaphore_mem>>) src(%dma_wait3A_812 : memref<1000000xf32, #tpu.memory_space<hbm>>) dst(%dma_wait3A_805 : memref<128xf32, #tpu.memory_space<vmem>>)
    %dma_wait3A_813 = arith.constant 0 : i32
    %dma_wait3A_814 = arith.constant 384 : i32
    %dma_wait3A_815 = tpu.memref_slice %arg14[%dma_wait3A_814] : memref<512xf32, #tpu.memory_space<vmem>> -> memref<128xf32, #tpu.memory_space<vmem>>
    %dma_wait3A_816 = arith.constant 384 : i32
    %dma_wait3A_817 = tpu.memref_slice %arg10[%dma_wait3A_816] : memref<512xi32, #tpu.memory_space<vmem>> -> memref<128xi32, #tpu.memory_space<vmem>>
    %dma_wait3A_818 = arith.constant 0 : i32
    %dma_wait3A_819 = tpu.memref_slice %arg7[%dma_wait3A_813, %dma_wait3A_818] : memref<1x1000000xf32, #tpu.memory_space<hbm>> -> memref<1x1000000xf32, #tpu.memory_space<hbm>>
    %dma_wait3A_820 = tpu.memref_squeeze %dma_wait3A_819 : memref<1x1000000xf32, #tpu.memory_space<hbm>> -> memref<1000000xf32, #tpu.memory_space<hbm>>
    %dma_wait3A_821 = arith.constant 0 : i32
    %dma_wait3A_822 = tpu.memref_slice %dma_wait3A_820[%dma_wait3A_821] : memref<1000000xf32, #tpu.memory_space<hbm>> -> memref<1000000xf32, #tpu.memory_space<hbm>>
    tpu.wait_indirect_dma semaphore(%arg32 : memref<!tpu.dma_semaphore, #tpu.memory_space<semaphore_mem>>) src(%dma_wait3A_822 : memref<1000000xf32, #tpu.memory_space<hbm>>) dst(%dma_wait3A_815 : memref<128xf32, #tpu.memory_space<vmem>>)
    %iota3A = tpu.iota {dimensions = array<i32: 0>} : vector<16xi32>
    %scan3A = arith.constant 0 : i32
    %scan3A_823 = arith.constant 0 : i32
    %scan3A_824 = arith.constant 32 : i32
    %scan3A_825 = arith.addi %scan3A_823, %scan3A_824 : i32
    %scan3A_826 = arith.constant 1 : i32
    scf.for %scan3A_1070 = %scan3A_823 to %scan3A_825 step %scan3A_826  : i32 {
      %mul3A_1071 = arith.constant 16 : i32
      %mul3A_1072 = arith.muli %scan3A_1070, %mul3A_1071 : i32
      %add3A_1073 = arith.constant 16 : i32
      %add3A_1074 = arith.addi %mul3A_1072, %add3A_1073 : i32
      %min3A = arith.constant 496 : i32
      %min3A_1075 = arith.minsi %add3A_1074, %min3A : i32
      %get3A_1076 = arith.index_cast %mul3A_1072 : i32 to index
      %get3A_1077 = tpu.vector_load %arg9[%get3A_1076] {strides = array<i32>} : memref<512xi32, #tpu.memory_space<vmem>>, vector<16xi32>,
      %get3A_1078 = arith.index_cast %mul3A_1072 : i32 to index
      %get3A_1079 = tpu.vector_load %arg10[%get3A_1078] {strides = array<i32>} : memref<512xi32, #tpu.memory_space<vmem>>, vector<16xi32>,
      %get3A_1080 = arith.index_cast %min3A_1075 : i32 to index
      %get3A_1081 = tpu.vector_load %arg9[%get3A_1080] {strides = array<i32>} : memref<512xi32, #tpu.memory_space<vmem>>, vector<16xi32>,
      %get3A_1082 = arith.index_cast %min3A_1075 : i32 to index
      %get3A_1083 = tpu.vector_load %arg10[%get3A_1082] {strides = array<i32>} : memref<512xi32, #tpu.memory_space<vmem>>, vector<16xi32>,
      %broadcast_in_dim3A = arith.constant 0.000000e+00 : f32
      %broadcast_in_dim3A_1084 = vector.broadcast %broadcast_in_dim3A : f32 to vector<16xf32>
      %dma_wait3A_1085 = arith.constant 0 : i32
      %dma_wait3A_1086 = arith.constant 0 : i32
      %dma_wait3A_1087 = arith.constant 0 : i32
      %dma_wait3A_1088 = tpu.memref_slice %arg11[%dma_wait3A_1085, %dma_wait3A_1086, %dma_wait3A_1087] : memref<8x32x128xf32, #tpu.memory_space<vmem>> -> memref<1x32x128xf32, #tpu.memory_space<vmem>>
      %dma_wait3A_1089 = tpu.memref_squeeze %dma_wait3A_1088 : memref<1x32x128xf32, #tpu.memory_space<vmem>> -> memref<32x128xf32, #tpu.memory_space<vmem>>
      %dma_wait3A_1090 = arith.constant 0 : i32
      %dma_wait3A_1091 = arith.constant 0 : i32
      %dma_wait3A_1092 = tpu.memref_slice %arg4[%dma_wait3A_1090, %dma_wait3A_1091] : memref<32x1000000xf32, #tpu.memory_space<hbm>> -> memref<32x128xf32, #tpu.memory_space<hbm>>
      %dma_wait3A_1093 = arith.constant 0 : i32
      %dma_wait3A_1094 = arith.constant 0 : i32
      %dma_wait3A_1095 = tpu.memref_slice %arg11[%dma_wait3A_1085, %dma_wait3A_1093, %dma_wait3A_1094] : memref<8x32x128xf32, #tpu.memory_space<vmem>> -> memref<1x32x128xf32, #tpu.memory_space<vmem>>
      %dma_wait3A_1096 = tpu.memref_squeeze %dma_wait3A_1095 : memref<1x32x128xf32, #tpu.memory_space<vmem>> -> memref<32x128xf32, #tpu.memory_space<vmem>>
      %dma_wait3A_1097 = arith.constant 0 : i32
      %dma_wait3A_1098 = arith.constant 0 : i32
      %dma_wait3A_1099 = tpu.memref_slice %arg4[%dma_wait3A_1097, %dma_wait3A_1098] : memref<32x1000000xf32, #tpu.memory_space<hbm>> -> memref<32x128xf32, #tpu.memory_space<hbm>>
      tpu.wait_dma2 semaphore(%arg16 : memref<!tpu.dma_semaphore, #tpu.memory_space<semaphore_mem>>) src(%dma_wait3A_1099 : memref<32x128xf32, #tpu.memory_space<hbm>>) dst(%dma_wait3A_1096 : memref<32x128xf32, #tpu.memory_space<vmem>>)
      %dma_wait3A_1100 = arith.constant 0 : i32
      %dma_wait3A_1101 = arith.constant 0 : i32
      %dma_wait3A_1102 = arith.constant 0 : i32
      %dma_wait3A_1103 = tpu.memref_slice %arg12[%dma_wait3A_1100, %dma_wait3A_1101, %dma_wait3A_1102] : memref<8x32x128xf32, #tpu.memory_space<vmem>> -> memref<1x32x128xf32, #tpu.memory_space<vmem>>
      %dma_wait3A_1104 = tpu.memref_squeeze %dma_wait3A_1103 : memref<1x32x128xf32, #tpu.memory_space<vmem>> -> memref<32x128xf32, #tpu.memory_space<vmem>>
      %dma_wait3A_1105 = arith.constant 0 : i32
      %dma_wait3A_1106 = arith.constant 0 : i32
      %dma_wait3A_1107 = tpu.memref_slice %arg5[%dma_wait3A_1105, %dma_wait3A_1106] : memref<32x1000000xf32, #tpu.memory_space<hbm>> -> memref<32x128xf32, #tpu.memory_space<hbm>>
      %dma_wait3A_1108 = arith.constant 0 : i32
      %dma_wait3A_1109 = arith.constant 0 : i32
      %dma_wait3A_1110 = tpu.memref_slice %arg12[%dma_wait3A_1100, %dma_wait3A_1108, %dma_wait3A_1109] : memref<8x32x128xf32, #tpu.memory_space<vmem>> -> memref<1x32x128xf32, #tpu.memory_space<vmem>>
      %dma_wait3A_1111 = tpu.memref_squeeze %dma_wait3A_1110 : memref<1x32x128xf32, #tpu.memory_space<vmem>> -> memref<32x128xf32, #tpu.memory_space<vmem>>
      %dma_wait3A_1112 = arith.constant 0 : i32
      %dma_wait3A_1113 = arith.constant 0 : i32
      %dma_wait3A_1114 = tpu.memref_slice %arg5[%dma_wait3A_1112, %dma_wait3A_1113] : memref<32x1000000xf32, #tpu.memory_space<hbm>> -> memref<32x128xf32, #tpu.memory_space<hbm>>
      tpu.wait_dma2 semaphore(%arg24 : memref<!tpu.dma_semaphore, #tpu.memory_space<semaphore_mem>>) src(%dma_wait3A_1114 : memref<32x128xf32, #tpu.memory_space<hbm>>) dst(%dma_wait3A_1111 : memref<32x128xf32, #tpu.memory_space<vmem>>)
      %slice3A_1115 = vector.extract_strided_slice %get3A_1077 {offsets = [0], sizes = [1], strides = [1]} : vector<16xi32> to vector<1xi32>
      %squeeze3A_1116 = vector.extract %slice3A_1115[0] : i32 from vector<1xi32>
      %slice3A_1117 = vector.extract_strided_slice %get3A_1079 {offsets = [0], sizes = [1], strides = [1]} : vector<16xi32> to vector<1xi32>
      %squeeze3A_1118 = vector.extract %slice3A_1117[0] : i32 from vector<1xi32>
      %jit3A_1119 = arith.constant 128 : i32
      %eq3A = arith.constant 0 : i32
      %eq3A_1120 = arith.cmpi eq, %jit3A_1119, %eq3A : i32
      %jit3A_1121 = arith.constant 1 : i32
      %select_n3A_1122 = arith.select %eq3A_1120, %jit3A_1121, %jit3A_1119 : i32
      %rem3A_1123 = arith.remsi %squeeze3A_1116, %select_n3A_1122 : i32
      %ne3A_1124 = arith.constant 0 : i32
      %ne3A_1125 = arith.cmpi ne, %rem3A_1123, %ne3A_1124 : i32
      %lt3A = arith.constant 0 : i32
      %lt3A_1126 = arith.cmpi slt, %rem3A_1123, %lt3A : i32
      %lt3A_1127 = arith.constant 0 : i32
      %lt3A_1128 = arith.cmpi slt, %select_n3A_1122, %lt3A_1127 : i32
      %ne3A_1129 = arith.xori %lt3A_1126, %lt3A_1128 : i1
      %and3A_1130 = arith.andi %ne3A_1129, %ne3A_1125 : i1
      %add3A_1131 = arith.addi %rem3A_1123, %select_n3A_1122 : i32
      %select_n3A_1132 = arith.select %and3A_1130, %add3A_1131, %rem3A_1123 : i32
      %broadcast_in_dim3A_1133 = vector.broadcast %select_n3A_1132 : i32 to vector<16xi32>
      %jit3A_1134 = arith.constant 128 : i32
      %eq3A_1135 = arith.constant 0 : i32
      %eq3A_1136 = arith.cmpi eq, %jit3A_1134, %eq3A_1135 : i32
      %jit3A_1137 = arith.constant 1 : i32
      %select_n3A_1138 = arith.select %eq3A_1136, %jit3A_1137, %jit3A_1134 : i32
      %rem3A_1139 = arith.remsi %squeeze3A_1118, %select_n3A_1138 : i32
      %ne3A_1140 = arith.constant 0 : i32
      %ne3A_1141 = arith.cmpi ne, %rem3A_1139, %ne3A_1140 : i32
      %lt3A_1142 = arith.constant 0 : i32
      %lt3A_1143 = arith.cmpi slt, %rem3A_1139, %lt3A_1142 : i32
      %lt3A_1144 = arith.constant 0 : i32
      %lt3A_1145 = arith.cmpi slt, %select_n3A_1138, %lt3A_1144 : i32
      %ne3A_1146 = arith.xori %lt3A_1143, %lt3A_1145 : i1
      %and3A_1147 = arith.andi %ne3A_1146, %ne3A_1141 : i1
      %add3A_1148 = arith.addi %rem3A_1139, %select_n3A_1138 : i32
      %select_n3A_1149 = arith.select %and3A_1147, %add3A_1148, %rem3A_1139 : i32
      %broadcast_in_dim3A_1150 = vector.broadcast %select_n3A_1149 : i32 to vector<16xi32>
      %gather3A = arith.constant 0 : i32
      %gather3A_1151 = arith.constant 0 : i32
      %gather3A_1152 = arith.constant 0 : i32
      %gather3A_1153 = tpu.memref_slice %arg11[%gather3A, %gather3A_1151, %gather3A_1152] : memref<8x32x128xf32, #tpu.memory_space<vmem>> -> memref<1x32x128xf32, #tpu.memory_space<vmem>>
      %gather3A_1154 = tpu.memref_squeeze %gather3A_1153 : memref<1x32x128xf32, #tpu.memory_space<vmem>> -> memref<32x128xf32, #tpu.memory_space<vmem>>
      %gather3A_1155 = tpu.vector_load_idx %gather3A_1154[%iota3A, %broadcast_in_dim3A_1133] : memref<32x128xf32, #tpu.memory_space<vmem>>[vector<16xi32>, vector<16xi32>], vector<16xf32>,
      %add3A_1156 = arith.constant 16 : i32
      %add3A_1157 = vector.broadcast %add3A_1156 : i32 to vector<16xi32>
      %add3A_1158 = arith.addi %iota3A, %add3A_1157 : vector<16xi32>
      %gather3A_1159 = arith.constant 0 : i32
      %gather3A_1160 = arith.constant 0 : i32
      %gather3A_1161 = arith.constant 0 : i32
      %gather3A_1162 = tpu.memref_slice %arg11[%gather3A_1159, %gather3A_1160, %gather3A_1161] : memref<8x32x128xf32, #tpu.memory_space<vmem>> -> memref<1x32x128xf32, #tpu.memory_space<vmem>>
      %gather3A_1163 = tpu.memref_squeeze %gather3A_1162 : memref<1x32x128xf32, #tpu.memory_space<vmem>> -> memref<32x128xf32, #tpu.memory_space<vmem>>
      %gather3A_1164 = tpu.vector_load_idx %gather3A_1163[%add3A_1158, %broadcast_in_dim3A_1133] : memref<32x128xf32, #tpu.memory_space<vmem>>[vector<16xi32>, vector<16xi32>], vector<16xf32>,
      %gather3A_1165 = arith.constant 0 : i32
      %gather3A_1166 = arith.constant 0 : i32
      %gather3A_1167 = arith.constant 0 : i32
      %gather3A_1168 = tpu.memref_slice %arg12[%gather3A_1165, %gather3A_1166, %gather3A_1167] : memref<8x32x128xf32, #tpu.memory_space<vmem>> -> memref<1x32x128xf32, #tpu.memory_space<vmem>>
      %gather3A_1169 = tpu.memref_squeeze %gather3A_1168 : memref<1x32x128xf32, #tpu.memory_space<vmem>> -> memref<32x128xf32, #tpu.memory_space<vmem>>
      %gather3A_1170 = tpu.vector_load_idx %gather3A_1169[%iota3A, %broadcast_in_dim3A_1150] : memref<32x128xf32, #tpu.memory_space<vmem>>[vector<16xi32>, vector<16xi32>], vector<16xf32>,
      %add3A_1171 = arith.constant 16 : i32
      %add3A_1172 = vector.broadcast %add3A_1171 : i32 to vector<16xi32>
      %add3A_1173 = arith.addi %iota3A, %add3A_1172 : vector<16xi32>
      %gather3A_1174 = arith.constant 0 : i32
      %gather3A_1175 = arith.constant 0 : i32
      %gather3A_1176 = arith.constant 0 : i32
      %gather3A_1177 = tpu.memref_slice %arg12[%gather3A_1174, %gather3A_1175, %gather3A_1176] : memref<8x32x128xf32, #tpu.memory_space<vmem>> -> memref<1x32x128xf32, #tpu.memory_space<vmem>>
      %gather3A_1178 = tpu.memref_squeeze %gather3A_1177 : memref<1x32x128xf32, #tpu.memory_space<vmem>> -> memref<32x128xf32, #tpu.memory_space<vmem>>
      %gather3A_1179 = tpu.vector_load_idx %gather3A_1178[%add3A_1173, %broadcast_in_dim3A_1150] : memref<32x128xf32, #tpu.memory_space<vmem>>[vector<16xi32>, vector<16xi32>], vector<16xf32>,
      %mul3A_1180 = arith.mulf %gather3A_1155, %gather3A_1170 : vector<16xf32>
      %mul3A_1181 = arith.mulf %gather3A_1164, %gather3A_1179 : vector<16xf32>
      %add3A_1182 = arith.addf %mul3A_1180, %mul3A_1181 : vector<16xf32>
      %reduce_sum3A = arith.constant true
      %reduce_sum3A_1183 = vector.broadcast %reduce_sum3A : i1 to vector<16xi1>
      %reduce_sum3A_1184 = tpu.scan <sum>, %add3A_1182 masked %reduce_sum3A_1183 : vector<16xf32>, vector<16xi1> -> vector<16xf32>
      %reduce_sum3A_1185 = vector.extract %reduce_sum3A_1184[15] : f32 from vector<16xf32>
      %eq3A_1186 = arith.constant 0 : i32
      %eq3A_1187 = vector.broadcast %eq3A_1186 : i32 to vector<16xi32>
      %eq3A_1188 = arith.cmpi eq, %iota3A, %eq3A_1187 : vector<16xi32>
      %broadcast_in_dim3A_1189 = vector.broadcast %reduce_sum3A_1185 : f32 to vector<16xf32>
      %select_n3A_1190 = arith.select %eq3A_1188, %broadcast_in_dim3A_1189, %broadcast_in_dim3A_1084 : vector<16xi1>, vector<16xf32>
      %slice3A_1191 = vector.extract_strided_slice %get3A_1077 {offsets = [8], sizes = [1], strides = [1]} : vector<16xi32> to vector<1xi32>
      %squeeze3A_1192 = vector.extract %slice3A_1191[0] : i32 from vector<1xi32>
      %slice3A_1193 = vector.extract_strided_slice %get3A_1079 {offsets = [8], sizes = [1], strides = [1]} : vector<16xi32> to vector<1xi32>
      %squeeze3A_1194 = vector.extract %slice3A_1193[0] : i32 from vector<1xi32>
      %jit3A_1195 = arith.constant 128 : i32
      %div3A_1196 = arith.divsi %squeeze3A_1192, %jit3A_1195 : i32
      %sign3A_1197 = arith.constant 0 : i32
      %sign3A_1198 = arith.cmpi sgt, %squeeze3A_1192, %sign3A_1197 : i32
      %sign3A_1199 = arith.extui %sign3A_1198 : i1 to i32
      %sign3A_1200 = arith.constant 0 : i32
      %sign3A_1201 = arith.cmpi slt, %squeeze3A_1192, %sign3A_1200 : i32
      %sign3A_1202 = arith.extui %sign3A_1201 : i1 to i32
      %sign3A_1203 = arith.subi %sign3A_1199, %sign3A_1202 : i32
      %sign3A_1204 = arith.constant 0 : i32
      %sign3A_1205 = arith.cmpi sgt, %jit3A_1195, %sign3A_1204 : i32
      %sign3A_1206 = arith.extui %sign3A_1205 : i1 to i32
      %sign3A_1207 = arith.constant 0 : i32
      %sign3A_1208 = arith.cmpi slt, %jit3A_1195, %sign3A_1207 : i32
      %sign3A_1209 = arith.extui %sign3A_1208 : i1 to i32
      %sign3A_1210 = arith.subi %sign3A_1206, %sign3A_1209 : i32
      %ne3A_1211 = arith.cmpi ne, %sign3A_1203, %sign3A_1210 : i32
      %rem3A_1212 = arith.remsi %squeeze3A_1192, %jit3A_1195 : i32
      %ne3A_1213 = arith.constant 0 : i32
      %ne3A_1214 = arith.cmpi ne, %rem3A_1212, %ne3A_1213 : i32
      %and3A_1215 = arith.andi %ne3A_1211, %ne3A_1214 : i1
      %sub3A_1216 = arith.constant 1 : i32
      %sub3A_1217 = arith.subi %div3A_1196, %sub3A_1216 : i32
      %select_n3A_1218 = arith.select %and3A_1215, %sub3A_1217, %div3A_1196 : i32
      %mul3A_1219 = arith.constant 128 : i32
      %mul3A_1220 = arith.muli %select_n3A_1218, %mul3A_1219 : i32
      %multiple_of3A_1221 = tpu.assume_multiple %mul3A_1220, 128 : i32
      %jit3A_1222 = arith.constant 128 : i32
      %div3A_1223 = arith.divsi %squeeze3A_1194, %jit3A_1222 : i32
      %sign3A_1224 = arith.constant 0 : i32
      %sign3A_1225 = arith.cmpi sgt, %squeeze3A_1194, %sign3A_1224 : i32
      %sign3A_1226 = arith.extui %sign3A_1225 : i1 to i32
      %sign3A_1227 = arith.constant 0 : i32
      %sign3A_1228 = arith.cmpi slt, %squeeze3A_1194, %sign3A_1227 : i32
      %sign3A_1229 = arith.extui %sign3A_1228 : i1 to i32
      %sign3A_1230 = arith.subi %sign3A_1226, %sign3A_1229 : i32
      %sign3A_1231 = arith.constant 0 : i32
      %sign3A_1232 = arith.cmpi sgt, %jit3A_1222, %sign3A_1231 : i32
      %sign3A_1233 = arith.extui %sign3A_1232 : i1 to i32
      %sign3A_1234 = arith.constant 0 : i32
      %sign3A_1235 = arith.cmpi slt, %jit3A_1222, %sign3A_1234 : i32
      %sign3A_1236 = arith.extui %sign3A_1235 : i1 to i32
      %sign3A_1237 = arith.subi %sign3A_1233, %sign3A_1236 : i32
      %ne3A_1238 = arith.cmpi ne, %sign3A_1230, %sign3A_1237 : i32
      %rem3A_1239 = arith.remsi %squeeze3A_1194, %jit3A_1222 : i32
      %ne3A_1240 = arith.constant 0 : i32
      %ne3A_1241 = arith.cmpi ne, %rem3A_1239, %ne3A_1240 : i32
      %and3A_1242 = arith.andi %ne3A_1238, %ne3A_1241 : i1
      %sub3A_1243 = arith.constant 1 : i32
      %sub3A_1244 = arith.subi %div3A_1223, %sub3A_1243 : i32
      %select_n3A_1245 = arith.select %and3A_1242, %sub3A_1244, %div3A_1223 : i32
      %mul3A_1246 = arith.constant 128 : i32
      %mul3A_1247 = arith.muli %select_n3A_1245, %mul3A_1246 : i32
      %multiple_of3A_1248 = tpu.assume_multiple %mul3A_1247, 128 : i32
      %dma_start3A_1249 = arith.constant 0 : i32
      %dma_start3A_1250 = arith.constant 0 : i32
      %dma_start3A_1251 = arith.constant 0 : i32
      %dma_start3A_1252 = tpu.memref_slice %arg11[%dma_start3A_1249, %dma_start3A_1250, %dma_start3A_1251] : memref<8x32x128xf32, #tpu.memory_space<vmem>> -> memref<1x32x128xf32, #tpu.memory_space<vmem>>
      %dma_start3A_1253 = tpu.memref_squeeze %dma_start3A_1252 : memref<1x32x128xf32, #tpu.memory_space<vmem>> -> memref<32x128xf32, #tpu.memory_space<vmem>>
      %dma_start3A_1254 = arith.constant 0 : i32
      %dma_start3A_1255 = tpu.memref_slice %arg4[%dma_start3A_1254, %multiple_of3A_1221] : memref<32x1000000xf32, #tpu.memory_space<hbm>> -> memref<32x128xf32, #tpu.memory_space<hbm>>
      %dma_start3A_1256 = arith.constant 0 : i32
      %dma_start3A_1257 = arith.constant 0 : i32
      %dma_start3A_1258 = tpu.memref_slice %arg11[%dma_start3A_1249, %dma_start3A_1256, %dma_start3A_1257] : memref<8x32x128xf32, #tpu.memory_space<vmem>> -> memref<1x32x128xf32, #tpu.memory_space<vmem>>
      %dma_start3A_1259 = tpu.memref_squeeze %dma_start3A_1258 : memref<1x32x128xf32, #tpu.memory_space<vmem>> -> memref<32x128xf32, #tpu.memory_space<vmem>>
      %dma_start3A_1260 = arith.constant 0 : i32
      %dma_start3A_1261 = tpu.memref_slice %arg4[%dma_start3A_1260, %multiple_of3A_1221] : memref<32x1000000xf32, #tpu.memory_space<hbm>> -> memref<32x128xf32, #tpu.memory_space<hbm>>
      tpu.enqueue_dma source(%dma_start3A_1261 : memref<32x128xf32, #tpu.memory_space<hbm>>) target(%dma_start3A_1259 : memref<32x128xf32, #tpu.memory_space<vmem>>) target_semaphore(%arg16 : memref<!tpu.dma_semaphore, #tpu.memory_space<semaphore_mem>>)
      %dma_start3A_1262 = arith.constant 0 : i32
      %dma_start3A_1263 = arith.constant 0 : i32
      %dma_start3A_1264 = arith.constant 0 : i32
      %dma_start3A_1265 = tpu.memref_slice %arg12[%dma_start3A_1262, %dma_start3A_1263, %dma_start3A_1264] : memref<8x32x128xf32, #tpu.memory_space<vmem>> -> memref<1x32x128xf32, #tpu.memory_space<vmem>>
      %dma_start3A_1266 = tpu.memref_squeeze %dma_start3A_1265 : memref<1x32x128xf32, #tpu.memory_space<vmem>> -> memref<32x128xf32, #tpu.memory_space<vmem>>
      %dma_start3A_1267 = arith.constant 0 : i32
      %dma_start3A_1268 = tpu.memref_slice %arg5[%dma_start3A_1267, %multiple_of3A_1248] : memref<32x1000000xf32, #tpu.memory_space<hbm>> -> memref<32x128xf32, #tpu.memory_space<hbm>>
      %dma_start3A_1269 = arith.constant 0 : i32
      %dma_start3A_1270 = arith.constant 0 : i32
      %dma_start3A_1271 = tpu.memref_slice %arg12[%dma_start3A_1262, %dma_start3A_1269, %dma_start3A_1270] : memref<8x32x128xf32, #tpu.memory_space<vmem>> -> memref<1x32x128xf32, #tpu.memory_space<vmem>>
      %dma_start3A_1272 = tpu.memref_squeeze %dma_start3A_1271 : memref<1x32x128xf32, #tpu.memory_space<vmem>> -> memref<32x128xf32, #tpu.memory_space<vmem>>
      %dma_start3A_1273 = arith.constant 0 : i32
      %dma_start3A_1274 = tpu.memref_slice %arg5[%dma_start3A_1273, %multiple_of3A_1248] : memref<32x1000000xf32, #tpu.memory_space<hbm>> -> memref<32x128xf32, #tpu.memory_space<hbm>>
      tpu.enqueue_dma source(%dma_start3A_1274 : memref<32x128xf32, #tpu.memory_space<hbm>>) target(%dma_start3A_1272 : memref<32x128xf32, #tpu.memory_space<vmem>>) target_semaphore(%arg24 : memref<!tpu.dma_semaphore, #tpu.memory_space<semaphore_mem>>)
      %dma_wait3A_1275 = arith.constant 1 : i32
      %dma_wait3A_1276 = arith.constant 0 : i32
      %dma_wait3A_1277 = arith.constant 0 : i32
      %dma_wait3A_1278 = tpu.memref_slice %arg11[%dma_wait3A_1275, %dma_wait3A_1276, %dma_wait3A_1277] : memref<8x32x128xf32, #tpu.memory_space<vmem>> -> memref<1x32x128xf32, #tpu.memory_space<vmem>>
      %dma_wait3A_1279 = tpu.memref_squeeze %dma_wait3A_1278 : memref<1x32x128xf32, #tpu.memory_space<vmem>> -> memref<32x128xf32, #tpu.memory_space<vmem>>
      %dma_wait3A_1280 = arith.constant 0 : i32
      %dma_wait3A_1281 = arith.constant 0 : i32
      %dma_wait3A_1282 = tpu.memref_slice %arg4[%dma_wait3A_1280, %dma_wait3A_1281] : memref<32x1000000xf32, #tpu.memory_space<hbm>> -> memref<32x128xf32, #tpu.memory_space<hbm>>
      %dma_wait3A_1283 = arith.constant 0 : i32
      %dma_wait3A_1284 = arith.constant 0 : i32
      %dma_wait3A_1285 = tpu.memref_slice %arg11[%dma_wait3A_1275, %dma_wait3A_1283, %dma_wait3A_1284] : memref<8x32x128xf32, #tpu.memory_space<vmem>> -> memref<1x32x128xf32, #tpu.memory_space<vmem>>
      %dma_wait3A_1286 = tpu.memref_squeeze %dma_wait3A_1285 : memref<1x32x128xf32, #tpu.memory_space<vmem>> -> memref<32x128xf32, #tpu.memory_space<vmem>>
      %dma_wait3A_1287 = arith.constant 0 : i32
      %dma_wait3A_1288 = arith.constant 0 : i32
      %dma_wait3A_1289 = tpu.memref_slice %arg4[%dma_wait3A_1287, %dma_wait3A_1288] : memref<32x1000000xf32, #tpu.memory_space<hbm>> -> memref<32x128xf32, #tpu.memory_space<hbm>>
      tpu.wait_dma2 semaphore(%arg17 : memref<!tpu.dma_semaphore, #tpu.memory_space<semaphore_mem>>) src(%dma_wait3A_1289 : memref<32x128xf32, #tpu.memory_space<hbm>>) dst(%dma_wait3A_1286 : memref<32x128xf32, #tpu.memory_space<vmem>>)
      %dma_wait3A_1290 = arith.constant 1 : i32
      %dma_wait3A_1291 = arith.constant 0 : i32
      %dma_wait3A_1292 = arith.constant 0 : i32
      %dma_wait3A_1293 = tpu.memref_slice %arg12[%dma_wait3A_1290, %dma_wait3A_1291, %dma_wait3A_1292] : memref<8x32x128xf32, #tpu.memory_space<vmem>> -> memref<1x32x128xf32, #tpu.memory_space<vmem>>
      %dma_wait3A_1294 = tpu.memref_squeeze %dma_wait3A_1293 : memref<1x32x128xf32, #tpu.memory_space<vmem>> -> memref<32x128xf32, #tpu.memory_space<vmem>>
      %dma_wait3A_1295 = arith.constant 0 : i32
      %dma_wait3A_1296 = arith.constant 0 : i32
      %dma_wait3A_1297 = tpu.memref_slice %arg5[%dma_wait3A_1295, %dma_wait3A_1296] : memref<32x1000000xf32, #tpu.memory_space<hbm>> -> memref<32x128xf32, #tpu.memory_space<hbm>>
      %dma_wait3A_1298 = arith.constant 0 : i32
      %dma_wait3A_1299 = arith.constant 0 : i32
      %dma_wait3A_1300 = tpu.memref_slice %arg12[%dma_wait3A_1290, %dma_wait3A_1298, %dma_wait3A_1299] : memref<8x32x128xf32, #tpu.memory_space<vmem>> -> memref<1x32x128xf32, #tpu.memory_space<vmem>>
      %dma_wait3A_1301 = tpu.memref_squeeze %dma_wait3A_1300 : memref<1x32x128xf32, #tpu.memory_space<vmem>> -> memref<32x128xf32, #tpu.memory_space<vmem>>
      %dma_wait3A_1302 = arith.constant 0 : i32
      %dma_wait3A_1303 = arith.constant 0 : i32
      %dma_wait3A_1304 = tpu.memref_slice %arg5[%dma_wait3A_1302, %dma_wait3A_1303] : memref<32x1000000xf32, #tpu.memory_space<hbm>> -> memref<32x128xf32, #tpu.memory_space<hbm>>
      tpu.wait_dma2 semaphore(%arg25 : memref<!tpu.dma_semaphore, #tpu.memory_space<semaphore_mem>>) src(%dma_wait3A_1304 : memref<32x128xf32, #tpu.memory_space<hbm>>) dst(%dma_wait3A_1301 : memref<32x128xf32, #tpu.memory_space<vmem>>)
      %slice3A_1305 = vector.extract_strided_slice %get3A_1077 {offsets = [1], sizes = [1], strides = [1]} : vector<16xi32> to vector<1xi32>
      %squeeze3A_1306 = vector.extract %slice3A_1305[0] : i32 from vector<1xi32>
      %slice3A_1307 = vector.extract_strided_slice %get3A_1079 {offsets = [1], sizes = [1], strides = [1]} : vector<16xi32> to vector<1xi32>
      %squeeze3A_1308 = vector.extract %slice3A_1307[0] : i32 from vector<1xi32>
      %jit3A_1309 = arith.constant 128 : i32
      %eq3A_1310 = arith.constant 0 : i32
      %eq3A_1311 = arith.cmpi eq, %jit3A_1309, %eq3A_1310 : i32
      %jit3A_1312 = arith.constant 1 : i32
      %select_n3A_1313 = arith.select %eq3A_1311, %jit3A_1312, %jit3A_1309 : i32
      %rem3A_1314 = arith.remsi %squeeze3A_1306, %select_n3A_1313 : i32
      %ne3A_1315 = arith.constant 0 : i32
      %ne3A_1316 = arith.cmpi ne, %rem3A_1314, %ne3A_1315 : i32
      %lt3A_1317 = arith.constant 0 : i32
      %lt3A_1318 = arith.cmpi slt, %rem3A_1314, %lt3A_1317 : i32
      %lt3A_1319 = arith.constant 0 : i32
      %lt3A_1320 = arith.cmpi slt, %select_n3A_1313, %lt3A_1319 : i32
      %ne3A_1321 = arith.xori %lt3A_1318, %lt3A_1320 : i1
      %and3A_1322 = arith.andi %ne3A_1321, %ne3A_1316 : i1
      %add3A_1323 = arith.addi %rem3A_1314, %select_n3A_1313 : i32
      %select_n3A_1324 = arith.select %and3A_1322, %add3A_1323, %rem3A_1314 : i32
      %broadcast_in_dim3A_1325 = vector.broadcast %select_n3A_1324 : i32 to vector<16xi32>
      %jit3A_1326 = arith.constant 128 : i32
      %eq3A_1327 = arith.constant 0 : i32
      %eq3A_1328 = arith.cmpi eq, %jit3A_1326, %eq3A_1327 : i32
      %jit3A_1329 = arith.constant 1 : i32
      %select_n3A_1330 = arith.select %eq3A_1328, %jit3A_1329, %jit3A_1326 : i32
      %rem3A_1331 = arith.remsi %squeeze3A_1308, %select_n3A_1330 : i32
      %ne3A_1332 = arith.constant 0 : i32
      %ne3A_1333 = arith.cmpi ne, %rem3A_1331, %ne3A_1332 : i32
      %lt3A_1334 = arith.constant 0 : i32
      %lt3A_1335 = arith.cmpi slt, %rem3A_1331, %lt3A_1334 : i32
      %lt3A_1336 = arith.constant 0 : i32
      %lt3A_1337 = arith.cmpi slt, %select_n3A_1330, %lt3A_1336 : i32
      %ne3A_1338 = arith.xori %lt3A_1335, %lt3A_1337 : i1
      %and3A_1339 = arith.andi %ne3A_1338, %ne3A_1333 : i1
      %add3A_1340 = arith.addi %rem3A_1331, %select_n3A_1330 : i32
      %select_n3A_1341 = arith.select %and3A_1339, %add3A_1340, %rem3A_1331 : i32
      %broadcast_in_dim3A_1342 = vector.broadcast %select_n3A_1341 : i32 to vector<16xi32>
      %gather3A_1343 = arith.constant 1 : i32
      %gather3A_1344 = arith.constant 0 : i32
      %gather3A_1345 = arith.constant 0 : i32
      %gather3A_1346 = tpu.memref_slice %arg11[%gather3A_1343, %gather3A_1344, %gather3A_1345] : memref<8x32x128xf32, #tpu.memory_space<vmem>> -> memref<1x32x128xf32, #tpu.memory_space<vmem>>
      %gather3A_1347 = tpu.memref_squeeze %gather3A_1346 : memref<1x32x128xf32, #tpu.memory_space<vmem>> -> memref<32x128xf32, #tpu.memory_space<vmem>>
      %gather3A_1348 = tpu.vector_load_idx %gather3A_1347[%iota3A, %broadcast_in_dim3A_1325] : memref<32x128xf32, #tpu.memory_space<vmem>>[vector<16xi32>, vector<16xi32>], vector<16xf32>,
      %add3A_1349 = arith.constant 16 : i32
      %add3A_1350 = vector.broadcast %add3A_1349 : i32 to vector<16xi32>
      %add3A_1351 = arith.addi %iota3A, %add3A_1350 : vector<16xi32>
      %gather3A_1352 = arith.constant 1 : i32
      %gather3A_1353 = arith.constant 0 : i32
      %gather3A_1354 = arith.constant 0 : i32
      %gather3A_1355 = tpu.memref_slice %arg11[%gather3A_1352, %gather3A_1353, %gather3A_1354] : memref<8x32x128xf32, #tpu.memory_space<vmem>> -> memref<1x32x128xf32, #tpu.memory_space<vmem>>
      %gather3A_1356 = tpu.memref_squeeze %gather3A_1355 : memref<1x32x128xf32, #tpu.memory_space<vmem>> -> memref<32x128xf32, #tpu.memory_space<vmem>>
      %gather3A_1357 = tpu.vector_load_idx %gather3A_1356[%add3A_1351, %broadcast_in_dim3A_1325] : memref<32x128xf32, #tpu.memory_space<vmem>>[vector<16xi32>, vector<16xi32>], vector<16xf32>,
      %gather3A_1358 = arith.constant 1 : i32
      %gather3A_1359 = arith.constant 0 : i32
      %gather3A_1360 = arith.constant 0 : i32
      %gather3A_1361 = tpu.memref_slice %arg12[%gather3A_1358, %gather3A_1359, %gather3A_1360] : memref<8x32x128xf32, #tpu.memory_space<vmem>> -> memref<1x32x128xf32, #tpu.memory_space<vmem>>
      %gather3A_1362 = tpu.memref_squeeze %gather3A_1361 : memref<1x32x128xf32, #tpu.memory_space<vmem>> -> memref<32x128xf32, #tpu.memory_space<vmem>>
      %gather3A_1363 = tpu.vector_load_idx %gather3A_1362[%iota3A, %broadcast_in_dim3A_1342] : memref<32x128xf32, #tpu.memory_space<vmem>>[vector<16xi32>, vector<16xi32>], vector<16xf32>,
      %add3A_1364 = arith.constant 16 : i32
      %add3A_1365 = vector.broadcast %add3A_1364 : i32 to vector<16xi32>
      %add3A_1366 = arith.addi %iota3A, %add3A_1365 : vector<16xi32>
      %gather3A_1367 = arith.constant 1 : i32
      %gather3A_1368 = arith.constant 0 : i32
      %gather3A_1369 = arith.constant 0 : i32
      %gather3A_1370 = tpu.memref_slice %arg12[%gather3A_1367, %gather3A_1368, %gather3A_1369] : memref<8x32x128xf32, #tpu.memory_space<vmem>> -> memref<1x32x128xf32, #tpu.memory_space<vmem>>
      %gather3A_1371 = tpu.memref_squeeze %gather3A_1370 : memref<1x32x128xf32, #tpu.memory_space<vmem>> -> memref<32x128xf32, #tpu.memory_space<vmem>>
      %gather3A_1372 = tpu.vector_load_idx %gather3A_1371[%add3A_1366, %broadcast_in_dim3A_1342] : memref<32x128xf32, #tpu.memory_space<vmem>>[vector<16xi32>, vector<16xi32>], vector<16xf32>,
      %mul3A_1373 = arith.mulf %gather3A_1348, %gather3A_1363 : vector<16xf32>
      %mul3A_1374 = arith.mulf %gather3A_1357, %gather3A_1372 : vector<16xf32>
      %add3A_1375 = arith.addf %mul3A_1373, %mul3A_1374 : vector<16xf32>
      %reduce_sum3A_1376 = arith.constant true
      %reduce_sum3A_1377 = vector.broadcast %reduce_sum3A_1376 : i1 to vector<16xi1>
      %reduce_sum3A_1378 = tpu.scan <sum>, %add3A_1375 masked %reduce_sum3A_1377 : vector<16xf32>, vector<16xi1> -> vector<16xf32>
      %reduce_sum3A_1379 = vector.extract %reduce_sum3A_1378[15] : f32 from vector<16xf32>
      %eq3A_1380 = arith.constant 1 : i32
      %eq3A_1381 = vector.broadcast %eq3A_1380 : i32 to vector<16xi32>
      %eq3A_1382 = arith.cmpi eq, %iota3A, %eq3A_1381 : vector<16xi32>
      %broadcast_in_dim3A_1383 = vector.broadcast %reduce_sum3A_1379 : f32 to vector<16xf32>
      %select_n3A_1384 = arith.select %eq3A_1382, %broadcast_in_dim3A_1383, %select_n3A_1190 : vector<16xi1>, vector<16xf32>
      %slice3A_1385 = vector.extract_strided_slice %get3A_1077 {offsets = [9], sizes = [1], strides = [1]} : vector<16xi32> to vector<1xi32>
      %squeeze3A_1386 = vector.extract %slice3A_1385[0] : i32 from vector<1xi32>
      %slice3A_1387 = vector.extract_strided_slice %get3A_1079 {offsets = [9], sizes = [1], strides = [1]} : vector<16xi32> to vector<1xi32>
      %squeeze3A_1388 = vector.extract %slice3A_1387[0] : i32 from vector<1xi32>
      %jit3A_1389 = arith.constant 128 : i32
      %div3A_1390 = arith.divsi %squeeze3A_1386, %jit3A_1389 : i32
      %sign3A_1391 = arith.constant 0 : i32
      %sign3A_1392 = arith.cmpi sgt, %squeeze3A_1386, %sign3A_1391 : i32
      %sign3A_1393 = arith.extui %sign3A_1392 : i1 to i32
      %sign3A_1394 = arith.constant 0 : i32
      %sign3A_1395 = arith.cmpi slt, %squeeze3A_1386, %sign3A_1394 : i32
      %sign3A_1396 = arith.extui %sign3A_1395 : i1 to i32
      %sign3A_1397 = arith.subi %sign3A_1393, %sign3A_1396 : i32
      %sign3A_1398 = arith.constant 0 : i32
      %sign3A_1399 = arith.cmpi sgt, %jit3A_1389, %sign3A_1398 : i32
      %sign3A_1400 = arith.extui %sign3A_1399 : i1 to i32
      %sign3A_1401 = arith.constant 0 : i32
      %sign3A_1402 = arith.cmpi slt, %jit3A_1389, %sign3A_1401 : i32
      %sign3A_1403 = arith.extui %sign3A_1402 : i1 to i32
      %sign3A_1404 = arith.subi %sign3A_1400, %sign3A_1403 : i32
      %ne3A_1405 = arith.cmpi ne, %sign3A_1397, %sign3A_1404 : i32
      %rem3A_1406 = arith.remsi %squeeze3A_1386, %jit3A_1389 : i32
      %ne3A_1407 = arith.constant 0 : i32
      %ne3A_1408 = arith.cmpi ne, %rem3A_1406, %ne3A_1407 : i32
      %and3A_1409 = arith.andi %ne3A_1405, %ne3A_1408 : i1
      %sub3A_1410 = arith.constant 1 : i32
      %sub3A_1411 = arith.subi %div3A_1390, %sub3A_1410 : i32
      %select_n3A_1412 = arith.select %and3A_1409, %sub3A_1411, %div3A_1390 : i32
      %mul3A_1413 = arith.constant 128 : i32
      %mul3A_1414 = arith.muli %select_n3A_1412, %mul3A_1413 : i32
      %multiple_of3A_1415 = tpu.assume_multiple %mul3A_1414, 128 : i32
      %jit3A_1416 = arith.constant 128 : i32
      %div3A_1417 = arith.divsi %squeeze3A_1388, %jit3A_1416 : i32
      %sign3A_1418 = arith.constant 0 : i32
      %sign3A_1419 = arith.cmpi sgt, %squeeze3A_1388, %sign3A_1418 : i32
      %sign3A_1420 = arith.extui %sign3A_1419 : i1 to i32
      %sign3A_1421 = arith.constant 0 : i32
      %sign3A_1422 = arith.cmpi slt, %squeeze3A_1388, %sign3A_1421 : i32
      %sign3A_1423 = arith.extui %sign3A_1422 : i1 to i32
      %sign3A_1424 = arith.subi %sign3A_1420, %sign3A_1423 : i32
      %sign3A_1425 = arith.constant 0 : i32
      %sign3A_1426 = arith.cmpi sgt, %jit3A_1416, %sign3A_1425 : i32
      %sign3A_1427 = arith.extui %sign3A_1426 : i1 to i32
      %sign3A_1428 = arith.constant 0 : i32
      %sign3A_1429 = arith.cmpi slt, %jit3A_1416, %sign3A_1428 : i32
      %sign3A_1430 = arith.extui %sign3A_1429 : i1 to i32
      %sign3A_1431 = arith.subi %sign3A_1427, %sign3A_1430 : i32
      %ne3A_1432 = arith.cmpi ne, %sign3A_1424, %sign3A_1431 : i32
      %rem3A_1433 = arith.remsi %squeeze3A_1388, %jit3A_1416 : i32
      %ne3A_1434 = arith.constant 0 : i32
      %ne3A_1435 = arith.cmpi ne, %rem3A_1433, %ne3A_1434 : i32
      %and3A_1436 = arith.andi %ne3A_1432, %ne3A_1435 : i1
      %sub3A_1437 = arith.constant 1 : i32
      %sub3A_1438 = arith.subi %div3A_1417, %sub3A_1437 : i32
      %select_n3A_1439 = arith.select %and3A_1436, %sub3A_1438, %div3A_1417 : i32
      %mul3A_1440 = arith.constant 128 : i32
      %mul3A_1441 = arith.muli %select_n3A_1439, %mul3A_1440 : i32
      %multiple_of3A_1442 = tpu.assume_multiple %mul3A_1441, 128 : i32
      %dma_start3A_1443 = arith.constant 1 : i32
      %dma_start3A_1444 = arith.constant 0 : i32
      %dma_start3A_1445 = arith.constant 0 : i32
      %dma_start3A_1446 = tpu.memref_slice %arg11[%dma_start3A_1443, %dma_start3A_1444, %dma_start3A_1445] : memref<8x32x128xf32, #tpu.memory_space<vmem>> -> memref<1x32x128xf32, #tpu.memory_space<vmem>>
      %dma_start3A_1447 = tpu.memref_squeeze %dma_start3A_1446 : memref<1x32x128xf32, #tpu.memory_space<vmem>> -> memref<32x128xf32, #tpu.memory_space<vmem>>
      %dma_start3A_1448 = arith.constant 0 : i32
      %dma_start3A_1449 = tpu.memref_slice %arg4[%dma_start3A_1448, %multiple_of3A_1415] : memref<32x1000000xf32, #tpu.memory_space<hbm>> -> memref<32x128xf32, #tpu.memory_space<hbm>>
      %dma_start3A_1450 = arith.constant 0 : i32
      %dma_start3A_1451 = arith.constant 0 : i32
      %dma_start3A_1452 = tpu.memref_slice %arg11[%dma_start3A_1443, %dma_start3A_1450, %dma_start3A_1451] : memref<8x32x128xf32, #tpu.memory_space<vmem>> -> memref<1x32x128xf32, #tpu.memory_space<vmem>>
      %dma_start3A_1453 = tpu.memref_squeeze %dma_start3A_1452 : memref<1x32x128xf32, #tpu.memory_space<vmem>> -> memref<32x128xf32, #tpu.memory_space<vmem>>
      %dma_start3A_1454 = arith.constant 0 : i32
      %dma_start3A_1455 = tpu.memref_slice %arg4[%dma_start3A_1454, %multiple_of3A_1415] : memref<32x1000000xf32, #tpu.memory_space<hbm>> -> memref<32x128xf32, #tpu.memory_space<hbm>>
      tpu.enqueue_dma source(%dma_start3A_1455 : memref<32x128xf32, #tpu.memory_space<hbm>>) target(%dma_start3A_1453 : memref<32x128xf32, #tpu.memory_space<vmem>>) target_semaphore(%arg17 : memref<!tpu.dma_semaphore, #tpu.memory_space<semaphore_mem>>)
      %dma_start3A_1456 = arith.constant 1 : i32
      %dma_start3A_1457 = arith.constant 0 : i32
      %dma_start3A_1458 = arith.constant 0 : i32
      %dma_start3A_1459 = tpu.memref_slice %arg12[%dma_start3A_1456, %dma_start3A_1457, %dma_start3A_1458] : memref<8x32x128xf32, #tpu.memory_space<vmem>> -> memref<1x32x128xf32, #tpu.memory_space<vmem>>
      %dma_start3A_1460 = tpu.memref_squeeze %dma_start3A_1459 : memref<1x32x128xf32, #tpu.memory_space<vmem>> -> memref<32x128xf32, #tpu.memory_space<vmem>>
      %dma_start3A_1461 = arith.constant 0 : i32
      %dma_start3A_1462 = tpu.memref_slice %arg5[%dma_start3A_1461, %multiple_of3A_1442] : memref<32x1000000xf32, #tpu.memory_space<hbm>> -> memref<32x128xf32, #tpu.memory_space<hbm>>
      %dma_start3A_1463 = arith.constant 0 : i32
      %dma_start3A_1464 = arith.constant 0 : i32
      %dma_start3A_1465 = tpu.memref_slice %arg12[%dma_start3A_1456, %dma_start3A_1463, %dma_start3A_1464] : memref<8x32x128xf32, #tpu.memory_space<vmem>> -> memref<1x32x128xf32, #tpu.memory_space<vmem>>
      %dma_start3A_1466 = tpu.memref_squeeze %dma_start3A_1465 : memref<1x32x128xf32, #tpu.memory_space<vmem>> -> memref<32x128xf32, #tpu.memory_space<vmem>>
      %dma_start3A_1467 = arith.constant 0 : i32
      %dma_start3A_1468 = tpu.memref_slice %arg5[%dma_start3A_1467, %multiple_of3A_1442] : memref<32x1000000xf32, #tpu.memory_space<hbm>> -> memref<32x128xf32, #tpu.memory_space<hbm>>
      tpu.enqueue_dma source(%dma_start3A_1468 : memref<32x128xf32, #tpu.memory_space<hbm>>) target(%dma_start3A_1466 : memref<32x128xf32, #tpu.memory_space<vmem>>) target_semaphore(%arg25 : memref<!tpu.dma_semaphore, #tpu.memory_space<semaphore_mem>>)
      %dma_wait3A_1469 = arith.constant 2 : i32
      %dma_wait3A_1470 = arith.constant 0 : i32
      %dma_wait3A_1471 = arith.constant 0 : i32
      %dma_wait3A_1472 = tpu.memref_slice %arg11[%dma_wait3A_1469, %dma_wait3A_1470, %dma_wait3A_1471] : memref<8x32x128xf32, #tpu.memory_space<vmem>> -> memref<1x32x128xf32, #tpu.memory_space<vmem>>
      %dma_wait3A_1473 = tpu.memref_squeeze %dma_wait3A_1472 : memref<1x32x128xf32, #tpu.memory_space<vmem>> -> memref<32x128xf32, #tpu.memory_space<vmem>>
      %dma_wait3A_1474 = arith.constant 0 : i32
      %dma_wait3A_1475 = arith.constant 0 : i32
      %dma_wait3A_1476 = tpu.memref_slice %arg4[%dma_wait3A_1474, %dma_wait3A_1475] : memref<32x1000000xf32, #tpu.memory_space<hbm>> -> memref<32x128xf32, #tpu.memory_space<hbm>>
      %dma_wait3A_1477 = arith.constant 0 : i32
      %dma_wait3A_1478 = arith.constant 0 : i32
      %dma_wait3A_1479 = tpu.memref_slice %arg11[%dma_wait3A_1469, %dma_wait3A_1477, %dma_wait3A_1478] : memref<8x32x128xf32, #tpu.memory_space<vmem>> -> memref<1x32x128xf32, #tpu.memory_space<vmem>>
      %dma_wait3A_1480 = tpu.memref_squeeze %dma_wait3A_1479 : memref<1x32x128xf32, #tpu.memory_space<vmem>> -> memref<32x128xf32, #tpu.memory_space<vmem>>
      %dma_wait3A_1481 = arith.constant 0 : i32
      %dma_wait3A_1482 = arith.constant 0 : i32
      %dma_wait3A_1483 = tpu.memref_slice %arg4[%dma_wait3A_1481, %dma_wait3A_1482] : memref<32x1000000xf32, #tpu.memory_space<hbm>> -> memref<32x128xf32, #tpu.memory_space<hbm>>
      tpu.wait_dma2 semaphore(%arg18 : memref<!tpu.dma_semaphore, #tpu.memory_space<semaphore_mem>>) src(%dma_wait3A_1483 : memref<32x128xf32, #tpu.memory_space<hbm>>) dst(%dma_wait3A_1480 : memref<32x128xf32, #tpu.memory_space<vmem>>)
      %dma_wait3A_1484 = arith.constant 2 : i32
      %dma_wait3A_1485 = arith.constant 0 : i32
      %dma_wait3A_1486 = arith.constant 0 : i32
      %dma_wait3A_1487 = tpu.memref_slice %arg12[%dma_wait3A_1484, %dma_wait3A_1485, %dma_wait3A_1486] : memref<8x32x128xf32, #tpu.memory_space<vmem>> -> memref<1x32x128xf32, #tpu.memory_space<vmem>>
      %dma_wait3A_1488 = tpu.memref_squeeze %dma_wait3A_1487 : memref<1x32x128xf32, #tpu.memory_space<vmem>> -> memref<32x128xf32, #tpu.memory_space<vmem>>
      %dma_wait3A_1489 = arith.constant 0 : i32
      %dma_wait3A_1490 = arith.constant 0 : i32
      %dma_wait3A_1491 = tpu.memref_slice %arg5[%dma_wait3A_1489, %dma_wait3A_1490] : memref<32x1000000xf32, #tpu.memory_space<hbm>> -> memref<32x128xf32, #tpu.memory_space<hbm>>
      %dma_wait3A_1492 = arith.constant 0 : i32
      %dma_wait3A_1493 = arith.constant 0 : i32
      %dma_wait3A_1494 = tpu.memref_slice %arg12[%dma_wait3A_1484, %dma_wait3A_1492, %dma_wait3A_1493] : memref<8x32x128xf32, #tpu.memory_space<vmem>> -> memref<1x32x128xf32, #tpu.memory_space<vmem>>
      %dma_wait3A_1495 = tpu.memref_squeeze %dma_wait3A_1494 : memref<1x32x128xf32, #tpu.memory_space<vmem>> -> memref<32x128xf32, #tpu.memory_space<vmem>>
      %dma_wait3A_1496 = arith.constant 0 : i32
      %dma_wait3A_1497 = arith.constant 0 : i32
      %dma_wait3A_1498 = tpu.memref_slice %arg5[%dma_wait3A_1496, %dma_wait3A_1497] : memref<32x1000000xf32, #tpu.memory_space<hbm>> -> memref<32x128xf32, #tpu.memory_space<hbm>>
      tpu.wait_dma2 semaphore(%arg26 : memref<!tpu.dma_semaphore, #tpu.memory_space<semaphore_mem>>) src(%dma_wait3A_1498 : memref<32x128xf32, #tpu.memory_space<hbm>>) dst(%dma_wait3A_1495 : memref<32x128xf32, #tpu.memory_space<vmem>>)
      %slice3A_1499 = vector.extract_strided_slice %get3A_1077 {offsets = [2], sizes = [1], strides = [1]} : vector<16xi32> to vector<1xi32>
      %squeeze3A_1500 = vector.extract %slice3A_1499[0] : i32 from vector<1xi32>
      %slice3A_1501 = vector.extract_strided_slice %get3A_1079 {offsets = [2], sizes = [1], strides = [1]} : vector<16xi32> to vector<1xi32>
      %squeeze3A_1502 = vector.extract %slice3A_1501[0] : i32 from vector<1xi32>
      %jit3A_1503 = arith.constant 128 : i32
      %eq3A_1504 = arith.constant 0 : i32
      %eq3A_1505 = arith.cmpi eq, %jit3A_1503, %eq3A_1504 : i32
      %jit3A_1506 = arith.constant 1 : i32
      %select_n3A_1507 = arith.select %eq3A_1505, %jit3A_1506, %jit3A_1503 : i32
      %rem3A_1508 = arith.remsi %squeeze3A_1500, %select_n3A_1507 : i32
      %ne3A_1509 = arith.constant 0 : i32
      %ne3A_1510 = arith.cmpi ne, %rem3A_1508, %ne3A_1509 : i32
      %lt3A_1511 = arith.constant 0 : i32
      %lt3A_1512 = arith.cmpi slt, %rem3A_1508, %lt3A_1511 : i32
      %lt3A_1513 = arith.constant 0 : i32
      %lt3A_1514 = arith.cmpi slt, %select_n3A_1507, %lt3A_1513 : i32
      %ne3A_1515 = arith.xori %lt3A_1512, %lt3A_1514 : i1
      %and3A_1516 = arith.andi %ne3A_1515, %ne3A_1510 : i1
      %add3A_1517 = arith.addi %rem3A_1508, %select_n3A_1507 : i32
      %select_n3A_1518 = arith.select %and3A_1516, %add3A_1517, %rem3A_1508 : i32
      %broadcast_in_dim3A_1519 = vector.broadcast %select_n3A_1518 : i32 to vector<16xi32>
      %jit3A_1520 = arith.constant 128 : i32
      %eq3A_1521 = arith.constant 0 : i32
      %eq3A_1522 = arith.cmpi eq, %jit3A_1520, %eq3A_1521 : i32
      %jit3A_1523 = arith.constant 1 : i32
      %select_n3A_1524 = arith.select %eq3A_1522, %jit3A_1523, %jit3A_1520 : i32
      %rem3A_1525 = arith.remsi %squeeze3A_1502, %select_n3A_1524 : i32
      %ne3A_1526 = arith.constant 0 : i32
      %ne3A_1527 = arith.cmpi ne, %rem3A_1525, %ne3A_1526 : i32
      %lt3A_1528 = arith.constant 0 : i32
      %lt3A_1529 = arith.cmpi slt, %rem3A_1525, %lt3A_1528 : i32
      %lt3A_1530 = arith.constant 0 : i32
      %lt3A_1531 = arith.cmpi slt, %select_n3A_1524, %lt3A_1530 : i32
      %ne3A_1532 = arith.xori %lt3A_1529, %lt3A_1531 : i1
      %and3A_1533 = arith.andi %ne3A_1532, %ne3A_1527 : i1
      %add3A_1534 = arith.addi %rem3A_1525, %select_n3A_1524 : i32
      %select_n3A_1535 = arith.select %and3A_1533, %add3A_1534, %rem3A_1525 : i32
      %broadcast_in_dim3A_1536 = vector.broadcast %select_n3A_1535 : i32 to vector<16xi32>
      %gather3A_1537 = arith.constant 2 : i32
      %gather3A_1538 = arith.constant 0 : i32
      %gather3A_1539 = arith.constant 0 : i32
      %gather3A_1540 = tpu.memref_slice %arg11[%gather3A_1537, %gather3A_1538, %gather3A_1539] : memref<8x32x128xf32, #tpu.memory_space<vmem>> -> memref<1x32x128xf32, #tpu.memory_space<vmem>>
      %gather3A_1541 = tpu.memref_squeeze %gather3A_1540 : memref<1x32x128xf32, #tpu.memory_space<vmem>> -> memref<32x128xf32, #tpu.memory_space<vmem>>
      %gather3A_1542 = tpu.vector_load_idx %gather3A_1541[%iota3A, %broadcast_in_dim3A_1519] : memref<32x128xf32, #tpu.memory_space<vmem>>[vector<16xi32>, vector<16xi32>], vector<16xf32>,
      %add3A_1543 = arith.constant 16 : i32
      %add3A_1544 = vector.broadcast %add3A_1543 : i32 to vector<16xi32>
      %add3A_1545 = arith.addi %iota3A, %add3A_1544 : vector<16xi32>
      %gather3A_1546 = arith.constant 2 : i32
      %gather3A_1547 = arith.constant 0 : i32
      %gather3A_1548 = arith.constant 0 : i32
      %gather3A_1549 = tpu.memref_slice %arg11[%gather3A_1546, %gather3A_1547, %gather3A_1548] : memref<8x32x128xf32, #tpu.memory_space<vmem>> -> memref<1x32x128xf32, #tpu.memory_space<vmem>>
      %gather3A_1550 = tpu.memref_squeeze %gather3A_1549 : memref<1x32x128xf32, #tpu.memory_space<vmem>> -> memref<32x128xf32, #tpu.memory_space<vmem>>
      %gather3A_1551 = tpu.vector_load_idx %gather3A_1550[%add3A_1545, %broadcast_in_dim3A_1519] : memref<32x128xf32, #tpu.memory_space<vmem>>[vector<16xi32>, vector<16xi32>], vector<16xf32>,
      %gather3A_1552 = arith.constant 2 : i32
      %gather3A_1553 = arith.constant 0 : i32
      %gather3A_1554 = arith.constant 0 : i32
      %gather3A_1555 = tpu.memref_slice %arg12[%gather3A_1552, %gather3A_1553, %gather3A_1554] : memref<8x32x128xf32, #tpu.memory_space<vmem>> -> memref<1x32x128xf32, #tpu.memory_space<vmem>>
      %gather3A_1556 = tpu.memref_squeeze %gather3A_1555 : memref<1x32x128xf32, #tpu.memory_space<vmem>> -> memref<32x128xf32, #tpu.memory_space<vmem>>
      %gather3A_1557 = tpu.vector_load_idx %gather3A_1556[%iota3A, %broadcast_in_dim3A_1536] : memref<32x128xf32, #tpu.memory_space<vmem>>[vector<16xi32>, vector<16xi32>], vector<16xf32>,
      %add3A_1558 = arith.constant 16 : i32
      %add3A_1559 = vector.broadcast %add3A_1558 : i32 to vector<16xi32>
      %add3A_1560 = arith.addi %iota3A, %add3A_1559 : vector<16xi32>
      %gather3A_1561 = arith.constant 2 : i32
      %gather3A_1562 = arith.constant 0 : i32
      %gather3A_1563 = arith.constant 0 : i32
      %gather3A_1564 = tpu.memref_slice %arg12[%gather3A_1561, %gather3A_1562, %gather3A_1563] : memref<8x32x128xf32, #tpu.memory_space<vmem>> -> memref<1x32x128xf32, #tpu.memory_space<vmem>>
      %gather3A_1565 = tpu.memref_squeeze %gather3A_1564 : memref<1x32x128xf32, #tpu.memory_space<vmem>> -> memref<32x128xf32, #tpu.memory_space<vmem>>
      %gather3A_1566 = tpu.vector_load_idx %gather3A_1565[%add3A_1560, %broadcast_in_dim3A_1536] : memref<32x128xf32, #tpu.memory_space<vmem>>[vector<16xi32>, vector<16xi32>], vector<16xf32>,
      %mul3A_1567 = arith.mulf %gather3A_1542, %gather3A_1557 : vector<16xf32>
      %mul3A_1568 = arith.mulf %gather3A_1551, %gather3A_1566 : vector<16xf32>
      %add3A_1569 = arith.addf %mul3A_1567, %mul3A_1568 : vector<16xf32>
      %reduce_sum3A_1570 = arith.constant true
      %reduce_sum3A_1571 = vector.broadcast %reduce_sum3A_1570 : i1 to vector<16xi1>
      %reduce_sum3A_1572 = tpu.scan <sum>, %add3A_1569 masked %reduce_sum3A_1571 : vector<16xf32>, vector<16xi1> -> vector<16xf32>
      %reduce_sum3A_1573 = vector.extract %reduce_sum3A_1572[15] : f32 from vector<16xf32>
      %eq3A_1574 = arith.constant 2 : i32
      %eq3A_1575 = vector.broadcast %eq3A_1574 : i32 to vector<16xi32>
      %eq3A_1576 = arith.cmpi eq, %iota3A, %eq3A_1575 : vector<16xi32>
      %broadcast_in_dim3A_1577 = vector.broadcast %reduce_sum3A_1573 : f32 to vector<16xf32>
      %select_n3A_1578 = arith.select %eq3A_1576, %broadcast_in_dim3A_1577, %select_n3A_1384 : vector<16xi1>, vector<16xf32>
      %slice3A_1579 = vector.extract_strided_slice %get3A_1077 {offsets = [10], sizes = [1], strides = [1]} : vector<16xi32> to vector<1xi32>
      %squeeze3A_1580 = vector.extract %slice3A_1579[0] : i32 from vector<1xi32>
      %slice3A_1581 = vector.extract_strided_slice %get3A_1079 {offsets = [10], sizes = [1], strides = [1]} : vector<16xi32> to vector<1xi32>
      %squeeze3A_1582 = vector.extract %slice3A_1581[0] : i32 from vector<1xi32>
      %jit3A_1583 = arith.constant 128 : i32
      %div3A_1584 = arith.divsi %squeeze3A_1580, %jit3A_1583 : i32
      %sign3A_1585 = arith.constant 0 : i32
      %sign3A_1586 = arith.cmpi sgt, %squeeze3A_1580, %sign3A_1585 : i32
      %sign3A_1587 = arith.extui %sign3A_1586 : i1 to i32
      %sign3A_1588 = arith.constant 0 : i32
      %sign3A_1589 = arith.cmpi slt, %squeeze3A_1580, %sign3A_1588 : i32
      %sign3A_1590 = arith.extui %sign3A_1589 : i1 to i32
      %sign3A_1591 = arith.subi %sign3A_1587, %sign3A_1590 : i32
      %sign3A_1592 = arith.constant 0 : i32
      %sign3A_1593 = arith.cmpi sgt, %jit3A_1583, %sign3A_1592 : i32
      %sign3A_1594 = arith.extui %sign3A_1593 : i1 to i32
      %sign3A_1595 = arith.constant 0 : i32
      %sign3A_1596 = arith.cmpi slt, %jit3A_1583, %sign3A_1595 : i32
      %sign3A_1597 = arith.extui %sign3A_1596 : i1 to i32
      %sign3A_1598 = arith.subi %sign3A_1594, %sign3A_1597 : i32
      %ne3A_1599 = arith.cmpi ne, %sign3A_1591, %sign3A_1598 : i32
      %rem3A_1600 = arith.remsi %squeeze3A_1580, %jit3A_1583 : i32
      %ne3A_1601 = arith.constant 0 : i32
      %ne3A_1602 = arith.cmpi ne, %rem3A_1600, %ne3A_1601 : i32
      %and3A_1603 = arith.andi %ne3A_1599, %ne3A_1602 : i1
      %sub3A_1604 = arith.constant 1 : i32
      %sub3A_1605 = arith.subi %div3A_1584, %sub3A_1604 : i32
      %select_n3A_1606 = arith.select %and3A_1603, %sub3A_1605, %div3A_1584 : i32
      %mul3A_1607 = arith.constant 128 : i32
      %mul3A_1608 = arith.muli %select_n3A_1606, %mul3A_1607 : i32
      %multiple_of3A_1609 = tpu.assume_multiple %mul3A_1608, 128 : i32
      %jit3A_1610 = arith.constant 128 : i32
      %div3A_1611 = arith.divsi %squeeze3A_1582, %jit3A_1610 : i32
      %sign3A_1612 = arith.constant 0 : i32
      %sign3A_1613 = arith.cmpi sgt, %squeeze3A_1582, %sign3A_1612 : i32
      %sign3A_1614 = arith.extui %sign3A_1613 : i1 to i32
      %sign3A_1615 = arith.constant 0 : i32
      %sign3A_1616 = arith.cmpi slt, %squeeze3A_1582, %sign3A_1615 : i32
      %sign3A_1617 = arith.extui %sign3A_1616 : i1 to i32
      %sign3A_1618 = arith.subi %sign3A_1614, %sign3A_1617 : i32
      %sign3A_1619 = arith.constant 0 : i32
      %sign3A_1620 = arith.cmpi sgt, %jit3A_1610, %sign3A_1619 : i32
      %sign3A_1621 = arith.extui %sign3A_1620 : i1 to i32
      %sign3A_1622 = arith.constant 0 : i32
      %sign3A_1623 = arith.cmpi slt, %jit3A_1610, %sign3A_1622 : i32
      %sign3A_1624 = arith.extui %sign3A_1623 : i1 to i32
      %sign3A_1625 = arith.subi %sign3A_1621, %sign3A_1624 : i32
      %ne3A_1626 = arith.cmpi ne, %sign3A_1618, %sign3A_1625 : i32
      %rem3A_1627 = arith.remsi %squeeze3A_1582, %jit3A_1610 : i32
      %ne3A_1628 = arith.constant 0 : i32
      %ne3A_1629 = arith.cmpi ne, %rem3A_1627, %ne3A_1628 : i32
      %and3A_1630 = arith.andi %ne3A_1626, %ne3A_1629 : i1
      %sub3A_1631 = arith.constant 1 : i32
      %sub3A_1632 = arith.subi %div3A_1611, %sub3A_1631 : i32
      %select_n3A_1633 = arith.select %and3A_1630, %sub3A_1632, %div3A_1611 : i32
      %mul3A_1634 = arith.constant 128 : i32
      %mul3A_1635 = arith.muli %select_n3A_1633, %mul3A_1634 : i32
      %multiple_of3A_1636 = tpu.assume_multiple %mul3A_1635, 128 : i32
      %dma_start3A_1637 = arith.constant 2 : i32
      %dma_start3A_1638 = arith.constant 0 : i32
      %dma_start3A_1639 = arith.constant 0 : i32
      %dma_start3A_1640 = tpu.memref_slice %arg11[%dma_start3A_1637, %dma_start3A_1638, %dma_start3A_1639] : memref<8x32x128xf32, #tpu.memory_space<vmem>> -> memref<1x32x128xf32, #tpu.memory_space<vmem>>
      %dma_start3A_1641 = tpu.memref_squeeze %dma_start3A_1640 : memref<1x32x128xf32, #tpu.memory_space<vmem>> -> memref<32x128xf32, #tpu.memory_space<vmem>>
      %dma_start3A_1642 = arith.constant 0 : i32
      %dma_start3A_1643 = tpu.memref_slice %arg4[%dma_start3A_1642, %multiple_of3A_1609] : memref<32x1000000xf32, #tpu.memory_space<hbm>> -> memref<32x128xf32, #tpu.memory_space<hbm>>
      %dma_start3A_1644 = arith.constant 0 : i32
      %dma_start3A_1645 = arith.constant 0 : i32
      %dma_start3A_1646 = tpu.memref_slice %arg11[%dma_start3A_1637, %dma_start3A_1644, %dma_start3A_1645] : memref<8x32x128xf32, #tpu.memory_space<vmem>> -> memref<1x32x128xf32, #tpu.memory_space<vmem>>
      %dma_start3A_1647 = tpu.memref_squeeze %dma_start3A_1646 : memref<1x32x128xf32, #tpu.memory_space<vmem>> -> memref<32x128xf32, #tpu.memory_space<vmem>>
      %dma_start3A_1648 = arith.constant 0 : i32
      %dma_start3A_1649 = tpu.memref_slice %arg4[%dma_start3A_1648, %multiple_of3A_1609] : memref<32x1000000xf32, #tpu.memory_space<hbm>> -> memref<32x128xf32, #tpu.memory_space<hbm>>
      tpu.enqueue_dma source(%dma_start3A_1649 : memref<32x128xf32, #tpu.memory_space<hbm>>) target(%dma_start3A_1647 : memref<32x128xf32, #tpu.memory_space<vmem>>) target_semaphore(%arg18 : memref<!tpu.dma_semaphore, #tpu.memory_space<semaphore_mem>>)
      %dma_start3A_1650 = arith.constant 2 : i32
      %dma_start3A_1651 = arith.constant 0 : i32
      %dma_start3A_1652 = arith.constant 0 : i32
      %dma_start3A_1653 = tpu.memref_slice %arg12[%dma_start3A_1650, %dma_start3A_1651, %dma_start3A_1652] : memref<8x32x128xf32, #tpu.memory_space<vmem>> -> memref<1x32x128xf32, #tpu.memory_space<vmem>>
      %dma_start3A_1654 = tpu.memref_squeeze %dma_start3A_1653 : memref<1x32x128xf32, #tpu.memory_space<vmem>> -> memref<32x128xf32, #tpu.memory_space<vmem>>
      %dma_start3A_1655 = arith.constant 0 : i32
      %dma_start3A_1656 = tpu.memref_slice %arg5[%dma_start3A_1655, %multiple_of3A_1636] : memref<32x1000000xf32, #tpu.memory_space<hbm>> -> memref<32x128xf32, #tpu.memory_space<hbm>>
      %dma_start3A_1657 = arith.constant 0 : i32
      %dma_start3A_1658 = arith.constant 0 : i32
      %dma_start3A_1659 = tpu.memref_slice %arg12[%dma_start3A_1650, %dma_start3A_1657, %dma_start3A_1658] : memref<8x32x128xf32, #tpu.memory_space<vmem>> -> memref<1x32x128xf32, #tpu.memory_space<vmem>>
      %dma_start3A_1660 = tpu.memref_squeeze %dma_start3A_1659 : memref<1x32x128xf32, #tpu.memory_space<vmem>> -> memref<32x128xf32, #tpu.memory_space<vmem>>
      %dma_start3A_1661 = arith.constant 0 : i32
      %dma_start3A_1662 = tpu.memref_slice %arg5[%dma_start3A_1661, %multiple_of3A_1636] : memref<32x1000000xf32, #tpu.memory_space<hbm>> -> memref<32x128xf32, #tpu.memory_space<hbm>>
      tpu.enqueue_dma source(%dma_start3A_1662 : memref<32x128xf32, #tpu.memory_space<hbm>>) target(%dma_start3A_1660 : memref<32x128xf32, #tpu.memory_space<vmem>>) target_semaphore(%arg26 : memref<!tpu.dma_semaphore, #tpu.memory_space<semaphore_mem>>)
      %dma_wait3A_1663 = arith.constant 3 : i32
      %dma_wait3A_1664 = arith.constant 0 : i32
      %dma_wait3A_1665 = arith.constant 0 : i32
      %dma_wait3A_1666 = tpu.memref_slice %arg11[%dma_wait3A_1663, %dma_wait3A_1664, %dma_wait3A_1665] : memref<8x32x128xf32, #tpu.memory_space<vmem>> -> memref<1x32x128xf32, #tpu.memory_space<vmem>>
      %dma_wait3A_1667 = tpu.memref_squeeze %dma_wait3A_1666 : memref<1x32x128xf32, #tpu.memory_space<vmem>> -> memref<32x128xf32, #tpu.memory_space<vmem>>
      %dma_wait3A_1668 = arith.constant 0 : i32
      %dma_wait3A_1669 = arith.constant 0 : i32
      %dma_wait3A_1670 = tpu.memref_slice %arg4[%dma_wait3A_1668, %dma_wait3A_1669] : memref<32x1000000xf32, #tpu.memory_space<hbm>> -> memref<32x128xf32, #tpu.memory_space<hbm>>
      %dma_wait3A_1671 = arith.constant 0 : i32
      %dma_wait3A_1672 = arith.constant 0 : i32
      %dma_wait3A_1673 = tpu.memref_slice %arg11[%dma_wait3A_1663, %dma_wait3A_1671, %dma_wait3A_1672] : memref<8x32x128xf32, #tpu.memory_space<vmem>> -> memref<1x32x128xf32, #tpu.memory_space<vmem>>
      %dma_wait3A_1674 = tpu.memref_squeeze %dma_wait3A_1673 : memref<1x32x128xf32, #tpu.memory_space<vmem>> -> memref<32x128xf32, #tpu.memory_space<vmem>>
      %dma_wait3A_1675 = arith.constant 0 : i32
      %dma_wait3A_1676 = arith.constant 0 : i32
      %dma_wait3A_1677 = tpu.memref_slice %arg4[%dma_wait3A_1675, %dma_wait3A_1676] : memref<32x1000000xf32, #tpu.memory_space<hbm>> -> memref<32x128xf32, #tpu.memory_space<hbm>>
      tpu.wait_dma2 semaphore(%arg19 : memref<!tpu.dma_semaphore, #tpu.memory_space<semaphore_mem>>) src(%dma_wait3A_1677 : memref<32x128xf32, #tpu.memory_space<hbm>>) dst(%dma_wait3A_1674 : memref<32x128xf32, #tpu.memory_space<vmem>>)
      %dma_wait3A_1678 = arith.constant 3 : i32
      %dma_wait3A_1679 = arith.constant 0 : i32
      %dma_wait3A_1680 = arith.constant 0 : i32
      %dma_wait3A_1681 = tpu.memref_slice %arg12[%dma_wait3A_1678, %dma_wait3A_1679, %dma_wait3A_1680] : memref<8x32x128xf32, #tpu.memory_space<vmem>> -> memref<1x32x128xf32, #tpu.memory_space<vmem>>
      %dma_wait3A_1682 = tpu.memref_squeeze %dma_wait3A_1681 : memref<1x32x128xf32, #tpu.memory_space<vmem>> -> memref<32x128xf32, #tpu.memory_space<vmem>>
      %dma_wait3A_1683 = arith.constant 0 : i32
      %dma_wait3A_1684 = arith.constant 0 : i32
      %dma_wait3A_1685 = tpu.memref_slice %arg5[%dma_wait3A_1683, %dma_wait3A_1684] : memref<32x1000000xf32, #tpu.memory_space<hbm>> -> memref<32x128xf32, #tpu.memory_space<hbm>>
      %dma_wait3A_1686 = arith.constant 0 : i32
      %dma_wait3A_1687 = arith.constant 0 : i32
      %dma_wait3A_1688 = tpu.memref_slice %arg12[%dma_wait3A_1678, %dma_wait3A_1686, %dma_wait3A_1687] : memref<8x32x128xf32, #tpu.memory_space<vmem>> -> memref<1x32x128xf32, #tpu.memory_space<vmem>>
      %dma_wait3A_1689 = tpu.memref_squeeze %dma_wait3A_1688 : memref<1x32x128xf32, #tpu.memory_space<vmem>> -> memref<32x128xf32, #tpu.memory_space<vmem>>
      %dma_wait3A_1690 = arith.constant 0 : i32
      %dma_wait3A_1691 = arith.constant 0 : i32
      %dma_wait3A_1692 = tpu.memref_slice %arg5[%dma_wait3A_1690, %dma_wait3A_1691] : memref<32x1000000xf32, #tpu.memory_space<hbm>> -> memref<32x128xf32, #tpu.memory_space<hbm>>
      tpu.wait_dma2 semaphore(%arg27 : memref<!tpu.dma_semaphore, #tpu.memory_space<semaphore_mem>>) src(%dma_wait3A_1692 : memref<32x128xf32, #tpu.memory_space<hbm>>) dst(%dma_wait3A_1689 : memref<32x128xf32, #tpu.memory_space<vmem>>)
      %slice3A_1693 = vector.extract_strided_slice %get3A_1077 {offsets = [3], sizes = [1], strides = [1]} : vector<16xi32> to vector<1xi32>
      %squeeze3A_1694 = vector.extract %slice3A_1693[0] : i32 from vector<1xi32>
      %slice3A_1695 = vector.extract_strided_slice %get3A_1079 {offsets = [3], sizes = [1], strides = [1]} : vector<16xi32> to vector<1xi32>
      %squeeze3A_1696 = vector.extract %slice3A_1695[0] : i32 from vector<1xi32>
      %jit3A_1697 = arith.constant 128 : i32
      %eq3A_1698 = arith.constant 0 : i32
      %eq3A_1699 = arith.cmpi eq, %jit3A_1697, %eq3A_1698 : i32
      %jit3A_1700 = arith.constant 1 : i32
      %select_n3A_1701 = arith.select %eq3A_1699, %jit3A_1700, %jit3A_1697 : i32
      %rem3A_1702 = arith.remsi %squeeze3A_1694, %select_n3A_1701 : i32
      %ne3A_1703 = arith.constant 0 : i32
      %ne3A_1704 = arith.cmpi ne, %rem3A_1702, %ne3A_1703 : i32
      %lt3A_1705 = arith.constant 0 : i32
      %lt3A_1706 = arith.cmpi slt, %rem3A_1702, %lt3A_1705 : i32
      %lt3A_1707 = arith.constant 0 : i32
      %lt3A_1708 = arith.cmpi slt, %select_n3A_1701, %lt3A_1707 : i32
      %ne3A_1709 = arith.xori %lt3A_1706, %lt3A_1708 : i1
      %and3A_1710 = arith.andi %ne3A_1709, %ne3A_1704 : i1
      %add3A_1711 = arith.addi %rem3A_1702, %select_n3A_1701 : i32
      %select_n3A_1712 = arith.select %and3A_1710, %add3A_1711, %rem3A_1702 : i32
      %broadcast_in_dim3A_1713 = vector.broadcast %select_n3A_1712 : i32 to vector<16xi32>
      %jit3A_1714 = arith.constant 128 : i32
      %eq3A_1715 = arith.constant 0 : i32
      %eq3A_1716 = arith.cmpi eq, %jit3A_1714, %eq3A_1715 : i32
      %jit3A_1717 = arith.constant 1 : i32
      %select_n3A_1718 = arith.select %eq3A_1716, %jit3A_1717, %jit3A_1714 : i32
      %rem3A_1719 = arith.remsi %squeeze3A_1696, %select_n3A_1718 : i32
      %ne3A_1720 = arith.constant 0 : i32
      %ne3A_1721 = arith.cmpi ne, %rem3A_1719, %ne3A_1720 : i32
      %lt3A_1722 = arith.constant 0 : i32
      %lt3A_1723 = arith.cmpi slt, %rem3A_1719, %lt3A_1722 : i32
      %lt3A_1724 = arith.constant 0 : i32
      %lt3A_1725 = arith.cmpi slt, %select_n3A_1718, %lt3A_1724 : i32
      %ne3A_1726 = arith.xori %lt3A_1723, %lt3A_1725 : i1
      %and3A_1727 = arith.andi %ne3A_1726, %ne3A_1721 : i1
      %add3A_1728 = arith.addi %rem3A_1719, %select_n3A_1718 : i32
      %select_n3A_1729 = arith.select %and3A_1727, %add3A_1728, %rem3A_1719 : i32
      %broadcast_in_dim3A_1730 = vector.broadcast %select_n3A_1729 : i32 to vector<16xi32>
      %gather3A_1731 = arith.constant 3 : i32
      %gather3A_1732 = arith.constant 0 : i32
      %gather3A_1733 = arith.constant 0 : i32
      %gather3A_1734 = tpu.memref_slice %arg11[%gather3A_1731, %gather3A_1732, %gather3A_1733] : memref<8x32x128xf32, #tpu.memory_space<vmem>> -> memref<1x32x128xf32, #tpu.memory_space<vmem>>
      %gather3A_1735 = tpu.memref_squeeze %gather3A_1734 : memref<1x32x128xf32, #tpu.memory_space<vmem>> -> memref<32x128xf32, #tpu.memory_space<vmem>>
      %gather3A_1736 = tpu.vector_load_idx %gather3A_1735[%iota3A, %broadcast_in_dim3A_1713] : memref<32x128xf32, #tpu.memory_space<vmem>>[vector<16xi32>, vector<16xi32>], vector<16xf32>,
      %add3A_1737 = arith.constant 16 : i32
      %add3A_1738 = vector.broadcast %add3A_1737 : i32 to vector<16xi32>
      %add3A_1739 = arith.addi %iota3A, %add3A_1738 : vector<16xi32>
      %gather3A_1740 = arith.constant 3 : i32
      %gather3A_1741 = arith.constant 0 : i32
      %gather3A_1742 = arith.constant 0 : i32
      %gather3A_1743 = tpu.memref_slice %arg11[%gather3A_1740, %gather3A_1741, %gather3A_1742] : memref<8x32x128xf32, #tpu.memory_space<vmem>> -> memref<1x32x128xf32, #tpu.memory_space<vmem>>
      %gather3A_1744 = tpu.memref_squeeze %gather3A_1743 : memref<1x32x128xf32, #tpu.memory_space<vmem>> -> memref<32x128xf32, #tpu.memory_space<vmem>>
      %gather3A_1745 = tpu.vector_load_idx %gather3A_1744[%add3A_1739, %broadcast_in_dim3A_1713] : memref<32x128xf32, #tpu.memory_space<vmem>>[vector<16xi32>, vector<16xi32>], vector<16xf32>,
      %gather3A_1746 = arith.constant 3 : i32
      %gather3A_1747 = arith.constant 0 : i32
      %gather3A_1748 = arith.constant 0 : i32
      %gather3A_1749 = tpu.memref_slice %arg12[%gather3A_1746, %gather3A_1747, %gather3A_1748] : memref<8x32x128xf32, #tpu.memory_space<vmem>> -> memref<1x32x128xf32, #tpu.memory_space<vmem>>
      %gather3A_1750 = tpu.memref_squeeze %gather3A_1749 : memref<1x32x128xf32, #tpu.memory_space<vmem>> -> memref<32x128xf32, #tpu.memory_space<vmem>>
      %gather3A_1751 = tpu.vector_load_idx %gather3A_1750[%iota3A, %broadcast_in_dim3A_1730] : memref<32x128xf32, #tpu.memory_space<vmem>>[vector<16xi32>, vector<16xi32>], vector<16xf32>,
      %add3A_1752 = arith.constant 16 : i32
      %add3A_1753 = vector.broadcast %add3A_1752 : i32 to vector<16xi32>
      %add3A_1754 = arith.addi %iota3A, %add3A_1753 : vector<16xi32>
      %gather3A_1755 = arith.constant 3 : i32
      %gather3A_1756 = arith.constant 0 : i32
      %gather3A_1757 = arith.constant 0 : i32
      %gather3A_1758 = tpu.memref_slice %arg12[%gather3A_1755, %gather3A_1756, %gather3A_1757] : memref<8x32x128xf32, #tpu.memory_space<vmem>> -> memref<1x32x128xf32, #tpu.memory_space<vmem>>
      %gather3A_1759 = tpu.memref_squeeze %gather3A_1758 : memref<1x32x128xf32, #tpu.memory_space<vmem>> -> memref<32x128xf32, #tpu.memory_space<vmem>>
      %gather3A_1760 = tpu.vector_load_idx %gather3A_1759[%add3A_1754, %broadcast_in_dim3A_1730] : memref<32x128xf32, #tpu.memory_space<vmem>>[vector<16xi32>, vector<16xi32>], vector<16xf32>,
      %mul3A_1761 = arith.mulf %gather3A_1736, %gather3A_1751 : vector<16xf32>
      %mul3A_1762 = arith.mulf %gather3A_1745, %gather3A_1760 : vector<16xf32>
      %add3A_1763 = arith.addf %mul3A_1761, %mul3A_1762 : vector<16xf32>
      %reduce_sum3A_1764 = arith.constant true
      %reduce_sum3A_1765 = vector.broadcast %reduce_sum3A_1764 : i1 to vector<16xi1>
      %reduce_sum3A_1766 = tpu.scan <sum>, %add3A_1763 masked %reduce_sum3A_1765 : vector<16xf32>, vector<16xi1> -> vector<16xf32>
      %reduce_sum3A_1767 = vector.extract %reduce_sum3A_1766[15] : f32 from vector<16xf32>
      %eq3A_1768 = arith.constant 3 : i32
      %eq3A_1769 = vector.broadcast %eq3A_1768 : i32 to vector<16xi32>
      %eq3A_1770 = arith.cmpi eq, %iota3A, %eq3A_1769 : vector<16xi32>
      %broadcast_in_dim3A_1771 = vector.broadcast %reduce_sum3A_1767 : f32 to vector<16xf32>
      %select_n3A_1772 = arith.select %eq3A_1770, %broadcast_in_dim3A_1771, %select_n3A_1578 : vector<16xi1>, vector<16xf32>
      %slice3A_1773 = vector.extract_strided_slice %get3A_1077 {offsets = [11], sizes = [1], strides = [1]} : vector<16xi32> to vector<1xi32>
      %squeeze3A_1774 = vector.extract %slice3A_1773[0] : i32 from vector<1xi32>
      %slice3A_1775 = vector.extract_strided_slice %get3A_1079 {offsets = [11], sizes = [1], strides = [1]} : vector<16xi32> to vector<1xi32>
      %squeeze3A_1776 = vector.extract %slice3A_1775[0] : i32 from vector<1xi32>
      %jit3A_1777 = arith.constant 128 : i32
      %div3A_1778 = arith.divsi %squeeze3A_1774, %jit3A_1777 : i32
      %sign3A_1779 = arith.constant 0 : i32
      %sign3A_1780 = arith.cmpi sgt, %squeeze3A_1774, %sign3A_1779 : i32
      %sign3A_1781 = arith.extui %sign3A_1780 : i1 to i32
      %sign3A_1782 = arith.constant 0 : i32
      %sign3A_1783 = arith.cmpi slt, %squeeze3A_1774, %sign3A_1782 : i32
      %sign3A_1784 = arith.extui %sign3A_1783 : i1 to i32
      %sign3A_1785 = arith.subi %sign3A_1781, %sign3A_1784 : i32
      %sign3A_1786 = arith.constant 0 : i32
      %sign3A_1787 = arith.cmpi sgt, %jit3A_1777, %sign3A_1786 : i32
      %sign3A_1788 = arith.extui %sign3A_1787 : i1 to i32
      %sign3A_1789 = arith.constant 0 : i32
      %sign3A_1790 = arith.cmpi slt, %jit3A_1777, %sign3A_1789 : i32
      %sign3A_1791 = arith.extui %sign3A_1790 : i1 to i32
      %sign3A_1792 = arith.subi %sign3A_1788, %sign3A_1791 : i32
      %ne3A_1793 = arith.cmpi ne, %sign3A_1785, %sign3A_1792 : i32
      %rem3A_1794 = arith.remsi %squeeze3A_1774, %jit3A_1777 : i32
      %ne3A_1795 = arith.constant 0 : i32
      %ne3A_1796 = arith.cmpi ne, %rem3A_1794, %ne3A_1795 : i32
      %and3A_1797 = arith.andi %ne3A_1793, %ne3A_1796 : i1
      %sub3A_1798 = arith.constant 1 : i32
      %sub3A_1799 = arith.subi %div3A_1778, %sub3A_1798 : i32
      %select_n3A_1800 = arith.select %and3A_1797, %sub3A_1799, %div3A_1778 : i32
      %mul3A_1801 = arith.constant 128 : i32
      %mul3A_1802 = arith.muli %select_n3A_1800, %mul3A_1801 : i32
      %multiple_of3A_1803 = tpu.assume_multiple %mul3A_1802, 128 : i32
      %jit3A_1804 = arith.constant 128 : i32
      %div3A_1805 = arith.divsi %squeeze3A_1776, %jit3A_1804 : i32
      %sign3A_1806 = arith.constant 0 : i32
      %sign3A_1807 = arith.cmpi sgt, %squeeze3A_1776, %sign3A_1806 : i32
      %sign3A_1808 = arith.extui %sign3A_1807 : i1 to i32
      %sign3A_1809 = arith.constant 0 : i32
      %sign3A_1810 = arith.cmpi slt, %squeeze3A_1776, %sign3A_1809 : i32
      %sign3A_1811 = arith.extui %sign3A_1810 : i1 to i32
      %sign3A_1812 = arith.subi %sign3A_1808, %sign3A_1811 : i32
      %sign3A_1813 = arith.constant 0 : i32
      %sign3A_1814 = arith.cmpi sgt, %jit3A_1804, %sign3A_1813 : i32
      %sign3A_1815 = arith.extui %sign3A_1814 : i1 to i32
      %sign3A_1816 = arith.constant 0 : i32
      %sign3A_1817 = arith.cmpi slt, %jit3A_1804, %sign3A_1816 : i32
      %sign3A_1818 = arith.extui %sign3A_1817 : i1 to i32
      %sign3A_1819 = arith.subi %sign3A_1815, %sign3A_1818 : i32
      %ne3A_1820 = arith.cmpi ne, %sign3A_1812, %sign3A_1819 : i32
      %rem3A_1821 = arith.remsi %squeeze3A_1776, %jit3A_1804 : i32
      %ne3A_1822 = arith.constant 0 : i32
      %ne3A_1823 = arith.cmpi ne, %rem3A_1821, %ne3A_1822 : i32
      %and3A_1824 = arith.andi %ne3A_1820, %ne3A_1823 : i1
      %sub3A_1825 = arith.constant 1 : i32
      %sub3A_1826 = arith.subi %div3A_1805, %sub3A_1825 : i32
      %select_n3A_1827 = arith.select %and3A_1824, %sub3A_1826, %div3A_1805 : i32
      %mul3A_1828 = arith.constant 128 : i32
      %mul3A_1829 = arith.muli %select_n3A_1827, %mul3A_1828 : i32
      %multiple_of3A_1830 = tpu.assume_multiple %mul3A_1829, 128 : i32
      %dma_start3A_1831 = arith.constant 3 : i32
      %dma_start3A_1832 = arith.constant 0 : i32
      %dma_start3A_1833 = arith.constant 0 : i32
      %dma_start3A_1834 = tpu.memref_slice %arg11[%dma_start3A_1831, %dma_start3A_1832, %dma_start3A_1833] : memref<8x32x128xf32, #tpu.memory_space<vmem>> -> memref<1x32x128xf32, #tpu.memory_space<vmem>>
      %dma_start3A_1835 = tpu.memref_squeeze %dma_start3A_1834 : memref<1x32x128xf32, #tpu.memory_space<vmem>> -> memref<32x128xf32, #tpu.memory_space<vmem>>
      %dma_start3A_1836 = arith.constant 0 : i32
      %dma_start3A_1837 = tpu.memref_slice %arg4[%dma_start3A_1836, %multiple_of3A_1803] : memref<32x1000000xf32, #tpu.memory_space<hbm>> -> memref<32x128xf32, #tpu.memory_space<hbm>>
      %dma_start3A_1838 = arith.constant 0 : i32
      %dma_start3A_1839 = arith.constant 0 : i32
      %dma_start3A_1840 = tpu.memref_slice %arg11[%dma_start3A_1831, %dma_start3A_1838, %dma_start3A_1839] : memref<8x32x128xf32, #tpu.memory_space<vmem>> -> memref<1x32x128xf32, #tpu.memory_space<vmem>>
      %dma_start3A_1841 = tpu.memref_squeeze %dma_start3A_1840 : memref<1x32x128xf32, #tpu.memory_space<vmem>> -> memref<32x128xf32, #tpu.memory_space<vmem>>
      %dma_start3A_1842 = arith.constant 0 : i32
      %dma_start3A_1843 = tpu.memref_slice %arg4[%dma_start3A_1842, %multiple_of3A_1803] : memref<32x1000000xf32, #tpu.memory_space<hbm>> -> memref<32x128xf32, #tpu.memory_space<hbm>>
      tpu.enqueue_dma source(%dma_start3A_1843 : memref<32x128xf32, #tpu.memory_space<hbm>>) target(%dma_start3A_1841 : memref<32x128xf32, #tpu.memory_space<vmem>>) target_semaphore(%arg19 : memref<!tpu.dma_semaphore, #tpu.memory_space<semaphore_mem>>)
      %dma_start3A_1844 = arith.constant 3 : i32
      %dma_start3A_1845 = arith.constant 0 : i32
      %dma_start3A_1846 = arith.constant 0 : i32
      %dma_start3A_1847 = tpu.memref_slice %arg12[%dma_start3A_1844, %dma_start3A_1845, %dma_start3A_1846] : memref<8x32x128xf32, #tpu.memory_space<vmem>> -> memref<1x32x128xf32, #tpu.memory_space<vmem>>
      %dma_start3A_1848 = tpu.memref_squeeze %dma_start3A_1847 : memref<1x32x128xf32, #tpu.memory_space<vmem>> -> memref<32x128xf32, #tpu.memory_space<vmem>>
      %dma_start3A_1849 = arith.constant 0 : i32
      %dma_start3A_1850 = tpu.memref_slice %arg5[%dma_start3A_1849, %multiple_of3A_1830] : memref<32x1000000xf32, #tpu.memory_space<hbm>> -> memref<32x128xf32, #tpu.memory_space<hbm>>
      %dma_start3A_1851 = arith.constant 0 : i32
      %dma_start3A_1852 = arith.constant 0 : i32
      %dma_start3A_1853 = tpu.memref_slice %arg12[%dma_start3A_1844, %dma_start3A_1851, %dma_start3A_1852] : memref<8x32x128xf32, #tpu.memory_space<vmem>> -> memref<1x32x128xf32, #tpu.memory_space<vmem>>
      %dma_start3A_1854 = tpu.memref_squeeze %dma_start3A_1853 : memref<1x32x128xf32, #tpu.memory_space<vmem>> -> memref<32x128xf32, #tpu.memory_space<vmem>>
      %dma_start3A_1855 = arith.constant 0 : i32
      %dma_start3A_1856 = tpu.memref_slice %arg5[%dma_start3A_1855, %multiple_of3A_1830] : memref<32x1000000xf32, #tpu.memory_space<hbm>> -> memref<32x128xf32, #tpu.memory_space<hbm>>
      tpu.enqueue_dma source(%dma_start3A_1856 : memref<32x128xf32, #tpu.memory_space<hbm>>) target(%dma_start3A_1854 : memref<32x128xf32, #tpu.memory_space<vmem>>) target_semaphore(%arg27 : memref<!tpu.dma_semaphore, #tpu.memory_space<semaphore_mem>>)
      %dma_wait3A_1857 = arith.constant 4 : i32
      %dma_wait3A_1858 = arith.constant 0 : i32
      %dma_wait3A_1859 = arith.constant 0 : i32
      %dma_wait3A_1860 = tpu.memref_slice %arg11[%dma_wait3A_1857, %dma_wait3A_1858, %dma_wait3A_1859] : memref<8x32x128xf32, #tpu.memory_space<vmem>> -> memref<1x32x128xf32, #tpu.memory_space<vmem>>
      %dma_wait3A_1861 = tpu.memref_squeeze %dma_wait3A_1860 : memref<1x32x128xf32, #tpu.memory_space<vmem>> -> memref<32x128xf32, #tpu.memory_space<vmem>>
      %dma_wait3A_1862 = arith.constant 0 : i32
      %dma_wait3A_1863 = arith.constant 0 : i32
      %dma_wait3A_1864 = tpu.memref_slice %arg4[%dma_wait3A_1862, %dma_wait3A_1863] : memref<32x1000000xf32, #tpu.memory_space<hbm>> -> memref<32x128xf32, #tpu.memory_space<hbm>>
      %dma_wait3A_1865 = arith.constant 0 : i32
      %dma_wait3A_1866 = arith.constant 0 : i32
      %dma_wait3A_1867 = tpu.memref_slice %arg11[%dma_wait3A_1857, %dma_wait3A_1865, %dma_wait3A_1866] : memref<8x32x128xf32, #tpu.memory_space<vmem>> -> memref<1x32x128xf32, #tpu.memory_space<vmem>>
      %dma_wait3A_1868 = tpu.memref_squeeze %dma_wait3A_1867 : memref<1x32x128xf32, #tpu.memory_space<vmem>> -> memref<32x128xf32, #tpu.memory_space<vmem>>
      %dma_wait3A_1869 = arith.constant 0 : i32
      %dma_wait3A_1870 = arith.constant 0 : i32
      %dma_wait3A_1871 = tpu.memref_slice %arg4[%dma_wait3A_1869, %dma_wait3A_1870] : memref<32x1000000xf32, #tpu.memory_space<hbm>> -> memref<32x128xf32, #tpu.memory_space<hbm>>
      tpu.wait_dma2 semaphore(%arg20 : memref<!tpu.dma_semaphore, #tpu.memory_space<semaphore_mem>>) src(%dma_wait3A_1871 : memref<32x128xf32, #tpu.memory_space<hbm>>) dst(%dma_wait3A_1868 : memref<32x128xf32, #tpu.memory_space<vmem>>)
      %dma_wait3A_1872 = arith.constant 4 : i32
      %dma_wait3A_1873 = arith.constant 0 : i32
      %dma_wait3A_1874 = arith.constant 0 : i32
      %dma_wait3A_1875 = tpu.memref_slice %arg12[%dma_wait3A_1872, %dma_wait3A_1873, %dma_wait3A_1874] : memref<8x32x128xf32, #tpu.memory_space<vmem>> -> memref<1x32x128xf32, #tpu.memory_space<vmem>>
      %dma_wait3A_1876 = tpu.memref_squeeze %dma_wait3A_1875 : memref<1x32x128xf32, #tpu.memory_space<vmem>> -> memref<32x128xf32, #tpu.memory_space<vmem>>
      %dma_wait3A_1877 = arith.constant 0 : i32
      %dma_wait3A_1878 = arith.constant 0 : i32
      %dma_wait3A_1879 = tpu.memref_slice %arg5[%dma_wait3A_1877, %dma_wait3A_1878] : memref<32x1000000xf32, #tpu.memory_space<hbm>> -> memref<32x128xf32, #tpu.memory_space<hbm>>
      %dma_wait3A_1880 = arith.constant 0 : i32
      %dma_wait3A_1881 = arith.constant 0 : i32
      %dma_wait3A_1882 = tpu.memref_slice %arg12[%dma_wait3A_1872, %dma_wait3A_1880, %dma_wait3A_1881] : memref<8x32x128xf32, #tpu.memory_space<vmem>> -> memref<1x32x128xf32, #tpu.memory_space<vmem>>
      %dma_wait3A_1883 = tpu.memref_squeeze %dma_wait3A_1882 : memref<1x32x128xf32, #tpu.memory_space<vmem>> -> memref<32x128xf32, #tpu.memory_space<vmem>>
      %dma_wait3A_1884 = arith.constant 0 : i32
      %dma_wait3A_1885 = arith.constant 0 : i32
      %dma_wait3A_1886 = tpu.memref_slice %arg5[%dma_wait3A_1884, %dma_wait3A_1885] : memref<32x1000000xf32, #tpu.memory_space<hbm>> -> memref<32x128xf32, #tpu.memory_space<hbm>>
      tpu.wait_dma2 semaphore(%arg28 : memref<!tpu.dma_semaphore, #tpu.memory_space<semaphore_mem>>) src(%dma_wait3A_1886 : memref<32x128xf32, #tpu.memory_space<hbm>>) dst(%dma_wait3A_1883 : memref<32x128xf32, #tpu.memory_space<vmem>>)
      %slice3A_1887 = vector.extract_strided_slice %get3A_1077 {offsets = [4], sizes = [1], strides = [1]} : vector<16xi32> to vector<1xi32>
      %squeeze3A_1888 = vector.extract %slice3A_1887[0] : i32 from vector<1xi32>
      %slice3A_1889 = vector.extract_strided_slice %get3A_1079 {offsets = [4], sizes = [1], strides = [1]} : vector<16xi32> to vector<1xi32>
      %squeeze3A_1890 = vector.extract %slice3A_1889[0] : i32 from vector<1xi32>
      %jit3A_1891 = arith.constant 128 : i32
      %eq3A_1892 = arith.constant 0 : i32
      %eq3A_1893 = arith.cmpi eq, %jit3A_1891, %eq3A_1892 : i32
      %jit3A_1894 = arith.constant 1 : i32
      %select_n3A_1895 = arith.select %eq3A_1893, %jit3A_1894, %jit3A_1891 : i32
      %rem3A_1896 = arith.remsi %squeeze3A_1888, %select_n3A_1895 : i32
      %ne3A_1897 = arith.constant 0 : i32
      %ne3A_1898 = arith.cmpi ne, %rem3A_1896, %ne3A_1897 : i32
      %lt3A_1899 = arith.constant 0 : i32
      %lt3A_1900 = arith.cmpi slt, %rem3A_1896, %lt3A_1899 : i32
      %lt3A_1901 = arith.constant 0 : i32
      %lt3A_1902 = arith.cmpi slt, %select_n3A_1895, %lt3A_1901 : i32
      %ne3A_1903 = arith.xori %lt3A_1900, %lt3A_1902 : i1
      %and3A_1904 = arith.andi %ne3A_1903, %ne3A_1898 : i1
      %add3A_1905 = arith.addi %rem3A_1896, %select_n3A_1895 : i32
      %select_n3A_1906 = arith.select %and3A_1904, %add3A_1905, %rem3A_1896 : i32
      %broadcast_in_dim3A_1907 = vector.broadcast %select_n3A_1906 : i32 to vector<16xi32>
      %jit3A_1908 = arith.constant 128 : i32
      %eq3A_1909 = arith.constant 0 : i32
      %eq3A_1910 = arith.cmpi eq, %jit3A_1908, %eq3A_1909 : i32
      %jit3A_1911 = arith.constant 1 : i32
      %select_n3A_1912 = arith.select %eq3A_1910, %jit3A_1911, %jit3A_1908 : i32
      %rem3A_1913 = arith.remsi %squeeze3A_1890, %select_n3A_1912 : i32
      %ne3A_1914 = arith.constant 0 : i32
      %ne3A_1915 = arith.cmpi ne, %rem3A_1913, %ne3A_1914 : i32
      %lt3A_1916 = arith.constant 0 : i32
      %lt3A_1917 = arith.cmpi slt, %rem3A_1913, %lt3A_1916 : i32
      %lt3A_1918 = arith.constant 0 : i32
      %lt3A_1919 = arith.cmpi slt, %select_n3A_1912, %lt3A_1918 : i32
      %ne3A_1920 = arith.xori %lt3A_1917, %lt3A_1919 : i1
      %and3A_1921 = arith.andi %ne3A_1920, %ne3A_1915 : i1
      %add3A_1922 = arith.addi %rem3A_1913, %select_n3A_1912 : i32
      %select_n3A_1923 = arith.select %and3A_1921, %add3A_1922, %rem3A_1913 : i32
      %broadcast_in_dim3A_1924 = vector.broadcast %select_n3A_1923 : i32 to vector<16xi32>
      %gather3A_1925 = arith.constant 4 : i32
      %gather3A_1926 = arith.constant 0 : i32
      %gather3A_1927 = arith.constant 0 : i32
      %gather3A_1928 = tpu.memref_slice %arg11[%gather3A_1925, %gather3A_1926, %gather3A_1927] : memref<8x32x128xf32, #tpu.memory_space<vmem>> -> memref<1x32x128xf32, #tpu.memory_space<vmem>>
      %gather3A_1929 = tpu.memref_squeeze %gather3A_1928 : memref<1x32x128xf32, #tpu.memory_space<vmem>> -> memref<32x128xf32, #tpu.memory_space<vmem>>
      %gather3A_1930 = tpu.vector_load_idx %gather3A_1929[%iota3A, %broadcast_in_dim3A_1907] : memref<32x128xf32, #tpu.memory_space<vmem>>[vector<16xi32>, vector<16xi32>], vector<16xf32>,
      %add3A_1931 = arith.constant 16 : i32
      %add3A_1932 = vector.broadcast %add3A_1931 : i32 to vector<16xi32>
      %add3A_1933 = arith.addi %iota3A, %add3A_1932 : vector<16xi32>
      %gather3A_1934 = arith.constant 4 : i32
      %gather3A_1935 = arith.constant 0 : i32
      %gather3A_1936 = arith.constant 0 : i32
      %gather3A_1937 = tpu.memref_slice %arg11[%gather3A_1934, %gather3A_1935, %gather3A_1936] : memref<8x32x128xf32, #tpu.memory_space<vmem>> -> memref<1x32x128xf32, #tpu.memory_space<vmem>>
      %gather3A_1938 = tpu.memref_squeeze %gather3A_1937 : memref<1x32x128xf32, #tpu.memory_space<vmem>> -> memref<32x128xf32, #tpu.memory_space<vmem>>
      %gather3A_1939 = tpu.vector_load_idx %gather3A_1938[%add3A_1933, %broadcast_in_dim3A_1907] : memref<32x128xf32, #tpu.memory_space<vmem>>[vector<16xi32>, vector<16xi32>], vector<16xf32>,
      %gather3A_1940 = arith.constant 4 : i32
      %gather3A_1941 = arith.constant 0 : i32
      %gather3A_1942 = arith.constant 0 : i32
      %gather3A_1943 = tpu.memref_slice %arg12[%gather3A_1940, %gather3A_1941, %gather3A_1942] : memref<8x32x128xf32, #tpu.memory_space<vmem>> -> memref<1x32x128xf32, #tpu.memory_space<vmem>>
      %gather3A_1944 = tpu.memref_squeeze %gather3A_1943 : memref<1x32x128xf32, #tpu.memory_space<vmem>> -> memref<32x128xf32, #tpu.memory_space<vmem>>
      %gather3A_1945 = tpu.vector_load_idx %gather3A_1944[%iota3A, %broadcast_in_dim3A_1924] : memref<32x128xf32, #tpu.memory_space<vmem>>[vector<16xi32>, vector<16xi32>], vector<16xf32>,
      %add3A_1946 = arith.constant 16 : i32
      %add3A_1947 = vector.broadcast %add3A_1946 : i32 to vector<16xi32>
      %add3A_1948 = arith.addi %iota3A, %add3A_1947 : vector<16xi32>
      %gather3A_1949 = arith.constant 4 : i32
      %gather3A_1950 = arith.constant 0 : i32
      %gather3A_1951 = arith.constant 0 : i32
      %gather3A_1952 = tpu.memref_slice %arg12[%gather3A_1949, %gather3A_1950, %gather3A_1951] : memref<8x32x128xf32, #tpu.memory_space<vmem>> -> memref<1x32x128xf32, #tpu.memory_space<vmem>>
      %gather3A_1953 = tpu.memref_squeeze %gather3A_1952 : memref<1x32x128xf32, #tpu.memory_space<vmem>> -> memref<32x128xf32, #tpu.memory_space<vmem>>
      %gather3A_1954 = tpu.vector_load_idx %gather3A_1953[%add3A_1948, %broadcast_in_dim3A_1924] : memref<32x128xf32, #tpu.memory_space<vmem>>[vector<16xi32>, vector<16xi32>], vector<16xf32>,
      %mul3A_1955 = arith.mulf %gather3A_1930, %gather3A_1945 : vector<16xf32>
      %mul3A_1956 = arith.mulf %gather3A_1939, %gather3A_1954 : vector<16xf32>
      %add3A_1957 = arith.addf %mul3A_1955, %mul3A_1956 : vector<16xf32>
      %reduce_sum3A_1958 = arith.constant true
      %reduce_sum3A_1959 = vector.broadcast %reduce_sum3A_1958 : i1 to vector<16xi1>
      %reduce_sum3A_1960 = tpu.scan <sum>, %add3A_1957 masked %reduce_sum3A_1959 : vector<16xf32>, vector<16xi1> -> vector<16xf32>
      %reduce_sum3A_1961 = vector.extract %reduce_sum3A_1960[15] : f32 from vector<16xf32>
      %eq3A_1962 = arith.constant 4 : i32
      %eq3A_1963 = vector.broadcast %eq3A_1962 : i32 to vector<16xi32>
      %eq3A_1964 = arith.cmpi eq, %iota3A, %eq3A_1963 : vector<16xi32>
      %broadcast_in_dim3A_1965 = vector.broadcast %reduce_sum3A_1961 : f32 to vector<16xf32>
      %select_n3A_1966 = arith.select %eq3A_1964, %broadcast_in_dim3A_1965, %select_n3A_1772 : vector<16xi1>, vector<16xf32>
      %slice3A_1967 = vector.extract_strided_slice %get3A_1077 {offsets = [12], sizes = [1], strides = [1]} : vector<16xi32> to vector<1xi32>
      %squeeze3A_1968 = vector.extract %slice3A_1967[0] : i32 from vector<1xi32>
      %slice3A_1969 = vector.extract_strided_slice %get3A_1079 {offsets = [12], sizes = [1], strides = [1]} : vector<16xi32> to vector<1xi32>
      %squeeze3A_1970 = vector.extract %slice3A_1969[0] : i32 from vector<1xi32>
      %jit3A_1971 = arith.constant 128 : i32
      %div3A_1972 = arith.divsi %squeeze3A_1968, %jit3A_1971 : i32
      %sign3A_1973 = arith.constant 0 : i32
      %sign3A_1974 = arith.cmpi sgt, %squeeze3A_1968, %sign3A_1973 : i32
      %sign3A_1975 = arith.extui %sign3A_1974 : i1 to i32
      %sign3A_1976 = arith.constant 0 : i32
      %sign3A_1977 = arith.cmpi slt, %squeeze3A_1968, %sign3A_1976 : i32
      %sign3A_1978 = arith.extui %sign3A_1977 : i1 to i32
      %sign3A_1979 = arith.subi %sign3A_1975, %sign3A_1978 : i32
      %sign3A_1980 = arith.constant 0 : i32
      %sign3A_1981 = arith.cmpi sgt, %jit3A_1971, %sign3A_1980 : i32
      %sign3A_1982 = arith.extui %sign3A_1981 : i1 to i32
      %sign3A_1983 = arith.constant 0 : i32
      %sign3A_1984 = arith.cmpi slt, %jit3A_1971, %sign3A_1983 : i32
      %sign3A_1985 = arith.extui %sign3A_1984 : i1 to i32
      %sign3A_1986 = arith.subi %sign3A_1982, %sign3A_1985 : i32
      %ne3A_1987 = arith.cmpi ne, %sign3A_1979, %sign3A_1986 : i32
      %rem3A_1988 = arith.remsi %squeeze3A_1968, %jit3A_1971 : i32
      %ne3A_1989 = arith.constant 0 : i32
      %ne3A_1990 = arith.cmpi ne, %rem3A_1988, %ne3A_1989 : i32
      %and3A_1991 = arith.andi %ne3A_1987, %ne3A_1990 : i1
      %sub3A_1992 = arith.constant 1 : i32
      %sub3A_1993 = arith.subi %div3A_1972, %sub3A_1992 : i32
      %select_n3A_1994 = arith.select %and3A_1991, %sub3A_1993, %div3A_1972 : i32
      %mul3A_1995 = arith.constant 128 : i32
      %mul3A_1996 = arith.muli %select_n3A_1994, %mul3A_1995 : i32
      %multiple_of3A_1997 = tpu.assume_multiple %mul3A_1996, 128 : i32
      %jit3A_1998 = arith.constant 128 : i32
      %div3A_1999 = arith.divsi %squeeze3A_1970, %jit3A_1998 : i32
      %sign3A_2000 = arith.constant 0 : i32
      %sign3A_2001 = arith.cmpi sgt, %squeeze3A_1970, %sign3A_2000 : i32
      %sign3A_2002 = arith.extui %sign3A_2001 : i1 to i32
      %sign3A_2003 = arith.constant 0 : i32
      %sign3A_2004 = arith.cmpi slt, %squeeze3A_1970, %sign3A_2003 : i32
      %sign3A_2005 = arith.extui %sign3A_2004 : i1 to i32
      %sign3A_2006 = arith.subi %sign3A_2002, %sign3A_2005 : i32
      %sign3A_2007 = arith.constant 0 : i32
      %sign3A_2008 = arith.cmpi sgt, %jit3A_1998, %sign3A_2007 : i32
      %sign3A_2009 = arith.extui %sign3A_2008 : i1 to i32
      %sign3A_2010 = arith.constant 0 : i32
      %sign3A_2011 = arith.cmpi slt, %jit3A_1998, %sign3A_2010 : i32
      %sign3A_2012 = arith.extui %sign3A_2011 : i1 to i32
      %sign3A_2013 = arith.subi %sign3A_2009, %sign3A_2012 : i32
      %ne3A_2014 = arith.cmpi ne, %sign3A_2006, %sign3A_2013 : i32
      %rem3A_2015 = arith.remsi %squeeze3A_1970, %jit3A_1998 : i32
      %ne3A_2016 = arith.constant 0 : i32
      %ne3A_2017 = arith.cmpi ne, %rem3A_2015, %ne3A_2016 : i32
      %and3A_2018 = arith.andi %ne3A_2014, %ne3A_2017 : i1
      %sub3A_2019 = arith.constant 1 : i32
      %sub3A_2020 = arith.subi %div3A_1999, %sub3A_2019 : i32
      %select_n3A_2021 = arith.select %and3A_2018, %sub3A_2020, %div3A_1999 : i32
      %mul3A_2022 = arith.constant 128 : i32
      %mul3A_2023 = arith.muli %select_n3A_2021, %mul3A_2022 : i32
      %multiple_of3A_2024 = tpu.assume_multiple %mul3A_2023, 128 : i32
      %dma_start3A_2025 = arith.constant 4 : i32
      %dma_start3A_2026 = arith.constant 0 : i32
      %dma_start3A_2027 = arith.constant 0 : i32
      %dma_start3A_2028 = tpu.memref_slice %arg11[%dma_start3A_2025, %dma_start3A_2026, %dma_start3A_2027] : memref<8x32x128xf32, #tpu.memory_space<vmem>> -> memref<1x32x128xf32, #tpu.memory_space<vmem>>
      %dma_start3A_2029 = tpu.memref_squeeze %dma_start3A_2028 : memref<1x32x128xf32, #tpu.memory_space<vmem>> -> memref<32x128xf32, #tpu.memory_space<vmem>>
      %dma_start3A_2030 = arith.constant 0 : i32
      %dma_start3A_2031 = tpu.memref_slice %arg4[%dma_start3A_2030, %multiple_of3A_1997] : memref<32x1000000xf32, #tpu.memory_space<hbm>> -> memref<32x128xf32, #tpu.memory_space<hbm>>
      %dma_start3A_2032 = arith.constant 0 : i32
      %dma_start3A_2033 = arith.constant 0 : i32
      %dma_start3A_2034 = tpu.memref_slice %arg11[%dma_start3A_2025, %dma_start3A_2032, %dma_start3A_2033] : memref<8x32x128xf32, #tpu.memory_space<vmem>> -> memref<1x32x128xf32, #tpu.memory_space<vmem>>
      %dma_start3A_2035 = tpu.memref_squeeze %dma_start3A_2034 : memref<1x32x128xf32, #tpu.memory_space<vmem>> -> memref<32x128xf32, #tpu.memory_space<vmem>>
      %dma_start3A_2036 = arith.constant 0 : i32
      %dma_start3A_2037 = tpu.memref_slice %arg4[%dma_start3A_2036, %multiple_of3A_1997] : memref<32x1000000xf32, #tpu.memory_space<hbm>> -> memref<32x128xf32, #tpu.memory_space<hbm>>
      tpu.enqueue_dma source(%dma_start3A_2037 : memref<32x128xf32, #tpu.memory_space<hbm>>) target(%dma_start3A_2035 : memref<32x128xf32, #tpu.memory_space<vmem>>) target_semaphore(%arg20 : memref<!tpu.dma_semaphore, #tpu.memory_space<semaphore_mem>>)
      %dma_start3A_2038 = arith.constant 4 : i32
      %dma_start3A_2039 = arith.constant 0 : i32
      %dma_start3A_2040 = arith.constant 0 : i32
      %dma_start3A_2041 = tpu.memref_slice %arg12[%dma_start3A_2038, %dma_start3A_2039, %dma_start3A_2040] : memref<8x32x128xf32, #tpu.memory_space<vmem>> -> memref<1x32x128xf32, #tpu.memory_space<vmem>>
      %dma_start3A_2042 = tpu.memref_squeeze %dma_start3A_2041 : memref<1x32x128xf32, #tpu.memory_space<vmem>> -> memref<32x128xf32, #tpu.memory_space<vmem>>
      %dma_start3A_2043 = arith.constant 0 : i32
      %dma_start3A_2044 = tpu.memref_slice %arg5[%dma_start3A_2043, %multiple_of3A_2024] : memref<32x1000000xf32, #tpu.memory_space<hbm>> -> memref<32x128xf32, #tpu.memory_space<hbm>>
      %dma_start3A_2045 = arith.constant 0 : i32
      %dma_start3A_2046 = arith.constant 0 : i32
      %dma_start3A_2047 = tpu.memref_slice %arg12[%dma_start3A_2038, %dma_start3A_2045, %dma_start3A_2046] : memref<8x32x128xf32, #tpu.memory_space<vmem>> -> memref<1x32x128xf32, #tpu.memory_space<vmem>>
      %dma_start3A_2048 = tpu.memref_squeeze %dma_start3A_2047 : memref<1x32x128xf32, #tpu.memory_space<vmem>> -> memref<32x128xf32, #tpu.memory_space<vmem>>
      %dma_start3A_2049 = arith.constant 0 : i32
      %dma_start3A_2050 = tpu.memref_slice %arg5[%dma_start3A_2049, %multiple_of3A_2024] : memref<32x1000000xf32, #tpu.memory_space<hbm>> -> memref<32x128xf32, #tpu.memory_space<hbm>>
      tpu.enqueue_dma source(%dma_start3A_2050 : memref<32x128xf32, #tpu.memory_space<hbm>>) target(%dma_start3A_2048 : memref<32x128xf32, #tpu.memory_space<vmem>>) target_semaphore(%arg28 : memref<!tpu.dma_semaphore, #tpu.memory_space<semaphore_mem>>)
      %dma_wait3A_2051 = arith.constant 5 : i32
      %dma_wait3A_2052 = arith.constant 0 : i32
      %dma_wait3A_2053 = arith.constant 0 : i32
      %dma_wait3A_2054 = tpu.memref_slice %arg11[%dma_wait3A_2051, %dma_wait3A_2052, %dma_wait3A_2053] : memref<8x32x128xf32, #tpu.memory_space<vmem>> -> memref<1x32x128xf32, #tpu.memory_space<vmem>>
      %dma_wait3A_2055 = tpu.memref_squeeze %dma_wait3A_2054 : memref<1x32x128xf32, #tpu.memory_space<vmem>> -> memref<32x128xf32, #tpu.memory_space<vmem>>
      %dma_wait3A_2056 = arith.constant 0 : i32
      %dma_wait3A_2057 = arith.constant 0 : i32
      %dma_wait3A_2058 = tpu.memref_slice %arg4[%dma_wait3A_2056, %dma_wait3A_2057] : memref<32x1000000xf32, #tpu.memory_space<hbm>> -> memref<32x128xf32, #tpu.memory_space<hbm>>
      %dma_wait3A_2059 = arith.constant 0 : i32
      %dma_wait3A_2060 = arith.constant 0 : i32
      %dma_wait3A_2061 = tpu.memref_slice %arg11[%dma_wait3A_2051, %dma_wait3A_2059, %dma_wait3A_2060] : memref<8x32x128xf32, #tpu.memory_space<vmem>> -> memref<1x32x128xf32, #tpu.memory_space<vmem>>
      %dma_wait3A_2062 = tpu.memref_squeeze %dma_wait3A_2061 : memref<1x32x128xf32, #tpu.memory_space<vmem>> -> memref<32x128xf32, #tpu.memory_space<vmem>>
      %dma_wait3A_2063 = arith.constant 0 : i32
      %dma_wait3A_2064 = arith.constant 0 : i32
      %dma_wait3A_2065 = tpu.memref_slice %arg4[%dma_wait3A_2063, %dma_wait3A_2064] : memref<32x1000000xf32, #tpu.memory_space<hbm>> -> memref<32x128xf32, #tpu.memory_space<hbm>>
      tpu.wait_dma2 semaphore(%arg21 : memref<!tpu.dma_semaphore, #tpu.memory_space<semaphore_mem>>) src(%dma_wait3A_2065 : memref<32x128xf32, #tpu.memory_space<hbm>>) dst(%dma_wait3A_2062 : memref<32x128xf32, #tpu.memory_space<vmem>>)
      %dma_wait3A_2066 = arith.constant 5 : i32
      %dma_wait3A_2067 = arith.constant 0 : i32
      %dma_wait3A_2068 = arith.constant 0 : i32
      %dma_wait3A_2069 = tpu.memref_slice %arg12[%dma_wait3A_2066, %dma_wait3A_2067, %dma_wait3A_2068] : memref<8x32x128xf32, #tpu.memory_space<vmem>> -> memref<1x32x128xf32, #tpu.memory_space<vmem>>
      %dma_wait3A_2070 = tpu.memref_squeeze %dma_wait3A_2069 : memref<1x32x128xf32, #tpu.memory_space<vmem>> -> memref<32x128xf32, #tpu.memory_space<vmem>>
      %dma_wait3A_2071 = arith.constant 0 : i32
      %dma_wait3A_2072 = arith.constant 0 : i32
      %dma_wait3A_2073 = tpu.memref_slice %arg5[%dma_wait3A_2071, %dma_wait3A_2072] : memref<32x1000000xf32, #tpu.memory_space<hbm>> -> memref<32x128xf32, #tpu.memory_space<hbm>>
      %dma_wait3A_2074 = arith.constant 0 : i32
      %dma_wait3A_2075 = arith.constant 0 : i32
      %dma_wait3A_2076 = tpu.memref_slice %arg12[%dma_wait3A_2066, %dma_wait3A_2074, %dma_wait3A_2075] : memref<8x32x128xf32, #tpu.memory_space<vmem>> -> memref<1x32x128xf32, #tpu.memory_space<vmem>>
      %dma_wait3A_2077 = tpu.memref_squeeze %dma_wait3A_2076 : memref<1x32x128xf32, #tpu.memory_space<vmem>> -> memref<32x128xf32, #tpu.memory_space<vmem>>
      %dma_wait3A_2078 = arith.constant 0 : i32
      %dma_wait3A_2079 = arith.constant 0 : i32
      %dma_wait3A_2080 = tpu.memref_slice %arg5[%dma_wait3A_2078, %dma_wait3A_2079] : memref<32x1000000xf32, #tpu.memory_space<hbm>> -> memref<32x128xf32, #tpu.memory_space<hbm>>
      tpu.wait_dma2 semaphore(%arg29 : memref<!tpu.dma_semaphore, #tpu.memory_space<semaphore_mem>>) src(%dma_wait3A_2080 : memref<32x128xf32, #tpu.memory_space<hbm>>) dst(%dma_wait3A_2077 : memref<32x128xf32, #tpu.memory_space<vmem>>)
      %slice3A_2081 = vector.extract_strided_slice %get3A_1077 {offsets = [5], sizes = [1], strides = [1]} : vector<16xi32> to vector<1xi32>
      %squeeze3A_2082 = vector.extract %slice3A_2081[0] : i32 from vector<1xi32>
      %slice3A_2083 = vector.extract_strided_slice %get3A_1079 {offsets = [5], sizes = [1], strides = [1]} : vector<16xi32> to vector<1xi32>
      %squeeze3A_2084 = vector.extract %slice3A_2083[0] : i32 from vector<1xi32>
      %jit3A_2085 = arith.constant 128 : i32
      %eq3A_2086 = arith.constant 0 : i32
      %eq3A_2087 = arith.cmpi eq, %jit3A_2085, %eq3A_2086 : i32
      %jit3A_2088 = arith.constant 1 : i32
      %select_n3A_2089 = arith.select %eq3A_2087, %jit3A_2088, %jit3A_2085 : i32
      %rem3A_2090 = arith.remsi %squeeze3A_2082, %select_n3A_2089 : i32
      %ne3A_2091 = arith.constant 0 : i32
      %ne3A_2092 = arith.cmpi ne, %rem3A_2090, %ne3A_2091 : i32
      %lt3A_2093 = arith.constant 0 : i32
      %lt3A_2094 = arith.cmpi slt, %rem3A_2090, %lt3A_2093 : i32
      %lt3A_2095 = arith.constant 0 : i32
      %lt3A_2096 = arith.cmpi slt, %select_n3A_2089, %lt3A_2095 : i32
      %ne3A_2097 = arith.xori %lt3A_2094, %lt3A_2096 : i1
      %and3A_2098 = arith.andi %ne3A_2097, %ne3A_2092 : i1
      %add3A_2099 = arith.addi %rem3A_2090, %select_n3A_2089 : i32
      %select_n3A_2100 = arith.select %and3A_2098, %add3A_2099, %rem3A_2090 : i32
      %broadcast_in_dim3A_2101 = vector.broadcast %select_n3A_2100 : i32 to vector<16xi32>
      %jit3A_2102 = arith.constant 128 : i32
      %eq3A_2103 = arith.constant 0 : i32
      %eq3A_2104 = arith.cmpi eq, %jit3A_2102, %eq3A_2103 : i32
      %jit3A_2105 = arith.constant 1 : i32
      %select_n3A_2106 = arith.select %eq3A_2104, %jit3A_2105, %jit3A_2102 : i32
      %rem3A_2107 = arith.remsi %squeeze3A_2084, %select_n3A_2106 : i32
      %ne3A_2108 = arith.constant 0 : i32
      %ne3A_2109 = arith.cmpi ne, %rem3A_2107, %ne3A_2108 : i32
      %lt3A_2110 = arith.constant 0 : i32
      %lt3A_2111 = arith.cmpi slt, %rem3A_2107, %lt3A_2110 : i32
      %lt3A_2112 = arith.constant 0 : i32
      %lt3A_2113 = arith.cmpi slt, %select_n3A_2106, %lt3A_2112 : i32
      %ne3A_2114 = arith.xori %lt3A_2111, %lt3A_2113 : i1
      %and3A_2115 = arith.andi %ne3A_2114, %ne3A_2109 : i1
      %add3A_2116 = arith.addi %rem3A_2107, %select_n3A_2106 : i32
      %select_n3A_2117 = arith.select %and3A_2115, %add3A_2116, %rem3A_2107 : i32
      %broadcast_in_dim3A_2118 = vector.broadcast %select_n3A_2117 : i32 to vector<16xi32>
      %gather3A_2119 = arith.constant 5 : i32
      %gather3A_2120 = arith.constant 0 : i32
      %gather3A_2121 = arith.constant 0 : i32
      %gather3A_2122 = tpu.memref_slice %arg11[%gather3A_2119, %gather3A_2120, %gather3A_2121] : memref<8x32x128xf32, #tpu.memory_space<vmem>> -> memref<1x32x128xf32, #tpu.memory_space<vmem>>
      %gather3A_2123 = tpu.memref_squeeze %gather3A_2122 : memref<1x32x128xf32, #tpu.memory_space<vmem>> -> memref<32x128xf32, #tpu.memory_space<vmem>>
      %gather3A_2124 = tpu.vector_load_idx %gather3A_2123[%iota3A, %broadcast_in_dim3A_2101] : memref<32x128xf32, #tpu.memory_space<vmem>>[vector<16xi32>, vector<16xi32>], vector<16xf32>,
      %add3A_2125 = arith.constant 16 : i32
      %add3A_2126 = vector.broadcast %add3A_2125 : i32 to vector<16xi32>
      %add3A_2127 = arith.addi %iota3A, %add3A_2126 : vector<16xi32>
      %gather3A_2128 = arith.constant 5 : i32
      %gather3A_2129 = arith.constant 0 : i32
      %gather3A_2130 = arith.constant 0 : i32
      %gather3A_2131 = tpu.memref_slice %arg11[%gather3A_2128, %gather3A_2129, %gather3A_2130] : memref<8x32x128xf32, #tpu.memory_space<vmem>> -> memref<1x32x128xf32, #tpu.memory_space<vmem>>
      %gather3A_2132 = tpu.memref_squeeze %gather3A_2131 : memref<1x32x128xf32, #tpu.memory_space<vmem>> -> memref<32x128xf32, #tpu.memory_space<vmem>>
      %gather3A_2133 = tpu.vector_load_idx %gather3A_2132[%add3A_2127, %broadcast_in_dim3A_2101] : memref<32x128xf32, #tpu.memory_space<vmem>>[vector<16xi32>, vector<16xi32>], vector<16xf32>,
      %gather3A_2134 = arith.constant 5 : i32
      %gather3A_2135 = arith.constant 0 : i32
      %gather3A_2136 = arith.constant 0 : i32
      %gather3A_2137 = tpu.memref_slice %arg12[%gather3A_2134, %gather3A_2135, %gather3A_2136] : memref<8x32x128xf32, #tpu.memory_space<vmem>> -> memref<1x32x128xf32, #tpu.memory_space<vmem>>
      %gather3A_2138 = tpu.memref_squeeze %gather3A_2137 : memref<1x32x128xf32, #tpu.memory_space<vmem>> -> memref<32x128xf32, #tpu.memory_space<vmem>>
      %gather3A_2139 = tpu.vector_load_idx %gather3A_2138[%iota3A, %broadcast_in_dim3A_2118] : memref<32x128xf32, #tpu.memory_space<vmem>>[vector<16xi32>, vector<16xi32>], vector<16xf32>,
      %add3A_2140 = arith.constant 16 : i32
      %add3A_2141 = vector.broadcast %add3A_2140 : i32 to vector<16xi32>
      %add3A_2142 = arith.addi %iota3A, %add3A_2141 : vector<16xi32>
      %gather3A_2143 = arith.constant 5 : i32
      %gather3A_2144 = arith.constant 0 : i32
      %gather3A_2145 = arith.constant 0 : i32
      %gather3A_2146 = tpu.memref_slice %arg12[%gather3A_2143, %gather3A_2144, %gather3A_2145] : memref<8x32x128xf32, #tpu.memory_space<vmem>> -> memref<1x32x128xf32, #tpu.memory_space<vmem>>
      %gather3A_2147 = tpu.memref_squeeze %gather3A_2146 : memref<1x32x128xf32, #tpu.memory_space<vmem>> -> memref<32x128xf32, #tpu.memory_space<vmem>>
      %gather3A_2148 = tpu.vector_load_idx %gather3A_2147[%add3A_2142, %broadcast_in_dim3A_2118] : memref<32x128xf32, #tpu.memory_space<vmem>>[vector<16xi32>, vector<16xi32>], vector<16xf32>,
      %mul3A_2149 = arith.mulf %gather3A_2124, %gather3A_2139 : vector<16xf32>
      %mul3A_2150 = arith.mulf %gather3A_2133, %gather3A_2148 : vector<16xf32>
      %add3A_2151 = arith.addf %mul3A_2149, %mul3A_2150 : vector<16xf32>
      %reduce_sum3A_2152 = arith.constant true
      %reduce_sum3A_2153 = vector.broadcast %reduce_sum3A_2152 : i1 to vector<16xi1>
      %reduce_sum3A_2154 = tpu.scan <sum>, %add3A_2151 masked %reduce_sum3A_2153 : vector<16xf32>, vector<16xi1> -> vector<16xf32>
      %reduce_sum3A_2155 = vector.extract %reduce_sum3A_2154[15] : f32 from vector<16xf32>
      %eq3A_2156 = arith.constant 5 : i32
      %eq3A_2157 = vector.broadcast %eq3A_2156 : i32 to vector<16xi32>
      %eq3A_2158 = arith.cmpi eq, %iota3A, %eq3A_2157 : vector<16xi32>
      %broadcast_in_dim3A_2159 = vector.broadcast %reduce_sum3A_2155 : f32 to vector<16xf32>
      %select_n3A_2160 = arith.select %eq3A_2158, %broadcast_in_dim3A_2159, %select_n3A_1966 : vector<16xi1>, vector<16xf32>
      %slice3A_2161 = vector.extract_strided_slice %get3A_1077 {offsets = [13], sizes = [1], strides = [1]} : vector<16xi32> to vector<1xi32>
      %squeeze3A_2162 = vector.extract %slice3A_2161[0] : i32 from vector<1xi32>
      %slice3A_2163 = vector.extract_strided_slice %get3A_1079 {offsets = [13], sizes = [1], strides = [1]} : vector<16xi32> to vector<1xi32>
      %squeeze3A_2164 = vector.extract %slice3A_2163[0] : i32 from vector<1xi32>
      %jit3A_2165 = arith.constant 128 : i32
      %div3A_2166 = arith.divsi %squeeze3A_2162, %jit3A_2165 : i32
      %sign3A_2167 = arith.constant 0 : i32
      %sign3A_2168 = arith.cmpi sgt, %squeeze3A_2162, %sign3A_2167 : i32
      %sign3A_2169 = arith.extui %sign3A_2168 : i1 to i32
      %sign3A_2170 = arith.constant 0 : i32
      %sign3A_2171 = arith.cmpi slt, %squeeze3A_2162, %sign3A_2170 : i32
      %sign3A_2172 = arith.extui %sign3A_2171 : i1 to i32
      %sign3A_2173 = arith.subi %sign3A_2169, %sign3A_2172 : i32
      %sign3A_2174 = arith.constant 0 : i32
      %sign3A_2175 = arith.cmpi sgt, %jit3A_2165, %sign3A_2174 : i32
      %sign3A_2176 = arith.extui %sign3A_2175 : i1 to i32
      %sign3A_2177 = arith.constant 0 : i32
      %sign3A_2178 = arith.cmpi slt, %jit3A_2165, %sign3A_2177 : i32
      %sign3A_2179 = arith.extui %sign3A_2178 : i1 to i32
      %sign3A_2180 = arith.subi %sign3A_2176, %sign3A_2179 : i32
      %ne3A_2181 = arith.cmpi ne, %sign3A_2173, %sign3A_2180 : i32
      %rem3A_2182 = arith.remsi %squeeze3A_2162, %jit3A_2165 : i32
      %ne3A_2183 = arith.constant 0 : i32
      %ne3A_2184 = arith.cmpi ne, %rem3A_2182, %ne3A_2183 : i32
      %and3A_2185 = arith.andi %ne3A_2181, %ne3A_2184 : i1
      %sub3A_2186 = arith.constant 1 : i32
      %sub3A_2187 = arith.subi %div3A_2166, %sub3A_2186 : i32
      %select_n3A_2188 = arith.select %and3A_2185, %sub3A_2187, %div3A_2166 : i32
      %mul3A_2189 = arith.constant 128 : i32
      %mul3A_2190 = arith.muli %select_n3A_2188, %mul3A_2189 : i32
      %multiple_of3A_2191 = tpu.assume_multiple %mul3A_2190, 128 : i32
      %jit3A_2192 = arith.constant 128 : i32
      %div3A_2193 = arith.divsi %squeeze3A_2164, %jit3A_2192 : i32
      %sign3A_2194 = arith.constant 0 : i32
      %sign3A_2195 = arith.cmpi sgt, %squeeze3A_2164, %sign3A_2194 : i32
      %sign3A_2196 = arith.extui %sign3A_2195 : i1 to i32
      %sign3A_2197 = arith.constant 0 : i32
      %sign3A_2198 = arith.cmpi slt, %squeeze3A_2164, %sign3A_2197 : i32
      %sign3A_2199 = arith.extui %sign3A_2198 : i1 to i32
      %sign3A_2200 = arith.subi %sign3A_2196, %sign3A_2199 : i32
      %sign3A_2201 = arith.constant 0 : i32
      %sign3A_2202 = arith.cmpi sgt, %jit3A_2192, %sign3A_2201 : i32
      %sign3A_2203 = arith.extui %sign3A_2202 : i1 to i32
      %sign3A_2204 = arith.constant 0 : i32
      %sign3A_2205 = arith.cmpi slt, %jit3A_2192, %sign3A_2204 : i32
      %sign3A_2206 = arith.extui %sign3A_2205 : i1 to i32
      %sign3A_2207 = arith.subi %sign3A_2203, %sign3A_2206 : i32
      %ne3A_2208 = arith.cmpi ne, %sign3A_2200, %sign3A_2207 : i32
      %rem3A_2209 = arith.remsi %squeeze3A_2164, %jit3A_2192 : i32
      %ne3A_2210 = arith.constant 0 : i32
      %ne3A_2211 = arith.cmpi ne, %rem3A_2209, %ne3A_2210 : i32
      %and3A_2212 = arith.andi %ne3A_2208, %ne3A_2211 : i1
      %sub3A_2213 = arith.constant 1 : i32
      %sub3A_2214 = arith.subi %div3A_2193, %sub3A_2213 : i32
      %select_n3A_2215 = arith.select %and3A_2212, %sub3A_2214, %div3A_2193 : i32
      %mul3A_2216 = arith.constant 128 : i32
      %mul3A_2217 = arith.muli %select_n3A_2215, %mul3A_2216 : i32
      %multiple_of3A_2218 = tpu.assume_multiple %mul3A_2217, 128 : i32
      %dma_start3A_2219 = arith.constant 5 : i32
      %dma_start3A_2220 = arith.constant 0 : i32
      %dma_start3A_2221 = arith.constant 0 : i32
      %dma_start3A_2222 = tpu.memref_slice %arg11[%dma_start3A_2219, %dma_start3A_2220, %dma_start3A_2221] : memref<8x32x128xf32, #tpu.memory_space<vmem>> -> memref<1x32x128xf32, #tpu.memory_space<vmem>>
      %dma_start3A_2223 = tpu.memref_squeeze %dma_start3A_2222 : memref<1x32x128xf32, #tpu.memory_space<vmem>> -> memref<32x128xf32, #tpu.memory_space<vmem>>
      %dma_start3A_2224 = arith.constant 0 : i32
      %dma_start3A_2225 = tpu.memref_slice %arg4[%dma_start3A_2224, %multiple_of3A_2191] : memref<32x1000000xf32, #tpu.memory_space<hbm>> -> memref<32x128xf32, #tpu.memory_space<hbm>>
      %dma_start3A_2226 = arith.constant 0 : i32
      %dma_start3A_2227 = arith.constant 0 : i32
      %dma_start3A_2228 = tpu.memref_slice %arg11[%dma_start3A_2219, %dma_start3A_2226, %dma_start3A_2227] : memref<8x32x128xf32, #tpu.memory_space<vmem>> -> memref<1x32x128xf32, #tpu.memory_space<vmem>>
      %dma_start3A_2229 = tpu.memref_squeeze %dma_start3A_2228 : memref<1x32x128xf32, #tpu.memory_space<vmem>> -> memref<32x128xf32, #tpu.memory_space<vmem>>
      %dma_start3A_2230 = arith.constant 0 : i32
      %dma_start3A_2231 = tpu.memref_slice %arg4[%dma_start3A_2230, %multiple_of3A_2191] : memref<32x1000000xf32, #tpu.memory_space<hbm>> -> memref<32x128xf32, #tpu.memory_space<hbm>>
      tpu.enqueue_dma source(%dma_start3A_2231 : memref<32x128xf32, #tpu.memory_space<hbm>>) target(%dma_start3A_2229 : memref<32x128xf32, #tpu.memory_space<vmem>>) target_semaphore(%arg21 : memref<!tpu.dma_semaphore, #tpu.memory_space<semaphore_mem>>)
      %dma_start3A_2232 = arith.constant 5 : i32
      %dma_start3A_2233 = arith.constant 0 : i32
      %dma_start3A_2234 = arith.constant 0 : i32
      %dma_start3A_2235 = tpu.memref_slice %arg12[%dma_start3A_2232, %dma_start3A_2233, %dma_start3A_2234] : memref<8x32x128xf32, #tpu.memory_space<vmem>> -> memref<1x32x128xf32, #tpu.memory_space<vmem>>
      %dma_start3A_2236 = tpu.memref_squeeze %dma_start3A_2235 : memref<1x32x128xf32, #tpu.memory_space<vmem>> -> memref<32x128xf32, #tpu.memory_space<vmem>>
      %dma_start3A_2237 = arith.constant 0 : i32
      %dma_start3A_2238 = tpu.memref_slice %arg5[%dma_start3A_2237, %multiple_of3A_2218] : memref<32x1000000xf32, #tpu.memory_space<hbm>> -> memref<32x128xf32, #tpu.memory_space<hbm>>
      %dma_start3A_2239 = arith.constant 0 : i32
      %dma_start3A_2240 = arith.constant 0 : i32
      %dma_start3A_2241 = tpu.memref_slice %arg12[%dma_start3A_2232, %dma_start3A_2239, %dma_start3A_2240] : memref<8x32x128xf32, #tpu.memory_space<vmem>> -> memref<1x32x128xf32, #tpu.memory_space<vmem>>
      %dma_start3A_2242 = tpu.memref_squeeze %dma_start3A_2241 : memref<1x32x128xf32, #tpu.memory_space<vmem>> -> memref<32x128xf32, #tpu.memory_space<vmem>>
      %dma_start3A_2243 = arith.constant 0 : i32
      %dma_start3A_2244 = tpu.memref_slice %arg5[%dma_start3A_2243, %multiple_of3A_2218] : memref<32x1000000xf32, #tpu.memory_space<hbm>> -> memref<32x128xf32, #tpu.memory_space<hbm>>
      tpu.enqueue_dma source(%dma_start3A_2244 : memref<32x128xf32, #tpu.memory_space<hbm>>) target(%dma_start3A_2242 : memref<32x128xf32, #tpu.memory_space<vmem>>) target_semaphore(%arg29 : memref<!tpu.dma_semaphore, #tpu.memory_space<semaphore_mem>>)
      %dma_wait3A_2245 = arith.constant 6 : i32
      %dma_wait3A_2246 = arith.constant 0 : i32
      %dma_wait3A_2247 = arith.constant 0 : i32
      %dma_wait3A_2248 = tpu.memref_slice %arg11[%dma_wait3A_2245, %dma_wait3A_2246, %dma_wait3A_2247] : memref<8x32x128xf32, #tpu.memory_space<vmem>> -> memref<1x32x128xf32, #tpu.memory_space<vmem>>
      %dma_wait3A_2249 = tpu.memref_squeeze %dma_wait3A_2248 : memref<1x32x128xf32, #tpu.memory_space<vmem>> -> memref<32x128xf32, #tpu.memory_space<vmem>>
      %dma_wait3A_2250 = arith.constant 0 : i32
      %dma_wait3A_2251 = arith.constant 0 : i32
      %dma_wait3A_2252 = tpu.memref_slice %arg4[%dma_wait3A_2250, %dma_wait3A_2251] : memref<32x1000000xf32, #tpu.memory_space<hbm>> -> memref<32x128xf32, #tpu.memory_space<hbm>>
      %dma_wait3A_2253 = arith.constant 0 : i32
      %dma_wait3A_2254 = arith.constant 0 : i32
      %dma_wait3A_2255 = tpu.memref_slice %arg11[%dma_wait3A_2245, %dma_wait3A_2253, %dma_wait3A_2254] : memref<8x32x128xf32, #tpu.memory_space<vmem>> -> memref<1x32x128xf32, #tpu.memory_space<vmem>>
      %dma_wait3A_2256 = tpu.memref_squeeze %dma_wait3A_2255 : memref<1x32x128xf32, #tpu.memory_space<vmem>> -> memref<32x128xf32, #tpu.memory_space<vmem>>
      %dma_wait3A_2257 = arith.constant 0 : i32
      %dma_wait3A_2258 = arith.constant 0 : i32
      %dma_wait3A_2259 = tpu.memref_slice %arg4[%dma_wait3A_2257, %dma_wait3A_2258] : memref<32x1000000xf32, #tpu.memory_space<hbm>> -> memref<32x128xf32, #tpu.memory_space<hbm>>
      tpu.wait_dma2 semaphore(%arg22 : memref<!tpu.dma_semaphore, #tpu.memory_space<semaphore_mem>>) src(%dma_wait3A_2259 : memref<32x128xf32, #tpu.memory_space<hbm>>) dst(%dma_wait3A_2256 : memref<32x128xf32, #tpu.memory_space<vmem>>)
      %dma_wait3A_2260 = arith.constant 6 : i32
      %dma_wait3A_2261 = arith.constant 0 : i32
      %dma_wait3A_2262 = arith.constant 0 : i32
      %dma_wait3A_2263 = tpu.memref_slice %arg12[%dma_wait3A_2260, %dma_wait3A_2261, %dma_wait3A_2262] : memref<8x32x128xf32, #tpu.memory_space<vmem>> -> memref<1x32x128xf32, #tpu.memory_space<vmem>>
      %dma_wait3A_2264 = tpu.memref_squeeze %dma_wait3A_2263 : memref<1x32x128xf32, #tpu.memory_space<vmem>> -> memref<32x128xf32, #tpu.memory_space<vmem>>
      %dma_wait3A_2265 = arith.constant 0 : i32
      %dma_wait3A_2266 = arith.constant 0 : i32
      %dma_wait3A_2267 = tpu.memref_slice %arg5[%dma_wait3A_2265, %dma_wait3A_2266] : memref<32x1000000xf32, #tpu.memory_space<hbm>> -> memref<32x128xf32, #tpu.memory_space<hbm>>
      %dma_wait3A_2268 = arith.constant 0 : i32
      %dma_wait3A_2269 = arith.constant 0 : i32
      %dma_wait3A_2270 = tpu.memref_slice %arg12[%dma_wait3A_2260, %dma_wait3A_2268, %dma_wait3A_2269] : memref<8x32x128xf32, #tpu.memory_space<vmem>> -> memref<1x32x128xf32, #tpu.memory_space<vmem>>
      %dma_wait3A_2271 = tpu.memref_squeeze %dma_wait3A_2270 : memref<1x32x128xf32, #tpu.memory_space<vmem>> -> memref<32x128xf32, #tpu.memory_space<vmem>>
      %dma_wait3A_2272 = arith.constant 0 : i32
      %dma_wait3A_2273 = arith.constant 0 : i32
      %dma_wait3A_2274 = tpu.memref_slice %arg5[%dma_wait3A_2272, %dma_wait3A_2273] : memref<32x1000000xf32, #tpu.memory_space<hbm>> -> memref<32x128xf32, #tpu.memory_space<hbm>>
      tpu.wait_dma2 semaphore(%arg30 : memref<!tpu.dma_semaphore, #tpu.memory_space<semaphore_mem>>) src(%dma_wait3A_2274 : memref<32x128xf32, #tpu.memory_space<hbm>>) dst(%dma_wait3A_2271 : memref<32x128xf32, #tpu.memory_space<vmem>>)
      %slice3A_2275 = vector.extract_strided_slice %get3A_1077 {offsets = [6], sizes = [1], strides = [1]} : vector<16xi32> to vector<1xi32>
      %squeeze3A_2276 = vector.extract %slice3A_2275[0] : i32 from vector<1xi32>
      %slice3A_2277 = vector.extract_strided_slice %get3A_1079 {offsets = [6], sizes = [1], strides = [1]} : vector<16xi32> to vector<1xi32>
      %squeeze3A_2278 = vector.extract %slice3A_2277[0] : i32 from vector<1xi32>
      %jit3A_2279 = arith.constant 128 : i32
      %eq3A_2280 = arith.constant 0 : i32
      %eq3A_2281 = arith.cmpi eq, %jit3A_2279, %eq3A_2280 : i32
      %jit3A_2282 = arith.constant 1 : i32
      %select_n3A_2283 = arith.select %eq3A_2281, %jit3A_2282, %jit3A_2279 : i32
      %rem3A_2284 = arith.remsi %squeeze3A_2276, %select_n3A_2283 : i32
      %ne3A_2285 = arith.constant 0 : i32
      %ne3A_2286 = arith.cmpi ne, %rem3A_2284, %ne3A_2285 : i32
      %lt3A_2287 = arith.constant 0 : i32
      %lt3A_2288 = arith.cmpi slt, %rem3A_2284, %lt3A_2287 : i32
      %lt3A_2289 = arith.constant 0 : i32
      %lt3A_2290 = arith.cmpi slt, %select_n3A_2283, %lt3A_2289 : i32
      %ne3A_2291 = arith.xori %lt3A_2288, %lt3A_2290 : i1
      %and3A_2292 = arith.andi %ne3A_2291, %ne3A_2286 : i1
      %add3A_2293 = arith.addi %rem3A_2284, %select_n3A_2283 : i32
      %select_n3A_2294 = arith.select %and3A_2292, %add3A_2293, %rem3A_2284 : i32
      %broadcast_in_dim3A_2295 = vector.broadcast %select_n3A_2294 : i32 to vector<16xi32>
      %jit3A_2296 = arith.constant 128 : i32
      %eq3A_2297 = arith.constant 0 : i32
      %eq3A_2298 = arith.cmpi eq, %jit3A_2296, %eq3A_2297 : i32
      %jit3A_2299 = arith.constant 1 : i32
      %select_n3A_2300 = arith.select %eq3A_2298, %jit3A_2299, %jit3A_2296 : i32
      %rem3A_2301 = arith.remsi %squeeze3A_2278, %select_n3A_2300 : i32
      %ne3A_2302 = arith.constant 0 : i32
      %ne3A_2303 = arith.cmpi ne, %rem3A_2301, %ne3A_2302 : i32
      %lt3A_2304 = arith.constant 0 : i32
      %lt3A_2305 = arith.cmpi slt, %rem3A_2301, %lt3A_2304 : i32
      %lt3A_2306 = arith.constant 0 : i32
      %lt3A_2307 = arith.cmpi slt, %select_n3A_2300, %lt3A_2306 : i32
      %ne3A_2308 = arith.xori %lt3A_2305, %lt3A_2307 : i1
      %and3A_2309 = arith.andi %ne3A_2308, %ne3A_2303 : i1
      %add3A_2310 = arith.addi %rem3A_2301, %select_n3A_2300 : i32
      %select_n3A_2311 = arith.select %and3A_2309, %add3A_2310, %rem3A_2301 : i32
      %broadcast_in_dim3A_2312 = vector.broadcast %select_n3A_2311 : i32 to vector<16xi32>
      %gather3A_2313 = arith.constant 6 : i32
      %gather3A_2314 = arith.constant 0 : i32
      %gather3A_2315 = arith.constant 0 : i32
      %gather3A_2316 = tpu.memref_slice %arg11[%gather3A_2313, %gather3A_2314, %gather3A_2315] : memref<8x32x128xf32, #tpu.memory_space<vmem>> -> memref<1x32x128xf32, #tpu.memory_space<vmem>>
      %gather3A_2317 = tpu.memref_squeeze %gather3A_2316 : memref<1x32x128xf32, #tpu.memory_space<vmem>> -> memref<32x128xf32, #tpu.memory_space<vmem>>
      %gather3A_2318 = tpu.vector_load_idx %gather3A_2317[%iota3A, %broadcast_in_dim3A_2295] : memref<32x128xf32, #tpu.memory_space<vmem>>[vector<16xi32>, vector<16xi32>], vector<16xf32>,
      %add3A_2319 = arith.constant 16 : i32
      %add3A_2320 = vector.broadcast %add3A_2319 : i32 to vector<16xi32>
      %add3A_2321 = arith.addi %iota3A, %add3A_2320 : vector<16xi32>
      %gather3A_2322 = arith.constant 6 : i32
      %gather3A_2323 = arith.constant 0 : i32
      %gather3A_2324 = arith.constant 0 : i32
      %gather3A_2325 = tpu.memref_slice %arg11[%gather3A_2322, %gather3A_2323, %gather3A_2324] : memref<8x32x128xf32, #tpu.memory_space<vmem>> -> memref<1x32x128xf32, #tpu.memory_space<vmem>>
      %gather3A_2326 = tpu.memref_squeeze %gather3A_2325 : memref<1x32x128xf32, #tpu.memory_space<vmem>> -> memref<32x128xf32, #tpu.memory_space<vmem>>
      %gather3A_2327 = tpu.vector_load_idx %gather3A_2326[%add3A_2321, %broadcast_in_dim3A_2295] : memref<32x128xf32, #tpu.memory_space<vmem>>[vector<16xi32>, vector<16xi32>], vector<16xf32>,
      %gather3A_2328 = arith.constant 6 : i32
      %gather3A_2329 = arith.constant 0 : i32
      %gather3A_2330 = arith.constant 0 : i32
      %gather3A_2331 = tpu.memref_slice %arg12[%gather3A_2328, %gather3A_2329, %gather3A_2330] : memref<8x32x128xf32, #tpu.memory_space<vmem>> -> memref<1x32x128xf32, #tpu.memory_space<vmem>>
      %gather3A_2332 = tpu.memref_squeeze %gather3A_2331 : memref<1x32x128xf32, #tpu.memory_space<vmem>> -> memref<32x128xf32, #tpu.memory_space<vmem>>
      %gather3A_2333 = tpu.vector_load_idx %gather3A_2332[%iota3A, %broadcast_in_dim3A_2312] : memref<32x128xf32, #tpu.memory_space<vmem>>[vector<16xi32>, vector<16xi32>], vector<16xf32>,
      %add3A_2334 = arith.constant 16 : i32
      %add3A_2335 = vector.broadcast %add3A_2334 : i32 to vector<16xi32>
      %add3A_2336 = arith.addi %iota3A, %add3A_2335 : vector<16xi32>
      %gather3A_2337 = arith.constant 6 : i32
      %gather3A_2338 = arith.constant 0 : i32
      %gather3A_2339 = arith.constant 0 : i32
      %gather3A_2340 = tpu.memref_slice %arg12[%gather3A_2337, %gather3A_2338, %gather3A_2339] : memref<8x32x128xf32, #tpu.memory_space<vmem>> -> memref<1x32x128xf32, #tpu.memory_space<vmem>>
      %gather3A_2341 = tpu.memref_squeeze %gather3A_2340 : memref<1x32x128xf32, #tpu.memory_space<vmem>> -> memref<32x128xf32, #tpu.memory_space<vmem>>
      %gather3A_2342 = tpu.vector_load_idx %gather3A_2341[%add3A_2336, %broadcast_in_dim3A_2312] : memref<32x128xf32, #tpu.memory_space<vmem>>[vector<16xi32>, vector<16xi32>], vector<16xf32>,
      %mul3A_2343 = arith.mulf %gather3A_2318, %gather3A_2333 : vector<16xf32>
      %mul3A_2344 = arith.mulf %gather3A_2327, %gather3A_2342 : vector<16xf32>
      %add3A_2345 = arith.addf %mul3A_2343, %mul3A_2344 : vector<16xf32>
      %reduce_sum3A_2346 = arith.constant true
      %reduce_sum3A_2347 = vector.broadcast %reduce_sum3A_2346 : i1 to vector<16xi1>
      %reduce_sum3A_2348 = tpu.scan <sum>, %add3A_2345 masked %reduce_sum3A_2347 : vector<16xf32>, vector<16xi1> -> vector<16xf32>
      %reduce_sum3A_2349 = vector.extract %reduce_sum3A_2348[15] : f32 from vector<16xf32>
      %eq3A_2350 = arith.constant 6 : i32
      %eq3A_2351 = vector.broadcast %eq3A_2350 : i32 to vector<16xi32>
      %eq3A_2352 = arith.cmpi eq, %iota3A, %eq3A_2351 : vector<16xi32>
      %broadcast_in_dim3A_2353 = vector.broadcast %reduce_sum3A_2349 : f32 to vector<16xf32>
      %select_n3A_2354 = arith.select %eq3A_2352, %broadcast_in_dim3A_2353, %select_n3A_2160 : vector<16xi1>, vector<16xf32>
      %slice3A_2355 = vector.extract_strided_slice %get3A_1077 {offsets = [14], sizes = [1], strides = [1]} : vector<16xi32> to vector<1xi32>
      %squeeze3A_2356 = vector.extract %slice3A_2355[0] : i32 from vector<1xi32>
      %slice3A_2357 = vector.extract_strided_slice %get3A_1079 {offsets = [14], sizes = [1], strides = [1]} : vector<16xi32> to vector<1xi32>
      %squeeze3A_2358 = vector.extract %slice3A_2357[0] : i32 from vector<1xi32>
      %jit3A_2359 = arith.constant 128 : i32
      %div3A_2360 = arith.divsi %squeeze3A_2356, %jit3A_2359 : i32
      %sign3A_2361 = arith.constant 0 : i32
      %sign3A_2362 = arith.cmpi sgt, %squeeze3A_2356, %sign3A_2361 : i32
      %sign3A_2363 = arith.extui %sign3A_2362 : i1 to i32
      %sign3A_2364 = arith.constant 0 : i32
      %sign3A_2365 = arith.cmpi slt, %squeeze3A_2356, %sign3A_2364 : i32
      %sign3A_2366 = arith.extui %sign3A_2365 : i1 to i32
      %sign3A_2367 = arith.subi %sign3A_2363, %sign3A_2366 : i32
      %sign3A_2368 = arith.constant 0 : i32
      %sign3A_2369 = arith.cmpi sgt, %jit3A_2359, %sign3A_2368 : i32
      %sign3A_2370 = arith.extui %sign3A_2369 : i1 to i32
      %sign3A_2371 = arith.constant 0 : i32
      %sign3A_2372 = arith.cmpi slt, %jit3A_2359, %sign3A_2371 : i32
      %sign3A_2373 = arith.extui %sign3A_2372 : i1 to i32
      %sign3A_2374 = arith.subi %sign3A_2370, %sign3A_2373 : i32
      %ne3A_2375 = arith.cmpi ne, %sign3A_2367, %sign3A_2374 : i32
      %rem3A_2376 = arith.remsi %squeeze3A_2356, %jit3A_2359 : i32
      %ne3A_2377 = arith.constant 0 : i32
      %ne3A_2378 = arith.cmpi ne, %rem3A_2376, %ne3A_2377 : i32
      %and3A_2379 = arith.andi %ne3A_2375, %ne3A_2378 : i1
      %sub3A_2380 = arith.constant 1 : i32
      %sub3A_2381 = arith.subi %div3A_2360, %sub3A_2380 : i32
      %select_n3A_2382 = arith.select %and3A_2379, %sub3A_2381, %div3A_2360 : i32
      %mul3A_2383 = arith.constant 128 : i32
      %mul3A_2384 = arith.muli %select_n3A_2382, %mul3A_2383 : i32
      %multiple_of3A_2385 = tpu.assume_multiple %mul3A_2384, 128 : i32
      %jit3A_2386 = arith.constant 128 : i32
      %div3A_2387 = arith.divsi %squeeze3A_2358, %jit3A_2386 : i32
      %sign3A_2388 = arith.constant 0 : i32
      %sign3A_2389 = arith.cmpi sgt, %squeeze3A_2358, %sign3A_2388 : i32
      %sign3A_2390 = arith.extui %sign3A_2389 : i1 to i32
      %sign3A_2391 = arith.constant 0 : i32
      %sign3A_2392 = arith.cmpi slt, %squeeze3A_2358, %sign3A_2391 : i32
      %sign3A_2393 = arith.extui %sign3A_2392 : i1 to i32
      %sign3A_2394 = arith.subi %sign3A_2390, %sign3A_2393 : i32
      %sign3A_2395 = arith.constant 0 : i32
      %sign3A_2396 = arith.cmpi sgt, %jit3A_2386, %sign3A_2395 : i32
      %sign3A_2397 = arith.extui %sign3A_2396 : i1 to i32
      %sign3A_2398 = arith.constant 0 : i32
      %sign3A_2399 = arith.cmpi slt, %jit3A_2386, %sign3A_2398 : i32
      %sign3A_2400 = arith.extui %sign3A_2399 : i1 to i32
      %sign3A_2401 = arith.subi %sign3A_2397, %sign3A_2400 : i32
      %ne3A_2402 = arith.cmpi ne, %sign3A_2394, %sign3A_2401 : i32
      %rem3A_2403 = arith.remsi %squeeze3A_2358, %jit3A_2386 : i32
      %ne3A_2404 = arith.constant 0 : i32
      %ne3A_2405 = arith.cmpi ne, %rem3A_2403, %ne3A_2404 : i32
      %and3A_2406 = arith.andi %ne3A_2402, %ne3A_2405 : i1
      %sub3A_2407 = arith.constant 1 : i32
      %sub3A_2408 = arith.subi %div3A_2387, %sub3A_2407 : i32
      %select_n3A_2409 = arith.select %and3A_2406, %sub3A_2408, %div3A_2387 : i32
      %mul3A_2410 = arith.constant 128 : i32
      %mul3A_2411 = arith.muli %select_n3A_2409, %mul3A_2410 : i32
      %multiple_of3A_2412 = tpu.assume_multiple %mul3A_2411, 128 : i32
      %dma_start3A_2413 = arith.constant 6 : i32
      %dma_start3A_2414 = arith.constant 0 : i32
      %dma_start3A_2415 = arith.constant 0 : i32
      %dma_start3A_2416 = tpu.memref_slice %arg11[%dma_start3A_2413, %dma_start3A_2414, %dma_start3A_2415] : memref<8x32x128xf32, #tpu.memory_space<vmem>> -> memref<1x32x128xf32, #tpu.memory_space<vmem>>
      %dma_start3A_2417 = tpu.memref_squeeze %dma_start3A_2416 : memref<1x32x128xf32, #tpu.memory_space<vmem>> -> memref<32x128xf32, #tpu.memory_space<vmem>>
      %dma_start3A_2418 = arith.constant 0 : i32
      %dma_start3A_2419 = tpu.memref_slice %arg4[%dma_start3A_2418, %multiple_of3A_2385] : memref<32x1000000xf32, #tpu.memory_space<hbm>> -> memref<32x128xf32, #tpu.memory_space<hbm>>
      %dma_start3A_2420 = arith.constant 0 : i32
      %dma_start3A_2421 = arith.constant 0 : i32
      %dma_start3A_2422 = tpu.memref_slice %arg11[%dma_start3A_2413, %dma_start3A_2420, %dma_start3A_2421] : memref<8x32x128xf32, #tpu.memory_space<vmem>> -> memref<1x32x128xf32, #tpu.memory_space<vmem>>
      %dma_start3A_2423 = tpu.memref_squeeze %dma_start3A_2422 : memref<1x32x128xf32, #tpu.memory_space<vmem>> -> memref<32x128xf32, #tpu.memory_space<vmem>>
      %dma_start3A_2424 = arith.constant 0 : i32
      %dma_start3A_2425 = tpu.memref_slice %arg4[%dma_start3A_2424, %multiple_of3A_2385] : memref<32x1000000xf32, #tpu.memory_space<hbm>> -> memref<32x128xf32, #tpu.memory_space<hbm>>
      tpu.enqueue_dma source(%dma_start3A_2425 : memref<32x128xf32, #tpu.memory_space<hbm>>) target(%dma_start3A_2423 : memref<32x128xf32, #tpu.memory_space<vmem>>) target_semaphore(%arg22 : memref<!tpu.dma_semaphore, #tpu.memory_space<semaphore_mem>>)
      %dma_start3A_2426 = arith.constant 6 : i32
      %dma_start3A_2427 = arith.constant 0 : i32
      %dma_start3A_2428 = arith.constant 0 : i32
      %dma_start3A_2429 = tpu.memref_slice %arg12[%dma_start3A_2426, %dma_start3A_2427, %dma_start3A_2428] : memref<8x32x128xf32, #tpu.memory_space<vmem>> -> memref<1x32x128xf32, #tpu.memory_space<vmem>>
      %dma_start3A_2430 = tpu.memref_squeeze %dma_start3A_2429 : memref<1x32x128xf32, #tpu.memory_space<vmem>> -> memref<32x128xf32, #tpu.memory_space<vmem>>
      %dma_start3A_2431 = arith.constant 0 : i32
      %dma_start3A_2432 = tpu.memref_slice %arg5[%dma_start3A_2431, %multiple_of3A_2412] : memref<32x1000000xf32, #tpu.memory_space<hbm>> -> memref<32x128xf32, #tpu.memory_space<hbm>>
      %dma_start3A_2433 = arith.constant 0 : i32
      %dma_start3A_2434 = arith.constant 0 : i32
      %dma_start3A_2435 = tpu.memref_slice %arg12[%dma_start3A_2426, %dma_start3A_2433, %dma_start3A_2434] : memref<8x32x128xf32, #tpu.memory_space<vmem>> -> memref<1x32x128xf32, #tpu.memory_space<vmem>>
      %dma_start3A_2436 = tpu.memref_squeeze %dma_start3A_2435 : memref<1x32x128xf32, #tpu.memory_space<vmem>> -> memref<32x128xf32, #tpu.memory_space<vmem>>
      %dma_start3A_2437 = arith.constant 0 : i32
      %dma_start3A_2438 = tpu.memref_slice %arg5[%dma_start3A_2437, %multiple_of3A_2412] : memref<32x1000000xf32, #tpu.memory_space<hbm>> -> memref<32x128xf32, #tpu.memory_space<hbm>>
      tpu.enqueue_dma source(%dma_start3A_2438 : memref<32x128xf32, #tpu.memory_space<hbm>>) target(%dma_start3A_2436 : memref<32x128xf32, #tpu.memory_space<vmem>>) target_semaphore(%arg30 : memref<!tpu.dma_semaphore, #tpu.memory_space<semaphore_mem>>)
      %dma_wait3A_2439 = arith.constant 7 : i32
      %dma_wait3A_2440 = arith.constant 0 : i32
      %dma_wait3A_2441 = arith.constant 0 : i32
      %dma_wait3A_2442 = tpu.memref_slice %arg11[%dma_wait3A_2439, %dma_wait3A_2440, %dma_wait3A_2441] : memref<8x32x128xf32, #tpu.memory_space<vmem>> -> memref<1x32x128xf32, #tpu.memory_space<vmem>>
      %dma_wait3A_2443 = tpu.memref_squeeze %dma_wait3A_2442 : memref<1x32x128xf32, #tpu.memory_space<vmem>> -> memref<32x128xf32, #tpu.memory_space<vmem>>
      %dma_wait3A_2444 = arith.constant 0 : i32
      %dma_wait3A_2445 = arith.constant 0 : i32
      %dma_wait3A_2446 = tpu.memref_slice %arg4[%dma_wait3A_2444, %dma_wait3A_2445] : memref<32x1000000xf32, #tpu.memory_space<hbm>> -> memref<32x128xf32, #tpu.memory_space<hbm>>
      %dma_wait3A_2447 = arith.constant 0 : i32
      %dma_wait3A_2448 = arith.constant 0 : i32
      %dma_wait3A_2449 = tpu.memref_slice %arg11[%dma_wait3A_2439, %dma_wait3A_2447, %dma_wait3A_2448] : memref<8x32x128xf32, #tpu.memory_space<vmem>> -> memref<1x32x128xf32, #tpu.memory_space<vmem>>
      %dma_wait3A_2450 = tpu.memref_squeeze %dma_wait3A_2449 : memref<1x32x128xf32, #tpu.memory_space<vmem>> -> memref<32x128xf32, #tpu.memory_space<vmem>>
      %dma_wait3A_2451 = arith.constant 0 : i32
      %dma_wait3A_2452 = arith.constant 0 : i32
      %dma_wait3A_2453 = tpu.memref_slice %arg4[%dma_wait3A_2451, %dma_wait3A_2452] : memref<32x1000000xf32, #tpu.memory_space<hbm>> -> memref<32x128xf32, #tpu.memory_space<hbm>>
      tpu.wait_dma2 semaphore(%arg23 : memref<!tpu.dma_semaphore, #tpu.memory_space<semaphore_mem>>) src(%dma_wait3A_2453 : memref<32x128xf32, #tpu.memory_space<hbm>>) dst(%dma_wait3A_2450 : memref<32x128xf32, #tpu.memory_space<vmem>>)
      %dma_wait3A_2454 = arith.constant 7 : i32
      %dma_wait3A_2455 = arith.constant 0 : i32
      %dma_wait3A_2456 = arith.constant 0 : i32
      %dma_wait3A_2457 = tpu.memref_slice %arg12[%dma_wait3A_2454, %dma_wait3A_2455, %dma_wait3A_2456] : memref<8x32x128xf32, #tpu.memory_space<vmem>> -> memref<1x32x128xf32, #tpu.memory_space<vmem>>
      %dma_wait3A_2458 = tpu.memref_squeeze %dma_wait3A_2457 : memref<1x32x128xf32, #tpu.memory_space<vmem>> -> memref<32x128xf32, #tpu.memory_space<vmem>>
      %dma_wait3A_2459 = arith.constant 0 : i32
      %dma_wait3A_2460 = arith.constant 0 : i32
      %dma_wait3A_2461 = tpu.memref_slice %arg5[%dma_wait3A_2459, %dma_wait3A_2460] : memref<32x1000000xf32, #tpu.memory_space<hbm>> -> memref<32x128xf32, #tpu.memory_space<hbm>>
      %dma_wait3A_2462 = arith.constant 0 : i32
      %dma_wait3A_2463 = arith.constant 0 : i32
      %dma_wait3A_2464 = tpu.memref_slice %arg12[%dma_wait3A_2454, %dma_wait3A_2462, %dma_wait3A_2463] : memref<8x32x128xf32, #tpu.memory_space<vmem>> -> memref<1x32x128xf32, #tpu.memory_space<vmem>>
      %dma_wait3A_2465 = tpu.memref_squeeze %dma_wait3A_2464 : memref<1x32x128xf32, #tpu.memory_space<vmem>> -> memref<32x128xf32, #tpu.memory_space<vmem>>
      %dma_wait3A_2466 = arith.constant 0 : i32
      %dma_wait3A_2467 = arith.constant 0 : i32
      %dma_wait3A_2468 = tpu.memref_slice %arg5[%dma_wait3A_2466, %dma_wait3A_2467] : memref<32x1000000xf32, #tpu.memory_space<hbm>> -> memref<32x128xf32, #tpu.memory_space<hbm>>
      tpu.wait_dma2 semaphore(%arg31 : memref<!tpu.dma_semaphore, #tpu.memory_space<semaphore_mem>>) src(%dma_wait3A_2468 : memref<32x128xf32, #tpu.memory_space<hbm>>) dst(%dma_wait3A_2465 : memref<32x128xf32, #tpu.memory_space<vmem>>)
      %slice3A_2469 = vector.extract_strided_slice %get3A_1077 {offsets = [7], sizes = [1], strides = [1]} : vector<16xi32> to vector<1xi32>
      %squeeze3A_2470 = vector.extract %slice3A_2469[0] : i32 from vector<1xi32>
      %slice3A_2471 = vector.extract_strided_slice %get3A_1079 {offsets = [7], sizes = [1], strides = [1]} : vector<16xi32> to vector<1xi32>
      %squeeze3A_2472 = vector.extract %slice3A_2471[0] : i32 from vector<1xi32>
      %jit3A_2473 = arith.constant 128 : i32
      %eq3A_2474 = arith.constant 0 : i32
      %eq3A_2475 = arith.cmpi eq, %jit3A_2473, %eq3A_2474 : i32
      %jit3A_2476 = arith.constant 1 : i32
      %select_n3A_2477 = arith.select %eq3A_2475, %jit3A_2476, %jit3A_2473 : i32
      %rem3A_2478 = arith.remsi %squeeze3A_2470, %select_n3A_2477 : i32
      %ne3A_2479 = arith.constant 0 : i32
      %ne3A_2480 = arith.cmpi ne, %rem3A_2478, %ne3A_2479 : i32
      %lt3A_2481 = arith.constant 0 : i32
      %lt3A_2482 = arith.cmpi slt, %rem3A_2478, %lt3A_2481 : i32
      %lt3A_2483 = arith.constant 0 : i32
      %lt3A_2484 = arith.cmpi slt, %select_n3A_2477, %lt3A_2483 : i32
      %ne3A_2485 = arith.xori %lt3A_2482, %lt3A_2484 : i1
      %and3A_2486 = arith.andi %ne3A_2485, %ne3A_2480 : i1
      %add3A_2487 = arith.addi %rem3A_2478, %select_n3A_2477 : i32
      %select_n3A_2488 = arith.select %and3A_2486, %add3A_2487, %rem3A_2478 : i32
      %broadcast_in_dim3A_2489 = vector.broadcast %select_n3A_2488 : i32 to vector<16xi32>
      %jit3A_2490 = arith.constant 128 : i32
      %eq3A_2491 = arith.constant 0 : i32
      %eq3A_2492 = arith.cmpi eq, %jit3A_2490, %eq3A_2491 : i32
      %jit3A_2493 = arith.constant 1 : i32
      %select_n3A_2494 = arith.select %eq3A_2492, %jit3A_2493, %jit3A_2490 : i32
      %rem3A_2495 = arith.remsi %squeeze3A_2472, %select_n3A_2494 : i32
      %ne3A_2496 = arith.constant 0 : i32
      %ne3A_2497 = arith.cmpi ne, %rem3A_2495, %ne3A_2496 : i32
      %lt3A_2498 = arith.constant 0 : i32
      %lt3A_2499 = arith.cmpi slt, %rem3A_2495, %lt3A_2498 : i32
      %lt3A_2500 = arith.constant 0 : i32
      %lt3A_2501 = arith.cmpi slt, %select_n3A_2494, %lt3A_2500 : i32
      %ne3A_2502 = arith.xori %lt3A_2499, %lt3A_2501 : i1
      %and3A_2503 = arith.andi %ne3A_2502, %ne3A_2497 : i1
      %add3A_2504 = arith.addi %rem3A_2495, %select_n3A_2494 : i32
      %select_n3A_2505 = arith.select %and3A_2503, %add3A_2504, %rem3A_2495 : i32
      %broadcast_in_dim3A_2506 = vector.broadcast %select_n3A_2505 : i32 to vector<16xi32>
      %gather3A_2507 = arith.constant 7 : i32
      %gather3A_2508 = arith.constant 0 : i32
      %gather3A_2509 = arith.constant 0 : i32
      %gather3A_2510 = tpu.memref_slice %arg11[%gather3A_2507, %gather3A_2508, %gather3A_2509] : memref<8x32x128xf32, #tpu.memory_space<vmem>> -> memref<1x32x128xf32, #tpu.memory_space<vmem>>
      %gather3A_2511 = tpu.memref_squeeze %gather3A_2510 : memref<1x32x128xf32, #tpu.memory_space<vmem>> -> memref<32x128xf32, #tpu.memory_space<vmem>>
      %gather3A_2512 = tpu.vector_load_idx %gather3A_2511[%iota3A, %broadcast_in_dim3A_2489] : memref<32x128xf32, #tpu.memory_space<vmem>>[vector<16xi32>, vector<16xi32>], vector<16xf32>,
      %add3A_2513 = arith.constant 16 : i32
      %add3A_2514 = vector.broadcast %add3A_2513 : i32 to vector<16xi32>
      %add3A_2515 = arith.addi %iota3A, %add3A_2514 : vector<16xi32>
      %gather3A_2516 = arith.constant 7 : i32
      %gather3A_2517 = arith.constant 0 : i32
      %gather3A_2518 = arith.constant 0 : i32
      %gather3A_2519 = tpu.memref_slice %arg11[%gather3A_2516, %gather3A_2517, %gather3A_2518] : memref<8x32x128xf32, #tpu.memory_space<vmem>> -> memref<1x32x128xf32, #tpu.memory_space<vmem>>
      %gather3A_2520 = tpu.memref_squeeze %gather3A_2519 : memref<1x32x128xf32, #tpu.memory_space<vmem>> -> memref<32x128xf32, #tpu.memory_space<vmem>>
      %gather3A_2521 = tpu.vector_load_idx %gather3A_2520[%add3A_2515, %broadcast_in_dim3A_2489] : memref<32x128xf32, #tpu.memory_space<vmem>>[vector<16xi32>, vector<16xi32>], vector<16xf32>,
      %gather3A_2522 = arith.constant 7 : i32
      %gather3A_2523 = arith.constant 0 : i32
      %gather3A_2524 = arith.constant 0 : i32
      %gather3A_2525 = tpu.memref_slice %arg12[%gather3A_2522, %gather3A_2523, %gather3A_2524] : memref<8x32x128xf32, #tpu.memory_space<vmem>> -> memref<1x32x128xf32, #tpu.memory_space<vmem>>
      %gather3A_2526 = tpu.memref_squeeze %gather3A_2525 : memref<1x32x128xf32, #tpu.memory_space<vmem>> -> memref<32x128xf32, #tpu.memory_space<vmem>>
      %gather3A_2527 = tpu.vector_load_idx %gather3A_2526[%iota3A, %broadcast_in_dim3A_2506] : memref<32x128xf32, #tpu.memory_space<vmem>>[vector<16xi32>, vector<16xi32>], vector<16xf32>,
      %add3A_2528 = arith.constant 16 : i32
      %add3A_2529 = vector.broadcast %add3A_2528 : i32 to vector<16xi32>
      %add3A_2530 = arith.addi %iota3A, %add3A_2529 : vector<16xi32>
      %gather3A_2531 = arith.constant 7 : i32
      %gather3A_2532 = arith.constant 0 : i32
      %gather3A_2533 = arith.constant 0 : i32
      %gather3A_2534 = tpu.memref_slice %arg12[%gather3A_2531, %gather3A_2532, %gather3A_2533] : memref<8x32x128xf32, #tpu.memory_space<vmem>> -> memref<1x32x128xf32, #tpu.memory_space<vmem>>
      %gather3A_2535 = tpu.memref_squeeze %gather3A_2534 : memref<1x32x128xf32, #tpu.memory_space<vmem>> -> memref<32x128xf32, #tpu.memory_space<vmem>>
      %gather3A_2536 = tpu.vector_load_idx %gather3A_2535[%add3A_2530, %broadcast_in_dim3A_2506] : memref<32x128xf32, #tpu.memory_space<vmem>>[vector<16xi32>, vector<16xi32>], vector<16xf32>,
      %mul3A_2537 = arith.mulf %gather3A_2512, %gather3A_2527 : vector<16xf32>
      %mul3A_2538 = arith.mulf %gather3A_2521, %gather3A_2536 : vector<16xf32>
      %add3A_2539 = arith.addf %mul3A_2537, %mul3A_2538 : vector<16xf32>
      %reduce_sum3A_2540 = arith.constant true
      %reduce_sum3A_2541 = vector.broadcast %reduce_sum3A_2540 : i1 to vector<16xi1>
      %reduce_sum3A_2542 = tpu.scan <sum>, %add3A_2539 masked %reduce_sum3A_2541 : vector<16xf32>, vector<16xi1> -> vector<16xf32>
      %reduce_sum3A_2543 = vector.extract %reduce_sum3A_2542[15] : f32 from vector<16xf32>
      %eq3A_2544 = arith.constant 7 : i32
      %eq3A_2545 = vector.broadcast %eq3A_2544 : i32 to vector<16xi32>
      %eq3A_2546 = arith.cmpi eq, %iota3A, %eq3A_2545 : vector<16xi32>
      %broadcast_in_dim3A_2547 = vector.broadcast %reduce_sum3A_2543 : f32 to vector<16xf32>
      %select_n3A_2548 = arith.select %eq3A_2546, %broadcast_in_dim3A_2547, %select_n3A_2354 : vector<16xi1>, vector<16xf32>
      %slice3A_2549 = vector.extract_strided_slice %get3A_1077 {offsets = [15], sizes = [1], strides = [1]} : vector<16xi32> to vector<1xi32>
      %squeeze3A_2550 = vector.extract %slice3A_2549[0] : i32 from vector<1xi32>
      %slice3A_2551 = vector.extract_strided_slice %get3A_1079 {offsets = [15], sizes = [1], strides = [1]} : vector<16xi32> to vector<1xi32>
      %squeeze3A_2552 = vector.extract %slice3A_2551[0] : i32 from vector<1xi32>
      %jit3A_2553 = arith.constant 128 : i32
      %div3A_2554 = arith.divsi %squeeze3A_2550, %jit3A_2553 : i32
      %sign3A_2555 = arith.constant 0 : i32
      %sign3A_2556 = arith.cmpi sgt, %squeeze3A_2550, %sign3A_2555 : i32
      %sign3A_2557 = arith.extui %sign3A_2556 : i1 to i32
      %sign3A_2558 = arith.constant 0 : i32
      %sign3A_2559 = arith.cmpi slt, %squeeze3A_2550, %sign3A_2558 : i32
      %sign3A_2560 = arith.extui %sign3A_2559 : i1 to i32
      %sign3A_2561 = arith.subi %sign3A_2557, %sign3A_2560 : i32
      %sign3A_2562 = arith.constant 0 : i32
      %sign3A_2563 = arith.cmpi sgt, %jit3A_2553, %sign3A_2562 : i32
      %sign3A_2564 = arith.extui %sign3A_2563 : i1 to i32
      %sign3A_2565 = arith.constant 0 : i32
      %sign3A_2566 = arith.cmpi slt, %jit3A_2553, %sign3A_2565 : i32
      %sign3A_2567 = arith.extui %sign3A_2566 : i1 to i32
      %sign3A_2568 = arith.subi %sign3A_2564, %sign3A_2567 : i32
      %ne3A_2569 = arith.cmpi ne, %sign3A_2561, %sign3A_2568 : i32
      %rem3A_2570 = arith.remsi %squeeze3A_2550, %jit3A_2553 : i32
      %ne3A_2571 = arith.constant 0 : i32
      %ne3A_2572 = arith.cmpi ne, %rem3A_2570, %ne3A_2571 : i32
      %and3A_2573 = arith.andi %ne3A_2569, %ne3A_2572 : i1
      %sub3A_2574 = arith.constant 1 : i32
      %sub3A_2575 = arith.subi %div3A_2554, %sub3A_2574 : i32
      %select_n3A_2576 = arith.select %and3A_2573, %sub3A_2575, %div3A_2554 : i32
      %mul3A_2577 = arith.constant 128 : i32
      %mul3A_2578 = arith.muli %select_n3A_2576, %mul3A_2577 : i32
      %multiple_of3A_2579 = tpu.assume_multiple %mul3A_2578, 128 : i32
      %jit3A_2580 = arith.constant 128 : i32
      %div3A_2581 = arith.divsi %squeeze3A_2552, %jit3A_2580 : i32
      %sign3A_2582 = arith.constant 0 : i32
      %sign3A_2583 = arith.cmpi sgt, %squeeze3A_2552, %sign3A_2582 : i32
      %sign3A_2584 = arith.extui %sign3A_2583 : i1 to i32
      %sign3A_2585 = arith.constant 0 : i32
      %sign3A_2586 = arith.cmpi slt, %squeeze3A_2552, %sign3A_2585 : i32
      %sign3A_2587 = arith.extui %sign3A_2586 : i1 to i32
      %sign3A_2588 = arith.subi %sign3A_2584, %sign3A_2587 : i32
      %sign3A_2589 = arith.constant 0 : i32
      %sign3A_2590 = arith.cmpi sgt, %jit3A_2580, %sign3A_2589 : i32
      %sign3A_2591 = arith.extui %sign3A_2590 : i1 to i32
      %sign3A_2592 = arith.constant 0 : i32
      %sign3A_2593 = arith.cmpi slt, %jit3A_2580, %sign3A_2592 : i32
      %sign3A_2594 = arith.extui %sign3A_2593 : i1 to i32
      %sign3A_2595 = arith.subi %sign3A_2591, %sign3A_2594 : i32
      %ne3A_2596 = arith.cmpi ne, %sign3A_2588, %sign3A_2595 : i32
      %rem3A_2597 = arith.remsi %squeeze3A_2552, %jit3A_2580 : i32
      %ne3A_2598 = arith.constant 0 : i32
      %ne3A_2599 = arith.cmpi ne, %rem3A_2597, %ne3A_2598 : i32
      %and3A_2600 = arith.andi %ne3A_2596, %ne3A_2599 : i1
      %sub3A_2601 = arith.constant 1 : i32
      %sub3A_2602 = arith.subi %div3A_2581, %sub3A_2601 : i32
      %select_n3A_2603 = arith.select %and3A_2600, %sub3A_2602, %div3A_2581 : i32
      %mul3A_2604 = arith.constant 128 : i32
      %mul3A_2605 = arith.muli %select_n3A_2603, %mul3A_2604 : i32
      %multiple_of3A_2606 = tpu.assume_multiple %mul3A_2605, 128 : i32
      %dma_start3A_2607 = arith.constant 7 : i32
      %dma_start3A_2608 = arith.constant 0 : i32
      %dma_start3A_2609 = arith.constant 0 : i32
      %dma_start3A_2610 = tpu.memref_slice %arg11[%dma_start3A_2607, %dma_start3A_2608, %dma_start3A_2609] : memref<8x32x128xf32, #tpu.memory_space<vmem>> -> memref<1x32x128xf32, #tpu.memory_space<vmem>>
      %dma_start3A_2611 = tpu.memref_squeeze %dma_start3A_2610 : memref<1x32x128xf32, #tpu.memory_space<vmem>> -> memref<32x128xf32, #tpu.memory_space<vmem>>
      %dma_start3A_2612 = arith.constant 0 : i32
      %dma_start3A_2613 = tpu.memref_slice %arg4[%dma_start3A_2612, %multiple_of3A_2579] : memref<32x1000000xf32, #tpu.memory_space<hbm>> -> memref<32x128xf32, #tpu.memory_space<hbm>>
      %dma_start3A_2614 = arith.constant 0 : i32
      %dma_start3A_2615 = arith.constant 0 : i32
      %dma_start3A_2616 = tpu.memref_slice %arg11[%dma_start3A_2607, %dma_start3A_2614, %dma_start3A_2615] : memref<8x32x128xf32, #tpu.memory_space<vmem>> -> memref<1x32x128xf32, #tpu.memory_space<vmem>>
      %dma_start3A_2617 = tpu.memref_squeeze %dma_start3A_2616 : memref<1x32x128xf32, #tpu.memory_space<vmem>> -> memref<32x128xf32, #tpu.memory_space<vmem>>
      %dma_start3A_2618 = arith.constant 0 : i32
      %dma_start3A_2619 = tpu.memref_slice %arg4[%dma_start3A_2618, %multiple_of3A_2579] : memref<32x1000000xf32, #tpu.memory_space<hbm>> -> memref<32x128xf32, #tpu.memory_space<hbm>>
      tpu.enqueue_dma source(%dma_start3A_2619 : memref<32x128xf32, #tpu.memory_space<hbm>>) target(%dma_start3A_2617 : memref<32x128xf32, #tpu.memory_space<vmem>>) target_semaphore(%arg23 : memref<!tpu.dma_semaphore, #tpu.memory_space<semaphore_mem>>)
      %dma_start3A_2620 = arith.constant 7 : i32
      %dma_start3A_2621 = arith.constant 0 : i32
      %dma_start3A_2622 = arith.constant 0 : i32
      %dma_start3A_2623 = tpu.memref_slice %arg12[%dma_start3A_2620, %dma_start3A_2621, %dma_start3A_2622] : memref<8x32x128xf32, #tpu.memory_space<vmem>> -> memref<1x32x128xf32, #tpu.memory_space<vmem>>
      %dma_start3A_2624 = tpu.memref_squeeze %dma_start3A_2623 : memref<1x32x128xf32, #tpu.memory_space<vmem>> -> memref<32x128xf32, #tpu.memory_space<vmem>>
      %dma_start3A_2625 = arith.constant 0 : i32
      %dma_start3A_2626 = tpu.memref_slice %arg5[%dma_start3A_2625, %multiple_of3A_2606] : memref<32x1000000xf32, #tpu.memory_space<hbm>> -> memref<32x128xf32, #tpu.memory_space<hbm>>
      %dma_start3A_2627 = arith.constant 0 : i32
      %dma_start3A_2628 = arith.constant 0 : i32
      %dma_start3A_2629 = tpu.memref_slice %arg12[%dma_start3A_2620, %dma_start3A_2627, %dma_start3A_2628] : memref<8x32x128xf32, #tpu.memory_space<vmem>> -> memref<1x32x128xf32, #tpu.memory_space<vmem>>
      %dma_start3A_2630 = tpu.memref_squeeze %dma_start3A_2629 : memref<1x32x128xf32, #tpu.memory_space<vmem>> -> memref<32x128xf32, #tpu.memory_space<vmem>>
      %dma_start3A_2631 = arith.constant 0 : i32
      %dma_start3A_2632 = tpu.memref_slice %arg5[%dma_start3A_2631, %multiple_of3A_2606] : memref<32x1000000xf32, #tpu.memory_space<hbm>> -> memref<32x128xf32, #tpu.memory_space<hbm>>
      tpu.enqueue_dma source(%dma_start3A_2632 : memref<32x128xf32, #tpu.memory_space<hbm>>) target(%dma_start3A_2630 : memref<32x128xf32, #tpu.memory_space<vmem>>) target_semaphore(%arg31 : memref<!tpu.dma_semaphore, #tpu.memory_space<semaphore_mem>>)
      %dma_wait3A_2633 = arith.constant 0 : i32
      %dma_wait3A_2634 = arith.constant 0 : i32
      %dma_wait3A_2635 = arith.constant 0 : i32
      %dma_wait3A_2636 = tpu.memref_slice %arg11[%dma_wait3A_2633, %dma_wait3A_2634, %dma_wait3A_2635] : memref<8x32x128xf32, #tpu.memory_space<vmem>> -> memref<1x32x128xf32, #tpu.memory_space<vmem>>
      %dma_wait3A_2637 = tpu.memref_squeeze %dma_wait3A_2636 : memref<1x32x128xf32, #tpu.memory_space<vmem>> -> memref<32x128xf32, #tpu.memory_space<vmem>>
      %dma_wait3A_2638 = arith.constant 0 : i32
      %dma_wait3A_2639 = arith.constant 0 : i32
      %dma_wait3A_2640 = tpu.memref_slice %arg4[%dma_wait3A_2638, %dma_wait3A_2639] : memref<32x1000000xf32, #tpu.memory_space<hbm>> -> memref<32x128xf32, #tpu.memory_space<hbm>>
      %dma_wait3A_2641 = arith.constant 0 : i32
      %dma_wait3A_2642 = arith.constant 0 : i32
      %dma_wait3A_2643 = tpu.memref_slice %arg11[%dma_wait3A_2633, %dma_wait3A_2641, %dma_wait3A_2642] : memref<8x32x128xf32, #tpu.memory_space<vmem>> -> memref<1x32x128xf32, #tpu.memory_space<vmem>>
      %dma_wait3A_2644 = tpu.memref_squeeze %dma_wait3A_2643 : memref<1x32x128xf32, #tpu.memory_space<vmem>> -> memref<32x128xf32, #tpu.memory_space<vmem>>
      %dma_wait3A_2645 = arith.constant 0 : i32
      %dma_wait3A_2646 = arith.constant 0 : i32
      %dma_wait3A_2647 = tpu.memref_slice %arg4[%dma_wait3A_2645, %dma_wait3A_2646] : memref<32x1000000xf32, #tpu.memory_space<hbm>> -> memref<32x128xf32, #tpu.memory_space<hbm>>
      tpu.wait_dma2 semaphore(%arg16 : memref<!tpu.dma_semaphore, #tpu.memory_space<semaphore_mem>>) src(%dma_wait3A_2647 : memref<32x128xf32, #tpu.memory_space<hbm>>) dst(%dma_wait3A_2644 : memref<32x128xf32, #tpu.memory_space<vmem>>)
      %dma_wait3A_2648 = arith.constant 0 : i32
      %dma_wait3A_2649 = arith.constant 0 : i32
      %dma_wait3A_2650 = arith.constant 0 : i32
      %dma_wait3A_2651 = tpu.memref_slice %arg12[%dma_wait3A_2648, %dma_wait3A_2649, %dma_wait3A_2650] : memref<8x32x128xf32, #tpu.memory_space<vmem>> -> memref<1x32x128xf32, #tpu.memory_space<vmem>>
      %dma_wait3A_2652 = tpu.memref_squeeze %dma_wait3A_2651 : memref<1x32x128xf32, #tpu.memory_space<vmem>> -> memref<32x128xf32, #tpu.memory_space<vmem>>
      %dma_wait3A_2653 = arith.constant 0 : i32
      %dma_wait3A_2654 = arith.constant 0 : i32
      %dma_wait3A_2655 = tpu.memref_slice %arg5[%dma_wait3A_2653, %dma_wait3A_2654] : memref<32x1000000xf32, #tpu.memory_space<hbm>> -> memref<32x128xf32, #tpu.memory_space<hbm>>
      %dma_wait3A_2656 = arith.constant 0 : i32
      %dma_wait3A_2657 = arith.constant 0 : i32
      %dma_wait3A_2658 = tpu.memref_slice %arg12[%dma_wait3A_2648, %dma_wait3A_2656, %dma_wait3A_2657] : memref<8x32x128xf32, #tpu.memory_space<vmem>> -> memref<1x32x128xf32, #tpu.memory_space<vmem>>
      %dma_wait3A_2659 = tpu.memref_squeeze %dma_wait3A_2658 : memref<1x32x128xf32, #tpu.memory_space<vmem>> -> memref<32x128xf32, #tpu.memory_space<vmem>>
      %dma_wait3A_2660 = arith.constant 0 : i32
      %dma_wait3A_2661 = arith.constant 0 : i32
      %dma_wait3A_2662 = tpu.memref_slice %arg5[%dma_wait3A_2660, %dma_wait3A_2661] : memref<32x1000000xf32, #tpu.memory_space<hbm>> -> memref<32x128xf32, #tpu.memory_space<hbm>>
      tpu.wait_dma2 semaphore(%arg24 : memref<!tpu.dma_semaphore, #tpu.memory_space<semaphore_mem>>) src(%dma_wait3A_2662 : memref<32x128xf32, #tpu.memory_space<hbm>>) dst(%dma_wait3A_2659 : memref<32x128xf32, #tpu.memory_space<vmem>>)
      %slice3A_2663 = vector.extract_strided_slice %get3A_1077 {offsets = [8], sizes = [1], strides = [1]} : vector<16xi32> to vector<1xi32>
      %squeeze3A_2664 = vector.extract %slice3A_2663[0] : i32 from vector<1xi32>
      %slice3A_2665 = vector.extract_strided_slice %get3A_1079 {offsets = [8], sizes = [1], strides = [1]} : vector<16xi32> to vector<1xi32>
      %squeeze3A_2666 = vector.extract %slice3A_2665[0] : i32 from vector<1xi32>
      %jit3A_2667 = arith.constant 128 : i32
      %eq3A_2668 = arith.constant 0 : i32
      %eq3A_2669 = arith.cmpi eq, %jit3A_2667, %eq3A_2668 : i32
      %jit3A_2670 = arith.constant 1 : i32
      %select_n3A_2671 = arith.select %eq3A_2669, %jit3A_2670, %jit3A_2667 : i32
      %rem3A_2672 = arith.remsi %squeeze3A_2664, %select_n3A_2671 : i32
      %ne3A_2673 = arith.constant 0 : i32
      %ne3A_2674 = arith.cmpi ne, %rem3A_2672, %ne3A_2673 : i32
      %lt3A_2675 = arith.constant 0 : i32
      %lt3A_2676 = arith.cmpi slt, %rem3A_2672, %lt3A_2675 : i32
      %lt3A_2677 = arith.constant 0 : i32
      %lt3A_2678 = arith.cmpi slt, %select_n3A_2671, %lt3A_2677 : i32
      %ne3A_2679 = arith.xori %lt3A_2676, %lt3A_2678 : i1
      %and3A_2680 = arith.andi %ne3A_2679, %ne3A_2674 : i1
      %add3A_2681 = arith.addi %rem3A_2672, %select_n3A_2671 : i32
      %select_n3A_2682 = arith.select %and3A_2680, %add3A_2681, %rem3A_2672 : i32
      %broadcast_in_dim3A_2683 = vector.broadcast %select_n3A_2682 : i32 to vector<16xi32>
      %jit3A_2684 = arith.constant 128 : i32
      %eq3A_2685 = arith.constant 0 : i32
      %eq3A_2686 = arith.cmpi eq, %jit3A_2684, %eq3A_2685 : i32
      %jit3A_2687 = arith.constant 1 : i32
      %select_n3A_2688 = arith.select %eq3A_2686, %jit3A_2687, %jit3A_2684 : i32
      %rem3A_2689 = arith.remsi %squeeze3A_2666, %select_n3A_2688 : i32
      %ne3A_2690 = arith.constant 0 : i32
      %ne3A_2691 = arith.cmpi ne, %rem3A_2689, %ne3A_2690 : i32
      %lt3A_2692 = arith.constant 0 : i32
      %lt3A_2693 = arith.cmpi slt, %rem3A_2689, %lt3A_2692 : i32
      %lt3A_2694 = arith.constant 0 : i32
      %lt3A_2695 = arith.cmpi slt, %select_n3A_2688, %lt3A_2694 : i32
      %ne3A_2696 = arith.xori %lt3A_2693, %lt3A_2695 : i1
      %and3A_2697 = arith.andi %ne3A_2696, %ne3A_2691 : i1
      %add3A_2698 = arith.addi %rem3A_2689, %select_n3A_2688 : i32
      %select_n3A_2699 = arith.select %and3A_2697, %add3A_2698, %rem3A_2689 : i32
      %broadcast_in_dim3A_2700 = vector.broadcast %select_n3A_2699 : i32 to vector<16xi32>
      %gather3A_2701 = arith.constant 0 : i32
      %gather3A_2702 = arith.constant 0 : i32
      %gather3A_2703 = arith.constant 0 : i32
      %gather3A_2704 = tpu.memref_slice %arg11[%gather3A_2701, %gather3A_2702, %gather3A_2703] : memref<8x32x128xf32, #tpu.memory_space<vmem>> -> memref<1x32x128xf32, #tpu.memory_space<vmem>>
      %gather3A_2705 = tpu.memref_squeeze %gather3A_2704 : memref<1x32x128xf32, #tpu.memory_space<vmem>> -> memref<32x128xf32, #tpu.memory_space<vmem>>
      %gather3A_2706 = tpu.vector_load_idx %gather3A_2705[%iota3A, %broadcast_in_dim3A_2683] : memref<32x128xf32, #tpu.memory_space<vmem>>[vector<16xi32>, vector<16xi32>], vector<16xf32>,
      %add3A_2707 = arith.constant 16 : i32
      %add3A_2708 = vector.broadcast %add3A_2707 : i32 to vector<16xi32>
      %add3A_2709 = arith.addi %iota3A, %add3A_2708 : vector<16xi32>
      %gather3A_2710 = arith.constant 0 : i32
      %gather3A_2711 = arith.constant 0 : i32
      %gather3A_2712 = arith.constant 0 : i32
      %gather3A_2713 = tpu.memref_slice %arg11[%gather3A_2710, %gather3A_2711, %gather3A_2712] : memref<8x32x128xf32, #tpu.memory_space<vmem>> -> memref<1x32x128xf32, #tpu.memory_space<vmem>>
      %gather3A_2714 = tpu.memref_squeeze %gather3A_2713 : memref<1x32x128xf32, #tpu.memory_space<vmem>> -> memref<32x128xf32, #tpu.memory_space<vmem>>
      %gather3A_2715 = tpu.vector_load_idx %gather3A_2714[%add3A_2709, %broadcast_in_dim3A_2683] : memref<32x128xf32, #tpu.memory_space<vmem>>[vector<16xi32>, vector<16xi32>], vector<16xf32>,
      %gather3A_2716 = arith.constant 0 : i32
      %gather3A_2717 = arith.constant 0 : i32
      %gather3A_2718 = arith.constant 0 : i32
      %gather3A_2719 = tpu.memref_slice %arg12[%gather3A_2716, %gather3A_2717, %gather3A_2718] : memref<8x32x128xf32, #tpu.memory_space<vmem>> -> memref<1x32x128xf32, #tpu.memory_space<vmem>>
      %gather3A_2720 = tpu.memref_squeeze %gather3A_2719 : memref<1x32x128xf32, #tpu.memory_space<vmem>> -> memref<32x128xf32, #tpu.memory_space<vmem>>
      %gather3A_2721 = tpu.vector_load_idx %gather3A_2720[%iota3A, %broadcast_in_dim3A_2700] : memref<32x128xf32, #tpu.memory_space<vmem>>[vector<16xi32>, vector<16xi32>], vector<16xf32>,
      %add3A_2722 = arith.constant 16 : i32
      %add3A_2723 = vector.broadcast %add3A_2722 : i32 to vector<16xi32>
      %add3A_2724 = arith.addi %iota3A, %add3A_2723 : vector<16xi32>
      %gather3A_2725 = arith.constant 0 : i32
      %gather3A_2726 = arith.constant 0 : i32
      %gather3A_2727 = arith.constant 0 : i32
      %gather3A_2728 = tpu.memref_slice %arg12[%gather3A_2725, %gather3A_2726, %gather3A_2727] : memref<8x32x128xf32, #tpu.memory_space<vmem>> -> memref<1x32x128xf32, #tpu.memory_space<vmem>>
      %gather3A_2729 = tpu.memref_squeeze %gather3A_2728 : memref<1x32x128xf32, #tpu.memory_space<vmem>> -> memref<32x128xf32, #tpu.memory_space<vmem>>
      %gather3A_2730 = tpu.vector_load_idx %gather3A_2729[%add3A_2724, %broadcast_in_dim3A_2700] : memref<32x128xf32, #tpu.memory_space<vmem>>[vector<16xi32>, vector<16xi32>], vector<16xf32>,
      %mul3A_2731 = arith.mulf %gather3A_2706, %gather3A_2721 : vector<16xf32>
      %mul3A_2732 = arith.mulf %gather3A_2715, %gather3A_2730 : vector<16xf32>
      %add3A_2733 = arith.addf %mul3A_2731, %mul3A_2732 : vector<16xf32>
      %reduce_sum3A_2734 = arith.constant true
      %reduce_sum3A_2735 = vector.broadcast %reduce_sum3A_2734 : i1 to vector<16xi1>
      %reduce_sum3A_2736 = tpu.scan <sum>, %add3A_2733 masked %reduce_sum3A_2735 : vector<16xf32>, vector<16xi1> -> vector<16xf32>
      %reduce_sum3A_2737 = vector.extract %reduce_sum3A_2736[15] : f32 from vector<16xf32>
      %eq3A_2738 = arith.constant 8 : i32
      %eq3A_2739 = vector.broadcast %eq3A_2738 : i32 to vector<16xi32>
      %eq3A_2740 = arith.cmpi eq, %iota3A, %eq3A_2739 : vector<16xi32>
      %broadcast_in_dim3A_2741 = vector.broadcast %reduce_sum3A_2737 : f32 to vector<16xf32>
      %select_n3A_2742 = arith.select %eq3A_2740, %broadcast_in_dim3A_2741, %select_n3A_2548 : vector<16xi1>, vector<16xf32>
      %slice3A_2743 = vector.extract_strided_slice %get3A_1081 {offsets = [0], sizes = [1], strides = [1]} : vector<16xi32> to vector<1xi32>
      %squeeze3A_2744 = vector.extract %slice3A_2743[0] : i32 from vector<1xi32>
      %slice3A_2745 = vector.extract_strided_slice %get3A_1083 {offsets = [0], sizes = [1], strides = [1]} : vector<16xi32> to vector<1xi32>
      %squeeze3A_2746 = vector.extract %slice3A_2745[0] : i32 from vector<1xi32>
      %jit3A_2747 = arith.constant 128 : i32
      %div3A_2748 = arith.divsi %squeeze3A_2744, %jit3A_2747 : i32
      %sign3A_2749 = arith.constant 0 : i32
      %sign3A_2750 = arith.cmpi sgt, %squeeze3A_2744, %sign3A_2749 : i32
      %sign3A_2751 = arith.extui %sign3A_2750 : i1 to i32
      %sign3A_2752 = arith.constant 0 : i32
      %sign3A_2753 = arith.cmpi slt, %squeeze3A_2744, %sign3A_2752 : i32
      %sign3A_2754 = arith.extui %sign3A_2753 : i1 to i32
      %sign3A_2755 = arith.subi %sign3A_2751, %sign3A_2754 : i32
      %sign3A_2756 = arith.constant 0 : i32
      %sign3A_2757 = arith.cmpi sgt, %jit3A_2747, %sign3A_2756 : i32
      %sign3A_2758 = arith.extui %sign3A_2757 : i1 to i32
      %sign3A_2759 = arith.constant 0 : i32
      %sign3A_2760 = arith.cmpi slt, %jit3A_2747, %sign3A_2759 : i32
      %sign3A_2761 = arith.extui %sign3A_2760 : i1 to i32
      %sign3A_2762 = arith.subi %sign3A_2758, %sign3A_2761 : i32
      %ne3A_2763 = arith.cmpi ne, %sign3A_2755, %sign3A_2762 : i32
      %rem3A_2764 = arith.remsi %squeeze3A_2744, %jit3A_2747 : i32
      %ne3A_2765 = arith.constant 0 : i32
      %ne3A_2766 = arith.cmpi ne, %rem3A_2764, %ne3A_2765 : i32
      %and3A_2767 = arith.andi %ne3A_2763, %ne3A_2766 : i1
      %sub3A_2768 = arith.constant 1 : i32
      %sub3A_2769 = arith.subi %div3A_2748, %sub3A_2768 : i32
      %select_n3A_2770 = arith.select %and3A_2767, %sub3A_2769, %div3A_2748 : i32
      %mul3A_2771 = arith.constant 128 : i32
      %mul3A_2772 = arith.muli %select_n3A_2770, %mul3A_2771 : i32
      %multiple_of3A_2773 = tpu.assume_multiple %mul3A_2772, 128 : i32
      %jit3A_2774 = arith.constant 128 : i32
      %div3A_2775 = arith.divsi %squeeze3A_2746, %jit3A_2774 : i32
      %sign3A_2776 = arith.constant 0 : i32
      %sign3A_2777 = arith.cmpi sgt, %squeeze3A_2746, %sign3A_2776 : i32
      %sign3A_2778 = arith.extui %sign3A_2777 : i1 to i32
      %sign3A_2779 = arith.constant 0 : i32
      %sign3A_2780 = arith.cmpi slt, %squeeze3A_2746, %sign3A_2779 : i32
      %sign3A_2781 = arith.extui %sign3A_2780 : i1 to i32
      %sign3A_2782 = arith.subi %sign3A_2778, %sign3A_2781 : i32
      %sign3A_2783 = arith.constant 0 : i32
      %sign3A_2784 = arith.cmpi sgt, %jit3A_2774, %sign3A_2783 : i32
      %sign3A_2785 = arith.extui %sign3A_2784 : i1 to i32
      %sign3A_2786 = arith.constant 0 : i32
      %sign3A_2787 = arith.cmpi slt, %jit3A_2774, %sign3A_2786 : i32
      %sign3A_2788 = arith.extui %sign3A_2787 : i1 to i32
      %sign3A_2789 = arith.subi %sign3A_2785, %sign3A_2788 : i32
      %ne3A_2790 = arith.cmpi ne, %sign3A_2782, %sign3A_2789 : i32
      %rem3A_2791 = arith.remsi %squeeze3A_2746, %jit3A_2774 : i32
      %ne3A_2792 = arith.constant 0 : i32
      %ne3A_2793 = arith.cmpi ne, %rem3A_2791, %ne3A_2792 : i32
      %and3A_2794 = arith.andi %ne3A_2790, %ne3A_2793 : i1
      %sub3A_2795 = arith.constant 1 : i32
      %sub3A_2796 = arith.subi %div3A_2775, %sub3A_2795 : i32
      %select_n3A_2797 = arith.select %and3A_2794, %sub3A_2796, %div3A_2775 : i32
      %mul3A_2798 = arith.constant 128 : i32
      %mul3A_2799 = arith.muli %select_n3A_2797, %mul3A_2798 : i32
      %multiple_of3A_2800 = tpu.assume_multiple %mul3A_2799, 128 : i32
      %dma_start3A_2801 = arith.constant 0 : i32
      %dma_start3A_2802 = arith.constant 0 : i32
      %dma_start3A_2803 = arith.constant 0 : i32
      %dma_start3A_2804 = tpu.memref_slice %arg11[%dma_start3A_2801, %dma_start3A_2802, %dma_start3A_2803] : memref<8x32x128xf32, #tpu.memory_space<vmem>> -> memref<1x32x128xf32, #tpu.memory_space<vmem>>
      %dma_start3A_2805 = tpu.memref_squeeze %dma_start3A_2804 : memref<1x32x128xf32, #tpu.memory_space<vmem>> -> memref<32x128xf32, #tpu.memory_space<vmem>>
      %dma_start3A_2806 = arith.constant 0 : i32
      %dma_start3A_2807 = tpu.memref_slice %arg4[%dma_start3A_2806, %multiple_of3A_2773] : memref<32x1000000xf32, #tpu.memory_space<hbm>> -> memref<32x128xf32, #tpu.memory_space<hbm>>
      %dma_start3A_2808 = arith.constant 0 : i32
      %dma_start3A_2809 = arith.constant 0 : i32
      %dma_start3A_2810 = tpu.memref_slice %arg11[%dma_start3A_2801, %dma_start3A_2808, %dma_start3A_2809] : memref<8x32x128xf32, #tpu.memory_space<vmem>> -> memref<1x32x128xf32, #tpu.memory_space<vmem>>
      %dma_start3A_2811 = tpu.memref_squeeze %dma_start3A_2810 : memref<1x32x128xf32, #tpu.memory_space<vmem>> -> memref<32x128xf32, #tpu.memory_space<vmem>>
      %dma_start3A_2812 = arith.constant 0 : i32
      %dma_start3A_2813 = tpu.memref_slice %arg4[%dma_start3A_2812, %multiple_of3A_2773] : memref<32x1000000xf32, #tpu.memory_space<hbm>> -> memref<32x128xf32, #tpu.memory_space<hbm>>
      tpu.enqueue_dma source(%dma_start3A_2813 : memref<32x128xf32, #tpu.memory_space<hbm>>) target(%dma_start3A_2811 : memref<32x128xf32, #tpu.memory_space<vmem>>) target_semaphore(%arg16 : memref<!tpu.dma_semaphore, #tpu.memory_space<semaphore_mem>>)
      %dma_start3A_2814 = arith.constant 0 : i32
      %dma_start3A_2815 = arith.constant 0 : i32
      %dma_start3A_2816 = arith.constant 0 : i32
      %dma_start3A_2817 = tpu.memref_slice %arg12[%dma_start3A_2814, %dma_start3A_2815, %dma_start3A_2816] : memref<8x32x128xf32, #tpu.memory_space<vmem>> -> memref<1x32x128xf32, #tpu.memory_space<vmem>>
      %dma_start3A_2818 = tpu.memref_squeeze %dma_start3A_2817 : memref<1x32x128xf32, #tpu.memory_space<vmem>> -> memref<32x128xf32, #tpu.memory_space<vmem>>
      %dma_start3A_2819 = arith.constant 0 : i32
      %dma_start3A_2820 = tpu.memref_slice %arg5[%dma_start3A_2819, %multiple_of3A_2800] : memref<32x1000000xf32, #tpu.memory_space<hbm>> -> memref<32x128xf32, #tpu.memory_space<hbm>>
      %dma_start3A_2821 = arith.constant 0 : i32
      %dma_start3A_2822 = arith.constant 0 : i32
      %dma_start3A_2823 = tpu.memref_slice %arg12[%dma_start3A_2814, %dma_start3A_2821, %dma_start3A_2822] : memref<8x32x128xf32, #tpu.memory_space<vmem>> -> memref<1x32x128xf32, #tpu.memory_space<vmem>>
      %dma_start3A_2824 = tpu.memref_squeeze %dma_start3A_2823 : memref<1x32x128xf32, #tpu.memory_space<vmem>> -> memref<32x128xf32, #tpu.memory_space<vmem>>
      %dma_start3A_2825 = arith.constant 0 : i32
      %dma_start3A_2826 = tpu.memref_slice %arg5[%dma_start3A_2825, %multiple_of3A_2800] : memref<32x1000000xf32, #tpu.memory_space<hbm>> -> memref<32x128xf32, #tpu.memory_space<hbm>>
      tpu.enqueue_dma source(%dma_start3A_2826 : memref<32x128xf32, #tpu.memory_space<hbm>>) target(%dma_start3A_2824 : memref<32x128xf32, #tpu.memory_space<vmem>>) target_semaphore(%arg24 : memref<!tpu.dma_semaphore, #tpu.memory_space<semaphore_mem>>)
      %dma_wait3A_2827 = arith.constant 1 : i32
      %dma_wait3A_2828 = arith.constant 0 : i32
      %dma_wait3A_2829 = arith.constant 0 : i32
      %dma_wait3A_2830 = tpu.memref_slice %arg11[%dma_wait3A_2827, %dma_wait3A_2828, %dma_wait3A_2829] : memref<8x32x128xf32, #tpu.memory_space<vmem>> -> memref<1x32x128xf32, #tpu.memory_space<vmem>>
      %dma_wait3A_2831 = tpu.memref_squeeze %dma_wait3A_2830 : memref<1x32x128xf32, #tpu.memory_space<vmem>> -> memref<32x128xf32, #tpu.memory_space<vmem>>
      %dma_wait3A_2832 = arith.constant 0 : i32
      %dma_wait3A_2833 = arith.constant 0 : i32
      %dma_wait3A_2834 = tpu.memref_slice %arg4[%dma_wait3A_2832, %dma_wait3A_2833] : memref<32x1000000xf32, #tpu.memory_space<hbm>> -> memref<32x128xf32, #tpu.memory_space<hbm>>
      %dma_wait3A_2835 = arith.constant 0 : i32
      %dma_wait3A_2836 = arith.constant 0 : i32
      %dma_wait3A_2837 = tpu.memref_slice %arg11[%dma_wait3A_2827, %dma_wait3A_2835, %dma_wait3A_2836] : memref<8x32x128xf32, #tpu.memory_space<vmem>> -> memref<1x32x128xf32, #tpu.memory_space<vmem>>
      %dma_wait3A_2838 = tpu.memref_squeeze %dma_wait3A_2837 : memref<1x32x128xf32, #tpu.memory_space<vmem>> -> memref<32x128xf32, #tpu.memory_space<vmem>>
      %dma_wait3A_2839 = arith.constant 0 : i32
      %dma_wait3A_2840 = arith.constant 0 : i32
      %dma_wait3A_2841 = tpu.memref_slice %arg4[%dma_wait3A_2839, %dma_wait3A_2840] : memref<32x1000000xf32, #tpu.memory_space<hbm>> -> memref<32x128xf32, #tpu.memory_space<hbm>>
      tpu.wait_dma2 semaphore(%arg17 : memref<!tpu.dma_semaphore, #tpu.memory_space<semaphore_mem>>) src(%dma_wait3A_2841 : memref<32x128xf32, #tpu.memory_space<hbm>>) dst(%dma_wait3A_2838 : memref<32x128xf32, #tpu.memory_space<vmem>>)
      %dma_wait3A_2842 = arith.constant 1 : i32
      %dma_wait3A_2843 = arith.constant 0 : i32
      %dma_wait3A_2844 = arith.constant 0 : i32
      %dma_wait3A_2845 = tpu.memref_slice %arg12[%dma_wait3A_2842, %dma_wait3A_2843, %dma_wait3A_2844] : memref<8x32x128xf32, #tpu.memory_space<vmem>> -> memref<1x32x128xf32, #tpu.memory_space<vmem>>
      %dma_wait3A_2846 = tpu.memref_squeeze %dma_wait3A_2845 : memref<1x32x128xf32, #tpu.memory_space<vmem>> -> memref<32x128xf32, #tpu.memory_space<vmem>>
      %dma_wait3A_2847 = arith.constant 0 : i32
      %dma_wait3A_2848 = arith.constant 0 : i32
      %dma_wait3A_2849 = tpu.memref_slice %arg5[%dma_wait3A_2847, %dma_wait3A_2848] : memref<32x1000000xf32, #tpu.memory_space<hbm>> -> memref<32x128xf32, #tpu.memory_space<hbm>>
      %dma_wait3A_2850 = arith.constant 0 : i32
      %dma_wait3A_2851 = arith.constant 0 : i32
      %dma_wait3A_2852 = tpu.memref_slice %arg12[%dma_wait3A_2842, %dma_wait3A_2850, %dma_wait3A_2851] : memref<8x32x128xf32, #tpu.memory_space<vmem>> -> memref<1x32x128xf32, #tpu.memory_space<vmem>>
      %dma_wait3A_2853 = tpu.memref_squeeze %dma_wait3A_2852 : memref<1x32x128xf32, #tpu.memory_space<vmem>> -> memref<32x128xf32, #tpu.memory_space<vmem>>
      %dma_wait3A_2854 = arith.constant 0 : i32
      %dma_wait3A_2855 = arith.constant 0 : i32
      %dma_wait3A_2856 = tpu.memref_slice %arg5[%dma_wait3A_2854, %dma_wait3A_2855] : memref<32x1000000xf32, #tpu.memory_space<hbm>> -> memref<32x128xf32, #tpu.memory_space<hbm>>
      tpu.wait_dma2 semaphore(%arg25 : memref<!tpu.dma_semaphore, #tpu.memory_space<semaphore_mem>>) src(%dma_wait3A_2856 : memref<32x128xf32, #tpu.memory_space<hbm>>) dst(%dma_wait3A_2853 : memref<32x128xf32, #tpu.memory_space<vmem>>)
      %slice3A_2857 = vector.extract_strided_slice %get3A_1077 {offsets = [9], sizes = [1], strides = [1]} : vector<16xi32> to vector<1xi32>
      %squeeze3A_2858 = vector.extract %slice3A_2857[0] : i32 from vector<1xi32>
      %slice3A_2859 = vector.extract_strided_slice %get3A_1079 {offsets = [9], sizes = [1], strides = [1]} : vector<16xi32> to vector<1xi32>
      %squeeze3A_2860 = vector.extract %slice3A_2859[0] : i32 from vector<1xi32>
      %jit3A_2861 = arith.constant 128 : i32
      %eq3A_2862 = arith.constant 0 : i32
      %eq3A_2863 = arith.cmpi eq, %jit3A_2861, %eq3A_2862 : i32
      %jit3A_2864 = arith.constant 1 : i32
      %select_n3A_2865 = arith.select %eq3A_2863, %jit3A_2864, %jit3A_2861 : i32
      %rem3A_2866 = arith.remsi %squeeze3A_2858, %select_n3A_2865 : i32
      %ne3A_2867 = arith.constant 0 : i32
      %ne3A_2868 = arith.cmpi ne, %rem3A_2866, %ne3A_2867 : i32
      %lt3A_2869 = arith.constant 0 : i32
      %lt3A_2870 = arith.cmpi slt, %rem3A_2866, %lt3A_2869 : i32
      %lt3A_2871 = arith.constant 0 : i32
      %lt3A_2872 = arith.cmpi slt, %select_n3A_2865, %lt3A_2871 : i32
      %ne3A_2873 = arith.xori %lt3A_2870, %lt3A_2872 : i1
      %and3A_2874 = arith.andi %ne3A_2873, %ne3A_2868 : i1
      %add3A_2875 = arith.addi %rem3A_2866, %select_n3A_2865 : i32
      %select_n3A_2876 = arith.select %and3A_2874, %add3A_2875, %rem3A_2866 : i32
      %broadcast_in_dim3A_2877 = vector.broadcast %select_n3A_2876 : i32 to vector<16xi32>
      %jit3A_2878 = arith.constant 128 : i32
      %eq3A_2879 = arith.constant 0 : i32
      %eq3A_2880 = arith.cmpi eq, %jit3A_2878, %eq3A_2879 : i32
      %jit3A_2881 = arith.constant 1 : i32
      %select_n3A_2882 = arith.select %eq3A_2880, %jit3A_2881, %jit3A_2878 : i32
      %rem3A_2883 = arith.remsi %squeeze3A_2860, %select_n3A_2882 : i32
      %ne3A_2884 = arith.constant 0 : i32
      %ne3A_2885 = arith.cmpi ne, %rem3A_2883, %ne3A_2884 : i32
      %lt3A_2886 = arith.constant 0 : i32
      %lt3A_2887 = arith.cmpi slt, %rem3A_2883, %lt3A_2886 : i32
      %lt3A_2888 = arith.constant 0 : i32
      %lt3A_2889 = arith.cmpi slt, %select_n3A_2882, %lt3A_2888 : i32
      %ne3A_2890 = arith.xori %lt3A_2887, %lt3A_2889 : i1
      %and3A_2891 = arith.andi %ne3A_2890, %ne3A_2885 : i1
      %add3A_2892 = arith.addi %rem3A_2883, %select_n3A_2882 : i32
      %select_n3A_2893 = arith.select %and3A_2891, %add3A_2892, %rem3A_2883 : i32
      %broadcast_in_dim3A_2894 = vector.broadcast %select_n3A_2893 : i32 to vector<16xi32>
      %gather3A_2895 = arith.constant 1 : i32
      %gather3A_2896 = arith.constant 0 : i32
      %gather3A_2897 = arith.constant 0 : i32
      %gather3A_2898 = tpu.memref_slice %arg11[%gather3A_2895, %gather3A_2896, %gather3A_2897] : memref<8x32x128xf32, #tpu.memory_space<vmem>> -> memref<1x32x128xf32, #tpu.memory_space<vmem>>
      %gather3A_2899 = tpu.memref_squeeze %gather3A_2898 : memref<1x32x128xf32, #tpu.memory_space<vmem>> -> memref<32x128xf32, #tpu.memory_space<vmem>>
      %gather3A_2900 = tpu.vector_load_idx %gather3A_2899[%iota3A, %broadcast_in_dim3A_2877] : memref<32x128xf32, #tpu.memory_space<vmem>>[vector<16xi32>, vector<16xi32>], vector<16xf32>,
      %add3A_2901 = arith.constant 16 : i32
      %add3A_2902 = vector.broadcast %add3A_2901 : i32 to vector<16xi32>
      %add3A_2903 = arith.addi %iota3A, %add3A_2902 : vector<16xi32>
      %gather3A_2904 = arith.constant 1 : i32
      %gather3A_2905 = arith.constant 0 : i32
      %gather3A_2906 = arith.constant 0 : i32
      %gather3A_2907 = tpu.memref_slice %arg11[%gather3A_2904, %gather3A_2905, %gather3A_2906] : memref<8x32x128xf32, #tpu.memory_space<vmem>> -> memref<1x32x128xf32, #tpu.memory_space<vmem>>
      %gather3A_2908 = tpu.memref_squeeze %gather3A_2907 : memref<1x32x128xf32, #tpu.memory_space<vmem>> -> memref<32x128xf32, #tpu.memory_space<vmem>>
      %gather3A_2909 = tpu.vector_load_idx %gather3A_2908[%add3A_2903, %broadcast_in_dim3A_2877] : memref<32x128xf32, #tpu.memory_space<vmem>>[vector<16xi32>, vector<16xi32>], vector<16xf32>,
      %gather3A_2910 = arith.constant 1 : i32
      %gather3A_2911 = arith.constant 0 : i32
      %gather3A_2912 = arith.constant 0 : i32
      %gather3A_2913 = tpu.memref_slice %arg12[%gather3A_2910, %gather3A_2911, %gather3A_2912] : memref<8x32x128xf32, #tpu.memory_space<vmem>> -> memref<1x32x128xf32, #tpu.memory_space<vmem>>
      %gather3A_2914 = tpu.memref_squeeze %gather3A_2913 : memref<1x32x128xf32, #tpu.memory_space<vmem>> -> memref<32x128xf32, #tpu.memory_space<vmem>>
      %gather3A_2915 = tpu.vector_load_idx %gather3A_2914[%iota3A, %broadcast_in_dim3A_2894] : memref<32x128xf32, #tpu.memory_space<vmem>>[vector<16xi32>, vector<16xi32>], vector<16xf32>,
      %add3A_2916 = arith.constant 16 : i32
      %add3A_2917 = vector.broadcast %add3A_2916 : i32 to vector<16xi32>
      %add3A_2918 = arith.addi %iota3A, %add3A_2917 : vector<16xi32>
      %gather3A_2919 = arith.constant 1 : i32
      %gather3A_2920 = arith.constant 0 : i32
      %gather3A_2921 = arith.constant 0 : i32
      %gather3A_2922 = tpu.memref_slice %arg12[%gather3A_2919, %gather3A_2920, %gather3A_2921] : memref<8x32x128xf32, #tpu.memory_space<vmem>> -> memref<1x32x128xf32, #tpu.memory_space<vmem>>
      %gather3A_2923 = tpu.memref_squeeze %gather3A_2922 : memref<1x32x128xf32, #tpu.memory_space<vmem>> -> memref<32x128xf32, #tpu.memory_space<vmem>>
      %gather3A_2924 = tpu.vector_load_idx %gather3A_2923[%add3A_2918, %broadcast_in_dim3A_2894] : memref<32x128xf32, #tpu.memory_space<vmem>>[vector<16xi32>, vector<16xi32>], vector<16xf32>,
      %mul3A_2925 = arith.mulf %gather3A_2900, %gather3A_2915 : vector<16xf32>
      %mul3A_2926 = arith.mulf %gather3A_2909, %gather3A_2924 : vector<16xf32>
      %add3A_2927 = arith.addf %mul3A_2925, %mul3A_2926 : vector<16xf32>
      %reduce_sum3A_2928 = arith.constant true
      %reduce_sum3A_2929 = vector.broadcast %reduce_sum3A_2928 : i1 to vector<16xi1>
      %reduce_sum3A_2930 = tpu.scan <sum>, %add3A_2927 masked %reduce_sum3A_2929 : vector<16xf32>, vector<16xi1> -> vector<16xf32>
      %reduce_sum3A_2931 = vector.extract %reduce_sum3A_2930[15] : f32 from vector<16xf32>
      %eq3A_2932 = arith.constant 9 : i32
      %eq3A_2933 = vector.broadcast %eq3A_2932 : i32 to vector<16xi32>
      %eq3A_2934 = arith.cmpi eq, %iota3A, %eq3A_2933 : vector<16xi32>
      %broadcast_in_dim3A_2935 = vector.broadcast %reduce_sum3A_2931 : f32 to vector<16xf32>
      %select_n3A_2936 = arith.select %eq3A_2934, %broadcast_in_dim3A_2935, %select_n3A_2742 : vector<16xi1>, vector<16xf32>
      %slice3A_2937 = vector.extract_strided_slice %get3A_1081 {offsets = [1], sizes = [1], strides = [1]} : vector<16xi32> to vector<1xi32>
      %squeeze3A_2938 = vector.extract %slice3A_2937[0] : i32 from vector<1xi32>
      %slice3A_2939 = vector.extract_strided_slice %get3A_1083 {offsets = [1], sizes = [1], strides = [1]} : vector<16xi32> to vector<1xi32>
      %squeeze3A_2940 = vector.extract %slice3A_2939[0] : i32 from vector<1xi32>
      %jit3A_2941 = arith.constant 128 : i32
      %div3A_2942 = arith.divsi %squeeze3A_2938, %jit3A_2941 : i32
      %sign3A_2943 = arith.constant 0 : i32
      %sign3A_2944 = arith.cmpi sgt, %squeeze3A_2938, %sign3A_2943 : i32
      %sign3A_2945 = arith.extui %sign3A_2944 : i1 to i32
      %sign3A_2946 = arith.constant 0 : i32
      %sign3A_2947 = arith.cmpi slt, %squeeze3A_2938, %sign3A_2946 : i32
      %sign3A_2948 = arith.extui %sign3A_2947 : i1 to i32
      %sign3A_2949 = arith.subi %sign3A_2945, %sign3A_2948 : i32
      %sign3A_2950 = arith.constant 0 : i32
      %sign3A_2951 = arith.cmpi sgt, %jit3A_2941, %sign3A_2950 : i32
      %sign3A_2952 = arith.extui %sign3A_2951 : i1 to i32
      %sign3A_2953 = arith.constant 0 : i32
      %sign3A_2954 = arith.cmpi slt, %jit3A_2941, %sign3A_2953 : i32
      %sign3A_2955 = arith.extui %sign3A_2954 : i1 to i32
      %sign3A_2956 = arith.subi %sign3A_2952, %sign3A_2955 : i32
      %ne3A_2957 = arith.cmpi ne, %sign3A_2949, %sign3A_2956 : i32
      %rem3A_2958 = arith.remsi %squeeze3A_2938, %jit3A_2941 : i32
      %ne3A_2959 = arith.constant 0 : i32
      %ne3A_2960 = arith.cmpi ne, %rem3A_2958, %ne3A_2959 : i32
      %and3A_2961 = arith.andi %ne3A_2957, %ne3A_2960 : i1
      %sub3A_2962 = arith.constant 1 : i32
      %sub3A_2963 = arith.subi %div3A_2942, %sub3A_2962 : i32
      %select_n3A_2964 = arith.select %and3A_2961, %sub3A_2963, %div3A_2942 : i32
      %mul3A_2965 = arith.constant 128 : i32
      %mul3A_2966 = arith.muli %select_n3A_2964, %mul3A_2965 : i32
      %multiple_of3A_2967 = tpu.assume_multiple %mul3A_2966, 128 : i32
      %jit3A_2968 = arith.constant 128 : i32
      %div3A_2969 = arith.divsi %squeeze3A_2940, %jit3A_2968 : i32
      %sign3A_2970 = arith.constant 0 : i32
      %sign3A_2971 = arith.cmpi sgt, %squeeze3A_2940, %sign3A_2970 : i32
      %sign3A_2972 = arith.extui %sign3A_2971 : i1 to i32
      %sign3A_2973 = arith.constant 0 : i32
      %sign3A_2974 = arith.cmpi slt, %squeeze3A_2940, %sign3A_2973 : i32
      %sign3A_2975 = arith.extui %sign3A_2974 : i1 to i32
      %sign3A_2976 = arith.subi %sign3A_2972, %sign3A_2975 : i32
      %sign3A_2977 = arith.constant 0 : i32
      %sign3A_2978 = arith.cmpi sgt, %jit3A_2968, %sign3A_2977 : i32
      %sign3A_2979 = arith.extui %sign3A_2978 : i1 to i32
      %sign3A_2980 = arith.constant 0 : i32
      %sign3A_2981 = arith.cmpi slt, %jit3A_2968, %sign3A_2980 : i32
      %sign3A_2982 = arith.extui %sign3A_2981 : i1 to i32
      %sign3A_2983 = arith.subi %sign3A_2979, %sign3A_2982 : i32
      %ne3A_2984 = arith.cmpi ne, %sign3A_2976, %sign3A_2983 : i32
      %rem3A_2985 = arith.remsi %squeeze3A_2940, %jit3A_2968 : i32
      %ne3A_2986 = arith.constant 0 : i32
      %ne3A_2987 = arith.cmpi ne, %rem3A_2985, %ne3A_2986 : i32
      %and3A_2988 = arith.andi %ne3A_2984, %ne3A_2987 : i1
      %sub3A_2989 = arith.constant 1 : i32
      %sub3A_2990 = arith.subi %div3A_2969, %sub3A_2989 : i32
      %select_n3A_2991 = arith.select %and3A_2988, %sub3A_2990, %div3A_2969 : i32
      %mul3A_2992 = arith.constant 128 : i32
      %mul3A_2993 = arith.muli %select_n3A_2991, %mul3A_2992 : i32
      %multiple_of3A_2994 = tpu.assume_multiple %mul3A_2993, 128 : i32
      %dma_start3A_2995 = arith.constant 1 : i32
      %dma_start3A_2996 = arith.constant 0 : i32
      %dma_start3A_2997 = arith.constant 0 : i32
      %dma_start3A_2998 = tpu.memref_slice %arg11[%dma_start3A_2995, %dma_start3A_2996, %dma_start3A_2997] : memref<8x32x128xf32, #tpu.memory_space<vmem>> -> memref<1x32x128xf32, #tpu.memory_space<vmem>>
      %dma_start3A_2999 = tpu.memref_squeeze %dma_start3A_2998 : memref<1x32x128xf32, #tpu.memory_space<vmem>> -> memref<32x128xf32, #tpu.memory_space<vmem>>
      %dma_start3A_3000 = arith.constant 0 : i32
      %dma_start3A_3001 = tpu.memref_slice %arg4[%dma_start3A_3000, %multiple_of3A_2967] : memref<32x1000000xf32, #tpu.memory_space<hbm>> -> memref<32x128xf32, #tpu.memory_space<hbm>>
      %dma_start3A_3002 = arith.constant 0 : i32
      %dma_start3A_3003 = arith.constant 0 : i32
      %dma_start3A_3004 = tpu.memref_slice %arg11[%dma_start3A_2995, %dma_start3A_3002, %dma_start3A_3003] : memref<8x32x128xf32, #tpu.memory_space<vmem>> -> memref<1x32x128xf32, #tpu.memory_space<vmem>>
      %dma_start3A_3005 = tpu.memref_squeeze %dma_start3A_3004 : memref<1x32x128xf32, #tpu.memory_space<vmem>> -> memref<32x128xf32, #tpu.memory_space<vmem>>
      %dma_start3A_3006 = arith.constant 0 : i32
      %dma_start3A_3007 = tpu.memref_slice %arg4[%dma_start3A_3006, %multiple_of3A_2967] : memref<32x1000000xf32, #tpu.memory_space<hbm>> -> memref<32x128xf32, #tpu.memory_space<hbm>>
      tpu.enqueue_dma source(%dma_start3A_3007 : memref<32x128xf32, #tpu.memory_space<hbm>>) target(%dma_start3A_3005 : memref<32x128xf32, #tpu.memory_space<vmem>>) target_semaphore(%arg17 : memref<!tpu.dma_semaphore, #tpu.memory_space<semaphore_mem>>)
      %dma_start3A_3008 = arith.constant 1 : i32
      %dma_start3A_3009 = arith.constant 0 : i32
      %dma_start3A_3010 = arith.constant 0 : i32
      %dma_start3A_3011 = tpu.memref_slice %arg12[%dma_start3A_3008, %dma_start3A_3009, %dma_start3A_3010] : memref<8x32x128xf32, #tpu.memory_space<vmem>> -> memref<1x32x128xf32, #tpu.memory_space<vmem>>
      %dma_start3A_3012 = tpu.memref_squeeze %dma_start3A_3011 : memref<1x32x128xf32, #tpu.memory_space<vmem>> -> memref<32x128xf32, #tpu.memory_space<vmem>>
      %dma_start3A_3013 = arith.constant 0 : i32
      %dma_start3A_3014 = tpu.memref_slice %arg5[%dma_start3A_3013, %multiple_of3A_2994] : memref<32x1000000xf32, #tpu.memory_space<hbm>> -> memref<32x128xf32, #tpu.memory_space<hbm>>
      %dma_start3A_3015 = arith.constant 0 : i32
      %dma_start3A_3016 = arith.constant 0 : i32
      %dma_start3A_3017 = tpu.memref_slice %arg12[%dma_start3A_3008, %dma_start3A_3015, %dma_start3A_3016] : memref<8x32x128xf32, #tpu.memory_space<vmem>> -> memref<1x32x128xf32, #tpu.memory_space<vmem>>
      %dma_start3A_3018 = tpu.memref_squeeze %dma_start3A_3017 : memref<1x32x128xf32, #tpu.memory_space<vmem>> -> memref<32x128xf32, #tpu.memory_space<vmem>>
      %dma_start3A_3019 = arith.constant 0 : i32
      %dma_start3A_3020 = tpu.memref_slice %arg5[%dma_start3A_3019, %multiple_of3A_2994] : memref<32x1000000xf32, #tpu.memory_space<hbm>> -> memref<32x128xf32, #tpu.memory_space<hbm>>
      tpu.enqueue_dma source(%dma_start3A_3020 : memref<32x128xf32, #tpu.memory_space<hbm>>) target(%dma_start3A_3018 : memref<32x128xf32, #tpu.memory_space<vmem>>) target_semaphore(%arg25 : memref<!tpu.dma_semaphore, #tpu.memory_space<semaphore_mem>>)
      %dma_wait3A_3021 = arith.constant 2 : i32
      %dma_wait3A_3022 = arith.constant 0 : i32
      %dma_wait3A_3023 = arith.constant 0 : i32
      %dma_wait3A_3024 = tpu.memref_slice %arg11[%dma_wait3A_3021, %dma_wait3A_3022, %dma_wait3A_3023] : memref<8x32x128xf32, #tpu.memory_space<vmem>> -> memref<1x32x128xf32, #tpu.memory_space<vmem>>
      %dma_wait3A_3025 = tpu.memref_squeeze %dma_wait3A_3024 : memref<1x32x128xf32, #tpu.memory_space<vmem>> -> memref<32x128xf32, #tpu.memory_space<vmem>>
      %dma_wait3A_3026 = arith.constant 0 : i32
      %dma_wait3A_3027 = arith.constant 0 : i32
      %dma_wait3A_3028 = tpu.memref_slice %arg4[%dma_wait3A_3026, %dma_wait3A_3027] : memref<32x1000000xf32, #tpu.memory_space<hbm>> -> memref<32x128xf32, #tpu.memory_space<hbm>>
      %dma_wait3A_3029 = arith.constant 0 : i32
      %dma_wait3A_3030 = arith.constant 0 : i32
      %dma_wait3A_3031 = tpu.memref_slice %arg11[%dma_wait3A_3021, %dma_wait3A_3029, %dma_wait3A_3030] : memref<8x32x128xf32, #tpu.memory_space<vmem>> -> memref<1x32x128xf32, #tpu.memory_space<vmem>>
      %dma_wait3A_3032 = tpu.memref_squeeze %dma_wait3A_3031 : memref<1x32x128xf32, #tpu.memory_space<vmem>> -> memref<32x128xf32, #tpu.memory_space<vmem>>
      %dma_wait3A_3033 = arith.constant 0 : i32
      %dma_wait3A_3034 = arith.constant 0 : i32
      %dma_wait3A_3035 = tpu.memref_slice %arg4[%dma_wait3A_3033, %dma_wait3A_3034] : memref<32x1000000xf32, #tpu.memory_space<hbm>> -> memref<32x128xf32, #tpu.memory_space<hbm>>
      tpu.wait_dma2 semaphore(%arg18 : memref<!tpu.dma_semaphore, #tpu.memory_space<semaphore_mem>>) src(%dma_wait3A_3035 : memref<32x128xf32, #tpu.memory_space<hbm>>) dst(%dma_wait3A_3032 : memref<32x128xf32, #tpu.memory_space<vmem>>)
      %dma_wait3A_3036 = arith.constant 2 : i32
      %dma_wait3A_3037 = arith.constant 0 : i32
      %dma_wait3A_3038 = arith.constant 0 : i32
      %dma_wait3A_3039 = tpu.memref_slice %arg12[%dma_wait3A_3036, %dma_wait3A_3037, %dma_wait3A_3038] : memref<8x32x128xf32, #tpu.memory_space<vmem>> -> memref<1x32x128xf32, #tpu.memory_space<vmem>>
      %dma_wait3A_3040 = tpu.memref_squeeze %dma_wait3A_3039 : memref<1x32x128xf32, #tpu.memory_space<vmem>> -> memref<32x128xf32, #tpu.memory_space<vmem>>
      %dma_wait3A_3041 = arith.constant 0 : i32
      %dma_wait3A_3042 = arith.constant 0 : i32
      %dma_wait3A_3043 = tpu.memref_slice %arg5[%dma_wait3A_3041, %dma_wait3A_3042] : memref<32x1000000xf32, #tpu.memory_space<hbm>> -> memref<32x128xf32, #tpu.memory_space<hbm>>
      %dma_wait3A_3044 = arith.constant 0 : i32
      %dma_wait3A_3045 = arith.constant 0 : i32
      %dma_wait3A_3046 = tpu.memref_slice %arg12[%dma_wait3A_3036, %dma_wait3A_3044, %dma_wait3A_3045] : memref<8x32x128xf32, #tpu.memory_space<vmem>> -> memref<1x32x128xf32, #tpu.memory_space<vmem>>
      %dma_wait3A_3047 = tpu.memref_squeeze %dma_wait3A_3046 : memref<1x32x128xf32, #tpu.memory_space<vmem>> -> memref<32x128xf32, #tpu.memory_space<vmem>>
      %dma_wait3A_3048 = arith.constant 0 : i32
      %dma_wait3A_3049 = arith.constant 0 : i32
      %dma_wait3A_3050 = tpu.memref_slice %arg5[%dma_wait3A_3048, %dma_wait3A_3049] : memref<32x1000000xf32, #tpu.memory_space<hbm>> -> memref<32x128xf32, #tpu.memory_space<hbm>>
      tpu.wait_dma2 semaphore(%arg26 : memref<!tpu.dma_semaphore, #tpu.memory_space<semaphore_mem>>) src(%dma_wait3A_3050 : memref<32x128xf32, #tpu.memory_space<hbm>>) dst(%dma_wait3A_3047 : memref<32x128xf32, #tpu.memory_space<vmem>>)
      %slice3A_3051 = vector.extract_strided_slice %get3A_1077 {offsets = [10], sizes = [1], strides = [1]} : vector<16xi32> to vector<1xi32>
      %squeeze3A_3052 = vector.extract %slice3A_3051[0] : i32 from vector<1xi32>
      %slice3A_3053 = vector.extract_strided_slice %get3A_1079 {offsets = [10], sizes = [1], strides = [1]} : vector<16xi32> to vector<1xi32>
      %squeeze3A_3054 = vector.extract %slice3A_3053[0] : i32 from vector<1xi32>
      %jit3A_3055 = arith.constant 128 : i32
      %eq3A_3056 = arith.constant 0 : i32
      %eq3A_3057 = arith.cmpi eq, %jit3A_3055, %eq3A_3056 : i32
      %jit3A_3058 = arith.constant 1 : i32
      %select_n3A_3059 = arith.select %eq3A_3057, %jit3A_3058, %jit3A_3055 : i32
      %rem3A_3060 = arith.remsi %squeeze3A_3052, %select_n3A_3059 : i32
      %ne3A_3061 = arith.constant 0 : i32
      %ne3A_3062 = arith.cmpi ne, %rem3A_3060, %ne3A_3061 : i32
      %lt3A_3063 = arith.constant 0 : i32
      %lt3A_3064 = arith.cmpi slt, %rem3A_3060, %lt3A_3063 : i32
      %lt3A_3065 = arith.constant 0 : i32
      %lt3A_3066 = arith.cmpi slt, %select_n3A_3059, %lt3A_3065 : i32
      %ne3A_3067 = arith.xori %lt3A_3064, %lt3A_3066 : i1
      %and3A_3068 = arith.andi %ne3A_3067, %ne3A_3062 : i1
      %add3A_3069 = arith.addi %rem3A_3060, %select_n3A_3059 : i32
      %select_n3A_3070 = arith.select %and3A_3068, %add3A_3069, %rem3A_3060 : i32
      %broadcast_in_dim3A_3071 = vector.broadcast %select_n3A_3070 : i32 to vector<16xi32>
      %jit3A_3072 = arith.constant 128 : i32
      %eq3A_3073 = arith.constant 0 : i32
      %eq3A_3074 = arith.cmpi eq, %jit3A_3072, %eq3A_3073 : i32
      %jit3A_3075 = arith.constant 1 : i32
      %select_n3A_3076 = arith.select %eq3A_3074, %jit3A_3075, %jit3A_3072 : i32
      %rem3A_3077 = arith.remsi %squeeze3A_3054, %select_n3A_3076 : i32
      %ne3A_3078 = arith.constant 0 : i32
      %ne3A_3079 = arith.cmpi ne, %rem3A_3077, %ne3A_3078 : i32
      %lt3A_3080 = arith.constant 0 : i32
      %lt3A_3081 = arith.cmpi slt, %rem3A_3077, %lt3A_3080 : i32
      %lt3A_3082 = arith.constant 0 : i32
      %lt3A_3083 = arith.cmpi slt, %select_n3A_3076, %lt3A_3082 : i32
      %ne3A_3084 = arith.xori %lt3A_3081, %lt3A_3083 : i1
      %and3A_3085 = arith.andi %ne3A_3084, %ne3A_3079 : i1
      %add3A_3086 = arith.addi %rem3A_3077, %select_n3A_3076 : i32
      %select_n3A_3087 = arith.select %and3A_3085, %add3A_3086, %rem3A_3077 : i32
      %broadcast_in_dim3A_3088 = vector.broadcast %select_n3A_3087 : i32 to vector<16xi32>
      %gather3A_3089 = arith.constant 2 : i32
      %gather3A_3090 = arith.constant 0 : i32
      %gather3A_3091 = arith.constant 0 : i32
      %gather3A_3092 = tpu.memref_slice %arg11[%gather3A_3089, %gather3A_3090, %gather3A_3091] : memref<8x32x128xf32, #tpu.memory_space<vmem>> -> memref<1x32x128xf32, #tpu.memory_space<vmem>>
      %gather3A_3093 = tpu.memref_squeeze %gather3A_3092 : memref<1x32x128xf32, #tpu.memory_space<vmem>> -> memref<32x128xf32, #tpu.memory_space<vmem>>
      %gather3A_3094 = tpu.vector_load_idx %gather3A_3093[%iota3A, %broadcast_in_dim3A_3071] : memref<32x128xf32, #tpu.memory_space<vmem>>[vector<16xi32>, vector<16xi32>], vector<16xf32>,
      %add3A_3095 = arith.constant 16 : i32
      %add3A_3096 = vector.broadcast %add3A_3095 : i32 to vector<16xi32>
      %add3A_3097 = arith.addi %iota3A, %add3A_3096 : vector<16xi32>
      %gather3A_3098 = arith.constant 2 : i32
      %gather3A_3099 = arith.constant 0 : i32
      %gather3A_3100 = arith.constant 0 : i32
      %gather3A_3101 = tpu.memref_slice %arg11[%gather3A_3098, %gather3A_3099, %gather3A_3100] : memref<8x32x128xf32, #tpu.memory_space<vmem>> -> memref<1x32x128xf32, #tpu.memory_space<vmem>>
      %gather3A_3102 = tpu.memref_squeeze %gather3A_3101 : memref<1x32x128xf32, #tpu.memory_space<vmem>> -> memref<32x128xf32, #tpu.memory_space<vmem>>
      %gather3A_3103 = tpu.vector_load_idx %gather3A_3102[%add3A_3097, %broadcast_in_dim3A_3071] : memref<32x128xf32, #tpu.memory_space<vmem>>[vector<16xi32>, vector<16xi32>], vector<16xf32>,
      %gather3A_3104 = arith.constant 2 : i32
      %gather3A_3105 = arith.constant 0 : i32
      %gather3A_3106 = arith.constant 0 : i32
      %gather3A_3107 = tpu.memref_slice %arg12[%gather3A_3104, %gather3A_3105, %gather3A_3106] : memref<8x32x128xf32, #tpu.memory_space<vmem>> -> memref<1x32x128xf32, #tpu.memory_space<vmem>>
      %gather3A_3108 = tpu.memref_squeeze %gather3A_3107 : memref<1x32x128xf32, #tpu.memory_space<vmem>> -> memref<32x128xf32, #tpu.memory_space<vmem>>
      %gather3A_3109 = tpu.vector_load_idx %gather3A_3108[%iota3A, %broadcast_in_dim3A_3088] : memref<32x128xf32, #tpu.memory_space<vmem>>[vector<16xi32>, vector<16xi32>], vector<16xf32>,
      %add3A_3110 = arith.constant 16 : i32
      %add3A_3111 = vector.broadcast %add3A_3110 : i32 to vector<16xi32>
      %add3A_3112 = arith.addi %iota3A, %add3A_3111 : vector<16xi32>
      %gather3A_3113 = arith.constant 2 : i32
      %gather3A_3114 = arith.constant 0 : i32
      %gather3A_3115 = arith.constant 0 : i32
      %gather3A_3116 = tpu.memref_slice %arg12[%gather3A_3113, %gather3A_3114, %gather3A_3115] : memref<8x32x128xf32, #tpu.memory_space<vmem>> -> memref<1x32x128xf32, #tpu.memory_space<vmem>>
      %gather3A_3117 = tpu.memref_squeeze %gather3A_3116 : memref<1x32x128xf32, #tpu.memory_space<vmem>> -> memref<32x128xf32, #tpu.memory_space<vmem>>
      %gather3A_3118 = tpu.vector_load_idx %gather3A_3117[%add3A_3112, %broadcast_in_dim3A_3088] : memref<32x128xf32, #tpu.memory_space<vmem>>[vector<16xi32>, vector<16xi32>], vector<16xf32>,
      %mul3A_3119 = arith.mulf %gather3A_3094, %gather3A_3109 : vector<16xf32>
      %mul3A_3120 = arith.mulf %gather3A_3103, %gather3A_3118 : vector<16xf32>
      %add3A_3121 = arith.addf %mul3A_3119, %mul3A_3120 : vector<16xf32>
      %reduce_sum3A_3122 = arith.constant true
      %reduce_sum3A_3123 = vector.broadcast %reduce_sum3A_3122 : i1 to vector<16xi1>
      %reduce_sum3A_3124 = tpu.scan <sum>, %add3A_3121 masked %reduce_sum3A_3123 : vector<16xf32>, vector<16xi1> -> vector<16xf32>
      %reduce_sum3A_3125 = vector.extract %reduce_sum3A_3124[15] : f32 from vector<16xf32>
      %eq3A_3126 = arith.constant 10 : i32
      %eq3A_3127 = vector.broadcast %eq3A_3126 : i32 to vector<16xi32>
      %eq3A_3128 = arith.cmpi eq, %iota3A, %eq3A_3127 : vector<16xi32>
      %broadcast_in_dim3A_3129 = vector.broadcast %reduce_sum3A_3125 : f32 to vector<16xf32>
      %select_n3A_3130 = arith.select %eq3A_3128, %broadcast_in_dim3A_3129, %select_n3A_2936 : vector<16xi1>, vector<16xf32>
      %slice3A_3131 = vector.extract_strided_slice %get3A_1081 {offsets = [2], sizes = [1], strides = [1]} : vector<16xi32> to vector<1xi32>
      %squeeze3A_3132 = vector.extract %slice3A_3131[0] : i32 from vector<1xi32>
      %slice3A_3133 = vector.extract_strided_slice %get3A_1083 {offsets = [2], sizes = [1], strides = [1]} : vector<16xi32> to vector<1xi32>
      %squeeze3A_3134 = vector.extract %slice3A_3133[0] : i32 from vector<1xi32>
      %jit3A_3135 = arith.constant 128 : i32
      %div3A_3136 = arith.divsi %squeeze3A_3132, %jit3A_3135 : i32
      %sign3A_3137 = arith.constant 0 : i32
      %sign3A_3138 = arith.cmpi sgt, %squeeze3A_3132, %sign3A_3137 : i32
      %sign3A_3139 = arith.extui %sign3A_3138 : i1 to i32
      %sign3A_3140 = arith.constant 0 : i32
      %sign3A_3141 = arith.cmpi slt, %squeeze3A_3132, %sign3A_3140 : i32
      %sign3A_3142 = arith.extui %sign3A_3141 : i1 to i32
      %sign3A_3143 = arith.subi %sign3A_3139, %sign3A_3142 : i32
      %sign3A_3144 = arith.constant 0 : i32
      %sign3A_3145 = arith.cmpi sgt, %jit3A_3135, %sign3A_3144 : i32
      %sign3A_3146 = arith.extui %sign3A_3145 : i1 to i32
      %sign3A_3147 = arith.constant 0 : i32
      %sign3A_3148 = arith.cmpi slt, %jit3A_3135, %sign3A_3147 : i32
      %sign3A_3149 = arith.extui %sign3A_3148 : i1 to i32
      %sign3A_3150 = arith.subi %sign3A_3146, %sign3A_3149 : i32
      %ne3A_3151 = arith.cmpi ne, %sign3A_3143, %sign3A_3150 : i32
      %rem3A_3152 = arith.remsi %squeeze3A_3132, %jit3A_3135 : i32
      %ne3A_3153 = arith.constant 0 : i32
      %ne3A_3154 = arith.cmpi ne, %rem3A_3152, %ne3A_3153 : i32
      %and3A_3155 = arith.andi %ne3A_3151, %ne3A_3154 : i1
      %sub3A_3156 = arith.constant 1 : i32
      %sub3A_3157 = arith.subi %div3A_3136, %sub3A_3156 : i32
      %select_n3A_3158 = arith.select %and3A_3155, %sub3A_3157, %div3A_3136 : i32
      %mul3A_3159 = arith.constant 128 : i32
      %mul3A_3160 = arith.muli %select_n3A_3158, %mul3A_3159 : i32
      %multiple_of3A_3161 = tpu.assume_multiple %mul3A_3160, 128 : i32
      %jit3A_3162 = arith.constant 128 : i32
      %div3A_3163 = arith.divsi %squeeze3A_3134, %jit3A_3162 : i32
      %sign3A_3164 = arith.constant 0 : i32
      %sign3A_3165 = arith.cmpi sgt, %squeeze3A_3134, %sign3A_3164 : i32
      %sign3A_3166 = arith.extui %sign3A_3165 : i1 to i32
      %sign3A_3167 = arith.constant 0 : i32
      %sign3A_3168 = arith.cmpi slt, %squeeze3A_3134, %sign3A_3167 : i32
      %sign3A_3169 = arith.extui %sign3A_3168 : i1 to i32
      %sign3A_3170 = arith.subi %sign3A_3166, %sign3A_3169 : i32
      %sign3A_3171 = arith.constant 0 : i32
      %sign3A_3172 = arith.cmpi sgt, %jit3A_3162, %sign3A_3171 : i32
      %sign3A_3173 = arith.extui %sign3A_3172 : i1 to i32
      %sign3A_3174 = arith.constant 0 : i32
      %sign3A_3175 = arith.cmpi slt, %jit3A_3162, %sign3A_3174 : i32
      %sign3A_3176 = arith.extui %sign3A_3175 : i1 to i32
      %sign3A_3177 = arith.subi %sign3A_3173, %sign3A_3176 : i32
      %ne3A_3178 = arith.cmpi ne, %sign3A_3170, %sign3A_3177 : i32
      %rem3A_3179 = arith.remsi %squeeze3A_3134, %jit3A_3162 : i32
      %ne3A_3180 = arith.constant 0 : i32
      %ne3A_3181 = arith.cmpi ne, %rem3A_3179, %ne3A_3180 : i32
      %and3A_3182 = arith.andi %ne3A_3178, %ne3A_3181 : i1
      %sub3A_3183 = arith.constant 1 : i32
      %sub3A_3184 = arith.subi %div3A_3163, %sub3A_3183 : i32
      %select_n3A_3185 = arith.select %and3A_3182, %sub3A_3184, %div3A_3163 : i32
      %mul3A_3186 = arith.constant 128 : i32
      %mul3A_3187 = arith.muli %select_n3A_3185, %mul3A_3186 : i32
      %multiple_of3A_3188 = tpu.assume_multiple %mul3A_3187, 128 : i32
      %dma_start3A_3189 = arith.constant 2 : i32
      %dma_start3A_3190 = arith.constant 0 : i32
      %dma_start3A_3191 = arith.constant 0 : i32
      %dma_start3A_3192 = tpu.memref_slice %arg11[%dma_start3A_3189, %dma_start3A_3190, %dma_start3A_3191] : memref<8x32x128xf32, #tpu.memory_space<vmem>> -> memref<1x32x128xf32, #tpu.memory_space<vmem>>
      %dma_start3A_3193 = tpu.memref_squeeze %dma_start3A_3192 : memref<1x32x128xf32, #tpu.memory_space<vmem>> -> memref<32x128xf32, #tpu.memory_space<vmem>>
      %dma_start3A_3194 = arith.constant 0 : i32
      %dma_start3A_3195 = tpu.memref_slice %arg4[%dma_start3A_3194, %multiple_of3A_3161] : memref<32x1000000xf32, #tpu.memory_space<hbm>> -> memref<32x128xf32, #tpu.memory_space<hbm>>
      %dma_start3A_3196 = arith.constant 0 : i32
      %dma_start3A_3197 = arith.constant 0 : i32
      %dma_start3A_3198 = tpu.memref_slice %arg11[%dma_start3A_3189, %dma_start3A_3196, %dma_start3A_3197] : memref<8x32x128xf32, #tpu.memory_space<vmem>> -> memref<1x32x128xf32, #tpu.memory_space<vmem>>
      %dma_start3A_3199 = tpu.memref_squeeze %dma_start3A_3198 : memref<1x32x128xf32, #tpu.memory_space<vmem>> -> memref<32x128xf32, #tpu.memory_space<vmem>>
      %dma_start3A_3200 = arith.constant 0 : i32
      %dma_start3A_3201 = tpu.memref_slice %arg4[%dma_start3A_3200, %multiple_of3A_3161] : memref<32x1000000xf32, #tpu.memory_space<hbm>> -> memref<32x128xf32, #tpu.memory_space<hbm>>
      tpu.enqueue_dma source(%dma_start3A_3201 : memref<32x128xf32, #tpu.memory_space<hbm>>) target(%dma_start3A_3199 : memref<32x128xf32, #tpu.memory_space<vmem>>) target_semaphore(%arg18 : memref<!tpu.dma_semaphore, #tpu.memory_space<semaphore_mem>>)
      %dma_start3A_3202 = arith.constant 2 : i32
      %dma_start3A_3203 = arith.constant 0 : i32
      %dma_start3A_3204 = arith.constant 0 : i32
      %dma_start3A_3205 = tpu.memref_slice %arg12[%dma_start3A_3202, %dma_start3A_3203, %dma_start3A_3204] : memref<8x32x128xf32, #tpu.memory_space<vmem>> -> memref<1x32x128xf32, #tpu.memory_space<vmem>>
      %dma_start3A_3206 = tpu.memref_squeeze %dma_start3A_3205 : memref<1x32x128xf32, #tpu.memory_space<vmem>> -> memref<32x128xf32, #tpu.memory_space<vmem>>
      %dma_start3A_3207 = arith.constant 0 : i32
      %dma_start3A_3208 = tpu.memref_slice %arg5[%dma_start3A_3207, %multiple_of3A_3188] : memref<32x1000000xf32, #tpu.memory_space<hbm>> -> memref<32x128xf32, #tpu.memory_space<hbm>>
      %dma_start3A_3209 = arith.constant 0 : i32
      %dma_start3A_3210 = arith.constant 0 : i32
      %dma_start3A_3211 = tpu.memref_slice %arg12[%dma_start3A_3202, %dma_start3A_3209, %dma_start3A_3210] : memref<8x32x128xf32, #tpu.memory_space<vmem>> -> memref<1x32x128xf32, #tpu.memory_space<vmem>>
      %dma_start3A_3212 = tpu.memref_squeeze %dma_start3A_3211 : memref<1x32x128xf32, #tpu.memory_space<vmem>> -> memref<32x128xf32, #tpu.memory_space<vmem>>
      %dma_start3A_3213 = arith.constant 0 : i32
      %dma_start3A_3214 = tpu.memref_slice %arg5[%dma_start3A_3213, %multiple_of3A_3188] : memref<32x1000000xf32, #tpu.memory_space<hbm>> -> memref<32x128xf32, #tpu.memory_space<hbm>>
      tpu.enqueue_dma source(%dma_start3A_3214 : memref<32x128xf32, #tpu.memory_space<hbm>>) target(%dma_start3A_3212 : memref<32x128xf32, #tpu.memory_space<vmem>>) target_semaphore(%arg26 : memref<!tpu.dma_semaphore, #tpu.memory_space<semaphore_mem>>)
      %dma_wait3A_3215 = arith.constant 3 : i32
      %dma_wait3A_3216 = arith.constant 0 : i32
      %dma_wait3A_3217 = arith.constant 0 : i32
      %dma_wait3A_3218 = tpu.memref_slice %arg11[%dma_wait3A_3215, %dma_wait3A_3216, %dma_wait3A_3217] : memref<8x32x128xf32, #tpu.memory_space<vmem>> -> memref<1x32x128xf32, #tpu.memory_space<vmem>>
      %dma_wait3A_3219 = tpu.memref_squeeze %dma_wait3A_3218 : memref<1x32x128xf32, #tpu.memory_space<vmem>> -> memref<32x128xf32, #tpu.memory_space<vmem>>
      %dma_wait3A_3220 = arith.constant 0 : i32
      %dma_wait3A_3221 = arith.constant 0 : i32
      %dma_wait3A_3222 = tpu.memref_slice %arg4[%dma_wait3A_3220, %dma_wait3A_3221] : memref<32x1000000xf32, #tpu.memory_space<hbm>> -> memref<32x128xf32, #tpu.memory_space<hbm>>
      %dma_wait3A_3223 = arith.constant 0 : i32
      %dma_wait3A_3224 = arith.constant 0 : i32
      %dma_wait3A_3225 = tpu.memref_slice %arg11[%dma_wait3A_3215, %dma_wait3A_3223, %dma_wait3A_3224] : memref<8x32x128xf32, #tpu.memory_space<vmem>> -> memref<1x32x128xf32, #tpu.memory_space<vmem>>
      %dma_wait3A_3226 = tpu.memref_squeeze %dma_wait3A_3225 : memref<1x32x128xf32, #tpu.memory_space<vmem>> -> memref<32x128xf32, #tpu.memory_space<vmem>>
      %dma_wait3A_3227 = arith.constant 0 : i32
      %dma_wait3A_3228 = arith.constant 0 : i32
      %dma_wait3A_3229 = tpu.memref_slice %arg4[%dma_wait3A_3227, %dma_wait3A_3228] : memref<32x1000000xf32, #tpu.memory_space<hbm>> -> memref<32x128xf32, #tpu.memory_space<hbm>>
      tpu.wait_dma2 semaphore(%arg19 : memref<!tpu.dma_semaphore, #tpu.memory_space<semaphore_mem>>) src(%dma_wait3A_3229 : memref<32x128xf32, #tpu.memory_space<hbm>>) dst(%dma_wait3A_3226 : memref<32x128xf32, #tpu.memory_space<vmem>>)
      %dma_wait3A_3230 = arith.constant 3 : i32
      %dma_wait3A_3231 = arith.constant 0 : i32
      %dma_wait3A_3232 = arith.constant 0 : i32
      %dma_wait3A_3233 = tpu.memref_slice %arg12[%dma_wait3A_3230, %dma_wait3A_3231, %dma_wait3A_3232] : memref<8x32x128xf32, #tpu.memory_space<vmem>> -> memref<1x32x128xf32, #tpu.memory_space<vmem>>
      %dma_wait3A_3234 = tpu.memref_squeeze %dma_wait3A_3233 : memref<1x32x128xf32, #tpu.memory_space<vmem>> -> memref<32x128xf32, #tpu.memory_space<vmem>>
      %dma_wait3A_3235 = arith.constant 0 : i32
      %dma_wait3A_3236 = arith.constant 0 : i32
      %dma_wait3A_3237 = tpu.memref_slice %arg5[%dma_wait3A_3235, %dma_wait3A_3236] : memref<32x1000000xf32, #tpu.memory_space<hbm>> -> memref<32x128xf32, #tpu.memory_space<hbm>>
      %dma_wait3A_3238 = arith.constant 0 : i32
      %dma_wait3A_3239 = arith.constant 0 : i32
      %dma_wait3A_3240 = tpu.memref_slice %arg12[%dma_wait3A_3230, %dma_wait3A_3238, %dma_wait3A_3239] : memref<8x32x128xf32, #tpu.memory_space<vmem>> -> memref<1x32x128xf32, #tpu.memory_space<vmem>>
      %dma_wait3A_3241 = tpu.memref_squeeze %dma_wait3A_3240 : memref<1x32x128xf32, #tpu.memory_space<vmem>> -> memref<32x128xf32, #tpu.memory_space<vmem>>
      %dma_wait3A_3242 = arith.constant 0 : i32
      %dma_wait3A_3243 = arith.constant 0 : i32
      %dma_wait3A_3244 = tpu.memref_slice %arg5[%dma_wait3A_3242, %dma_wait3A_3243] : memref<32x1000000xf32, #tpu.memory_space<hbm>> -> memref<32x128xf32, #tpu.memory_space<hbm>>
      tpu.wait_dma2 semaphore(%arg27 : memref<!tpu.dma_semaphore, #tpu.memory_space<semaphore_mem>>) src(%dma_wait3A_3244 : memref<32x128xf32, #tpu.memory_space<hbm>>) dst(%dma_wait3A_3241 : memref<32x128xf32, #tpu.memory_space<vmem>>)
      %slice3A_3245 = vector.extract_strided_slice %get3A_1077 {offsets = [11], sizes = [1], strides = [1]} : vector<16xi32> to vector<1xi32>
      %squeeze3A_3246 = vector.extract %slice3A_3245[0] : i32 from vector<1xi32>
      %slice3A_3247 = vector.extract_strided_slice %get3A_1079 {offsets = [11], sizes = [1], strides = [1]} : vector<16xi32> to vector<1xi32>
      %squeeze3A_3248 = vector.extract %slice3A_3247[0] : i32 from vector<1xi32>
      %jit3A_3249 = arith.constant 128 : i32
      %eq3A_3250 = arith.constant 0 : i32
      %eq3A_3251 = arith.cmpi eq, %jit3A_3249, %eq3A_3250 : i32
      %jit3A_3252 = arith.constant 1 : i32
      %select_n3A_3253 = arith.select %eq3A_3251, %jit3A_3252, %jit3A_3249 : i32
      %rem3A_3254 = arith.remsi %squeeze3A_3246, %select_n3A_3253 : i32
      %ne3A_3255 = arith.constant 0 : i32
      %ne3A_3256 = arith.cmpi ne, %rem3A_3254, %ne3A_3255 : i32
      %lt3A_3257 = arith.constant 0 : i32
      %lt3A_3258 = arith.cmpi slt, %rem3A_3254, %lt3A_3257 : i32
      %lt3A_3259 = arith.constant 0 : i32
      %lt3A_3260 = arith.cmpi slt, %select_n3A_3253, %lt3A_3259 : i32
      %ne3A_3261 = arith.xori %lt3A_3258, %lt3A_3260 : i1
      %and3A_3262 = arith.andi %ne3A_3261, %ne3A_3256 : i1
      %add3A_3263 = arith.addi %rem3A_3254, %select_n3A_3253 : i32
      %select_n3A_3264 = arith.select %and3A_3262, %add3A_3263, %rem3A_3254 : i32
      %broadcast_in_dim3A_3265 = vector.broadcast %select_n3A_3264 : i32 to vector<16xi32>
      %jit3A_3266 = arith.constant 128 : i32
      %eq3A_3267 = arith.constant 0 : i32
      %eq3A_3268 = arith.cmpi eq, %jit3A_3266, %eq3A_3267 : i32
      %jit3A_3269 = arith.constant 1 : i32
      %select_n3A_3270 = arith.select %eq3A_3268, %jit3A_3269, %jit3A_3266 : i32
      %rem3A_3271 = arith.remsi %squeeze3A_3248, %select_n3A_3270 : i32
      %ne3A_3272 = arith.constant 0 : i32
      %ne3A_3273 = arith.cmpi ne, %rem3A_3271, %ne3A_3272 : i32
      %lt3A_3274 = arith.constant 0 : i32
      %lt3A_3275 = arith.cmpi slt, %rem3A_3271, %lt3A_3274 : i32
      %lt3A_3276 = arith.constant 0 : i32
      %lt3A_3277 = arith.cmpi slt, %select_n3A_3270, %lt3A_3276 : i32
      %ne3A_3278 = arith.xori %lt3A_3275, %lt3A_3277 : i1
      %and3A_3279 = arith.andi %ne3A_3278, %ne3A_3273 : i1
      %add3A_3280 = arith.addi %rem3A_3271, %select_n3A_3270 : i32
      %select_n3A_3281 = arith.select %and3A_3279, %add3A_3280, %rem3A_3271 : i32
      %broadcast_in_dim3A_3282 = vector.broadcast %select_n3A_3281 : i32 to vector<16xi32>
      %gather3A_3283 = arith.constant 3 : i32
      %gather3A_3284 = arith.constant 0 : i32
      %gather3A_3285 = arith.constant 0 : i32
      %gather3A_3286 = tpu.memref_slice %arg11[%gather3A_3283, %gather3A_3284, %gather3A_3285] : memref<8x32x128xf32, #tpu.memory_space<vmem>> -> memref<1x32x128xf32, #tpu.memory_space<vmem>>
      %gather3A_3287 = tpu.memref_squeeze %gather3A_3286 : memref<1x32x128xf32, #tpu.memory_space<vmem>> -> memref<32x128xf32, #tpu.memory_space<vmem>>
      %gather3A_3288 = tpu.vector_load_idx %gather3A_3287[%iota3A, %broadcast_in_dim3A_3265] : memref<32x128xf32, #tpu.memory_space<vmem>>[vector<16xi32>, vector<16xi32>], vector<16xf32>,
      %add3A_3289 = arith.constant 16 : i32
      %add3A_3290 = vector.broadcast %add3A_3289 : i32 to vector<16xi32>
      %add3A_3291 = arith.addi %iota3A, %add3A_3290 : vector<16xi32>
      %gather3A_3292 = arith.constant 3 : i32
      %gather3A_3293 = arith.constant 0 : i32
      %gather3A_3294 = arith.constant 0 : i32
      %gather3A_3295 = tpu.memref_slice %arg11[%gather3A_3292, %gather3A_3293, %gather3A_3294] : memref<8x32x128xf32, #tpu.memory_space<vmem>> -> memref<1x32x128xf32, #tpu.memory_space<vmem>>
      %gather3A_3296 = tpu.memref_squeeze %gather3A_3295 : memref<1x32x128xf32, #tpu.memory_space<vmem>> -> memref<32x128xf32, #tpu.memory_space<vmem>>
      %gather3A_3297 = tpu.vector_load_idx %gather3A_3296[%add3A_3291, %broadcast_in_dim3A_3265] : memref<32x128xf32, #tpu.memory_space<vmem>>[vector<16xi32>, vector<16xi32>], vector<16xf32>,
      %gather3A_3298 = arith.constant 3 : i32
      %gather3A_3299 = arith.constant 0 : i32
      %gather3A_3300 = arith.constant 0 : i32
      %gather3A_3301 = tpu.memref_slice %arg12[%gather3A_3298, %gather3A_3299, %gather3A_3300] : memref<8x32x128xf32, #tpu.memory_space<vmem>> -> memref<1x32x128xf32, #tpu.memory_space<vmem>>
      %gather3A_3302 = tpu.memref_squeeze %gather3A_3301 : memref<1x32x128xf32, #tpu.memory_space<vmem>> -> memref<32x128xf32, #tpu.memory_space<vmem>>
      %gather3A_3303 = tpu.vector_load_idx %gather3A_3302[%iota3A, %broadcast_in_dim3A_3282] : memref<32x128xf32, #tpu.memory_space<vmem>>[vector<16xi32>, vector<16xi32>], vector<16xf32>,
      %add3A_3304 = arith.constant 16 : i32
      %add3A_3305 = vector.broadcast %add3A_3304 : i32 to vector<16xi32>
      %add3A_3306 = arith.addi %iota3A, %add3A_3305 : vector<16xi32>
      %gather3A_3307 = arith.constant 3 : i32
      %gather3A_3308 = arith.constant 0 : i32
      %gather3A_3309 = arith.constant 0 : i32
      %gather3A_3310 = tpu.memref_slice %arg12[%gather3A_3307, %gather3A_3308, %gather3A_3309] : memref<8x32x128xf32, #tpu.memory_space<vmem>> -> memref<1x32x128xf32, #tpu.memory_space<vmem>>
      %gather3A_3311 = tpu.memref_squeeze %gather3A_3310 : memref<1x32x128xf32, #tpu.memory_space<vmem>> -> memref<32x128xf32, #tpu.memory_space<vmem>>
      %gather3A_3312 = tpu.vector_load_idx %gather3A_3311[%add3A_3306, %broadcast_in_dim3A_3282] : memref<32x128xf32, #tpu.memory_space<vmem>>[vector<16xi32>, vector<16xi32>], vector<16xf32>,
      %mul3A_3313 = arith.mulf %gather3A_3288, %gather3A_3303 : vector<16xf32>
      %mul3A_3314 = arith.mulf %gather3A_3297, %gather3A_3312 : vector<16xf32>
      %add3A_3315 = arith.addf %mul3A_3313, %mul3A_3314 : vector<16xf32>
      %reduce_sum3A_3316 = arith.constant true
      %reduce_sum3A_3317 = vector.broadcast %reduce_sum3A_3316 : i1 to vector<16xi1>
      %reduce_sum3A_3318 = tpu.scan <sum>, %add3A_3315 masked %reduce_sum3A_3317 : vector<16xf32>, vector<16xi1> -> vector<16xf32>
      %reduce_sum3A_3319 = vector.extract %reduce_sum3A_3318[15] : f32 from vector<16xf32>
      %eq3A_3320 = arith.constant 11 : i32
      %eq3A_3321 = vector.broadcast %eq3A_3320 : i32 to vector<16xi32>
      %eq3A_3322 = arith.cmpi eq, %iota3A, %eq3A_3321 : vector<16xi32>
      %broadcast_in_dim3A_3323 = vector.broadcast %reduce_sum3A_3319 : f32 to vector<16xf32>
      %select_n3A_3324 = arith.select %eq3A_3322, %broadcast_in_dim3A_3323, %select_n3A_3130 : vector<16xi1>, vector<16xf32>
      %slice3A_3325 = vector.extract_strided_slice %get3A_1081 {offsets = [3], sizes = [1], strides = [1]} : vector<16xi32> to vector<1xi32>
      %squeeze3A_3326 = vector.extract %slice3A_3325[0] : i32 from vector<1xi32>
      %slice3A_3327 = vector.extract_strided_slice %get3A_1083 {offsets = [3], sizes = [1], strides = [1]} : vector<16xi32> to vector<1xi32>
      %squeeze3A_3328 = vector.extract %slice3A_3327[0] : i32 from vector<1xi32>
      %jit3A_3329 = arith.constant 128 : i32
      %div3A_3330 = arith.divsi %squeeze3A_3326, %jit3A_3329 : i32
      %sign3A_3331 = arith.constant 0 : i32
      %sign3A_3332 = arith.cmpi sgt, %squeeze3A_3326, %sign3A_3331 : i32
      %sign3A_3333 = arith.extui %sign3A_3332 : i1 to i32
      %sign3A_3334 = arith.constant 0 : i32
      %sign3A_3335 = arith.cmpi slt, %squeeze3A_3326, %sign3A_3334 : i32
      %sign3A_3336 = arith.extui %sign3A_3335 : i1 to i32
      %sign3A_3337 = arith.subi %sign3A_3333, %sign3A_3336 : i32
      %sign3A_3338 = arith.constant 0 : i32
      %sign3A_3339 = arith.cmpi sgt, %jit3A_3329, %sign3A_3338 : i32
      %sign3A_3340 = arith.extui %sign3A_3339 : i1 to i32
      %sign3A_3341 = arith.constant 0 : i32
      %sign3A_3342 = arith.cmpi slt, %jit3A_3329, %sign3A_3341 : i32
      %sign3A_3343 = arith.extui %sign3A_3342 : i1 to i32
      %sign3A_3344 = arith.subi %sign3A_3340, %sign3A_3343 : i32
      %ne3A_3345 = arith.cmpi ne, %sign3A_3337, %sign3A_3344 : i32
      %rem3A_3346 = arith.remsi %squeeze3A_3326, %jit3A_3329 : i32
      %ne3A_3347 = arith.constant 0 : i32
      %ne3A_3348 = arith.cmpi ne, %rem3A_3346, %ne3A_3347 : i32
      %and3A_3349 = arith.andi %ne3A_3345, %ne3A_3348 : i1
      %sub3A_3350 = arith.constant 1 : i32
      %sub3A_3351 = arith.subi %div3A_3330, %sub3A_3350 : i32
      %select_n3A_3352 = arith.select %and3A_3349, %sub3A_3351, %div3A_3330 : i32
      %mul3A_3353 = arith.constant 128 : i32
      %mul3A_3354 = arith.muli %select_n3A_3352, %mul3A_3353 : i32
      %multiple_of3A_3355 = tpu.assume_multiple %mul3A_3354, 128 : i32
      %jit3A_3356 = arith.constant 128 : i32
      %div3A_3357 = arith.divsi %squeeze3A_3328, %jit3A_3356 : i32
      %sign3A_3358 = arith.constant 0 : i32
      %sign3A_3359 = arith.cmpi sgt, %squeeze3A_3328, %sign3A_3358 : i32
      %sign3A_3360 = arith.extui %sign3A_3359 : i1 to i32
      %sign3A_3361 = arith.constant 0 : i32
      %sign3A_3362 = arith.cmpi slt, %squeeze3A_3328, %sign3A_3361 : i32
      %sign3A_3363 = arith.extui %sign3A_3362 : i1 to i32
      %sign3A_3364 = arith.subi %sign3A_3360, %sign3A_3363 : i32
      %sign3A_3365 = arith.constant 0 : i32
      %sign3A_3366 = arith.cmpi sgt, %jit3A_3356, %sign3A_3365 : i32
      %sign3A_3367 = arith.extui %sign3A_3366 : i1 to i32
      %sign3A_3368 = arith.constant 0 : i32
      %sign3A_3369 = arith.cmpi slt, %jit3A_3356, %sign3A_3368 : i32
      %sign3A_3370 = arith.extui %sign3A_3369 : i1 to i32
      %sign3A_3371 = arith.subi %sign3A_3367, %sign3A_3370 : i32
      %ne3A_3372 = arith.cmpi ne, %sign3A_3364, %sign3A_3371 : i32
      %rem3A_3373 = arith.remsi %squeeze3A_3328, %jit3A_3356 : i32
      %ne3A_3374 = arith.constant 0 : i32
      %ne3A_3375 = arith.cmpi ne, %rem3A_3373, %ne3A_3374 : i32
      %and3A_3376 = arith.andi %ne3A_3372, %ne3A_3375 : i1
      %sub3A_3377 = arith.constant 1 : i32
      %sub3A_3378 = arith.subi %div3A_3357, %sub3A_3377 : i32
      %select_n3A_3379 = arith.select %and3A_3376, %sub3A_3378, %div3A_3357 : i32
      %mul3A_3380 = arith.constant 128 : i32
      %mul3A_3381 = arith.muli %select_n3A_3379, %mul3A_3380 : i32
      %multiple_of3A_3382 = tpu.assume_multiple %mul3A_3381, 128 : i32
      %dma_start3A_3383 = arith.constant 3 : i32
      %dma_start3A_3384 = arith.constant 0 : i32
      %dma_start3A_3385 = arith.constant 0 : i32
      %dma_start3A_3386 = tpu.memref_slice %arg11[%dma_start3A_3383, %dma_start3A_3384, %dma_start3A_3385] : memref<8x32x128xf32, #tpu.memory_space<vmem>> -> memref<1x32x128xf32, #tpu.memory_space<vmem>>
      %dma_start3A_3387 = tpu.memref_squeeze %dma_start3A_3386 : memref<1x32x128xf32, #tpu.memory_space<vmem>> -> memref<32x128xf32, #tpu.memory_space<vmem>>
      %dma_start3A_3388 = arith.constant 0 : i32
      %dma_start3A_3389 = tpu.memref_slice %arg4[%dma_start3A_3388, %multiple_of3A_3355] : memref<32x1000000xf32, #tpu.memory_space<hbm>> -> memref<32x128xf32, #tpu.memory_space<hbm>>
      %dma_start3A_3390 = arith.constant 0 : i32
      %dma_start3A_3391 = arith.constant 0 : i32
      %dma_start3A_3392 = tpu.memref_slice %arg11[%dma_start3A_3383, %dma_start3A_3390, %dma_start3A_3391] : memref<8x32x128xf32, #tpu.memory_space<vmem>> -> memref<1x32x128xf32, #tpu.memory_space<vmem>>
      %dma_start3A_3393 = tpu.memref_squeeze %dma_start3A_3392 : memref<1x32x128xf32, #tpu.memory_space<vmem>> -> memref<32x128xf32, #tpu.memory_space<vmem>>
      %dma_start3A_3394 = arith.constant 0 : i32
      %dma_start3A_3395 = tpu.memref_slice %arg4[%dma_start3A_3394, %multiple_of3A_3355] : memref<32x1000000xf32, #tpu.memory_space<hbm>> -> memref<32x128xf32, #tpu.memory_space<hbm>>
      tpu.enqueue_dma source(%dma_start3A_3395 : memref<32x128xf32, #tpu.memory_space<hbm>>) target(%dma_start3A_3393 : memref<32x128xf32, #tpu.memory_space<vmem>>) target_semaphore(%arg19 : memref<!tpu.dma_semaphore, #tpu.memory_space<semaphore_mem>>)
      %dma_start3A_3396 = arith.constant 3 : i32
      %dma_start3A_3397 = arith.constant 0 : i32
      %dma_start3A_3398 = arith.constant 0 : i32
      %dma_start3A_3399 = tpu.memref_slice %arg12[%dma_start3A_3396, %dma_start3A_3397, %dma_start3A_3398] : memref<8x32x128xf32, #tpu.memory_space<vmem>> -> memref<1x32x128xf32, #tpu.memory_space<vmem>>
      %dma_start3A_3400 = tpu.memref_squeeze %dma_start3A_3399 : memref<1x32x128xf32, #tpu.memory_space<vmem>> -> memref<32x128xf32, #tpu.memory_space<vmem>>
      %dma_start3A_3401 = arith.constant 0 : i32
      %dma_start3A_3402 = tpu.memref_slice %arg5[%dma_start3A_3401, %multiple_of3A_3382] : memref<32x1000000xf32, #tpu.memory_space<hbm>> -> memref<32x128xf32, #tpu.memory_space<hbm>>
      %dma_start3A_3403 = arith.constant 0 : i32
      %dma_start3A_3404 = arith.constant 0 : i32
      %dma_start3A_3405 = tpu.memref_slice %arg12[%dma_start3A_3396, %dma_start3A_3403, %dma_start3A_3404] : memref<8x32x128xf32, #tpu.memory_space<vmem>> -> memref<1x32x128xf32, #tpu.memory_space<vmem>>
      %dma_start3A_3406 = tpu.memref_squeeze %dma_start3A_3405 : memref<1x32x128xf32, #tpu.memory_space<vmem>> -> memref<32x128xf32, #tpu.memory_space<vmem>>
      %dma_start3A_3407 = arith.constant 0 : i32
      %dma_start3A_3408 = tpu.memref_slice %arg5[%dma_start3A_3407, %multiple_of3A_3382] : memref<32x1000000xf32, #tpu.memory_space<hbm>> -> memref<32x128xf32, #tpu.memory_space<hbm>>
      tpu.enqueue_dma source(%dma_start3A_3408 : memref<32x128xf32, #tpu.memory_space<hbm>>) target(%dma_start3A_3406 : memref<32x128xf32, #tpu.memory_space<vmem>>) target_semaphore(%arg27 : memref<!tpu.dma_semaphore, #tpu.memory_space<semaphore_mem>>)
      %dma_wait3A_3409 = arith.constant 4 : i32
      %dma_wait3A_3410 = arith.constant 0 : i32
      %dma_wait3A_3411 = arith.constant 0 : i32
      %dma_wait3A_3412 = tpu.memref_slice %arg11[%dma_wait3A_3409, %dma_wait3A_3410, %dma_wait3A_3411] : memref<8x32x128xf32, #tpu.memory_space<vmem>> -> memref<1x32x128xf32, #tpu.memory_space<vmem>>
      %dma_wait3A_3413 = tpu.memref_squeeze %dma_wait3A_3412 : memref<1x32x128xf32, #tpu.memory_space<vmem>> -> memref<32x128xf32, #tpu.memory_space<vmem>>
      %dma_wait3A_3414 = arith.constant 0 : i32
      %dma_wait3A_3415 = arith.constant 0 : i32
      %dma_wait3A_3416 = tpu.memref_slice %arg4[%dma_wait3A_3414, %dma_wait3A_3415] : memref<32x1000000xf32, #tpu.memory_space<hbm>> -> memref<32x128xf32, #tpu.memory_space<hbm>>
      %dma_wait3A_3417 = arith.constant 0 : i32
      %dma_wait3A_3418 = arith.constant 0 : i32
      %dma_wait3A_3419 = tpu.memref_slice %arg11[%dma_wait3A_3409, %dma_wait3A_3417, %dma_wait3A_3418] : memref<8x32x128xf32, #tpu.memory_space<vmem>> -> memref<1x32x128xf32, #tpu.memory_space<vmem>>
      %dma_wait3A_3420 = tpu.memref_squeeze %dma_wait3A_3419 : memref<1x32x128xf32, #tpu.memory_space<vmem>> -> memref<32x128xf32, #tpu.memory_space<vmem>>
      %dma_wait3A_3421 = arith.constant 0 : i32
      %dma_wait3A_3422 = arith.constant 0 : i32
      %dma_wait3A_3423 = tpu.memref_slice %arg4[%dma_wait3A_3421, %dma_wait3A_3422] : memref<32x1000000xf32, #tpu.memory_space<hbm>> -> memref<32x128xf32, #tpu.memory_space<hbm>>
      tpu.wait_dma2 semaphore(%arg20 : memref<!tpu.dma_semaphore, #tpu.memory_space<semaphore_mem>>) src(%dma_wait3A_3423 : memref<32x128xf32, #tpu.memory_space<hbm>>) dst(%dma_wait3A_3420 : memref<32x128xf32, #tpu.memory_space<vmem>>)
      %dma_wait3A_3424 = arith.constant 4 : i32
      %dma_wait3A_3425 = arith.constant 0 : i32
      %dma_wait3A_3426 = arith.constant 0 : i32
      %dma_wait3A_3427 = tpu.memref_slice %arg12[%dma_wait3A_3424, %dma_wait3A_3425, %dma_wait3A_3426] : memref<8x32x128xf32, #tpu.memory_space<vmem>> -> memref<1x32x128xf32, #tpu.memory_space<vmem>>
      %dma_wait3A_3428 = tpu.memref_squeeze %dma_wait3A_3427 : memref<1x32x128xf32, #tpu.memory_space<vmem>> -> memref<32x128xf32, #tpu.memory_space<vmem>>
      %dma_wait3A_3429 = arith.constant 0 : i32
      %dma_wait3A_3430 = arith.constant 0 : i32
      %dma_wait3A_3431 = tpu.memref_slice %arg5[%dma_wait3A_3429, %dma_wait3A_3430] : memref<32x1000000xf32, #tpu.memory_space<hbm>> -> memref<32x128xf32, #tpu.memory_space<hbm>>
      %dma_wait3A_3432 = arith.constant 0 : i32
      %dma_wait3A_3433 = arith.constant 0 : i32
      %dma_wait3A_3434 = tpu.memref_slice %arg12[%dma_wait3A_3424, %dma_wait3A_3432, %dma_wait3A_3433] : memref<8x32x128xf32, #tpu.memory_space<vmem>> -> memref<1x32x128xf32, #tpu.memory_space<vmem>>
      %dma_wait3A_3435 = tpu.memref_squeeze %dma_wait3A_3434 : memref<1x32x128xf32, #tpu.memory_space<vmem>> -> memref<32x128xf32, #tpu.memory_space<vmem>>
      %dma_wait3A_3436 = arith.constant 0 : i32
      %dma_wait3A_3437 = arith.constant 0 : i32
      %dma_wait3A_3438 = tpu.memref_slice %arg5[%dma_wait3A_3436, %dma_wait3A_3437] : memref<32x1000000xf32, #tpu.memory_space<hbm>> -> memref<32x128xf32, #tpu.memory_space<hbm>>
      tpu.wait_dma2 semaphore(%arg28 : memref<!tpu.dma_semaphore, #tpu.memory_space<semaphore_mem>>) src(%dma_wait3A_3438 : memref<32x128xf32, #tpu.memory_space<hbm>>) dst(%dma_wait3A_3435 : memref<32x128xf32, #tpu.memory_space<vmem>>)
      %slice3A_3439 = vector.extract_strided_slice %get3A_1077 {offsets = [12], sizes = [1], strides = [1]} : vector<16xi32> to vector<1xi32>
      %squeeze3A_3440 = vector.extract %slice3A_3439[0] : i32 from vector<1xi32>
      %slice3A_3441 = vector.extract_strided_slice %get3A_1079 {offsets = [12], sizes = [1], strides = [1]} : vector<16xi32> to vector<1xi32>
      %squeeze3A_3442 = vector.extract %slice3A_3441[0] : i32 from vector<1xi32>
      %jit3A_3443 = arith.constant 128 : i32
      %eq3A_3444 = arith.constant 0 : i32
      %eq3A_3445 = arith.cmpi eq, %jit3A_3443, %eq3A_3444 : i32
      %jit3A_3446 = arith.constant 1 : i32
      %select_n3A_3447 = arith.select %eq3A_3445, %jit3A_3446, %jit3A_3443 : i32
      %rem3A_3448 = arith.remsi %squeeze3A_3440, %select_n3A_3447 : i32
      %ne3A_3449 = arith.constant 0 : i32
      %ne3A_3450 = arith.cmpi ne, %rem3A_3448, %ne3A_3449 : i32
      %lt3A_3451 = arith.constant 0 : i32
      %lt3A_3452 = arith.cmpi slt, %rem3A_3448, %lt3A_3451 : i32
      %lt3A_3453 = arith.constant 0 : i32
      %lt3A_3454 = arith.cmpi slt, %select_n3A_3447, %lt3A_3453 : i32
      %ne3A_3455 = arith.xori %lt3A_3452, %lt3A_3454 : i1
      %and3A_3456 = arith.andi %ne3A_3455, %ne3A_3450 : i1
      %add3A_3457 = arith.addi %rem3A_3448, %select_n3A_3447 : i32
      %select_n3A_3458 = arith.select %and3A_3456, %add3A_3457, %rem3A_3448 : i32
      %broadcast_in_dim3A_3459 = vector.broadcast %select_n3A_3458 : i32 to vector<16xi32>
      %jit3A_3460 = arith.constant 128 : i32
      %eq3A_3461 = arith.constant 0 : i32
      %eq3A_3462 = arith.cmpi eq, %jit3A_3460, %eq3A_3461 : i32
      %jit3A_3463 = arith.constant 1 : i32
      %select_n3A_3464 = arith.select %eq3A_3462, %jit3A_3463, %jit3A_3460 : i32
      %rem3A_3465 = arith.remsi %squeeze3A_3442, %select_n3A_3464 : i32
      %ne3A_3466 = arith.constant 0 : i32
      %ne3A_3467 = arith.cmpi ne, %rem3A_3465, %ne3A_3466 : i32
      %lt3A_3468 = arith.constant 0 : i32
      %lt3A_3469 = arith.cmpi slt, %rem3A_3465, %lt3A_3468 : i32
      %lt3A_3470 = arith.constant 0 : i32
      %lt3A_3471 = arith.cmpi slt, %select_n3A_3464, %lt3A_3470 : i32
      %ne3A_3472 = arith.xori %lt3A_3469, %lt3A_3471 : i1
      %and3A_3473 = arith.andi %ne3A_3472, %ne3A_3467 : i1
      %add3A_3474 = arith.addi %rem3A_3465, %select_n3A_3464 : i32
      %select_n3A_3475 = arith.select %and3A_3473, %add3A_3474, %rem3A_3465 : i32
      %broadcast_in_dim3A_3476 = vector.broadcast %select_n3A_3475 : i32 to vector<16xi32>
      %gather3A_3477 = arith.constant 4 : i32
      %gather3A_3478 = arith.constant 0 : i32
      %gather3A_3479 = arith.constant 0 : i32
      %gather3A_3480 = tpu.memref_slice %arg11[%gather3A_3477, %gather3A_3478, %gather3A_3479] : memref<8x32x128xf32, #tpu.memory_space<vmem>> -> memref<1x32x128xf32, #tpu.memory_space<vmem>>
      %gather3A_3481 = tpu.memref_squeeze %gather3A_3480 : memref<1x32x128xf32, #tpu.memory_space<vmem>> -> memref<32x128xf32, #tpu.memory_space<vmem>>
      %gather3A_3482 = tpu.vector_load_idx %gather3A_3481[%iota3A, %broadcast_in_dim3A_3459] : memref<32x128xf32, #tpu.memory_space<vmem>>[vector<16xi32>, vector<16xi32>], vector<16xf32>,
      %add3A_3483 = arith.constant 16 : i32
      %add3A_3484 = vector.broadcast %add3A_3483 : i32 to vector<16xi32>
      %add3A_3485 = arith.addi %iota3A, %add3A_3484 : vector<16xi32>
      %gather3A_3486 = arith.constant 4 : i32
      %gather3A_3487 = arith.constant 0 : i32
      %gather3A_3488 = arith.constant 0 : i32
      %gather3A_3489 = tpu.memref_slice %arg11[%gather3A_3486, %gather3A_3487, %gather3A_3488] : memref<8x32x128xf32, #tpu.memory_space<vmem>> -> memref<1x32x128xf32, #tpu.memory_space<vmem>>
      %gather3A_3490 = tpu.memref_squeeze %gather3A_3489 : memref<1x32x128xf32, #tpu.memory_space<vmem>> -> memref<32x128xf32, #tpu.memory_space<vmem>>
      %gather3A_3491 = tpu.vector_load_idx %gather3A_3490[%add3A_3485, %broadcast_in_dim3A_3459] : memref<32x128xf32, #tpu.memory_space<vmem>>[vector<16xi32>, vector<16xi32>], vector<16xf32>,
      %gather3A_3492 = arith.constant 4 : i32
      %gather3A_3493 = arith.constant 0 : i32
      %gather3A_3494 = arith.constant 0 : i32
      %gather3A_3495 = tpu.memref_slice %arg12[%gather3A_3492, %gather3A_3493, %gather3A_3494] : memref<8x32x128xf32, #tpu.memory_space<vmem>> -> memref<1x32x128xf32, #tpu.memory_space<vmem>>
      %gather3A_3496 = tpu.memref_squeeze %gather3A_3495 : memref<1x32x128xf32, #tpu.memory_space<vmem>> -> memref<32x128xf32, #tpu.memory_space<vmem>>
      %gather3A_3497 = tpu.vector_load_idx %gather3A_3496[%iota3A, %broadcast_in_dim3A_3476] : memref<32x128xf32, #tpu.memory_space<vmem>>[vector<16xi32>, vector<16xi32>], vector<16xf32>,
      %add3A_3498 = arith.constant 16 : i32
      %add3A_3499 = vector.broadcast %add3A_3498 : i32 to vector<16xi32>
      %add3A_3500 = arith.addi %iota3A, %add3A_3499 : vector<16xi32>
      %gather3A_3501 = arith.constant 4 : i32
      %gather3A_3502 = arith.constant 0 : i32
      %gather3A_3503 = arith.constant 0 : i32
      %gather3A_3504 = tpu.memref_slice %arg12[%gather3A_3501, %gather3A_3502, %gather3A_3503] : memref<8x32x128xf32, #tpu.memory_space<vmem>> -> memref<1x32x128xf32, #tpu.memory_space<vmem>>
      %gather3A_3505 = tpu.memref_squeeze %gather3A_3504 : memref<1x32x128xf32, #tpu.memory_space<vmem>> -> memref<32x128xf32, #tpu.memory_space<vmem>>
      %gather3A_3506 = tpu.vector_load_idx %gather3A_3505[%add3A_3500, %broadcast_in_dim3A_3476] : memref<32x128xf32, #tpu.memory_space<vmem>>[vector<16xi32>, vector<16xi32>], vector<16xf32>,
      %mul3A_3507 = arith.mulf %gather3A_3482, %gather3A_3497 : vector<16xf32>
      %mul3A_3508 = arith.mulf %gather3A_3491, %gather3A_3506 : vector<16xf32>
      %add3A_3509 = arith.addf %mul3A_3507, %mul3A_3508 : vector<16xf32>
      %reduce_sum3A_3510 = arith.constant true
      %reduce_sum3A_3511 = vector.broadcast %reduce_sum3A_3510 : i1 to vector<16xi1>
      %reduce_sum3A_3512 = tpu.scan <sum>, %add3A_3509 masked %reduce_sum3A_3511 : vector<16xf32>, vector<16xi1> -> vector<16xf32>
      %reduce_sum3A_3513 = vector.extract %reduce_sum3A_3512[15] : f32 from vector<16xf32>
      %eq3A_3514 = arith.constant 12 : i32
      %eq3A_3515 = vector.broadcast %eq3A_3514 : i32 to vector<16xi32>
      %eq3A_3516 = arith.cmpi eq, %iota3A, %eq3A_3515 : vector<16xi32>
      %broadcast_in_dim3A_3517 = vector.broadcast %reduce_sum3A_3513 : f32 to vector<16xf32>
      %select_n3A_3518 = arith.select %eq3A_3516, %broadcast_in_dim3A_3517, %select_n3A_3324 : vector<16xi1>, vector<16xf32>
      %slice3A_3519 = vector.extract_strided_slice %get3A_1081 {offsets = [4], sizes = [1], strides = [1]} : vector<16xi32> to vector<1xi32>
      %squeeze3A_3520 = vector.extract %slice3A_3519[0] : i32 from vector<1xi32>
      %slice3A_3521 = vector.extract_strided_slice %get3A_1083 {offsets = [4], sizes = [1], strides = [1]} : vector<16xi32> to vector<1xi32>
      %squeeze3A_3522 = vector.extract %slice3A_3521[0] : i32 from vector<1xi32>
      %jit3A_3523 = arith.constant 128 : i32
      %div3A_3524 = arith.divsi %squeeze3A_3520, %jit3A_3523 : i32
      %sign3A_3525 = arith.constant 0 : i32
      %sign3A_3526 = arith.cmpi sgt, %squeeze3A_3520, %sign3A_3525 : i32
      %sign3A_3527 = arith.extui %sign3A_3526 : i1 to i32
      %sign3A_3528 = arith.constant 0 : i32
      %sign3A_3529 = arith.cmpi slt, %squeeze3A_3520, %sign3A_3528 : i32
      %sign3A_3530 = arith.extui %sign3A_3529 : i1 to i32
      %sign3A_3531 = arith.subi %sign3A_3527, %sign3A_3530 : i32
      %sign3A_3532 = arith.constant 0 : i32
      %sign3A_3533 = arith.cmpi sgt, %jit3A_3523, %sign3A_3532 : i32
      %sign3A_3534 = arith.extui %sign3A_3533 : i1 to i32
      %sign3A_3535 = arith.constant 0 : i32
      %sign3A_3536 = arith.cmpi slt, %jit3A_3523, %sign3A_3535 : i32
      %sign3A_3537 = arith.extui %sign3A_3536 : i1 to i32
      %sign3A_3538 = arith.subi %sign3A_3534, %sign3A_3537 : i32
      %ne3A_3539 = arith.cmpi ne, %sign3A_3531, %sign3A_3538 : i32
      %rem3A_3540 = arith.remsi %squeeze3A_3520, %jit3A_3523 : i32
      %ne3A_3541 = arith.constant 0 : i32
      %ne3A_3542 = arith.cmpi ne, %rem3A_3540, %ne3A_3541 : i32
      %and3A_3543 = arith.andi %ne3A_3539, %ne3A_3542 : i1
      %sub3A_3544 = arith.constant 1 : i32
      %sub3A_3545 = arith.subi %div3A_3524, %sub3A_3544 : i32
      %select_n3A_3546 = arith.select %and3A_3543, %sub3A_3545, %div3A_3524 : i32
      %mul3A_3547 = arith.constant 128 : i32
      %mul3A_3548 = arith.muli %select_n3A_3546, %mul3A_3547 : i32
      %multiple_of3A_3549 = tpu.assume_multiple %mul3A_3548, 128 : i32
      %jit3A_3550 = arith.constant 128 : i32
      %div3A_3551 = arith.divsi %squeeze3A_3522, %jit3A_3550 : i32
      %sign3A_3552 = arith.constant 0 : i32
      %sign3A_3553 = arith.cmpi sgt, %squeeze3A_3522, %sign3A_3552 : i32
      %sign3A_3554 = arith.extui %sign3A_3553 : i1 to i32
      %sign3A_3555 = arith.constant 0 : i32
      %sign3A_3556 = arith.cmpi slt, %squeeze3A_3522, %sign3A_3555 : i32
      %sign3A_3557 = arith.extui %sign3A_3556 : i1 to i32
      %sign3A_3558 = arith.subi %sign3A_3554, %sign3A_3557 : i32
      %sign3A_3559 = arith.constant 0 : i32
      %sign3A_3560 = arith.cmpi sgt, %jit3A_3550, %sign3A_3559 : i32
      %sign3A_3561 = arith.extui %sign3A_3560 : i1 to i32
      %sign3A_3562 = arith.constant 0 : i32
      %sign3A_3563 = arith.cmpi slt, %jit3A_3550, %sign3A_3562 : i32
      %sign3A_3564 = arith.extui %sign3A_3563 : i1 to i32
      %sign3A_3565 = arith.subi %sign3A_3561, %sign3A_3564 : i32
      %ne3A_3566 = arith.cmpi ne, %sign3A_3558, %sign3A_3565 : i32
      %rem3A_3567 = arith.remsi %squeeze3A_3522, %jit3A_3550 : i32
      %ne3A_3568 = arith.constant 0 : i32
      %ne3A_3569 = arith.cmpi ne, %rem3A_3567, %ne3A_3568 : i32
      %and3A_3570 = arith.andi %ne3A_3566, %ne3A_3569 : i1
      %sub3A_3571 = arith.constant 1 : i32
      %sub3A_3572 = arith.subi %div3A_3551, %sub3A_3571 : i32
      %select_n3A_3573 = arith.select %and3A_3570, %sub3A_3572, %div3A_3551 : i32
      %mul3A_3574 = arith.constant 128 : i32
      %mul3A_3575 = arith.muli %select_n3A_3573, %mul3A_3574 : i32
      %multiple_of3A_3576 = tpu.assume_multiple %mul3A_3575, 128 : i32
      %dma_start3A_3577 = arith.constant 4 : i32
      %dma_start3A_3578 = arith.constant 0 : i32
      %dma_start3A_3579 = arith.constant 0 : i32
      %dma_start3A_3580 = tpu.memref_slice %arg11[%dma_start3A_3577, %dma_start3A_3578, %dma_start3A_3579] : memref<8x32x128xf32, #tpu.memory_space<vmem>> -> memref<1x32x128xf32, #tpu.memory_space<vmem>>
      %dma_start3A_3581 = tpu.memref_squeeze %dma_start3A_3580 : memref<1x32x128xf32, #tpu.memory_space<vmem>> -> memref<32x128xf32, #tpu.memory_space<vmem>>
      %dma_start3A_3582 = arith.constant 0 : i32
      %dma_start3A_3583 = tpu.memref_slice %arg4[%dma_start3A_3582, %multiple_of3A_3549] : memref<32x1000000xf32, #tpu.memory_space<hbm>> -> memref<32x128xf32, #tpu.memory_space<hbm>>
      %dma_start3A_3584 = arith.constant 0 : i32
      %dma_start3A_3585 = arith.constant 0 : i32
      %dma_start3A_3586 = tpu.memref_slice %arg11[%dma_start3A_3577, %dma_start3A_3584, %dma_start3A_3585] : memref<8x32x128xf32, #tpu.memory_space<vmem>> -> memref<1x32x128xf32, #tpu.memory_space<vmem>>
      %dma_start3A_3587 = tpu.memref_squeeze %dma_start3A_3586 : memref<1x32x128xf32, #tpu.memory_space<vmem>> -> memref<32x128xf32, #tpu.memory_space<vmem>>
      %dma_start3A_3588 = arith.constant 0 : i32
      %dma_start3A_3589 = tpu.memref_slice %arg4[%dma_start3A_3588, %multiple_of3A_3549] : memref<32x1000000xf32, #tpu.memory_space<hbm>> -> memref<32x128xf32, #tpu.memory_space<hbm>>
      tpu.enqueue_dma source(%dma_start3A_3589 : memref<32x128xf32, #tpu.memory_space<hbm>>) target(%dma_start3A_3587 : memref<32x128xf32, #tpu.memory_space<vmem>>) target_semaphore(%arg20 : memref<!tpu.dma_semaphore, #tpu.memory_space<semaphore_mem>>)
      %dma_start3A_3590 = arith.constant 4 : i32
      %dma_start3A_3591 = arith.constant 0 : i32
      %dma_start3A_3592 = arith.constant 0 : i32
      %dma_start3A_3593 = tpu.memref_slice %arg12[%dma_start3A_3590, %dma_start3A_3591, %dma_start3A_3592] : memref<8x32x128xf32, #tpu.memory_space<vmem>> -> memref<1x32x128xf32, #tpu.memory_space<vmem>>
      %dma_start3A_3594 = tpu.memref_squeeze %dma_start3A_3593 : memref<1x32x128xf32, #tpu.memory_space<vmem>> -> memref<32x128xf32, #tpu.memory_space<vmem>>
      %dma_start3A_3595 = arith.constant 0 : i32
      %dma_start3A_3596 = tpu.memref_slice %arg5[%dma_start3A_3595, %multiple_of3A_3576] : memref<32x1000000xf32, #tpu.memory_space<hbm>> -> memref<32x128xf32, #tpu.memory_space<hbm>>
      %dma_start3A_3597 = arith.constant 0 : i32
      %dma_start3A_3598 = arith.constant 0 : i32
      %dma_start3A_3599 = tpu.memref_slice %arg12[%dma_start3A_3590, %dma_start3A_3597, %dma_start3A_3598] : memref<8x32x128xf32, #tpu.memory_space<vmem>> -> memref<1x32x128xf32, #tpu.memory_space<vmem>>
      %dma_start3A_3600 = tpu.memref_squeeze %dma_start3A_3599 : memref<1x32x128xf32, #tpu.memory_space<vmem>> -> memref<32x128xf32, #tpu.memory_space<vmem>>
      %dma_start3A_3601 = arith.constant 0 : i32
      %dma_start3A_3602 = tpu.memref_slice %arg5[%dma_start3A_3601, %multiple_of3A_3576] : memref<32x1000000xf32, #tpu.memory_space<hbm>> -> memref<32x128xf32, #tpu.memory_space<hbm>>
      tpu.enqueue_dma source(%dma_start3A_3602 : memref<32x128xf32, #tpu.memory_space<hbm>>) target(%dma_start3A_3600 : memref<32x128xf32, #tpu.memory_space<vmem>>) target_semaphore(%arg28 : memref<!tpu.dma_semaphore, #tpu.memory_space<semaphore_mem>>)
      %dma_wait3A_3603 = arith.constant 5 : i32
      %dma_wait3A_3604 = arith.constant 0 : i32
      %dma_wait3A_3605 = arith.constant 0 : i32
      %dma_wait3A_3606 = tpu.memref_slice %arg11[%dma_wait3A_3603, %dma_wait3A_3604, %dma_wait3A_3605] : memref<8x32x128xf32, #tpu.memory_space<vmem>> -> memref<1x32x128xf32, #tpu.memory_space<vmem>>
      %dma_wait3A_3607 = tpu.memref_squeeze %dma_wait3A_3606 : memref<1x32x128xf32, #tpu.memory_space<vmem>> -> memref<32x128xf32, #tpu.memory_space<vmem>>
      %dma_wait3A_3608 = arith.constant 0 : i32
      %dma_wait3A_3609 = arith.constant 0 : i32
      %dma_wait3A_3610 = tpu.memref_slice %arg4[%dma_wait3A_3608, %dma_wait3A_3609] : memref<32x1000000xf32, #tpu.memory_space<hbm>> -> memref<32x128xf32, #tpu.memory_space<hbm>>
      %dma_wait3A_3611 = arith.constant 0 : i32
      %dma_wait3A_3612 = arith.constant 0 : i32
      %dma_wait3A_3613 = tpu.memref_slice %arg11[%dma_wait3A_3603, %dma_wait3A_3611, %dma_wait3A_3612] : memref<8x32x128xf32, #tpu.memory_space<vmem>> -> memref<1x32x128xf32, #tpu.memory_space<vmem>>
      %dma_wait3A_3614 = tpu.memref_squeeze %dma_wait3A_3613 : memref<1x32x128xf32, #tpu.memory_space<vmem>> -> memref<32x128xf32, #tpu.memory_space<vmem>>
      %dma_wait3A_3615 = arith.constant 0 : i32
      %dma_wait3A_3616 = arith.constant 0 : i32
      %dma_wait3A_3617 = tpu.memref_slice %arg4[%dma_wait3A_3615, %dma_wait3A_3616] : memref<32x1000000xf32, #tpu.memory_space<hbm>> -> memref<32x128xf32, #tpu.memory_space<hbm>>
      tpu.wait_dma2 semaphore(%arg21 : memref<!tpu.dma_semaphore, #tpu.memory_space<semaphore_mem>>) src(%dma_wait3A_3617 : memref<32x128xf32, #tpu.memory_space<hbm>>) dst(%dma_wait3A_3614 : memref<32x128xf32, #tpu.memory_space<vmem>>)
      %dma_wait3A_3618 = arith.constant 5 : i32
      %dma_wait3A_3619 = arith.constant 0 : i32
      %dma_wait3A_3620 = arith.constant 0 : i32
      %dma_wait3A_3621 = tpu.memref_slice %arg12[%dma_wait3A_3618, %dma_wait3A_3619, %dma_wait3A_3620] : memref<8x32x128xf32, #tpu.memory_space<vmem>> -> memref<1x32x128xf32, #tpu.memory_space<vmem>>
      %dma_wait3A_3622 = tpu.memref_squeeze %dma_wait3A_3621 : memref<1x32x128xf32, #tpu.memory_space<vmem>> -> memref<32x128xf32, #tpu.memory_space<vmem>>
      %dma_wait3A_3623 = arith.constant 0 : i32
      %dma_wait3A_3624 = arith.constant 0 : i32
      %dma_wait3A_3625 = tpu.memref_slice %arg5[%dma_wait3A_3623, %dma_wait3A_3624] : memref<32x1000000xf32, #tpu.memory_space<hbm>> -> memref<32x128xf32, #tpu.memory_space<hbm>>
      %dma_wait3A_3626 = arith.constant 0 : i32
      %dma_wait3A_3627 = arith.constant 0 : i32
      %dma_wait3A_3628 = tpu.memref_slice %arg12[%dma_wait3A_3618, %dma_wait3A_3626, %dma_wait3A_3627] : memref<8x32x128xf32, #tpu.memory_space<vmem>> -> memref<1x32x128xf32, #tpu.memory_space<vmem>>
      %dma_wait3A_3629 = tpu.memref_squeeze %dma_wait3A_3628 : memref<1x32x128xf32, #tpu.memory_space<vmem>> -> memref<32x128xf32, #tpu.memory_space<vmem>>
      %dma_wait3A_3630 = arith.constant 0 : i32
      %dma_wait3A_3631 = arith.constant 0 : i32
      %dma_wait3A_3632 = tpu.memref_slice %arg5[%dma_wait3A_3630, %dma_wait3A_3631] : memref<32x1000000xf32, #tpu.memory_space<hbm>> -> memref<32x128xf32, #tpu.memory_space<hbm>>
      tpu.wait_dma2 semaphore(%arg29 : memref<!tpu.dma_semaphore, #tpu.memory_space<semaphore_mem>>) src(%dma_wait3A_3632 : memref<32x128xf32, #tpu.memory_space<hbm>>) dst(%dma_wait3A_3629 : memref<32x128xf32, #tpu.memory_space<vmem>>)
      %slice3A_3633 = vector.extract_strided_slice %get3A_1077 {offsets = [13], sizes = [1], strides = [1]} : vector<16xi32> to vector<1xi32>
      %squeeze3A_3634 = vector.extract %slice3A_3633[0] : i32 from vector<1xi32>
      %slice3A_3635 = vector.extract_strided_slice %get3A_1079 {offsets = [13], sizes = [1], strides = [1]} : vector<16xi32> to vector<1xi32>
      %squeeze3A_3636 = vector.extract %slice3A_3635[0] : i32 from vector<1xi32>
      %jit3A_3637 = arith.constant 128 : i32
      %eq3A_3638 = arith.constant 0 : i32
      %eq3A_3639 = arith.cmpi eq, %jit3A_3637, %eq3A_3638 : i32
      %jit3A_3640 = arith.constant 1 : i32
      %select_n3A_3641 = arith.select %eq3A_3639, %jit3A_3640, %jit3A_3637 : i32
      %rem3A_3642 = arith.remsi %squeeze3A_3634, %select_n3A_3641 : i32
      %ne3A_3643 = arith.constant 0 : i32
      %ne3A_3644 = arith.cmpi ne, %rem3A_3642, %ne3A_3643 : i32
      %lt3A_3645 = arith.constant 0 : i32
      %lt3A_3646 = arith.cmpi slt, %rem3A_3642, %lt3A_3645 : i32
      %lt3A_3647 = arith.constant 0 : i32
      %lt3A_3648 = arith.cmpi slt, %select_n3A_3641, %lt3A_3647 : i32
      %ne3A_3649 = arith.xori %lt3A_3646, %lt3A_3648 : i1
      %and3A_3650 = arith.andi %ne3A_3649, %ne3A_3644 : i1
      %add3A_3651 = arith.addi %rem3A_3642, %select_n3A_3641 : i32
      %select_n3A_3652 = arith.select %and3A_3650, %add3A_3651, %rem3A_3642 : i32
      %broadcast_in_dim3A_3653 = vector.broadcast %select_n3A_3652 : i32 to vector<16xi32>
      %jit3A_3654 = arith.constant 128 : i32
      %eq3A_3655 = arith.constant 0 : i32
      %eq3A_3656 = arith.cmpi eq, %jit3A_3654, %eq3A_3655 : i32
      %jit3A_3657 = arith.constant 1 : i32
      %select_n3A_3658 = arith.select %eq3A_3656, %jit3A_3657, %jit3A_3654 : i32
      %rem3A_3659 = arith.remsi %squeeze3A_3636, %select_n3A_3658 : i32
      %ne3A_3660 = arith.constant 0 : i32
      %ne3A_3661 = arith.cmpi ne, %rem3A_3659, %ne3A_3660 : i32
      %lt3A_3662 = arith.constant 0 : i32
      %lt3A_3663 = arith.cmpi slt, %rem3A_3659, %lt3A_3662 : i32
      %lt3A_3664 = arith.constant 0 : i32
      %lt3A_3665 = arith.cmpi slt, %select_n3A_3658, %lt3A_3664 : i32
      %ne3A_3666 = arith.xori %lt3A_3663, %lt3A_3665 : i1
      %and3A_3667 = arith.andi %ne3A_3666, %ne3A_3661 : i1
      %add3A_3668 = arith.addi %rem3A_3659, %select_n3A_3658 : i32
      %select_n3A_3669 = arith.select %and3A_3667, %add3A_3668, %rem3A_3659 : i32
      %broadcast_in_dim3A_3670 = vector.broadcast %select_n3A_3669 : i32 to vector<16xi32>
      %gather3A_3671 = arith.constant 5 : i32
      %gather3A_3672 = arith.constant 0 : i32
      %gather3A_3673 = arith.constant 0 : i32
      %gather3A_3674 = tpu.memref_slice %arg11[%gather3A_3671, %gather3A_3672, %gather3A_3673] : memref<8x32x128xf32, #tpu.memory_space<vmem>> -> memref<1x32x128xf32, #tpu.memory_space<vmem>>
      %gather3A_3675 = tpu.memref_squeeze %gather3A_3674 : memref<1x32x128xf32, #tpu.memory_space<vmem>> -> memref<32x128xf32, #tpu.memory_space<vmem>>
      %gather3A_3676 = tpu.vector_load_idx %gather3A_3675[%iota3A, %broadcast_in_dim3A_3653] : memref<32x128xf32, #tpu.memory_space<vmem>>[vector<16xi32>, vector<16xi32>], vector<16xf32>,
      %add3A_3677 = arith.constant 16 : i32
      %add3A_3678 = vector.broadcast %add3A_3677 : i32 to vector<16xi32>
      %add3A_3679 = arith.addi %iota3A, %add3A_3678 : vector<16xi32>
      %gather3A_3680 = arith.constant 5 : i32
      %gather3A_3681 = arith.constant 0 : i32
      %gather3A_3682 = arith.constant 0 : i32
      %gather3A_3683 = tpu.memref_slice %arg11[%gather3A_3680, %gather3A_3681, %gather3A_3682] : memref<8x32x128xf32, #tpu.memory_space<vmem>> -> memref<1x32x128xf32, #tpu.memory_space<vmem>>
      %gather3A_3684 = tpu.memref_squeeze %gather3A_3683 : memref<1x32x128xf32, #tpu.memory_space<vmem>> -> memref<32x128xf32, #tpu.memory_space<vmem>>
      %gather3A_3685 = tpu.vector_load_idx %gather3A_3684[%add3A_3679, %broadcast_in_dim3A_3653] : memref<32x128xf32, #tpu.memory_space<vmem>>[vector<16xi32>, vector<16xi32>], vector<16xf32>,
      %gather3A_3686 = arith.constant 5 : i32
      %gather3A_3687 = arith.constant 0 : i32
      %gather3A_3688 = arith.constant 0 : i32
      %gather3A_3689 = tpu.memref_slice %arg12[%gather3A_3686, %gather3A_3687, %gather3A_3688] : memref<8x32x128xf32, #tpu.memory_space<vmem>> -> memref<1x32x128xf32, #tpu.memory_space<vmem>>
      %gather3A_3690 = tpu.memref_squeeze %gather3A_3689 : memref<1x32x128xf32, #tpu.memory_space<vmem>> -> memref<32x128xf32, #tpu.memory_space<vmem>>
      %gather3A_3691 = tpu.vector_load_idx %gather3A_3690[%iota3A, %broadcast_in_dim3A_3670] : memref<32x128xf32, #tpu.memory_space<vmem>>[vector<16xi32>, vector<16xi32>], vector<16xf32>,
      %add3A_3692 = arith.constant 16 : i32
      %add3A_3693 = vector.broadcast %add3A_3692 : i32 to vector<16xi32>
      %add3A_3694 = arith.addi %iota3A, %add3A_3693 : vector<16xi32>
      %gather3A_3695 = arith.constant 5 : i32
      %gather3A_3696 = arith.constant 0 : i32
      %gather3A_3697 = arith.constant 0 : i32
      %gather3A_3698 = tpu.memref_slice %arg12[%gather3A_3695, %gather3A_3696, %gather3A_3697] : memref<8x32x128xf32, #tpu.memory_space<vmem>> -> memref<1x32x128xf32, #tpu.memory_space<vmem>>
      %gather3A_3699 = tpu.memref_squeeze %gather3A_3698 : memref<1x32x128xf32, #tpu.memory_space<vmem>> -> memref<32x128xf32, #tpu.memory_space<vmem>>
      %gather3A_3700 = tpu.vector_load_idx %gather3A_3699[%add3A_3694, %broadcast_in_dim3A_3670] : memref<32x128xf32, #tpu.memory_space<vmem>>[vector<16xi32>, vector<16xi32>], vector<16xf32>,
      %mul3A_3701 = arith.mulf %gather3A_3676, %gather3A_3691 : vector<16xf32>
      %mul3A_3702 = arith.mulf %gather3A_3685, %gather3A_3700 : vector<16xf32>
      %add3A_3703 = arith.addf %mul3A_3701, %mul3A_3702 : vector<16xf32>
      %reduce_sum3A_3704 = arith.constant true
      %reduce_sum3A_3705 = vector.broadcast %reduce_sum3A_3704 : i1 to vector<16xi1>
      %reduce_sum3A_3706 = tpu.scan <sum>, %add3A_3703 masked %reduce_sum3A_3705 : vector<16xf32>, vector<16xi1> -> vector<16xf32>
      %reduce_sum3A_3707 = vector.extract %reduce_sum3A_3706[15] : f32 from vector<16xf32>
      %eq3A_3708 = arith.constant 13 : i32
      %eq3A_3709 = vector.broadcast %eq3A_3708 : i32 to vector<16xi32>
      %eq3A_3710 = arith.cmpi eq, %iota3A, %eq3A_3709 : vector<16xi32>
      %broadcast_in_dim3A_3711 = vector.broadcast %reduce_sum3A_3707 : f32 to vector<16xf32>
      %select_n3A_3712 = arith.select %eq3A_3710, %broadcast_in_dim3A_3711, %select_n3A_3518 : vector<16xi1>, vector<16xf32>
      %slice3A_3713 = vector.extract_strided_slice %get3A_1081 {offsets = [5], sizes = [1], strides = [1]} : vector<16xi32> to vector<1xi32>
      %squeeze3A_3714 = vector.extract %slice3A_3713[0] : i32 from vector<1xi32>
      %slice3A_3715 = vector.extract_strided_slice %get3A_1083 {offsets = [5], sizes = [1], strides = [1]} : vector<16xi32> to vector<1xi32>
      %squeeze3A_3716 = vector.extract %slice3A_3715[0] : i32 from vector<1xi32>
      %jit3A_3717 = arith.constant 128 : i32
      %div3A_3718 = arith.divsi %squeeze3A_3714, %jit3A_3717 : i32
      %sign3A_3719 = arith.constant 0 : i32
      %sign3A_3720 = arith.cmpi sgt, %squeeze3A_3714, %sign3A_3719 : i32
      %sign3A_3721 = arith.extui %sign3A_3720 : i1 to i32
      %sign3A_3722 = arith.constant 0 : i32
      %sign3A_3723 = arith.cmpi slt, %squeeze3A_3714, %sign3A_3722 : i32
      %sign3A_3724 = arith.extui %sign3A_3723 : i1 to i32
      %sign3A_3725 = arith.subi %sign3A_3721, %sign3A_3724 : i32
      %sign3A_3726 = arith.constant 0 : i32
      %sign3A_3727 = arith.cmpi sgt, %jit3A_3717, %sign3A_3726 : i32
      %sign3A_3728 = arith.extui %sign3A_3727 : i1 to i32
      %sign3A_3729 = arith.constant 0 : i32
      %sign3A_3730 = arith.cmpi slt, %jit3A_3717, %sign3A_3729 : i32
      %sign3A_3731 = arith.extui %sign3A_3730 : i1 to i32
      %sign3A_3732 = arith.subi %sign3A_3728, %sign3A_3731 : i32
      %ne3A_3733 = arith.cmpi ne, %sign3A_3725, %sign3A_3732 : i32
      %rem3A_3734 = arith.remsi %squeeze3A_3714, %jit3A_3717 : i32
      %ne3A_3735 = arith.constant 0 : i32
      %ne3A_3736 = arith.cmpi ne, %rem3A_3734, %ne3A_3735 : i32
      %and3A_3737 = arith.andi %ne3A_3733, %ne3A_3736 : i1
      %sub3A_3738 = arith.constant 1 : i32
      %sub3A_3739 = arith.subi %div3A_3718, %sub3A_3738 : i32
      %select_n3A_3740 = arith.select %and3A_3737, %sub3A_3739, %div3A_3718 : i32
      %mul3A_3741 = arith.constant 128 : i32
      %mul3A_3742 = arith.muli %select_n3A_3740, %mul3A_3741 : i32
      %multiple_of3A_3743 = tpu.assume_multiple %mul3A_3742, 128 : i32
      %jit3A_3744 = arith.constant 128 : i32
      %div3A_3745 = arith.divsi %squeeze3A_3716, %jit3A_3744 : i32
      %sign3A_3746 = arith.constant 0 : i32
      %sign3A_3747 = arith.cmpi sgt, %squeeze3A_3716, %sign3A_3746 : i32
      %sign3A_3748 = arith.extui %sign3A_3747 : i1 to i32
      %sign3A_3749 = arith.constant 0 : i32
      %sign3A_3750 = arith.cmpi slt, %squeeze3A_3716, %sign3A_3749 : i32
      %sign3A_3751 = arith.extui %sign3A_3750 : i1 to i32
      %sign3A_3752 = arith.subi %sign3A_3748, %sign3A_3751 : i32
      %sign3A_3753 = arith.constant 0 : i32
      %sign3A_3754 = arith.cmpi sgt, %jit3A_3744, %sign3A_3753 : i32
      %sign3A_3755 = arith.extui %sign3A_3754 : i1 to i32
      %sign3A_3756 = arith.constant 0 : i32
      %sign3A_3757 = arith.cmpi slt, %jit3A_3744, %sign3A_3756 : i32
      %sign3A_3758 = arith.extui %sign3A_3757 : i1 to i32
      %sign3A_3759 = arith.subi %sign3A_3755, %sign3A_3758 : i32
      %ne3A_3760 = arith.cmpi ne, %sign3A_3752, %sign3A_3759 : i32
      %rem3A_3761 = arith.remsi %squeeze3A_3716, %jit3A_3744 : i32
      %ne3A_3762 = arith.constant 0 : i32
      %ne3A_3763 = arith.cmpi ne, %rem3A_3761, %ne3A_3762 : i32
      %and3A_3764 = arith.andi %ne3A_3760, %ne3A_3763 : i1
      %sub3A_3765 = arith.constant 1 : i32
      %sub3A_3766 = arith.subi %div3A_3745, %sub3A_3765 : i32
      %select_n3A_3767 = arith.select %and3A_3764, %sub3A_3766, %div3A_3745 : i32
      %mul3A_3768 = arith.constant 128 : i32
      %mul3A_3769 = arith.muli %select_n3A_3767, %mul3A_3768 : i32
      %multiple_of3A_3770 = tpu.assume_multiple %mul3A_3769, 128 : i32
      %dma_start3A_3771 = arith.constant 5 : i32
      %dma_start3A_3772 = arith.constant 0 : i32
      %dma_start3A_3773 = arith.constant 0 : i32
      %dma_start3A_3774 = tpu.memref_slice %arg11[%dma_start3A_3771, %dma_start3A_3772, %dma_start3A_3773] : memref<8x32x128xf32, #tpu.memory_space<vmem>> -> memref<1x32x128xf32, #tpu.memory_space<vmem>>
      %dma_start3A_3775 = tpu.memref_squeeze %dma_start3A_3774 : memref<1x32x128xf32, #tpu.memory_space<vmem>> -> memref<32x128xf32, #tpu.memory_space<vmem>>
      %dma_start3A_3776 = arith.constant 0 : i32
      %dma_start3A_3777 = tpu.memref_slice %arg4[%dma_start3A_3776, %multiple_of3A_3743] : memref<32x1000000xf32, #tpu.memory_space<hbm>> -> memref<32x128xf32, #tpu.memory_space<hbm>>
      %dma_start3A_3778 = arith.constant 0 : i32
      %dma_start3A_3779 = arith.constant 0 : i32
      %dma_start3A_3780 = tpu.memref_slice %arg11[%dma_start3A_3771, %dma_start3A_3778, %dma_start3A_3779] : memref<8x32x128xf32, #tpu.memory_space<vmem>> -> memref<1x32x128xf32, #tpu.memory_space<vmem>>
      %dma_start3A_3781 = tpu.memref_squeeze %dma_start3A_3780 : memref<1x32x128xf32, #tpu.memory_space<vmem>> -> memref<32x128xf32, #tpu.memory_space<vmem>>
      %dma_start3A_3782 = arith.constant 0 : i32
      %dma_start3A_3783 = tpu.memref_slice %arg4[%dma_start3A_3782, %multiple_of3A_3743] : memref<32x1000000xf32, #tpu.memory_space<hbm>> -> memref<32x128xf32, #tpu.memory_space<hbm>>
      tpu.enqueue_dma source(%dma_start3A_3783 : memref<32x128xf32, #tpu.memory_space<hbm>>) target(%dma_start3A_3781 : memref<32x128xf32, #tpu.memory_space<vmem>>) target_semaphore(%arg21 : memref<!tpu.dma_semaphore, #tpu.memory_space<semaphore_mem>>)
      %dma_start3A_3784 = arith.constant 5 : i32
      %dma_start3A_3785 = arith.constant 0 : i32
      %dma_start3A_3786 = arith.constant 0 : i32
      %dma_start3A_3787 = tpu.memref_slice %arg12[%dma_start3A_3784, %dma_start3A_3785, %dma_start3A_3786] : memref<8x32x128xf32, #tpu.memory_space<vmem>> -> memref<1x32x128xf32, #tpu.memory_space<vmem>>
      %dma_start3A_3788 = tpu.memref_squeeze %dma_start3A_3787 : memref<1x32x128xf32, #tpu.memory_space<vmem>> -> memref<32x128xf32, #tpu.memory_space<vmem>>
      %dma_start3A_3789 = arith.constant 0 : i32
      %dma_start3A_3790 = tpu.memref_slice %arg5[%dma_start3A_3789, %multiple_of3A_3770] : memref<32x1000000xf32, #tpu.memory_space<hbm>> -> memref<32x128xf32, #tpu.memory_space<hbm>>
      %dma_start3A_3791 = arith.constant 0 : i32
      %dma_start3A_3792 = arith.constant 0 : i32
      %dma_start3A_3793 = tpu.memref_slice %arg12[%dma_start3A_3784, %dma_start3A_3791, %dma_start3A_3792] : memref<8x32x128xf32, #tpu.memory_space<vmem>> -> memref<1x32x128xf32, #tpu.memory_space<vmem>>
      %dma_start3A_3794 = tpu.memref_squeeze %dma_start3A_3793 : memref<1x32x128xf32, #tpu.memory_space<vmem>> -> memref<32x128xf32, #tpu.memory_space<vmem>>
      %dma_start3A_3795 = arith.constant 0 : i32
      %dma_start3A_3796 = tpu.memref_slice %arg5[%dma_start3A_3795, %multiple_of3A_3770] : memref<32x1000000xf32, #tpu.memory_space<hbm>> -> memref<32x128xf32, #tpu.memory_space<hbm>>
      tpu.enqueue_dma source(%dma_start3A_3796 : memref<32x128xf32, #tpu.memory_space<hbm>>) target(%dma_start3A_3794 : memref<32x128xf32, #tpu.memory_space<vmem>>) target_semaphore(%arg29 : memref<!tpu.dma_semaphore, #tpu.memory_space<semaphore_mem>>)
      %dma_wait3A_3797 = arith.constant 6 : i32
      %dma_wait3A_3798 = arith.constant 0 : i32
      %dma_wait3A_3799 = arith.constant 0 : i32
      %dma_wait3A_3800 = tpu.memref_slice %arg11[%dma_wait3A_3797, %dma_wait3A_3798, %dma_wait3A_3799] : memref<8x32x128xf32, #tpu.memory_space<vmem>> -> memref<1x32x128xf32, #tpu.memory_space<vmem>>
      %dma_wait3A_3801 = tpu.memref_squeeze %dma_wait3A_3800 : memref<1x32x128xf32, #tpu.memory_space<vmem>> -> memref<32x128xf32, #tpu.memory_space<vmem>>
      %dma_wait3A_3802 = arith.constant 0 : i32
      %dma_wait3A_3803 = arith.constant 0 : i32
      %dma_wait3A_3804 = tpu.memref_slice %arg4[%dma_wait3A_3802, %dma_wait3A_3803] : memref<32x1000000xf32, #tpu.memory_space<hbm>> -> memref<32x128xf32, #tpu.memory_space<hbm>>
      %dma_wait3A_3805 = arith.constant 0 : i32
      %dma_wait3A_3806 = arith.constant 0 : i32
      %dma_wait3A_3807 = tpu.memref_slice %arg11[%dma_wait3A_3797, %dma_wait3A_3805, %dma_wait3A_3806] : memref<8x32x128xf32, #tpu.memory_space<vmem>> -> memref<1x32x128xf32, #tpu.memory_space<vmem>>
      %dma_wait3A_3808 = tpu.memref_squeeze %dma_wait3A_3807 : memref<1x32x128xf32, #tpu.memory_space<vmem>> -> memref<32x128xf32, #tpu.memory_space<vmem>>
      %dma_wait3A_3809 = arith.constant 0 : i32
      %dma_wait3A_3810 = arith.constant 0 : i32
      %dma_wait3A_3811 = tpu.memref_slice %arg4[%dma_wait3A_3809, %dma_wait3A_3810] : memref<32x1000000xf32, #tpu.memory_space<hbm>> -> memref<32x128xf32, #tpu.memory_space<hbm>>
      tpu.wait_dma2 semaphore(%arg22 : memref<!tpu.dma_semaphore, #tpu.memory_space<semaphore_mem>>) src(%dma_wait3A_3811 : memref<32x128xf32, #tpu.memory_space<hbm>>) dst(%dma_wait3A_3808 : memref<32x128xf32, #tpu.memory_space<vmem>>)
      %dma_wait3A_3812 = arith.constant 6 : i32
      %dma_wait3A_3813 = arith.constant 0 : i32
      %dma_wait3A_3814 = arith.constant 0 : i32
      %dma_wait3A_3815 = tpu.memref_slice %arg12[%dma_wait3A_3812, %dma_wait3A_3813, %dma_wait3A_3814] : memref<8x32x128xf32, #tpu.memory_space<vmem>> -> memref<1x32x128xf32, #tpu.memory_space<vmem>>
      %dma_wait3A_3816 = tpu.memref_squeeze %dma_wait3A_3815 : memref<1x32x128xf32, #tpu.memory_space<vmem>> -> memref<32x128xf32, #tpu.memory_space<vmem>>
      %dma_wait3A_3817 = arith.constant 0 : i32
      %dma_wait3A_3818 = arith.constant 0 : i32
      %dma_wait3A_3819 = tpu.memref_slice %arg5[%dma_wait3A_3817, %dma_wait3A_3818] : memref<32x1000000xf32, #tpu.memory_space<hbm>> -> memref<32x128xf32, #tpu.memory_space<hbm>>
      %dma_wait3A_3820 = arith.constant 0 : i32
      %dma_wait3A_3821 = arith.constant 0 : i32
      %dma_wait3A_3822 = tpu.memref_slice %arg12[%dma_wait3A_3812, %dma_wait3A_3820, %dma_wait3A_3821] : memref<8x32x128xf32, #tpu.memory_space<vmem>> -> memref<1x32x128xf32, #tpu.memory_space<vmem>>
      %dma_wait3A_3823 = tpu.memref_squeeze %dma_wait3A_3822 : memref<1x32x128xf32, #tpu.memory_space<vmem>> -> memref<32x128xf32, #tpu.memory_space<vmem>>
      %dma_wait3A_3824 = arith.constant 0 : i32
      %dma_wait3A_3825 = arith.constant 0 : i32
      %dma_wait3A_3826 = tpu.memref_slice %arg5[%dma_wait3A_3824, %dma_wait3A_3825] : memref<32x1000000xf32, #tpu.memory_space<hbm>> -> memref<32x128xf32, #tpu.memory_space<hbm>>
      tpu.wait_dma2 semaphore(%arg30 : memref<!tpu.dma_semaphore, #tpu.memory_space<semaphore_mem>>) src(%dma_wait3A_3826 : memref<32x128xf32, #tpu.memory_space<hbm>>) dst(%dma_wait3A_3823 : memref<32x128xf32, #tpu.memory_space<vmem>>)
      %slice3A_3827 = vector.extract_strided_slice %get3A_1077 {offsets = [14], sizes = [1], strides = [1]} : vector<16xi32> to vector<1xi32>
      %squeeze3A_3828 = vector.extract %slice3A_3827[0] : i32 from vector<1xi32>
      %slice3A_3829 = vector.extract_strided_slice %get3A_1079 {offsets = [14], sizes = [1], strides = [1]} : vector<16xi32> to vector<1xi32>
      %squeeze3A_3830 = vector.extract %slice3A_3829[0] : i32 from vector<1xi32>
      %jit3A_3831 = arith.constant 128 : i32
      %eq3A_3832 = arith.constant 0 : i32
      %eq3A_3833 = arith.cmpi eq, %jit3A_3831, %eq3A_3832 : i32
      %jit3A_3834 = arith.constant 1 : i32
      %select_n3A_3835 = arith.select %eq3A_3833, %jit3A_3834, %jit3A_3831 : i32
      %rem3A_3836 = arith.remsi %squeeze3A_3828, %select_n3A_3835 : i32
      %ne3A_3837 = arith.constant 0 : i32
      %ne3A_3838 = arith.cmpi ne, %rem3A_3836, %ne3A_3837 : i32
      %lt3A_3839 = arith.constant 0 : i32
      %lt3A_3840 = arith.cmpi slt, %rem3A_3836, %lt3A_3839 : i32
      %lt3A_3841 = arith.constant 0 : i32
      %lt3A_3842 = arith.cmpi slt, %select_n3A_3835, %lt3A_3841 : i32
      %ne3A_3843 = arith.xori %lt3A_3840, %lt3A_3842 : i1
      %and3A_3844 = arith.andi %ne3A_3843, %ne3A_3838 : i1
      %add3A_3845 = arith.addi %rem3A_3836, %select_n3A_3835 : i32
      %select_n3A_3846 = arith.select %and3A_3844, %add3A_3845, %rem3A_3836 : i32
      %broadcast_in_dim3A_3847 = vector.broadcast %select_n3A_3846 : i32 to vector<16xi32>
      %jit3A_3848 = arith.constant 128 : i32
      %eq3A_3849 = arith.constant 0 : i32
      %eq3A_3850 = arith.cmpi eq, %jit3A_3848, %eq3A_3849 : i32
      %jit3A_3851 = arith.constant 1 : i32
      %select_n3A_3852 = arith.select %eq3A_3850, %jit3A_3851, %jit3A_3848 : i32
      %rem3A_3853 = arith.remsi %squeeze3A_3830, %select_n3A_3852 : i32
      %ne3A_3854 = arith.constant 0 : i32
      %ne3A_3855 = arith.cmpi ne, %rem3A_3853, %ne3A_3854 : i32
      %lt3A_3856 = arith.constant 0 : i32
      %lt3A_3857 = arith.cmpi slt, %rem3A_3853, %lt3A_3856 : i32
      %lt3A_3858 = arith.constant 0 : i32
      %lt3A_3859 = arith.cmpi slt, %select_n3A_3852, %lt3A_3858 : i32
      %ne3A_3860 = arith.xori %lt3A_3857, %lt3A_3859 : i1
      %and3A_3861 = arith.andi %ne3A_3860, %ne3A_3855 : i1
      %add3A_3862 = arith.addi %rem3A_3853, %select_n3A_3852 : i32
      %select_n3A_3863 = arith.select %and3A_3861, %add3A_3862, %rem3A_3853 : i32
      %broadcast_in_dim3A_3864 = vector.broadcast %select_n3A_3863 : i32 to vector<16xi32>
      %gather3A_3865 = arith.constant 6 : i32
      %gather3A_3866 = arith.constant 0 : i32
      %gather3A_3867 = arith.constant 0 : i32
      %gather3A_3868 = tpu.memref_slice %arg11[%gather3A_3865, %gather3A_3866, %gather3A_3867] : memref<8x32x128xf32, #tpu.memory_space<vmem>> -> memref<1x32x128xf32, #tpu.memory_space<vmem>>
      %gather3A_3869 = tpu.memref_squeeze %gather3A_3868 : memref<1x32x128xf32, #tpu.memory_space<vmem>> -> memref<32x128xf32, #tpu.memory_space<vmem>>
      %gather3A_3870 = tpu.vector_load_idx %gather3A_3869[%iota3A, %broadcast_in_dim3A_3847] : memref<32x128xf32, #tpu.memory_space<vmem>>[vector<16xi32>, vector<16xi32>], vector<16xf32>,
      %add3A_3871 = arith.constant 16 : i32
      %add3A_3872 = vector.broadcast %add3A_3871 : i32 to vector<16xi32>
      %add3A_3873 = arith.addi %iota3A, %add3A_3872 : vector<16xi32>
      %gather3A_3874 = arith.constant 6 : i32
      %gather3A_3875 = arith.constant 0 : i32
      %gather3A_3876 = arith.constant 0 : i32
      %gather3A_3877 = tpu.memref_slice %arg11[%gather3A_3874, %gather3A_3875, %gather3A_3876] : memref<8x32x128xf32, #tpu.memory_space<vmem>> -> memref<1x32x128xf32, #tpu.memory_space<vmem>>
      %gather3A_3878 = tpu.memref_squeeze %gather3A_3877 : memref<1x32x128xf32, #tpu.memory_space<vmem>> -> memref<32x128xf32, #tpu.memory_space<vmem>>
      %gather3A_3879 = tpu.vector_load_idx %gather3A_3878[%add3A_3873, %broadcast_in_dim3A_3847] : memref<32x128xf32, #tpu.memory_space<vmem>>[vector<16xi32>, vector<16xi32>], vector<16xf32>,
      %gather3A_3880 = arith.constant 6 : i32
      %gather3A_3881 = arith.constant 0 : i32
      %gather3A_3882 = arith.constant 0 : i32
      %gather3A_3883 = tpu.memref_slice %arg12[%gather3A_3880, %gather3A_3881, %gather3A_3882] : memref<8x32x128xf32, #tpu.memory_space<vmem>> -> memref<1x32x128xf32, #tpu.memory_space<vmem>>
      %gather3A_3884 = tpu.memref_squeeze %gather3A_3883 : memref<1x32x128xf32, #tpu.memory_space<vmem>> -> memref<32x128xf32, #tpu.memory_space<vmem>>
      %gather3A_3885 = tpu.vector_load_idx %gather3A_3884[%iota3A, %broadcast_in_dim3A_3864] : memref<32x128xf32, #tpu.memory_space<vmem>>[vector<16xi32>, vector<16xi32>], vector<16xf32>,
      %add3A_3886 = arith.constant 16 : i32
      %add3A_3887 = vector.broadcast %add3A_3886 : i32 to vector<16xi32>
      %add3A_3888 = arith.addi %iota3A, %add3A_3887 : vector<16xi32>
      %gather3A_3889 = arith.constant 6 : i32
      %gather3A_3890 = arith.constant 0 : i32
      %gather3A_3891 = arith.constant 0 : i32
      %gather3A_3892 = tpu.memref_slice %arg12[%gather3A_3889, %gather3A_3890, %gather3A_3891] : memref<8x32x128xf32, #tpu.memory_space<vmem>> -> memref<1x32x128xf32, #tpu.memory_space<vmem>>
      %gather3A_3893 = tpu.memref_squeeze %gather3A_3892 : memref<1x32x128xf32, #tpu.memory_space<vmem>> -> memref<32x128xf32, #tpu.memory_space<vmem>>
      %gather3A_3894 = tpu.vector_load_idx %gather3A_3893[%add3A_3888, %broadcast_in_dim3A_3864] : memref<32x128xf32, #tpu.memory_space<vmem>>[vector<16xi32>, vector<16xi32>], vector<16xf32>,
      %mul3A_3895 = arith.mulf %gather3A_3870, %gather3A_3885 : vector<16xf32>
      %mul3A_3896 = arith.mulf %gather3A_3879, %gather3A_3894 : vector<16xf32>
      %add3A_3897 = arith.addf %mul3A_3895, %mul3A_3896 : vector<16xf32>
      %reduce_sum3A_3898 = arith.constant true
      %reduce_sum3A_3899 = vector.broadcast %reduce_sum3A_3898 : i1 to vector<16xi1>
      %reduce_sum3A_3900 = tpu.scan <sum>, %add3A_3897 masked %reduce_sum3A_3899 : vector<16xf32>, vector<16xi1> -> vector<16xf32>
      %reduce_sum3A_3901 = vector.extract %reduce_sum3A_3900[15] : f32 from vector<16xf32>
      %eq3A_3902 = arith.constant 14 : i32
      %eq3A_3903 = vector.broadcast %eq3A_3902 : i32 to vector<16xi32>
      %eq3A_3904 = arith.cmpi eq, %iota3A, %eq3A_3903 : vector<16xi32>
      %broadcast_in_dim3A_3905 = vector.broadcast %reduce_sum3A_3901 : f32 to vector<16xf32>
      %select_n3A_3906 = arith.select %eq3A_3904, %broadcast_in_dim3A_3905, %select_n3A_3712 : vector<16xi1>, vector<16xf32>
      %slice3A_3907 = vector.extract_strided_slice %get3A_1081 {offsets = [6], sizes = [1], strides = [1]} : vector<16xi32> to vector<1xi32>
      %squeeze3A_3908 = vector.extract %slice3A_3907[0] : i32 from vector<1xi32>
      %slice3A_3909 = vector.extract_strided_slice %get3A_1083 {offsets = [6], sizes = [1], strides = [1]} : vector<16xi32> to vector<1xi32>
      %squeeze3A_3910 = vector.extract %slice3A_3909[0] : i32 from vector<1xi32>
      %jit3A_3911 = arith.constant 128 : i32
      %div3A_3912 = arith.divsi %squeeze3A_3908, %jit3A_3911 : i32
      %sign3A_3913 = arith.constant 0 : i32
      %sign3A_3914 = arith.cmpi sgt, %squeeze3A_3908, %sign3A_3913 : i32
      %sign3A_3915 = arith.extui %sign3A_3914 : i1 to i32
      %sign3A_3916 = arith.constant 0 : i32
      %sign3A_3917 = arith.cmpi slt, %squeeze3A_3908, %sign3A_3916 : i32
      %sign3A_3918 = arith.extui %sign3A_3917 : i1 to i32
      %sign3A_3919 = arith.subi %sign3A_3915, %sign3A_3918 : i32
      %sign3A_3920 = arith.constant 0 : i32
      %sign3A_3921 = arith.cmpi sgt, %jit3A_3911, %sign3A_3920 : i32
      %sign3A_3922 = arith.extui %sign3A_3921 : i1 to i32
      %sign3A_3923 = arith.constant 0 : i32
      %sign3A_3924 = arith.cmpi slt, %jit3A_3911, %sign3A_3923 : i32
      %sign3A_3925 = arith.extui %sign3A_3924 : i1 to i32
      %sign3A_3926 = arith.subi %sign3A_3922, %sign3A_3925 : i32
      %ne3A_3927 = arith.cmpi ne, %sign3A_3919, %sign3A_3926 : i32
      %rem3A_3928 = arith.remsi %squeeze3A_3908, %jit3A_3911 : i32
      %ne3A_3929 = arith.constant 0 : i32
      %ne3A_3930 = arith.cmpi ne, %rem3A_3928, %ne3A_3929 : i32
      %and3A_3931 = arith.andi %ne3A_3927, %ne3A_3930 : i1
      %sub3A_3932 = arith.constant 1 : i32
      %sub3A_3933 = arith.subi %div3A_3912, %sub3A_3932 : i32
      %select_n3A_3934 = arith.select %and3A_3931, %sub3A_3933, %div3A_3912 : i32
      %mul3A_3935 = arith.constant 128 : i32
      %mul3A_3936 = arith.muli %select_n3A_3934, %mul3A_3935 : i32
      %multiple_of3A_3937 = tpu.assume_multiple %mul3A_3936, 128 : i32
      %jit3A_3938 = arith.constant 128 : i32
      %div3A_3939 = arith.divsi %squeeze3A_3910, %jit3A_3938 : i32
      %sign3A_3940 = arith.constant 0 : i32
      %sign3A_3941 = arith.cmpi sgt, %squeeze3A_3910, %sign3A_3940 : i32
      %sign3A_3942 = arith.extui %sign3A_3941 : i1 to i32
      %sign3A_3943 = arith.constant 0 : i32
      %sign3A_3944 = arith.cmpi slt, %squeeze3A_3910, %sign3A_3943 : i32
      %sign3A_3945 = arith.extui %sign3A_3944 : i1 to i32
      %sign3A_3946 = arith.subi %sign3A_3942, %sign3A_3945 : i32
      %sign3A_3947 = arith.constant 0 : i32
      %sign3A_3948 = arith.cmpi sgt, %jit3A_3938, %sign3A_3947 : i32
      %sign3A_3949 = arith.extui %sign3A_3948 : i1 to i32
      %sign3A_3950 = arith.constant 0 : i32
      %sign3A_3951 = arith.cmpi slt, %jit3A_3938, %sign3A_3950 : i32
      %sign3A_3952 = arith.extui %sign3A_3951 : i1 to i32
      %sign3A_3953 = arith.subi %sign3A_3949, %sign3A_3952 : i32
      %ne3A_3954 = arith.cmpi ne, %sign3A_3946, %sign3A_3953 : i32
      %rem3A_3955 = arith.remsi %squeeze3A_3910, %jit3A_3938 : i32
      %ne3A_3956 = arith.constant 0 : i32
      %ne3A_3957 = arith.cmpi ne, %rem3A_3955, %ne3A_3956 : i32
      %and3A_3958 = arith.andi %ne3A_3954, %ne3A_3957 : i1
      %sub3A_3959 = arith.constant 1 : i32
      %sub3A_3960 = arith.subi %div3A_3939, %sub3A_3959 : i32
      %select_n3A_3961 = arith.select %and3A_3958, %sub3A_3960, %div3A_3939 : i32
      %mul3A_3962 = arith.constant 128 : i32
      %mul3A_3963 = arith.muli %select_n3A_3961, %mul3A_3962 : i32
      %multiple_of3A_3964 = tpu.assume_multiple %mul3A_3963, 128 : i32
      %dma_start3A_3965 = arith.constant 6 : i32
      %dma_start3A_3966 = arith.constant 0 : i32
      %dma_start3A_3967 = arith.constant 0 : i32
      %dma_start3A_3968 = tpu.memref_slice %arg11[%dma_start3A_3965, %dma_start3A_3966, %dma_start3A_3967] : memref<8x32x128xf32, #tpu.memory_space<vmem>> -> memref<1x32x128xf32, #tpu.memory_space<vmem>>
      %dma_start3A_3969 = tpu.memref_squeeze %dma_start3A_3968 : memref<1x32x128xf32, #tpu.memory_space<vmem>> -> memref<32x128xf32, #tpu.memory_space<vmem>>
      %dma_start3A_3970 = arith.constant 0 : i32
      %dma_start3A_3971 = tpu.memref_slice %arg4[%dma_start3A_3970, %multiple_of3A_3937] : memref<32x1000000xf32, #tpu.memory_space<hbm>> -> memref<32x128xf32, #tpu.memory_space<hbm>>
      %dma_start3A_3972 = arith.constant 0 : i32
      %dma_start3A_3973 = arith.constant 0 : i32
      %dma_start3A_3974 = tpu.memref_slice %arg11[%dma_start3A_3965, %dma_start3A_3972, %dma_start3A_3973] : memref<8x32x128xf32, #tpu.memory_space<vmem>> -> memref<1x32x128xf32, #tpu.memory_space<vmem>>
      %dma_start3A_3975 = tpu.memref_squeeze %dma_start3A_3974 : memref<1x32x128xf32, #tpu.memory_space<vmem>> -> memref<32x128xf32, #tpu.memory_space<vmem>>
      %dma_start3A_3976 = arith.constant 0 : i32
      %dma_start3A_3977 = tpu.memref_slice %arg4[%dma_start3A_3976, %multiple_of3A_3937] : memref<32x1000000xf32, #tpu.memory_space<hbm>> -> memref<32x128xf32, #tpu.memory_space<hbm>>
      tpu.enqueue_dma source(%dma_start3A_3977 : memref<32x128xf32, #tpu.memory_space<hbm>>) target(%dma_start3A_3975 : memref<32x128xf32, #tpu.memory_space<vmem>>) target_semaphore(%arg22 : memref<!tpu.dma_semaphore, #tpu.memory_space<semaphore_mem>>)
      %dma_start3A_3978 = arith.constant 6 : i32
      %dma_start3A_3979 = arith.constant 0 : i32
      %dma_start3A_3980 = arith.constant 0 : i32
      %dma_start3A_3981 = tpu.memref_slice %arg12[%dma_start3A_3978, %dma_start3A_3979, %dma_start3A_3980] : memref<8x32x128xf32, #tpu.memory_space<vmem>> -> memref<1x32x128xf32, #tpu.memory_space<vmem>>
      %dma_start3A_3982 = tpu.memref_squeeze %dma_start3A_3981 : memref<1x32x128xf32, #tpu.memory_space<vmem>> -> memref<32x128xf32, #tpu.memory_space<vmem>>
      %dma_start3A_3983 = arith.constant 0 : i32
      %dma_start3A_3984 = tpu.memref_slice %arg5[%dma_start3A_3983, %multiple_of3A_3964] : memref<32x1000000xf32, #tpu.memory_space<hbm>> -> memref<32x128xf32, #tpu.memory_space<hbm>>
      %dma_start3A_3985 = arith.constant 0 : i32
      %dma_start3A_3986 = arith.constant 0 : i32
      %dma_start3A_3987 = tpu.memref_slice %arg12[%dma_start3A_3978, %dma_start3A_3985, %dma_start3A_3986] : memref<8x32x128xf32, #tpu.memory_space<vmem>> -> memref<1x32x128xf32, #tpu.memory_space<vmem>>
      %dma_start3A_3988 = tpu.memref_squeeze %dma_start3A_3987 : memref<1x32x128xf32, #tpu.memory_space<vmem>> -> memref<32x128xf32, #tpu.memory_space<vmem>>
      %dma_start3A_3989 = arith.constant 0 : i32
      %dma_start3A_3990 = tpu.memref_slice %arg5[%dma_start3A_3989, %multiple_of3A_3964] : memref<32x1000000xf32, #tpu.memory_space<hbm>> -> memref<32x128xf32, #tpu.memory_space<hbm>>
      tpu.enqueue_dma source(%dma_start3A_3990 : memref<32x128xf32, #tpu.memory_space<hbm>>) target(%dma_start3A_3988 : memref<32x128xf32, #tpu.memory_space<vmem>>) target_semaphore(%arg30 : memref<!tpu.dma_semaphore, #tpu.memory_space<semaphore_mem>>)
      %dma_wait3A_3991 = arith.constant 7 : i32
      %dma_wait3A_3992 = arith.constant 0 : i32
      %dma_wait3A_3993 = arith.constant 0 : i32
      %dma_wait3A_3994 = tpu.memref_slice %arg11[%dma_wait3A_3991, %dma_wait3A_3992, %dma_wait3A_3993] : memref<8x32x128xf32, #tpu.memory_space<vmem>> -> memref<1x32x128xf32, #tpu.memory_space<vmem>>
      %dma_wait3A_3995 = tpu.memref_squeeze %dma_wait3A_3994 : memref<1x32x128xf32, #tpu.memory_space<vmem>> -> memref<32x128xf32, #tpu.memory_space<vmem>>
      %dma_wait3A_3996 = arith.constant 0 : i32
      %dma_wait3A_3997 = arith.constant 0 : i32
      %dma_wait3A_3998 = tpu.memref_slice %arg4[%dma_wait3A_3996, %dma_wait3A_3997] : memref<32x1000000xf32, #tpu.memory_space<hbm>> -> memref<32x128xf32, #tpu.memory_space<hbm>>
      %dma_wait3A_3999 = arith.constant 0 : i32
      %dma_wait3A_4000 = arith.constant 0 : i32
      %dma_wait3A_4001 = tpu.memref_slice %arg11[%dma_wait3A_3991, %dma_wait3A_3999, %dma_wait3A_4000] : memref<8x32x128xf32, #tpu.memory_space<vmem>> -> memref<1x32x128xf32, #tpu.memory_space<vmem>>
      %dma_wait3A_4002 = tpu.memref_squeeze %dma_wait3A_4001 : memref<1x32x128xf32, #tpu.memory_space<vmem>> -> memref<32x128xf32, #tpu.memory_space<vmem>>
      %dma_wait3A_4003 = arith.constant 0 : i32
      %dma_wait3A_4004 = arith.constant 0 : i32
      %dma_wait3A_4005 = tpu.memref_slice %arg4[%dma_wait3A_4003, %dma_wait3A_4004] : memref<32x1000000xf32, #tpu.memory_space<hbm>> -> memref<32x128xf32, #tpu.memory_space<hbm>>
      tpu.wait_dma2 semaphore(%arg23 : memref<!tpu.dma_semaphore, #tpu.memory_space<semaphore_mem>>) src(%dma_wait3A_4005 : memref<32x128xf32, #tpu.memory_space<hbm>>) dst(%dma_wait3A_4002 : memref<32x128xf32, #tpu.memory_space<vmem>>)
      %dma_wait3A_4006 = arith.constant 7 : i32
      %dma_wait3A_4007 = arith.constant 0 : i32
      %dma_wait3A_4008 = arith.constant 0 : i32
      %dma_wait3A_4009 = tpu.memref_slice %arg12[%dma_wait3A_4006, %dma_wait3A_4007, %dma_wait3A_4008] : memref<8x32x128xf32, #tpu.memory_space<vmem>> -> memref<1x32x128xf32, #tpu.memory_space<vmem>>
      %dma_wait3A_4010 = tpu.memref_squeeze %dma_wait3A_4009 : memref<1x32x128xf32, #tpu.memory_space<vmem>> -> memref<32x128xf32, #tpu.memory_space<vmem>>
      %dma_wait3A_4011 = arith.constant 0 : i32
      %dma_wait3A_4012 = arith.constant 0 : i32
      %dma_wait3A_4013 = tpu.memref_slice %arg5[%dma_wait3A_4011, %dma_wait3A_4012] : memref<32x1000000xf32, #tpu.memory_space<hbm>> -> memref<32x128xf32, #tpu.memory_space<hbm>>
      %dma_wait3A_4014 = arith.constant 0 : i32
      %dma_wait3A_4015 = arith.constant 0 : i32
      %dma_wait3A_4016 = tpu.memref_slice %arg12[%dma_wait3A_4006, %dma_wait3A_4014, %dma_wait3A_4015] : memref<8x32x128xf32, #tpu.memory_space<vmem>> -> memref<1x32x128xf32, #tpu.memory_space<vmem>>
      %dma_wait3A_4017 = tpu.memref_squeeze %dma_wait3A_4016 : memref<1x32x128xf32, #tpu.memory_space<vmem>> -> memref<32x128xf32, #tpu.memory_space<vmem>>
      %dma_wait3A_4018 = arith.constant 0 : i32
      %dma_wait3A_4019 = arith.constant 0 : i32
      %dma_wait3A_4020 = tpu.memref_slice %arg5[%dma_wait3A_4018, %dma_wait3A_4019] : memref<32x1000000xf32, #tpu.memory_space<hbm>> -> memref<32x128xf32, #tpu.memory_space<hbm>>
      tpu.wait_dma2 semaphore(%arg31 : memref<!tpu.dma_semaphore, #tpu.memory_space<semaphore_mem>>) src(%dma_wait3A_4020 : memref<32x128xf32, #tpu.memory_space<hbm>>) dst(%dma_wait3A_4017 : memref<32x128xf32, #tpu.memory_space<vmem>>)
      %slice3A_4021 = vector.extract_strided_slice %get3A_1077 {offsets = [15], sizes = [1], strides = [1]} : vector<16xi32> to vector<1xi32>
      %squeeze3A_4022 = vector.extract %slice3A_4021[0] : i32 from vector<1xi32>
      %slice3A_4023 = vector.extract_strided_slice %get3A_1079 {offsets = [15], sizes = [1], strides = [1]} : vector<16xi32> to vector<1xi32>
      %squeeze3A_4024 = vector.extract %slice3A_4023[0] : i32 from vector<1xi32>
      %jit3A_4025 = arith.constant 128 : i32
      %eq3A_4026 = arith.constant 0 : i32
      %eq3A_4027 = arith.cmpi eq, %jit3A_4025, %eq3A_4026 : i32
      %jit3A_4028 = arith.constant 1 : i32
      %select_n3A_4029 = arith.select %eq3A_4027, %jit3A_4028, %jit3A_4025 : i32
      %rem3A_4030 = arith.remsi %squeeze3A_4022, %select_n3A_4029 : i32
      %ne3A_4031 = arith.constant 0 : i32
      %ne3A_4032 = arith.cmpi ne, %rem3A_4030, %ne3A_4031 : i32
      %lt3A_4033 = arith.constant 0 : i32
      %lt3A_4034 = arith.cmpi slt, %rem3A_4030, %lt3A_4033 : i32
      %lt3A_4035 = arith.constant 0 : i32
      %lt3A_4036 = arith.cmpi slt, %select_n3A_4029, %lt3A_4035 : i32
      %ne3A_4037 = arith.xori %lt3A_4034, %lt3A_4036 : i1
      %and3A_4038 = arith.andi %ne3A_4037, %ne3A_4032 : i1
      %add3A_4039 = arith.addi %rem3A_4030, %select_n3A_4029 : i32
      %select_n3A_4040 = arith.select %and3A_4038, %add3A_4039, %rem3A_4030 : i32
      %broadcast_in_dim3A_4041 = vector.broadcast %select_n3A_4040 : i32 to vector<16xi32>
      %jit3A_4042 = arith.constant 128 : i32
      %eq3A_4043 = arith.constant 0 : i32
      %eq3A_4044 = arith.cmpi eq, %jit3A_4042, %eq3A_4043 : i32
      %jit3A_4045 = arith.constant 1 : i32
      %select_n3A_4046 = arith.select %eq3A_4044, %jit3A_4045, %jit3A_4042 : i32
      %rem3A_4047 = arith.remsi %squeeze3A_4024, %select_n3A_4046 : i32
      %ne3A_4048 = arith.constant 0 : i32
      %ne3A_4049 = arith.cmpi ne, %rem3A_4047, %ne3A_4048 : i32
      %lt3A_4050 = arith.constant 0 : i32
      %lt3A_4051 = arith.cmpi slt, %rem3A_4047, %lt3A_4050 : i32
      %lt3A_4052 = arith.constant 0 : i32
      %lt3A_4053 = arith.cmpi slt, %select_n3A_4046, %lt3A_4052 : i32
      %ne3A_4054 = arith.xori %lt3A_4051, %lt3A_4053 : i1
      %and3A_4055 = arith.andi %ne3A_4054, %ne3A_4049 : i1
      %add3A_4056 = arith.addi %rem3A_4047, %select_n3A_4046 : i32
      %select_n3A_4057 = arith.select %and3A_4055, %add3A_4056, %rem3A_4047 : i32
      %broadcast_in_dim3A_4058 = vector.broadcast %select_n3A_4057 : i32 to vector<16xi32>
      %gather3A_4059 = arith.constant 7 : i32
      %gather3A_4060 = arith.constant 0 : i32
      %gather3A_4061 = arith.constant 0 : i32
      %gather3A_4062 = tpu.memref_slice %arg11[%gather3A_4059, %gather3A_4060, %gather3A_4061] : memref<8x32x128xf32, #tpu.memory_space<vmem>> -> memref<1x32x128xf32, #tpu.memory_space<vmem>>
      %gather3A_4063 = tpu.memref_squeeze %gather3A_4062 : memref<1x32x128xf32, #tpu.memory_space<vmem>> -> memref<32x128xf32, #tpu.memory_space<vmem>>
      %gather3A_4064 = tpu.vector_load_idx %gather3A_4063[%iota3A, %broadcast_in_dim3A_4041] : memref<32x128xf32, #tpu.memory_space<vmem>>[vector<16xi32>, vector<16xi32>], vector<16xf32>,
      %add3A_4065 = arith.constant 16 : i32
      %add3A_4066 = vector.broadcast %add3A_4065 : i32 to vector<16xi32>
      %add3A_4067 = arith.addi %iota3A, %add3A_4066 : vector<16xi32>
      %gather3A_4068 = arith.constant 7 : i32
      %gather3A_4069 = arith.constant 0 : i32
      %gather3A_4070 = arith.constant 0 : i32
      %gather3A_4071 = tpu.memref_slice %arg11[%gather3A_4068, %gather3A_4069, %gather3A_4070] : memref<8x32x128xf32, #tpu.memory_space<vmem>> -> memref<1x32x128xf32, #tpu.memory_space<vmem>>
      %gather3A_4072 = tpu.memref_squeeze %gather3A_4071 : memref<1x32x128xf32, #tpu.memory_space<vmem>> -> memref<32x128xf32, #tpu.memory_space<vmem>>
      %gather3A_4073 = tpu.vector_load_idx %gather3A_4072[%add3A_4067, %broadcast_in_dim3A_4041] : memref<32x128xf32, #tpu.memory_space<vmem>>[vector<16xi32>, vector<16xi32>], vector<16xf32>,
      %gather3A_4074 = arith.constant 7 : i32
      %gather3A_4075 = arith.constant 0 : i32
      %gather3A_4076 = arith.constant 0 : i32
      %gather3A_4077 = tpu.memref_slice %arg12[%gather3A_4074, %gather3A_4075, %gather3A_4076] : memref<8x32x128xf32, #tpu.memory_space<vmem>> -> memref<1x32x128xf32, #tpu.memory_space<vmem>>
      %gather3A_4078 = tpu.memref_squeeze %gather3A_4077 : memref<1x32x128xf32, #tpu.memory_space<vmem>> -> memref<32x128xf32, #tpu.memory_space<vmem>>
      %gather3A_4079 = tpu.vector_load_idx %gather3A_4078[%iota3A, %broadcast_in_dim3A_4058] : memref<32x128xf32, #tpu.memory_space<vmem>>[vector<16xi32>, vector<16xi32>], vector<16xf32>,
      %add3A_4080 = arith.constant 16 : i32
      %add3A_4081 = vector.broadcast %add3A_4080 : i32 to vector<16xi32>
      %add3A_4082 = arith.addi %iota3A, %add3A_4081 : vector<16xi32>
      %gather3A_4083 = arith.constant 7 : i32
      %gather3A_4084 = arith.constant 0 : i32
      %gather3A_4085 = arith.constant 0 : i32
      %gather3A_4086 = tpu.memref_slice %arg12[%gather3A_4083, %gather3A_4084, %gather3A_4085] : memref<8x32x128xf32, #tpu.memory_space<vmem>> -> memref<1x32x128xf32, #tpu.memory_space<vmem>>
      %gather3A_4087 = tpu.memref_squeeze %gather3A_4086 : memref<1x32x128xf32, #tpu.memory_space<vmem>> -> memref<32x128xf32, #tpu.memory_space<vmem>>
      %gather3A_4088 = tpu.vector_load_idx %gather3A_4087[%add3A_4082, %broadcast_in_dim3A_4058] : memref<32x128xf32, #tpu.memory_space<vmem>>[vector<16xi32>, vector<16xi32>], vector<16xf32>,
      %mul3A_4089 = arith.mulf %gather3A_4064, %gather3A_4079 : vector<16xf32>
      %mul3A_4090 = arith.mulf %gather3A_4073, %gather3A_4088 : vector<16xf32>
      %add3A_4091 = arith.addf %mul3A_4089, %mul3A_4090 : vector<16xf32>
      %reduce_sum3A_4092 = arith.constant true
      %reduce_sum3A_4093 = vector.broadcast %reduce_sum3A_4092 : i1 to vector<16xi1>
      %reduce_sum3A_4094 = tpu.scan <sum>, %add3A_4091 masked %reduce_sum3A_4093 : vector<16xf32>, vector<16xi1> -> vector<16xf32>
      %reduce_sum3A_4095 = vector.extract %reduce_sum3A_4094[15] : f32 from vector<16xf32>
      %eq3A_4096 = arith.constant 15 : i32
      %eq3A_4097 = vector.broadcast %eq3A_4096 : i32 to vector<16xi32>
      %eq3A_4098 = arith.cmpi eq, %iota3A, %eq3A_4097 : vector<16xi32>
      %broadcast_in_dim3A_4099 = vector.broadcast %reduce_sum3A_4095 : f32 to vector<16xf32>
      %select_n3A_4100 = arith.select %eq3A_4098, %broadcast_in_dim3A_4099, %select_n3A_3906 : vector<16xi1>, vector<16xf32>
      %slice3A_4101 = vector.extract_strided_slice %get3A_1081 {offsets = [7], sizes = [1], strides = [1]} : vector<16xi32> to vector<1xi32>
      %squeeze3A_4102 = vector.extract %slice3A_4101[0] : i32 from vector<1xi32>
      %slice3A_4103 = vector.extract_strided_slice %get3A_1083 {offsets = [7], sizes = [1], strides = [1]} : vector<16xi32> to vector<1xi32>
      %squeeze3A_4104 = vector.extract %slice3A_4103[0] : i32 from vector<1xi32>
      %jit3A_4105 = arith.constant 128 : i32
      %div3A_4106 = arith.divsi %squeeze3A_4102, %jit3A_4105 : i32
      %sign3A_4107 = arith.constant 0 : i32
      %sign3A_4108 = arith.cmpi sgt, %squeeze3A_4102, %sign3A_4107 : i32
      %sign3A_4109 = arith.extui %sign3A_4108 : i1 to i32
      %sign3A_4110 = arith.constant 0 : i32
      %sign3A_4111 = arith.cmpi slt, %squeeze3A_4102, %sign3A_4110 : i32
      %sign3A_4112 = arith.extui %sign3A_4111 : i1 to i32
      %sign3A_4113 = arith.subi %sign3A_4109, %sign3A_4112 : i32
      %sign3A_4114 = arith.constant 0 : i32
      %sign3A_4115 = arith.cmpi sgt, %jit3A_4105, %sign3A_4114 : i32
      %sign3A_4116 = arith.extui %sign3A_4115 : i1 to i32
      %sign3A_4117 = arith.constant 0 : i32
      %sign3A_4118 = arith.cmpi slt, %jit3A_4105, %sign3A_4117 : i32
      %sign3A_4119 = arith.extui %sign3A_4118 : i1 to i32
      %sign3A_4120 = arith.subi %sign3A_4116, %sign3A_4119 : i32
      %ne3A_4121 = arith.cmpi ne, %sign3A_4113, %sign3A_4120 : i32
      %rem3A_4122 = arith.remsi %squeeze3A_4102, %jit3A_4105 : i32
      %ne3A_4123 = arith.constant 0 : i32
      %ne3A_4124 = arith.cmpi ne, %rem3A_4122, %ne3A_4123 : i32
      %and3A_4125 = arith.andi %ne3A_4121, %ne3A_4124 : i1
      %sub3A_4126 = arith.constant 1 : i32
      %sub3A_4127 = arith.subi %div3A_4106, %sub3A_4126 : i32
      %select_n3A_4128 = arith.select %and3A_4125, %sub3A_4127, %div3A_4106 : i32
      %mul3A_4129 = arith.constant 128 : i32
      %mul3A_4130 = arith.muli %select_n3A_4128, %mul3A_4129 : i32
      %multiple_of3A_4131 = tpu.assume_multiple %mul3A_4130, 128 : i32
      %jit3A_4132 = arith.constant 128 : i32
      %div3A_4133 = arith.divsi %squeeze3A_4104, %jit3A_4132 : i32
      %sign3A_4134 = arith.constant 0 : i32
      %sign3A_4135 = arith.cmpi sgt, %squeeze3A_4104, %sign3A_4134 : i32
      %sign3A_4136 = arith.extui %sign3A_4135 : i1 to i32
      %sign3A_4137 = arith.constant 0 : i32
      %sign3A_4138 = arith.cmpi slt, %squeeze3A_4104, %sign3A_4137 : i32
      %sign3A_4139 = arith.extui %sign3A_4138 : i1 to i32
      %sign3A_4140 = arith.subi %sign3A_4136, %sign3A_4139 : i32
      %sign3A_4141 = arith.constant 0 : i32
      %sign3A_4142 = arith.cmpi sgt, %jit3A_4132, %sign3A_4141 : i32
      %sign3A_4143 = arith.extui %sign3A_4142 : i1 to i32
      %sign3A_4144 = arith.constant 0 : i32
      %sign3A_4145 = arith.cmpi slt, %jit3A_4132, %sign3A_4144 : i32
      %sign3A_4146 = arith.extui %sign3A_4145 : i1 to i32
      %sign3A_4147 = arith.subi %sign3A_4143, %sign3A_4146 : i32
      %ne3A_4148 = arith.cmpi ne, %sign3A_4140, %sign3A_4147 : i32
      %rem3A_4149 = arith.remsi %squeeze3A_4104, %jit3A_4132 : i32
      %ne3A_4150 = arith.constant 0 : i32
      %ne3A_4151 = arith.cmpi ne, %rem3A_4149, %ne3A_4150 : i32
      %and3A_4152 = arith.andi %ne3A_4148, %ne3A_4151 : i1
      %sub3A_4153 = arith.constant 1 : i32
      %sub3A_4154 = arith.subi %div3A_4133, %sub3A_4153 : i32
      %select_n3A_4155 = arith.select %and3A_4152, %sub3A_4154, %div3A_4133 : i32
      %mul3A_4156 = arith.constant 128 : i32
      %mul3A_4157 = arith.muli %select_n3A_4155, %mul3A_4156 : i32
      %multiple_of3A_4158 = tpu.assume_multiple %mul3A_4157, 128 : i32
      %dma_start3A_4159 = arith.constant 7 : i32
      %dma_start3A_4160 = arith.constant 0 : i32
      %dma_start3A_4161 = arith.constant 0 : i32
      %dma_start3A_4162 = tpu.memref_slice %arg11[%dma_start3A_4159, %dma_start3A_4160, %dma_start3A_4161] : memref<8x32x128xf32, #tpu.memory_space<vmem>> -> memref<1x32x128xf32, #tpu.memory_space<vmem>>
      %dma_start3A_4163 = tpu.memref_squeeze %dma_start3A_4162 : memref<1x32x128xf32, #tpu.memory_space<vmem>> -> memref<32x128xf32, #tpu.memory_space<vmem>>
      %dma_start3A_4164 = arith.constant 0 : i32
      %dma_start3A_4165 = tpu.memref_slice %arg4[%dma_start3A_4164, %multiple_of3A_4131] : memref<32x1000000xf32, #tpu.memory_space<hbm>> -> memref<32x128xf32, #tpu.memory_space<hbm>>
      %dma_start3A_4166 = arith.constant 0 : i32
      %dma_start3A_4167 = arith.constant 0 : i32
      %dma_start3A_4168 = tpu.memref_slice %arg11[%dma_start3A_4159, %dma_start3A_4166, %dma_start3A_4167] : memref<8x32x128xf32, #tpu.memory_space<vmem>> -> memref<1x32x128xf32, #tpu.memory_space<vmem>>
      %dma_start3A_4169 = tpu.memref_squeeze %dma_start3A_4168 : memref<1x32x128xf32, #tpu.memory_space<vmem>> -> memref<32x128xf32, #tpu.memory_space<vmem>>
      %dma_start3A_4170 = arith.constant 0 : i32
      %dma_start3A_4171 = tpu.memref_slice %arg4[%dma_start3A_4170, %multiple_of3A_4131] : memref<32x1000000xf32, #tpu.memory_space<hbm>> -> memref<32x128xf32, #tpu.memory_space<hbm>>
      tpu.enqueue_dma source(%dma_start3A_4171 : memref<32x128xf32, #tpu.memory_space<hbm>>) target(%dma_start3A_4169 : memref<32x128xf32, #tpu.memory_space<vmem>>) target_semaphore(%arg23 : memref<!tpu.dma_semaphore, #tpu.memory_space<semaphore_mem>>)
      %dma_start3A_4172 = arith.constant 7 : i32
      %dma_start3A_4173 = arith.constant 0 : i32
      %dma_start3A_4174 = arith.constant 0 : i32
      %dma_start3A_4175 = tpu.memref_slice %arg12[%dma_start3A_4172, %dma_start3A_4173, %dma_start3A_4174] : memref<8x32x128xf32, #tpu.memory_space<vmem>> -> memref<1x32x128xf32, #tpu.memory_space<vmem>>
      %dma_start3A_4176 = tpu.memref_squeeze %dma_start3A_4175 : memref<1x32x128xf32, #tpu.memory_space<vmem>> -> memref<32x128xf32, #tpu.memory_space<vmem>>
      %dma_start3A_4177 = arith.constant 0 : i32
      %dma_start3A_4178 = tpu.memref_slice %arg5[%dma_start3A_4177, %multiple_of3A_4158] : memref<32x1000000xf32, #tpu.memory_space<hbm>> -> memref<32x128xf32, #tpu.memory_space<hbm>>
      %dma_start3A_4179 = arith.constant 0 : i32
      %dma_start3A_4180 = arith.constant 0 : i32
      %dma_start3A_4181 = tpu.memref_slice %arg12[%dma_start3A_4172, %dma_start3A_4179, %dma_start3A_4180] : memref<8x32x128xf32, #tpu.memory_space<vmem>> -> memref<1x32x128xf32, #tpu.memory_space<vmem>>
      %dma_start3A_4182 = tpu.memref_squeeze %dma_start3A_4181 : memref<1x32x128xf32, #tpu.memory_space<vmem>> -> memref<32x128xf32, #tpu.memory_space<vmem>>
      %dma_start3A_4183 = arith.constant 0 : i32
      %dma_start3A_4184 = tpu.memref_slice %arg5[%dma_start3A_4183, %multiple_of3A_4158] : memref<32x1000000xf32, #tpu.memory_space<hbm>> -> memref<32x128xf32, #tpu.memory_space<hbm>>
      tpu.enqueue_dma source(%dma_start3A_4184 : memref<32x128xf32, #tpu.memory_space<hbm>>) target(%dma_start3A_4182 : memref<32x128xf32, #tpu.memory_space<vmem>>) target_semaphore(%arg31 : memref<!tpu.dma_semaphore, #tpu.memory_space<semaphore_mem>>)
      %get3A_4185 = arith.index_cast %mul3A_1072 : i32 to index
      %get3A_4186 = tpu.vector_load %arg13[%get3A_4185] {strides = array<i32>} : memref<512xf32, #tpu.memory_space<vmem>>, vector<16xf32>,
      %add3A_4187 = arith.addf %select_n3A_4100, %get3A_4186 : vector<16xf32>
      %get3A_4188 = arith.index_cast %mul3A_1072 : i32 to index
      %get3A_4189 = tpu.vector_load %arg14[%get3A_4188] {strides = array<i32>} : memref<512xf32, #tpu.memory_space<vmem>>, vector<16xf32>,
      %add3A_4190 = arith.addf %add3A_4187, %get3A_4189 : vector<16xf32>
      %swap3A = arith.index_cast %mul3A_1072 : i32 to index
      %swap3A_4191 = tpu.vector_load %arg15[%swap3A] {strides = array<i32>} : memref<512xf32, #tpu.memory_space<vmem>>, vector<16xf32>,
      tpu.vector_store %arg15[%swap3A], %add3A_4190 {strides = array<i32>} : memref<512xf32, #tpu.memory_space<vmem>>, vector<16xf32>,
    }
    %scan3A_827 = arith.constant 32 : i32
    %dma_wait3A_828 = arith.constant 0 : i32
    %dma_wait3A_829 = arith.constant 0 : i32
    %dma_wait3A_830 = arith.constant 0 : i32
    %dma_wait3A_831 = tpu.memref_slice %arg11[%dma_wait3A_828, %dma_wait3A_829, %dma_wait3A_830] : memref<8x32x128xf32, #tpu.memory_space<vmem>> -> memref<1x32x128xf32, #tpu.memory_space<vmem>>
    %dma_wait3A_832 = tpu.memref_squeeze %dma_wait3A_831 : memref<1x32x128xf32, #tpu.memory_space<vmem>> -> memref<32x128xf32, #tpu.memory_space<vmem>>
    %dma_wait3A_833 = arith.constant 0 : i32
    %dma_wait3A_834 = arith.constant 0 : i32
    %dma_wait3A_835 = tpu.memref_slice %arg4[%dma_wait3A_833, %dma_wait3A_834] : memref<32x1000000xf32, #tpu.memory_space<hbm>> -> memref<32x128xf32, #tpu.memory_space<hbm>>
    %dma_wait3A_836 = arith.constant 0 : i32
    %dma_wait3A_837 = arith.constant 0 : i32
    %dma_wait3A_838 = tpu.memref_slice %arg11[%dma_wait3A_828, %dma_wait3A_836, %dma_wait3A_837] : memref<8x32x128xf32, #tpu.memory_space<vmem>> -> memref<1x32x128xf32, #tpu.memory_space<vmem>>
    %dma_wait3A_839 = tpu.memref_squeeze %dma_wait3A_838 : memref<1x32x128xf32, #tpu.memory_space<vmem>> -> memref<32x128xf32, #tpu.memory_space<vmem>>
    %dma_wait3A_840 = arith.constant 0 : i32
    %dma_wait3A_841 = arith.constant 0 : i32
    %dma_wait3A_842 = tpu.memref_slice %arg4[%dma_wait3A_840, %dma_wait3A_841] : memref<32x1000000xf32, #tpu.memory_space<hbm>> -> memref<32x128xf32, #tpu.memory_space<hbm>>
    tpu.wait_dma2 semaphore(%arg16 : memref<!tpu.dma_semaphore, #tpu.memory_space<semaphore_mem>>) src(%dma_wait3A_842 : memref<32x128xf32, #tpu.memory_space<hbm>>) dst(%dma_wait3A_839 : memref<32x128xf32, #tpu.memory_space<vmem>>)
    %dma_wait3A_843 = arith.constant 0 : i32
    %dma_wait3A_844 = arith.constant 0 : i32
    %dma_wait3A_845 = arith.constant 0 : i32
    %dma_wait3A_846 = tpu.memref_slice %arg12[%dma_wait3A_843, %dma_wait3A_844, %dma_wait3A_845] : memref<8x32x128xf32, #tpu.memory_space<vmem>> -> memref<1x32x128xf32, #tpu.memory_space<vmem>>
    %dma_wait3A_847 = tpu.memref_squeeze %dma_wait3A_846 : memref<1x32x128xf32, #tpu.memory_space<vmem>> -> memref<32x128xf32, #tpu.memory_space<vmem>>
    %dma_wait3A_848 = arith.constant 0 : i32
    %dma_wait3A_849 = arith.constant 0 : i32
    %dma_wait3A_850 = tpu.memref_slice %arg5[%dma_wait3A_848, %dma_wait3A_849] : memref<32x1000000xf32, #tpu.memory_space<hbm>> -> memref<32x128xf32, #tpu.memory_space<hbm>>
    %dma_wait3A_851 = arith.constant 0 : i32
    %dma_wait3A_852 = arith.constant 0 : i32
    %dma_wait3A_853 = tpu.memref_slice %arg12[%dma_wait3A_843, %dma_wait3A_851, %dma_wait3A_852] : memref<8x32x128xf32, #tpu.memory_space<vmem>> -> memref<1x32x128xf32, #tpu.memory_space<vmem>>
    %dma_wait3A_854 = tpu.memref_squeeze %dma_wait3A_853 : memref<1x32x128xf32, #tpu.memory_space<vmem>> -> memref<32x128xf32, #tpu.memory_space<vmem>>
    %dma_wait3A_855 = arith.constant 0 : i32
    %dma_wait3A_856 = arith.constant 0 : i32
    %dma_wait3A_857 = tpu.memref_slice %arg5[%dma_wait3A_855, %dma_wait3A_856] : memref<32x1000000xf32, #tpu.memory_space<hbm>> -> memref<32x128xf32, #tpu.memory_space<hbm>>
    tpu.wait_dma2 semaphore(%arg24 : memref<!tpu.dma_semaphore, #tpu.memory_space<semaphore_mem>>) src(%dma_wait3A_857 : memref<32x128xf32, #tpu.memory_space<hbm>>) dst(%dma_wait3A_854 : memref<32x128xf32, #tpu.memory_space<vmem>>)
    %dma_wait3A_858 = arith.constant 1 : i32
    %dma_wait3A_859 = arith.constant 0 : i32
    %dma_wait3A_860 = arith.constant 0 : i32
    %dma_wait3A_861 = tpu.memref_slice %arg11[%dma_wait3A_858, %dma_wait3A_859, %dma_wait3A_860] : memref<8x32x128xf32, #tpu.memory_space<vmem>> -> memref<1x32x128xf32, #tpu.memory_space<vmem>>
    %dma_wait3A_862 = tpu.memref_squeeze %dma_wait3A_861 : memref<1x32x128xf32, #tpu.memory_space<vmem>> -> memref<32x128xf32, #tpu.memory_space<vmem>>
    %dma_wait3A_863 = arith.constant 0 : i32
    %dma_wait3A_864 = arith.constant 0 : i32
    %dma_wait3A_865 = tpu.memref_slice %arg4[%dma_wait3A_863, %dma_wait3A_864] : memref<32x1000000xf32, #tpu.memory_space<hbm>> -> memref<32x128xf32, #tpu.memory_space<hbm>>
    %dma_wait3A_866 = arith.constant 0 : i32
    %dma_wait3A_867 = arith.constant 0 : i32
    %dma_wait3A_868 = tpu.memref_slice %arg11[%dma_wait3A_858, %dma_wait3A_866, %dma_wait3A_867] : memref<8x32x128xf32, #tpu.memory_space<vmem>> -> memref<1x32x128xf32, #tpu.memory_space<vmem>>
    %dma_wait3A_869 = tpu.memref_squeeze %dma_wait3A_868 : memref<1x32x128xf32, #tpu.memory_space<vmem>> -> memref<32x128xf32, #tpu.memory_space<vmem>>
    %dma_wait3A_870 = arith.constant 0 : i32
    %dma_wait3A_871 = arith.constant 0 : i32
    %dma_wait3A_872 = tpu.memref_slice %arg4[%dma_wait3A_870, %dma_wait3A_871] : memref<32x1000000xf32, #tpu.memory_space<hbm>> -> memref<32x128xf32, #tpu.memory_space<hbm>>
    tpu.wait_dma2 semaphore(%arg17 : memref<!tpu.dma_semaphore, #tpu.memory_space<semaphore_mem>>) src(%dma_wait3A_872 : memref<32x128xf32, #tpu.memory_space<hbm>>) dst(%dma_wait3A_869 : memref<32x128xf32, #tpu.memory_space<vmem>>)
    %dma_wait3A_873 = arith.constant 1 : i32
    %dma_wait3A_874 = arith.constant 0 : i32
    %dma_wait3A_875 = arith.constant 0 : i32
    %dma_wait3A_876 = tpu.memref_slice %arg12[%dma_wait3A_873, %dma_wait3A_874, %dma_wait3A_875] : memref<8x32x128xf32, #tpu.memory_space<vmem>> -> memref<1x32x128xf32, #tpu.memory_space<vmem>>
    %dma_wait3A_877 = tpu.memref_squeeze %dma_wait3A_876 : memref<1x32x128xf32, #tpu.memory_space<vmem>> -> memref<32x128xf32, #tpu.memory_space<vmem>>
    %dma_wait3A_878 = arith.constant 0 : i32
    %dma_wait3A_879 = arith.constant 0 : i32
    %dma_wait3A_880 = tpu.memref_slice %arg5[%dma_wait3A_878, %dma_wait3A_879] : memref<32x1000000xf32, #tpu.memory_space<hbm>> -> memref<32x128xf32, #tpu.memory_space<hbm>>
    %dma_wait3A_881 = arith.constant 0 : i32
    %dma_wait3A_882 = arith.constant 0 : i32
    %dma_wait3A_883 = tpu.memref_slice %arg12[%dma_wait3A_873, %dma_wait3A_881, %dma_wait3A_882] : memref<8x32x128xf32, #tpu.memory_space<vmem>> -> memref<1x32x128xf32, #tpu.memory_space<vmem>>
    %dma_wait3A_884 = tpu.memref_squeeze %dma_wait3A_883 : memref<1x32x128xf32, #tpu.memory_space<vmem>> -> memref<32x128xf32, #tpu.memory_space<vmem>>
    %dma_wait3A_885 = arith.constant 0 : i32
    %dma_wait3A_886 = arith.constant 0 : i32
    %dma_wait3A_887 = tpu.memref_slice %arg5[%dma_wait3A_885, %dma_wait3A_886] : memref<32x1000000xf32, #tpu.memory_space<hbm>> -> memref<32x128xf32, #tpu.memory_space<hbm>>
    tpu.wait_dma2 semaphore(%arg25 : memref<!tpu.dma_semaphore, #tpu.memory_space<semaphore_mem>>) src(%dma_wait3A_887 : memref<32x128xf32, #tpu.memory_space<hbm>>) dst(%dma_wait3A_884 : memref<32x128xf32, #tpu.memory_space<vmem>>)
    %dma_wait3A_888 = arith.constant 2 : i32
    %dma_wait3A_889 = arith.constant 0 : i32
    %dma_wait3A_890 = arith.constant 0 : i32
    %dma_wait3A_891 = tpu.memref_slice %arg11[%dma_wait3A_888, %dma_wait3A_889, %dma_wait3A_890] : memref<8x32x128xf32, #tpu.memory_space<vmem>> -> memref<1x32x128xf32, #tpu.memory_space<vmem>>
    %dma_wait3A_892 = tpu.memref_squeeze %dma_wait3A_891 : memref<1x32x128xf32, #tpu.memory_space<vmem>> -> memref<32x128xf32, #tpu.memory_space<vmem>>
    %dma_wait3A_893 = arith.constant 0 : i32
    %dma_wait3A_894 = arith.constant 0 : i32
    %dma_wait3A_895 = tpu.memref_slice %arg4[%dma_wait3A_893, %dma_wait3A_894] : memref<32x1000000xf32, #tpu.memory_space<hbm>> -> memref<32x128xf32, #tpu.memory_space<hbm>>
    %dma_wait3A_896 = arith.constant 0 : i32
    %dma_wait3A_897 = arith.constant 0 : i32
    %dma_wait3A_898 = tpu.memref_slice %arg11[%dma_wait3A_888, %dma_wait3A_896, %dma_wait3A_897] : memref<8x32x128xf32, #tpu.memory_space<vmem>> -> memref<1x32x128xf32, #tpu.memory_space<vmem>>
    %dma_wait3A_899 = tpu.memref_squeeze %dma_wait3A_898 : memref<1x32x128xf32, #tpu.memory_space<vmem>> -> memref<32x128xf32, #tpu.memory_space<vmem>>
    %dma_wait3A_900 = arith.constant 0 : i32
    %dma_wait3A_901 = arith.constant 0 : i32
    %dma_wait3A_902 = tpu.memref_slice %arg4[%dma_wait3A_900, %dma_wait3A_901] : memref<32x1000000xf32, #tpu.memory_space<hbm>> -> memref<32x128xf32, #tpu.memory_space<hbm>>
    tpu.wait_dma2 semaphore(%arg18 : memref<!tpu.dma_semaphore, #tpu.memory_space<semaphore_mem>>) src(%dma_wait3A_902 : memref<32x128xf32, #tpu.memory_space<hbm>>) dst(%dma_wait3A_899 : memref<32x128xf32, #tpu.memory_space<vmem>>)
    %dma_wait3A_903 = arith.constant 2 : i32
    %dma_wait3A_904 = arith.constant 0 : i32
    %dma_wait3A_905 = arith.constant 0 : i32
    %dma_wait3A_906 = tpu.memref_slice %arg12[%dma_wait3A_903, %dma_wait3A_904, %dma_wait3A_905] : memref<8x32x128xf32, #tpu.memory_space<vmem>> -> memref<1x32x128xf32, #tpu.memory_space<vmem>>
    %dma_wait3A_907 = tpu.memref_squeeze %dma_wait3A_906 : memref<1x32x128xf32, #tpu.memory_space<vmem>> -> memref<32x128xf32, #tpu.memory_space<vmem>>
    %dma_wait3A_908 = arith.constant 0 : i32
    %dma_wait3A_909 = arith.constant 0 : i32
    %dma_wait3A_910 = tpu.memref_slice %arg5[%dma_wait3A_908, %dma_wait3A_909] : memref<32x1000000xf32, #tpu.memory_space<hbm>> -> memref<32x128xf32, #tpu.memory_space<hbm>>
    %dma_wait3A_911 = arith.constant 0 : i32
    %dma_wait3A_912 = arith.constant 0 : i32
    %dma_wait3A_913 = tpu.memref_slice %arg12[%dma_wait3A_903, %dma_wait3A_911, %dma_wait3A_912] : memref<8x32x128xf32, #tpu.memory_space<vmem>> -> memref<1x32x128xf32, #tpu.memory_space<vmem>>
    %dma_wait3A_914 = tpu.memref_squeeze %dma_wait3A_913 : memref<1x32x128xf32, #tpu.memory_space<vmem>> -> memref<32x128xf32, #tpu.memory_space<vmem>>
    %dma_wait3A_915 = arith.constant 0 : i32
    %dma_wait3A_916 = arith.constant 0 : i32
    %dma_wait3A_917 = tpu.memref_slice %arg5[%dma_wait3A_915, %dma_wait3A_916] : memref<32x1000000xf32, #tpu.memory_space<hbm>> -> memref<32x128xf32, #tpu.memory_space<hbm>>
    tpu.wait_dma2 semaphore(%arg26 : memref<!tpu.dma_semaphore, #tpu.memory_space<semaphore_mem>>) src(%dma_wait3A_917 : memref<32x128xf32, #tpu.memory_space<hbm>>) dst(%dma_wait3A_914 : memref<32x128xf32, #tpu.memory_space<vmem>>)
    %dma_wait3A_918 = arith.constant 3 : i32
    %dma_wait3A_919 = arith.constant 0 : i32
    %dma_wait3A_920 = arith.constant 0 : i32
    %dma_wait3A_921 = tpu.memref_slice %arg11[%dma_wait3A_918, %dma_wait3A_919, %dma_wait3A_920] : memref<8x32x128xf32, #tpu.memory_space<vmem>> -> memref<1x32x128xf32, #tpu.memory_space<vmem>>
    %dma_wait3A_922 = tpu.memref_squeeze %dma_wait3A_921 : memref<1x32x128xf32, #tpu.memory_space<vmem>> -> memref<32x128xf32, #tpu.memory_space<vmem>>
    %dma_wait3A_923 = arith.constant 0 : i32
    %dma_wait3A_924 = arith.constant 0 : i32
    %dma_wait3A_925 = tpu.memref_slice %arg4[%dma_wait3A_923, %dma_wait3A_924] : memref<32x1000000xf32, #tpu.memory_space<hbm>> -> memref<32x128xf32, #tpu.memory_space<hbm>>
    %dma_wait3A_926 = arith.constant 0 : i32
    %dma_wait3A_927 = arith.constant 0 : i32
    %dma_wait3A_928 = tpu.memref_slice %arg11[%dma_wait3A_918, %dma_wait3A_926, %dma_wait3A_927] : memref<8x32x128xf32, #tpu.memory_space<vmem>> -> memref<1x32x128xf32, #tpu.memory_space<vmem>>
    %dma_wait3A_929 = tpu.memref_squeeze %dma_wait3A_928 : memref<1x32x128xf32, #tpu.memory_space<vmem>> -> memref<32x128xf32, #tpu.memory_space<vmem>>
    %dma_wait3A_930 = arith.constant 0 : i32
    %dma_wait3A_931 = arith.constant 0 : i32
    %dma_wait3A_932 = tpu.memref_slice %arg4[%dma_wait3A_930, %dma_wait3A_931] : memref<32x1000000xf32, #tpu.memory_space<hbm>> -> memref<32x128xf32, #tpu.memory_space<hbm>>
    tpu.wait_dma2 semaphore(%arg19 : memref<!tpu.dma_semaphore, #tpu.memory_space<semaphore_mem>>) src(%dma_wait3A_932 : memref<32x128xf32, #tpu.memory_space<hbm>>) dst(%dma_wait3A_929 : memref<32x128xf32, #tpu.memory_space<vmem>>)
    %dma_wait3A_933 = arith.constant 3 : i32
    %dma_wait3A_934 = arith.constant 0 : i32
    %dma_wait3A_935 = arith.constant 0 : i32
    %dma_wait3A_936 = tpu.memref_slice %arg12[%dma_wait3A_933, %dma_wait3A_934, %dma_wait3A_935] : memref<8x32x128xf32, #tpu.memory_space<vmem>> -> memref<1x32x128xf32, #tpu.memory_space<vmem>>
    %dma_wait3A_937 = tpu.memref_squeeze %dma_wait3A_936 : memref<1x32x128xf32, #tpu.memory_space<vmem>> -> memref<32x128xf32, #tpu.memory_space<vmem>>
    %dma_wait3A_938 = arith.constant 0 : i32
    %dma_wait3A_939 = arith.constant 0 : i32
    %dma_wait3A_940 = tpu.memref_slice %arg5[%dma_wait3A_938, %dma_wait3A_939] : memref<32x1000000xf32, #tpu.memory_space<hbm>> -> memref<32x128xf32, #tpu.memory_space<hbm>>
    %dma_wait3A_941 = arith.constant 0 : i32
    %dma_wait3A_942 = arith.constant 0 : i32
    %dma_wait3A_943 = tpu.memref_slice %arg12[%dma_wait3A_933, %dma_wait3A_941, %dma_wait3A_942] : memref<8x32x128xf32, #tpu.memory_space<vmem>> -> memref<1x32x128xf32, #tpu.memory_space<vmem>>
    %dma_wait3A_944 = tpu.memref_squeeze %dma_wait3A_943 : memref<1x32x128xf32, #tpu.memory_space<vmem>> -> memref<32x128xf32, #tpu.memory_space<vmem>>
    %dma_wait3A_945 = arith.constant 0 : i32
    %dma_wait3A_946 = arith.constant 0 : i32
    %dma_wait3A_947 = tpu.memref_slice %arg5[%dma_wait3A_945, %dma_wait3A_946] : memref<32x1000000xf32, #tpu.memory_space<hbm>> -> memref<32x128xf32, #tpu.memory_space<hbm>>
    tpu.wait_dma2 semaphore(%arg27 : memref<!tpu.dma_semaphore, #tpu.memory_space<semaphore_mem>>) src(%dma_wait3A_947 : memref<32x128xf32, #tpu.memory_space<hbm>>) dst(%dma_wait3A_944 : memref<32x128xf32, #tpu.memory_space<vmem>>)
    %dma_wait3A_948 = arith.constant 4 : i32
    %dma_wait3A_949 = arith.constant 0 : i32
    %dma_wait3A_950 = arith.constant 0 : i32
    %dma_wait3A_951 = tpu.memref_slice %arg11[%dma_wait3A_948, %dma_wait3A_949, %dma_wait3A_950] : memref<8x32x128xf32, #tpu.memory_space<vmem>> -> memref<1x32x128xf32, #tpu.memory_space<vmem>>
    %dma_wait3A_952 = tpu.memref_squeeze %dma_wait3A_951 : memref<1x32x128xf32, #tpu.memory_space<vmem>> -> memref<32x128xf32, #tpu.memory_space<vmem>>
    %dma_wait3A_953 = arith.constant 0 : i32
    %dma_wait3A_954 = arith.constant 0 : i32
    %dma_wait3A_955 = tpu.memref_slice %arg4[%dma_wait3A_953, %dma_wait3A_954] : memref<32x1000000xf32, #tpu.memory_space<hbm>> -> memref<32x128xf32, #tpu.memory_space<hbm>>
    %dma_wait3A_956 = arith.constant 0 : i32
    %dma_wait3A_957 = arith.constant 0 : i32
    %dma_wait3A_958 = tpu.memref_slice %arg11[%dma_wait3A_948, %dma_wait3A_956, %dma_wait3A_957] : memref<8x32x128xf32, #tpu.memory_space<vmem>> -> memref<1x32x128xf32, #tpu.memory_space<vmem>>
    %dma_wait3A_959 = tpu.memref_squeeze %dma_wait3A_958 : memref<1x32x128xf32, #tpu.memory_space<vmem>> -> memref<32x128xf32, #tpu.memory_space<vmem>>
    %dma_wait3A_960 = arith.constant 0 : i32
    %dma_wait3A_961 = arith.constant 0 : i32
    %dma_wait3A_962 = tpu.memref_slice %arg4[%dma_wait3A_960, %dma_wait3A_961] : memref<32x1000000xf32, #tpu.memory_space<hbm>> -> memref<32x128xf32, #tpu.memory_space<hbm>>
    tpu.wait_dma2 semaphore(%arg20 : memref<!tpu.dma_semaphore, #tpu.memory_space<semaphore_mem>>) src(%dma_wait3A_962 : memref<32x128xf32, #tpu.memory_space<hbm>>) dst(%dma_wait3A_959 : memref<32x128xf32, #tpu.memory_space<vmem>>)
    %dma_wait3A_963 = arith.constant 4 : i32
    %dma_wait3A_964 = arith.constant 0 : i32
    %dma_wait3A_965 = arith.constant 0 : i32
    %dma_wait3A_966 = tpu.memref_slice %arg12[%dma_wait3A_963, %dma_wait3A_964, %dma_wait3A_965] : memref<8x32x128xf32, #tpu.memory_space<vmem>> -> memref<1x32x128xf32, #tpu.memory_space<vmem>>
    %dma_wait3A_967 = tpu.memref_squeeze %dma_wait3A_966 : memref<1x32x128xf32, #tpu.memory_space<vmem>> -> memref<32x128xf32, #tpu.memory_space<vmem>>
    %dma_wait3A_968 = arith.constant 0 : i32
    %dma_wait3A_969 = arith.constant 0 : i32
    %dma_wait3A_970 = tpu.memref_slice %arg5[%dma_wait3A_968, %dma_wait3A_969] : memref<32x1000000xf32, #tpu.memory_space<hbm>> -> memref<32x128xf32, #tpu.memory_space<hbm>>
    %dma_wait3A_971 = arith.constant 0 : i32
    %dma_wait3A_972 = arith.constant 0 : i32
    %dma_wait3A_973 = tpu.memref_slice %arg12[%dma_wait3A_963, %dma_wait3A_971, %dma_wait3A_972] : memref<8x32x128xf32, #tpu.memory_space<vmem>> -> memref<1x32x128xf32, #tpu.memory_space<vmem>>
    %dma_wait3A_974 = tpu.memref_squeeze %dma_wait3A_973 : memref<1x32x128xf32, #tpu.memory_space<vmem>> -> memref<32x128xf32, #tpu.memory_space<vmem>>
    %dma_wait3A_975 = arith.constant 0 : i32
    %dma_wait3A_976 = arith.constant 0 : i32
    %dma_wait3A_977 = tpu.memref_slice %arg5[%dma_wait3A_975, %dma_wait3A_976] : memref<32x1000000xf32, #tpu.memory_space<hbm>> -> memref<32x128xf32, #tpu.memory_space<hbm>>
    tpu.wait_dma2 semaphore(%arg28 : memref<!tpu.dma_semaphore, #tpu.memory_space<semaphore_mem>>) src(%dma_wait3A_977 : memref<32x128xf32, #tpu.memory_space<hbm>>) dst(%dma_wait3A_974 : memref<32x128xf32, #tpu.memory_space<vmem>>)
    %dma_wait3A_978 = arith.constant 5 : i32
    %dma_wait3A_979 = arith.constant 0 : i32
    %dma_wait3A_980 = arith.constant 0 : i32
    %dma_wait3A_981 = tpu.memref_slice %arg11[%dma_wait3A_978, %dma_wait3A_979, %dma_wait3A_980] : memref<8x32x128xf32, #tpu.memory_space<vmem>> -> memref<1x32x128xf32, #tpu.memory_space<vmem>>
    %dma_wait3A_982 = tpu.memref_squeeze %dma_wait3A_981 : memref<1x32x128xf32, #tpu.memory_space<vmem>> -> memref<32x128xf32, #tpu.memory_space<vmem>>
    %dma_wait3A_983 = arith.constant 0 : i32
    %dma_wait3A_984 = arith.constant 0 : i32
    %dma_wait3A_985 = tpu.memref_slice %arg4[%dma_wait3A_983, %dma_wait3A_984] : memref<32x1000000xf32, #tpu.memory_space<hbm>> -> memref<32x128xf32, #tpu.memory_space<hbm>>
    %dma_wait3A_986 = arith.constant 0 : i32
    %dma_wait3A_987 = arith.constant 0 : i32
    %dma_wait3A_988 = tpu.memref_slice %arg11[%dma_wait3A_978, %dma_wait3A_986, %dma_wait3A_987] : memref<8x32x128xf32, #tpu.memory_space<vmem>> -> memref<1x32x128xf32, #tpu.memory_space<vmem>>
    %dma_wait3A_989 = tpu.memref_squeeze %dma_wait3A_988 : memref<1x32x128xf32, #tpu.memory_space<vmem>> -> memref<32x128xf32, #tpu.memory_space<vmem>>
    %dma_wait3A_990 = arith.constant 0 : i32
    %dma_wait3A_991 = arith.constant 0 : i32
    %dma_wait3A_992 = tpu.memref_slice %arg4[%dma_wait3A_990, %dma_wait3A_991] : memref<32x1000000xf32, #tpu.memory_space<hbm>> -> memref<32x128xf32, #tpu.memory_space<hbm>>
    tpu.wait_dma2 semaphore(%arg21 : memref<!tpu.dma_semaphore, #tpu.memory_space<semaphore_mem>>) src(%dma_wait3A_992 : memref<32x128xf32, #tpu.memory_space<hbm>>) dst(%dma_wait3A_989 : memref<32x128xf32, #tpu.memory_space<vmem>>)
    %dma_wait3A_993 = arith.constant 5 : i32
    %dma_wait3A_994 = arith.constant 0 : i32
    %dma_wait3A_995 = arith.constant 0 : i32
    %dma_wait3A_996 = tpu.memref_slice %arg12[%dma_wait3A_993, %dma_wait3A_994, %dma_wait3A_995] : memref<8x32x128xf32, #tpu.memory_space<vmem>> -> memref<1x32x128xf32, #tpu.memory_space<vmem>>
    %dma_wait3A_997 = tpu.memref_squeeze %dma_wait3A_996 : memref<1x32x128xf32, #tpu.memory_space<vmem>> -> memref<32x128xf32, #tpu.memory_space<vmem>>
    %dma_wait3A_998 = arith.constant 0 : i32
    %dma_wait3A_999 = arith.constant 0 : i32
    %dma_wait3A_1000 = tpu.memref_slice %arg5[%dma_wait3A_998, %dma_wait3A_999] : memref<32x1000000xf32, #tpu.memory_space<hbm>> -> memref<32x128xf32, #tpu.memory_space<hbm>>
    %dma_wait3A_1001 = arith.constant 0 : i32
    %dma_wait3A_1002 = arith.constant 0 : i32
    %dma_wait3A_1003 = tpu.memref_slice %arg12[%dma_wait3A_993, %dma_wait3A_1001, %dma_wait3A_1002] : memref<8x32x128xf32, #tpu.memory_space<vmem>> -> memref<1x32x128xf32, #tpu.memory_space<vmem>>
    %dma_wait3A_1004 = tpu.memref_squeeze %dma_wait3A_1003 : memref<1x32x128xf32, #tpu.memory_space<vmem>> -> memref<32x128xf32, #tpu.memory_space<vmem>>
    %dma_wait3A_1005 = arith.constant 0 : i32
    %dma_wait3A_1006 = arith.constant 0 : i32
    %dma_wait3A_1007 = tpu.memref_slice %arg5[%dma_wait3A_1005, %dma_wait3A_1006] : memref<32x1000000xf32, #tpu.memory_space<hbm>> -> memref<32x128xf32, #tpu.memory_space<hbm>>
    tpu.wait_dma2 semaphore(%arg29 : memref<!tpu.dma_semaphore, #tpu.memory_space<semaphore_mem>>) src(%dma_wait3A_1007 : memref<32x128xf32, #tpu.memory_space<hbm>>) dst(%dma_wait3A_1004 : memref<32x128xf32, #tpu.memory_space<vmem>>)
    %dma_wait3A_1008 = arith.constant 6 : i32
    %dma_wait3A_1009 = arith.constant 0 : i32
    %dma_wait3A_1010 = arith.constant 0 : i32
    %dma_wait3A_1011 = tpu.memref_slice %arg11[%dma_wait3A_1008, %dma_wait3A_1009, %dma_wait3A_1010] : memref<8x32x128xf32, #tpu.memory_space<vmem>> -> memref<1x32x128xf32, #tpu.memory_space<vmem>>
    %dma_wait3A_1012 = tpu.memref_squeeze %dma_wait3A_1011 : memref<1x32x128xf32, #tpu.memory_space<vmem>> -> memref<32x128xf32, #tpu.memory_space<vmem>>
    %dma_wait3A_1013 = arith.constant 0 : i32
    %dma_wait3A_1014 = arith.constant 0 : i32
    %dma_wait3A_1015 = tpu.memref_slice %arg4[%dma_wait3A_1013, %dma_wait3A_1014] : memref<32x1000000xf32, #tpu.memory_space<hbm>> -> memref<32x128xf32, #tpu.memory_space<hbm>>
    %dma_wait3A_1016 = arith.constant 0 : i32
    %dma_wait3A_1017 = arith.constant 0 : i32
    %dma_wait3A_1018 = tpu.memref_slice %arg11[%dma_wait3A_1008, %dma_wait3A_1016, %dma_wait3A_1017] : memref<8x32x128xf32, #tpu.memory_space<vmem>> -> memref<1x32x128xf32, #tpu.memory_space<vmem>>
    %dma_wait3A_1019 = tpu.memref_squeeze %dma_wait3A_1018 : memref<1x32x128xf32, #tpu.memory_space<vmem>> -> memref<32x128xf32, #tpu.memory_space<vmem>>
    %dma_wait3A_1020 = arith.constant 0 : i32
    %dma_wait3A_1021 = arith.constant 0 : i32
    %dma_wait3A_1022 = tpu.memref_slice %arg4[%dma_wait3A_1020, %dma_wait3A_1021] : memref<32x1000000xf32, #tpu.memory_space<hbm>> -> memref<32x128xf32, #tpu.memory_space<hbm>>
    tpu.wait_dma2 semaphore(%arg22 : memref<!tpu.dma_semaphore, #tpu.memory_space<semaphore_mem>>) src(%dma_wait3A_1022 : memref<32x128xf32, #tpu.memory_space<hbm>>) dst(%dma_wait3A_1019 : memref<32x128xf32, #tpu.memory_space<vmem>>)
    %dma_wait3A_1023 = arith.constant 6 : i32
    %dma_wait3A_1024 = arith.constant 0 : i32
    %dma_wait3A_1025 = arith.constant 0 : i32
    %dma_wait3A_1026 = tpu.memref_slice %arg12[%dma_wait3A_1023, %dma_wait3A_1024, %dma_wait3A_1025] : memref<8x32x128xf32, #tpu.memory_space<vmem>> -> memref<1x32x128xf32, #tpu.memory_space<vmem>>
    %dma_wait3A_1027 = tpu.memref_squeeze %dma_wait3A_1026 : memref<1x32x128xf32, #tpu.memory_space<vmem>> -> memref<32x128xf32, #tpu.memory_space<vmem>>
    %dma_wait3A_1028 = arith.constant 0 : i32
    %dma_wait3A_1029 = arith.constant 0 : i32
    %dma_wait3A_1030 = tpu.memref_slice %arg5[%dma_wait3A_1028, %dma_wait3A_1029] : memref<32x1000000xf32, #tpu.memory_space<hbm>> -> memref<32x128xf32, #tpu.memory_space<hbm>>
    %dma_wait3A_1031 = arith.constant 0 : i32
    %dma_wait3A_1032 = arith.constant 0 : i32
    %dma_wait3A_1033 = tpu.memref_slice %arg12[%dma_wait3A_1023, %dma_wait3A_1031, %dma_wait3A_1032] : memref<8x32x128xf32, #tpu.memory_space<vmem>> -> memref<1x32x128xf32, #tpu.memory_space<vmem>>
    %dma_wait3A_1034 = tpu.memref_squeeze %dma_wait3A_1033 : memref<1x32x128xf32, #tpu.memory_space<vmem>> -> memref<32x128xf32, #tpu.memory_space<vmem>>
    %dma_wait3A_1035 = arith.constant 0 : i32
    %dma_wait3A_1036 = arith.constant 0 : i32
    %dma_wait3A_1037 = tpu.memref_slice %arg5[%dma_wait3A_1035, %dma_wait3A_1036] : memref<32x1000000xf32, #tpu.memory_space<hbm>> -> memref<32x128xf32, #tpu.memory_space<hbm>>
    tpu.wait_dma2 semaphore(%arg30 : memref<!tpu.dma_semaphore, #tpu.memory_space<semaphore_mem>>) src(%dma_wait3A_1037 : memref<32x128xf32, #tpu.memory_space<hbm>>) dst(%dma_wait3A_1034 : memref<32x128xf32, #tpu.memory_space<vmem>>)
    %dma_wait3A_1038 = arith.constant 7 : i32
    %dma_wait3A_1039 = arith.constant 0 : i32
    %dma_wait3A_1040 = arith.constant 0 : i32
    %dma_wait3A_1041 = tpu.memref_slice %arg11[%dma_wait3A_1038, %dma_wait3A_1039, %dma_wait3A_1040] : memref<8x32x128xf32, #tpu.memory_space<vmem>> -> memref<1x32x128xf32, #tpu.memory_space<vmem>>
    %dma_wait3A_1042 = tpu.memref_squeeze %dma_wait3A_1041 : memref<1x32x128xf32, #tpu.memory_space<vmem>> -> memref<32x128xf32, #tpu.memory_space<vmem>>
    %dma_wait3A_1043 = arith.constant 0 : i32
    %dma_wait3A_1044 = arith.constant 0 : i32
    %dma_wait3A_1045 = tpu.memref_slice %arg4[%dma_wait3A_1043, %dma_wait3A_1044] : memref<32x1000000xf32, #tpu.memory_space<hbm>> -> memref<32x128xf32, #tpu.memory_space<hbm>>
    %dma_wait3A_1046 = arith.constant 0 : i32
    %dma_wait3A_1047 = arith.constant 0 : i32
    %dma_wait3A_1048 = tpu.memref_slice %arg11[%dma_wait3A_1038, %dma_wait3A_1046, %dma_wait3A_1047] : memref<8x32x128xf32, #tpu.memory_space<vmem>> -> memref<1x32x128xf32, #tpu.memory_space<vmem>>
    %dma_wait3A_1049 = tpu.memref_squeeze %dma_wait3A_1048 : memref<1x32x128xf32, #tpu.memory_space<vmem>> -> memref<32x128xf32, #tpu.memory_space<vmem>>
    %dma_wait3A_1050 = arith.constant 0 : i32
    %dma_wait3A_1051 = arith.constant 0 : i32
    %dma_wait3A_1052 = tpu.memref_slice %arg4[%dma_wait3A_1050, %dma_wait3A_1051] : memref<32x1000000xf32, #tpu.memory_space<hbm>> -> memref<32x128xf32, #tpu.memory_space<hbm>>
    tpu.wait_dma2 semaphore(%arg23 : memref<!tpu.dma_semaphore, #tpu.memory_space<semaphore_mem>>) src(%dma_wait3A_1052 : memref<32x128xf32, #tpu.memory_space<hbm>>) dst(%dma_wait3A_1049 : memref<32x128xf32, #tpu.memory_space<vmem>>)
    %dma_wait3A_1053 = arith.constant 7 : i32
    %dma_wait3A_1054 = arith.constant 0 : i32
    %dma_wait3A_1055 = arith.constant 0 : i32
    %dma_wait3A_1056 = tpu.memref_slice %arg12[%dma_wait3A_1053, %dma_wait3A_1054, %dma_wait3A_1055] : memref<8x32x128xf32, #tpu.memory_space<vmem>> -> memref<1x32x128xf32, #tpu.memory_space<vmem>>
    %dma_wait3A_1057 = tpu.memref_squeeze %dma_wait3A_1056 : memref<1x32x128xf32, #tpu.memory_space<vmem>> -> memref<32x128xf32, #tpu.memory_space<vmem>>
    %dma_wait3A_1058 = arith.constant 0 : i32
    %dma_wait3A_1059 = arith.constant 0 : i32
    %dma_wait3A_1060 = tpu.memref_slice %arg5[%dma_wait3A_1058, %dma_wait3A_1059] : memref<32x1000000xf32, #tpu.memory_space<hbm>> -> memref<32x128xf32, #tpu.memory_space<hbm>>
    %dma_wait3A_1061 = arith.constant 0 : i32
    %dma_wait3A_1062 = arith.constant 0 : i32
    %dma_wait3A_1063 = tpu.memref_slice %arg12[%dma_wait3A_1053, %dma_wait3A_1061, %dma_wait3A_1062] : memref<8x32x128xf32, #tpu.memory_space<vmem>> -> memref<1x32x128xf32, #tpu.memory_space<vmem>>
    %dma_wait3A_1064 = tpu.memref_squeeze %dma_wait3A_1063 : memref<1x32x128xf32, #tpu.memory_space<vmem>> -> memref<32x128xf32, #tpu.memory_space<vmem>>
    %dma_wait3A_1065 = arith.constant 0 : i32
    %dma_wait3A_1066 = arith.constant 0 : i32
    %dma_wait3A_1067 = tpu.memref_slice %arg5[%dma_wait3A_1065, %dma_wait3A_1066] : memref<32x1000000xf32, #tpu.memory_space<hbm>> -> memref<32x128xf32, #tpu.memory_space<hbm>>
    tpu.wait_dma2 semaphore(%arg31 : memref<!tpu.dma_semaphore, #tpu.memory_space<semaphore_mem>>) src(%dma_wait3A_1067 : memref<32x128xf32, #tpu.memory_space<hbm>>) dst(%dma_wait3A_1064 : memref<32x128xf32, #tpu.memory_space<vmem>>)
    %mul3A_1068 = arith.constant 512 : i32
    %mul3A_1069 = arith.muli %add3A, %mul3A_1068 : i32
    "tpu.region"() ({
      %run_scoped3A = tpu.sem_alloc : memref<!tpu.dma_semaphore, #tpu.memory_space<semaphore_mem>>
      %dma_start3A_1070 = tpu.memref_slice %arg8[%mul3A_1069] : memref<16384xf32, #tpu.memory_space<hbm>> -> memref<512xf32, #tpu.memory_space<hbm>>
      %dma_start3A_1071 = tpu.memref_slice %arg8[%mul3A_1069] : memref<16384xf32, #tpu.memory_space<hbm>> -> memref<512xf32, #tpu.memory_space<hbm>>
      tpu.enqueue_dma source(%arg15 : memref<512xf32, #tpu.memory_space<vmem>>) target(%dma_start3A_1071 : memref<512xf32, #tpu.memory_space<hbm>>) target_semaphore(%run_scoped3A : memref<!tpu.dma_semaphore, #tpu.memory_space<semaphore_mem>>)
      %dma_wait3A_1072 = tpu.memref_slice %arg8[%mul3A_1069] : memref<16384xf32, #tpu.memory_space<hbm>> -> memref<512xf32, #tpu.memory_space<hbm>>
      %dma_wait3A_1073 = tpu.memref_slice %arg8[%mul3A_1069] : memref<16384xf32, #tpu.memory_space<hbm>> -> memref<512xf32, #tpu.memory_space<hbm>>
      tpu.wait_dma2 semaphore(%run_scoped3A : memref<!tpu.dma_semaphore, #tpu.memory_space<semaphore_mem>>) src(%arg15 : memref<512xf32, #tpu.memory_space<vmem>>) dst(%dma_wait3A_1073 : memref<512xf32, #tpu.memory_space<hbm>>)
      tpu.yield
    }) : () -> ()
    return
  }
}

</mosaic_0001>

<sc_bundles>
// kernel: _mf.3.cloned.1.call-start
scs
__scs_entry_jumppad:
0x0: {  	(pc) =	sbr.rel $0x88, $3  }
0x1: {  	(tag) =	ssettag $0x0;
	lr =	simm.s32 $0x1  }
0x2: {  	[smem:$0x3F9B] =	sst lr;
	_ =	strace $0xD0000000  }
0x3: {  	_ = 	snop  }
0x4: {  	_ = 	snop  }
0x5: {  	_ = 	snop  }
0x6: {  	_ = 	snop  }
0x7: {  	_ = 	snop  }
__scs_overlays_trampoline_lowered:
0x8: {  	[smem:$0x3FAA] =	sst s0  }
0x9: {  	[smem:$0x3FAB] =	sst s1  }
0xa: {  	[smem:$0x3FAC] =	sst s2  }
0xb: {  	[smem:$0x3FAD] =	sst s3  }
0xc: {  	[smem:$0x3FAE] =	sst s4  }
0xd: {  	[smem:$0x3FAF] =	sst s5  }
0xe: {  	[smem:$0x3FB0] =	sst s6  }
0xf: {  	[smem:$0x3FB1] =	sst s7  }
0x10: {  	[smem:$0x3FB2] =	sst s8  }
0x11: {  	[smem:$0x3FB3] =	sst s9;
	s0 =	simm.s32 @!p0 $0x0  }
0x12: {  	s1 =	sld [smem:$0x3F99];
	s0 =	simm.s32 @p0 $0x1  }
0x13: {  	[smem:$0x3FB4] =	sst s0;
	s0 =	simm.s32 @!p1 $0x0  }
0x14: {  	s2 =	sld [smem:$0x3F98];
	s0 =	simm.s32 @p1 $0x1  }
0x15: {  	[smem:$0x3FB5] =	sst s0;
	s0 =	simm.s32 @!p2 $0x0  }
0x16: {  	s3 =	sld [smem:$0x3FDB];
	s0 =	simm.s32 @p2 $0x1  }
0x17: {  	s4 =	simm.s32 $0x1BF5;
	[smem:$0x3FB7] =	sst s0  }
0x18: {  	s0 =	sld [smem:$0x3F9A];
	_ =	swait.ge [sflag:s4], $0x0  }
0x19: {  	s7 =	sld [smem:$0x3F9B]  }
0x1a: {  	s8 =	sadd.s32 $0xFFFFE003, lr  }
0x1b: {  	s9 =	sadd.s32 $0xFFFFFEF7, lr;
	s5 =	simm.s32 $0xFFFFFFFF;
	p2 =	slt.u32 s8, $0xFFFFF086  }
0x1c: {  	p1 =	slt.u32 s9, $0xF7A;
	s5 =	simm.s32 @!p2 $0x0  }
0x1d: {  	s5 =	simm.s32 @p1 $0x1;
	p0 =	seq.s32 s7, s2  }
0x1e: {  	s7 =	smul.u32 @!p0 $0xF7A, s2;
	p2 =	seq.s32 @!p0 s5, $0x0  }
0x1f: {  	s9 =	smul.u32 $0xF7A, s1;
	s8 =	simm.s32 @!p0 $0x1BF5;
	p2 =	por !p2, p0  }
0x20: {  	[sflag:s8] =	ssyncset.s32 @!p0 $0xFFFFF086;
	s6 =	sadd.s32 @!p0 s3, s7;
	s7 =	simm.s32 @!p0 $0x108  }
0x21: {  	s3 =	sadd.s32 s3, s9;
	s6 =	sadd.s32 @!p0 $0x88, s6;
	s7 =	simm.s32 @p2 $0x1082  }
0x22: {  	[simem:s7], [sflag:s8] =	dma.local @!p0 [hbm:s6], $0xF7A  }
0x23: {  	s9 =	sor.u32 $0xD0000000, s2;
	s6 =	simm.s32 $0x108;
	_ =	swait.ge @!p0 [sflag:s8], $0x0  }
0x24: {  	s3 =	sadd.s32 $0x88, s3;
	s6 =	simm.s32 @!p1 $0x1082;
	[sflag:s4] =	ssyncset.s32 $0xFFFFF086  }
0x25: {  	[simem:s6], [sflag:s4] =	dma.local [hbm:s3], $0xF7A  }
0x26: {  	[smem:$0x3F9B] =	sst s1;
	(tag) =	ssettag s2;
	_ =	strace s9  }
0x27: {  	s1 =	sld [smem:$0x3FAB]  }
0x28: {  	s2 =	sld [smem:$0x3FAC]  }
0x29: {  	s4 =	sld [smem:$0x3FAE]  }
0x2a: {  	p0 =	seq.s32 s5, $0x0;
	s5 =	sld [smem:$0x3FAF]  }
0x2b: {  	s6 =	sld [smem:$0x3FB0]  }
0x2c: {  	s7 =	sld [smem:$0x3FB1]  }
0x2d: {  	s3 =	simm.s32 $0x108;
	s8 =	sld [smem:$0x3FB2]  }
0x2e: {  	s3 =	simm.s32 @!p0 $0x1082;
	s9 =	sld [smem:$0x3FB3]  }
0x2f: {  	lr =	sadd.s32 s0, s3;
	s0 =	sld [smem:$0x3FAA]  }
0x30: {  	s3 =	sld [smem:$0x3FAD]  }
0x31: {  	[smem:$0x3FB6] =	sst s10  }
0x32: {  	s10 =	sld [smem:$0x3FB4];
	_ =	sdelay $0x3  }
0x33: {  	p0 =	seq.s32 s10, $0x1;
	s10 =	sld [smem:$0x3FB6];
	_ =	sdelay $0x3  }
0x34: {  	[smem:$0x3FB6] =	sst s10  }
0x35: {  	s10 =	sld [smem:$0x3FB5];
	_ =	sdelay $0x3  }
0x36: {  	p1 =	seq.s32 s10, $0x1;
	s10 =	sld [smem:$0x3FB6];
	_ =	sdelay $0x3  }
0x37: {  	[smem:$0x3FB6] =	sst s10  }
0x38: {  	s10 =	sld [smem:$0x3FB7]  }
0x39: {  	_ = 	snop;
	(pc) =	sbr.ind lr, $3  }
0x3a: {  	_ = 	snop  }
0x3b: {  	_ = 	snop  }
0x3c: {  	p2 =	seq.s32 s10, $0x1;
	s10 =	sld [smem:$0x3FB6]  }
0x3d: {  	_ =	shalt  }
0x3e: {  	_ =	shalt  }
0x3f: {  	_ =	shalt  }
0x40: {  	_ =	shalt  }
0x41: {  	_ =	shalt  }
0x42: {  	_ =	shalt  }
0x43: {  	_ =	shalt  }
0x44: {  	_ =	shalt  }
0x45: {  	_ =	shalt  }
0x46: {  	_ =	shalt  }
0x47: {  	_ =	shalt  }
0x48: {  	_ =	shalt  }
0x49: {  	_ =	shalt  }
0x4a: {  	_ =	shalt  }
0x4b: {  	_ =	shalt  }
0x4c: {  	_ =	shalt  }
0x4d: {  	_ =	shalt  }
0x4e: {  	_ =	shalt  }
0x4f: {  	_ =	shalt  }
0x50: {  	_ =	shalt  }
0x51: {  	_ =	shalt  }
0x52: {  	_ =	shalt  }
0x53: {  	_ =	shalt  }
0x54: {  	_ =	shalt  }
0x55: {  	_ =	shalt  }
0x56: {  	_ =	shalt  }
0x57: {  	_ =	shalt  }
0x58: {  	_ =	shalt  }
0x59: {  	_ =	shalt  }
0x5a: {  	_ =	shalt  }
0x5b: {  	_ =	shalt  }
0x5c: {  	_ =	shalt  }
0x5d: {  	_ =	shalt  }
0x5e: {  	_ =	shalt  }
0x5f: {  	_ =	shalt  }
0x60: {  	_ =	shalt  }
0x61: {  	_ =	shalt  }
0x62: {  	_ =	shalt  }
0x63: {  	_ =	shalt  }
0x64: {  	_ =	shalt  }
0x65: {  	_ =	shalt  }
0x66: {  	_ =	shalt  }
0x67: {  	_ =	shalt  }
0x68: {  	_ =	shalt  }
0x69: {  	_ =	shalt  }
0x6a: {  	_ =	shalt  }
0x6b: {  	_ =	shalt  }
0x6c: {  	_ =	shalt  }
0x6d: {  	_ =	shalt  }
0x6e: {  	_ =	shalt  }
0x6f: {  	_ =	shalt  }
0x70: {  	_ =	shalt  }
0x71: {  	_ =	shalt  }
0x72: {  	_ =	shalt  }
0x73: {  	_ =	shalt  }
0x74: {  	_ =	shalt  }
0x75: {  	_ =	shalt  }
0x76: {  	_ =	shalt  }
0x77: {  	_ =	shalt  }
0x78: {  	_ =	shalt  }
0x79: {  	_ =	shalt  }
0x7a: {  	_ =	shalt  }
0x7b: {  	_ =	shalt  }
0x7c: {  	_ =	shalt  }
0x7d: {  	_ =	shalt  }
0x7e: {  	_ =	shalt  }
0x7f: {  	_ =	shalt  }
0x80: {  	_ =	shalt  }
0x81: {  	_ =	shalt  }
0x82: {  	_ =	shalt  }
0x83: {  	_ =	shalt  }
0x84: {  	_ =	shalt  }
0x85: {  	_ =	shalt  }
0x86: {  	_ =	shalt  }
0x87: {  	_ =	shalt  }
.Lfunc_end0:
.L_simem_size_0:
called_computation_lowered:
.L_overlay_start_0:
0x88: {  	s2 =	sld [smem:$0x3FD9]  }
0x89: {  	s3 =	sld [smem:$0x3FFE];
	_ =	sdelay $0x1  }
0x8a: {  	s1 =	srdreg.scid  }
0x8b: {  	s0 =	sand.u32 $0x1, s1  }
0x8c: {  	s18 =	sshll.u32 s0, $0xA;
	s2 =	sadd.s32 s3, s2  }
0x8d: {  	s2 =	sadd.s32 s2, s18  }
0x8e: {  	[smem:$0x3FC2] =	sst s2  }
0x8f: {  	_ = 	snop  }
0x90: {  	s2 =	sld [smem:$0x3FC9]  }
0x91: {  	s19 =	sld [smem:$0x3FC8]  }
0x92: {  	s4 =	sld [smem:$0x3FC7]  }
0x93: {  	s5 =	sld [smem:$0x3FC6]  }
0x94: {  	s6 =	sld [smem:$0x3FC5]  }
0x95: {  	s7 =	sld [smem:$0x3FC4]  }
0x96: {  	s8 =	sld [smem:$0x3FD0];
	(tm) =	ssettm $0x1  }
0x97: {  	s9 =	sld [smem:$0x3FFB];
	_ =	sdelay $0x3  }
0x98: {  	_ =	strace s9  }
0x99: {  	s9 =	sld [smem:$0x3FFC];
	_ =	sdelay $0x3  }
0x9a: {  	_ =	strace s9  }
0x9b: {  	s9 =	sld [smem:$0x3FFD];
	_ =	sdelay $0x3  }
0x9c: {  	_ =	strace s9  }
0x9d: {  	_ =	strace $0x8FFFFFFF  }
0x9e: {  	s20 =	sld [smem:$0x3FDB];
	_ =	sdelay $0x1  }
0x9f: {  	s10 =	simm.s32 $_scs_section_size  }
0xa0: {  	s11 =	simm.s32 $_size__tile_overlayer_lowered;
	s12 =	simm.s32 $_tile_overlayer_lowered  }
0xa1: {  	s23 =	simm.s32 $0x1BFF;
	s22 =	sshll.u32 s12, $0x1;
	s9 =	sadd.s32 s10, s20  }
0xa2: {  	s13 =	simm.s32 $0x0;
	s21 =	sshll.u32 s11, $0x1;
	s11 =	sadd.s32 s22, s9  }
0xa3: {  	[timem:s13], [sflag:s23] =	dma.local [hbm:s11], s21  }
0xa4: {  	_ =	swait.ge [sflag:s23], s21  }
0xa5: {  	s10 =	ssub.s32 $0x0, s21;
	[sflag:s23] =	ssyncset.done $0x0  }
0xa6: {  	[sflag:s23] =	ssyncadd.s32 s10;
	_ =	sdelay $0x1  }
0xa7: {  	s24 =	simm.s32 $0x1B8B  }
0xa8: {  	_ =	swait.ge [sflag:s24], $0x1  }
0xa9: {  	[sflag:s24] =	ssyncset.done $0x0  }
0xaa: {  	s25 =	simm.s32 $0x1B8E;
	[sflag:s24] =	ssyncadd.s32 $0xFFFFFFFF  }
0xab: {  	s26 =	simm.s32 $execute0_lowered;
	[smem:$0x3FD2] =	sst s25  }
0xac: {  	s10 =	sshll.u32 s26, $0x1;
	_ =	strace $0x80000046;
	[dreg:$0x1] =	wrdreg $0xFFFFFFFF  }
0xad: {  	s28 =	simm.s32 $_size_execute0_lowered;
	s9 =	sadd.s32 s9, s10;
	[dreg:$0x0] =	wrdreg $0x0  }
0xae: {  	s10 =	sshll.u32 s28, $0x1;
	[dreg:$0x2] =	wrdreg s9  }
0xaf: {  	[dreg:$0x3] =	wrdreg s10  }
0xb0: {  	[dreg:$0x4] =	wrdreg $0xC0  }
0xb1: {  	_ =	task [dreg:s13], $0x5FFFF  }
0xb2: {  	[dreg:$0x1] =	wrdreg $0xFFFFFFFF  }
0xb3: {  	[dreg:$0x0] =	wrdreg $0x60  }
0xb4: {  	[dreg:$0x2] =	wrdreg s2  }
0xb5: {  	[dreg:$0x3] =	wrdreg s19  }
0xb6: {  	[dreg:$0x4] =	wrdreg s4  }
0xb7: {  	[dreg:$0x5] =	wrdreg s5  }
0xb8: {  	[dreg:$0x6] =	wrdreg s6  }
0xb9: {  	[dreg:$0x7] =	wrdreg s7  }
0xba: {  	[dreg:$0x8] =	wrdreg s8  }
0xbb: {  	[dreg:$0x9] =	wrdreg $0x9  }
0xbc: {  	_ =	task.clear_ibuf [dreg:s13], $0xAFFFF;
	_ =	strace $0x90000046  }
0xbd: {  	s29 =	simm.s32 $0x9;
	_ =	strace $0x80000048  }
0xbe: {  	_ =	swait.ge [sflag:s29], $0x1  }
0xbf: {  	[sflag:s29] =	ssyncadd.s32 $0xFFFFFFFF  }
0xc0: {  	_ =	strace $0x90000048  }
0xc1: {  	_ =	sfence  }
0xc2: {  	s30 =	sld [smem:$0x0];
	_ =	sdelay $0x2  }
0xc3: {  	s31 =	sshll.u32 s1, $0xD;
	s1 =	sshrl.u32 s1, $0x2  }
0xc4: {  	s3 =	sand.u32 $0x4000, s31;
	s1 =	sadd.s32 s1, s30  }
0xc5: {  	s0 =	sor.u32 s3, s0;
	s1 =	sshll.u32 s1, $0x11  }
0xc6: {  	s0 =	sor.u32 s1, s0  }
0xc7: {  	s0 =	sadd.s32 $0x8F2B, s0  }
0xc8: {  	[sflag:s0] =	ssyncadd.remote.s32 $0x1  }
0xc9: {  	_ =	sfence.sel $0xFFFF  }
0xca: {  	[dreg:$0x0] =	wrdreg $0xFFFFFFFF;
	(pc) =	sbr.abs _section_cstart, $3  }
0xcb: {  	[dreg:$0x1] =	wrdreg $0xFFFFFFFF  }
0xcc: {  	_ =	task.clear_ibuf [dreg:s13], $0x2FFFF;
	_ =	strace $0x9FFFFFFF  }
0xcd: {  	(tm) =	ssettm $0x7FFFFFFF  }
tec
execute0_lowered:
.L_overlay_start_1:
0x0: {  	(tag) =	ssettag $0x1  }
0x1: {  	s1 =	rddreg [dreg:$0x0]  }
0x2: {  	s3 =	rddreg [dreg:$0x1]  }
0x3: {  	s14 =	rddreg [dreg:$0x2]  }
0x4: {  	s2 =	rddreg [dreg:$0x3];
	s4 =	srdreg.scid  }
0x5: {  	s7 =	stileid.u32;
	s5 =	rddreg [dreg:$0x6]  }
0x6: {  	s10 =	simm.s32 $0x0;
	s12 =	simm.s32 $0x400;
	s29 =	simm.s32 $0x1  }
0x7: {  	s28 =	simm.s32 $0x8400;
	s23 =	simm.s32 $0x1400;
	s21 =	simm.s32 $0x2400  }
0x8: {  	s22 =	simm.s32 $0xA400;
	s30 =	simm.s32 $0xB400;
	s31 =	simm.s32 $0x4400  }
0x9: {  	s11 =	simm.s32 $0x5400;
	s13 =	simm.s32 $0xD400;
	s15 =	simm.s32 $0x6400  }
0xa: {  	s16 =	simm.s32 $0xE400;
	s17 =	simm.s32 $0x7400;
	s18 =	simm.s32 $0xF400  }
0xb: {  	s4 =	sand.u32 $0x1, s4;
	s6 =	sshll.u32 s7, $0x1;
	s7 =	sshll.u32 s7, $0x7  }
0xc: {  	[smem:$0x7FF] =	sst s10;
	s6 =	sor.u32 s4, s6;
	s4 =	ssub.s32 $0x2, s4  }
0xd: {  	_ =	strace $0x80000047;
	s8 =	sshll.u32 s6, $0x4;
	s9 =	sshrl.u32 s4, $0x1  }
0xe: {  	v0 =	vlaneseq.u32;
	vm0 =	vmmov $0x1;
	vm1 =	vmmov $0x3;
	s25 =	sshll.u32 s6, $0x6;
	s7 =	sor.u32 s7, s8;
	s4 =	ssub.s32 s4, s9  }
0xf: {  	vm2 =	vmmov $0x7;
	vm3 =	vmmov $0xf;
	vm4 =	vmmov $0x1f;
	s9 =	simm.s32 $0xC400;
	s7 =	sand.u32 $0x670, s7;
	s26 =	smax.u32 s4, $0x1  }
0x10: {  	vm5 =	vmmov $0x3f;
	vm6 =	vmmov $0x7f;
	vm7 =	vmmov $0xff;
	s4 =	simm.s32 $0x0;
	s1 =	sadd.s32 s1, s7;
	[dreg:$0xb] =	wrdreg s26  }
0x11: {  	vm8 =	vmmov $0x1ff;
	vm9 =	vmmov $0x3ff;
	v0 =	vmul.u32 $0x80, v0;
	s24 =	sadd.s32 s3, s7;
	s3 =	simm.s32 $0x12;
	[dreg:$0x8] =	wrdreg s1  }
0x12: {  	vm10 =	vmmov $0x7ff;
	vm11 =	vmmov $0xfff;
	vm12 =	vmmov $0x1fff;
	s26 =	simm.s32 $0x7A1400;
	[dreg:$0x9] =	wrdreg s24;
	s1 =	sadd.s32 s5, s25  }
0x13: {  	vm13 =	vmmov $0x3fff;
	vm14 =	vmmov $0x7fff;
	v1 =	vor.u32 $0x800, v0;
	s25 =	simm.s32 $0x9400;
	s24 =	simm.s32 $0x3400;
	[dreg:$0xa] =	wrdreg s1  }
.LBB2_1:
0x14: {  	[dreg:$0xc] =	wrdreg s4  }
0x15: {  	s1 =	rddreg [dreg:$0x8];
	s6 =	simm.s32 $0x80  }
0x16: {  	[tilespmem:s10], [sflag:$0x12] =	stream.strided.gather [hbm4b:s1+s6], $0x200, s12, s6, $0x38;
	[tilespmem:$0x10A00] =	vst v63  }
0x17: {  	_ =	swait.ge [sflag:s3], $0x200  }
0x18: {  	[sflag:s3] =	ssyncset.done $0x0  }
0x19: {  	s0 =	simm.s32 $0x200;
	s19 =	rddreg [dreg:$0x9];
	[sflag:s3] =	ssyncadd.s32 $0xFFFFFE00  }
0x1a: {  	[tilespmem:s0], [sflag:$0x12] =	stream.strided.gather [hbm4b:s19+s6], $0x200, s12, s6, $0x38;
	[tilespmem:$0x10A00] =	vst v63  }
0x1b: {  	_ =	swait.ge [sflag:s3], $0x200  }
0x1c: {  	[sflag:s3] =	ssyncset.done $0x0  }
0x1d: {  	[sflag:s3] =	ssyncadd.s32 $0xFFFFFE00  }
0x1e: {  	s1 =	simm.s32 $0x10400;
	s3 =	rddreg [dreg:$0x4]  }
0x1f: {  	[tilespmem:s1], [sflag:$0x11] =	stream.indirect.gather [hbm4b:s3+s6], $0x1, s10, s6, $0xb8;
	[tilespmem:$0x10A00] =	vst v63  }
0x20: {  	s4 =	simm.s32 $0x10600;
	s5 =	rddreg [dreg:$0x5]  }
0x21: {  	[tilespmem:s4], [sflag:$0x11] =	stream.indirect.gather [hbm4b:s5+s6], $0x1, s0, s6, $0xb8;
	[tilespmem:$0x10A00] =	vst v63  }
0x22: {  	s7 =	simm.s32 $0x10480  }
0x23: {  	[tilespmem:s7], [sflag:$0x11] =	stream.indirect.gather [hbm4b:s3+s6], $0x1, s6, s6, $0xb8;
	[tilespmem:$0x10A00] =	vst v63  }
0x24: {  	s20 =	simm.s32 $0x280;
	s8 =	simm.s32 $0x10680  }
0x25: {  	[tilespmem:s8], [sflag:$0x11] =	stream.indirect.gather [hbm4b:s5+s6], $0x1, s20, s6, $0xb8;
	[tilespmem:$0x10A00] =	vst v63  }
0x26: {  	s10 =	simm.s32 $0x10500;
	s8 =	simm.s32 $0x100  }
0x27: {  	[tilespmem:s10], [sflag:$0x11] =	stream.indirect.gather [hbm4b:s3+s6], $0x1, s8, s6, $0xb8;
	[tilespmem:$0x10A00] =	vst v63  }
0x28: {  	s19 =	simm.s32 $0x300;
	s20 =	simm.s32 $0x10700  }
0x29: {  	[tilespmem:s20], [sflag:$0x11] =	stream.indirect.gather [hbm4b:s5+s6], $0x1, s19, s6, $0xb8;
	[tilespmem:$0x10A00] =	vst v63  }
0x2a: {  	s8 =	simm.s32 $0x180;
	s10 =	simm.s32 $0x10580  }
0x2b: {  	[tilespmem:s10], [sflag:$0x11] =	stream.indirect.gather [hbm4b:s3+s6], $0x1, s8, s6, $0xb8;
	[tilespmem:$0x10A00] =	vst v63  }
0x2c: {  	s19 =	simm.s32 $0x380;
	s20 =	simm.s32 $0x10780  }
0x2d: {  	[tilespmem:s20], [sflag:$0x11] =	stream.indirect.gather [hbm4b:s5+s6], $0x1, s19, s6, $0xb8;
	[tilespmem:$0x10A00] =	vst v63  }
0x2e: {  	v3 =	vld [tilespmem:$0x200];
	_ =	sdelay $0x2  }
0x2f: {  	v2 =	vld [tilespmem:$0x0];
	_ =	sdelay $0x1  }
0x30: {  	(v2sf) =	vpush v3, $0x0;
	_ =	sdelay $0x2  }
0x31: {  	(v2sf) =	vpush v2, $0x0;
	_ =	sdelay $0xa  }
0x32: {  	(v2sf) =	vpush v3, $0x1  }
0x33: {  	s3 =	spop (v2sf);
	(v2sf) =	vpush v2, $0x1;
	_ =	sdelay $0x2  }
0x34: {  	s8 =	spop (v2sf)  }
0x35: {  	s6 =	simm.s32 $0x1;
	s19 =	sand.u32 $0x7F, s8  }
0x36: {  	s20 =	sshra.s32 s8, $0x1F;
	p2 =	slt.s32 s8, $0x1;
	p1 =	sne.s32 s19, $0x0  }
0x37: {  	s7 =	sand.u32 $0x7F, s3;
	s5 =	sshrl.u32 s20, $0x19;
	p1 =	por !p2, !p1  }
0x38: {  	s10 =	sshra.s32 s3, $0x1F;
	s5 =	sadd.s32 s5, s8;
	p1 =	por !p1, !p1  }
0x39: {  	p6 =	slt.s32 s3, $0x1;
	s5 =	sshrl.u32 s5, $0x7;
	s6 =	simm.s32 @!p1 $0x0  }
0x3a: {  	p0 =	sne.s32 s7, $0x0;
	s7 =	sshrl.u32 s10, $0x19;
	s5 =	ssub.s32 s5, s6  }
0x3b: {  	s3 =	sadd.s32 s7, s3;
	p0 =	por !p6, !p0;
	s5 =	sshll.u32 s5, $0x7  }
0x3c: {  	p0 =	por !p0, !p0;
	s6 =	simm.s32 $0x1;
	s5 =	sand.u32 $0x1FFFFF80, s5  }
0x3d: {  	(v2sf) =	vpush v3, $0x2;
	s3 =	sshrl.u32 s3, $0x7;
	s6 =	simm.s32 @!p0 $0x0;
	s5 =	sadd.s32 s14, s5  }
0x3e: {  	[tilespmem:s12], [sflag:$0x1] =	stream.strided.gather [hbm4b:s5+s12], $0x1000, s26, s12, $0x38;
	[tilespmem:$0x10A00] =	vst v63  }
0x3f: {  	s3 =	ssub.s32 s3, s6;
	s5 =	spop (v2sf)  }
0x40: {  	s3 =	sshll.u32 s3, $0x7;
	s8 =	spop (v2sf);
	(v2sf) =	vpush v2, $0x2  }
0x41: {  	s6 =	simm.s32 $0x1;
	s3 =	sand.u32 $0x1FFFFF80, s3  }
0x42: {  	s3 =	sadd.s32 s2, s3;
	s7 =	sand.u32 $0x7F, s5;
	s10 =	sshra.s32 s5, $0x1F  }
0x43: {  	[tilespmem:s28], [sflag:$0x9] =	stream.strided.gather [hbm4b:s3+s12], $0x1000, s26, s12, $0x38;
	[tilespmem:$0x10A00] =	vst v63  }
0x44: {  	p6 =	slt.s32 s5, $0x1;
	p3 =	sne.s32 s7, $0x0;
	s19 =	sand.u32 $0x7F, s8  }
0x45: {  	s20 =	sshra.s32 s8, $0x1F;
	p5 =	slt.s32 s8, $0x1;
	p4 =	sne.s32 s19, $0x0  }
0x46: {  	s7 =	sshrl.u32 s10, $0x19;
	s3 =	sshrl.u32 s20, $0x19;
	p1 =	por !p5, !p4  }
0x47: {  	s5 =	sadd.s32 s7, s5;
	s3 =	sadd.s32 s3, s8;
	p1 =	por !p1, !p1  }
0x48: {  	p0 =	por !p6, !p3;
	s3 =	sshrl.u32 s3, $0x7;
	s6 =	simm.s32 @!p1 $0x0  }
0x49: {  	p0 =	por !p0, !p0;
	s3 =	ssub.s32 s3, s6;
	s6 =	simm.s32 $0x1  }
0x4a: {  	s5 =	sshrl.u32 s5, $0x7;
	s6 =	simm.s32 @!p0 $0x0  }
0x4b: {  	s3 =	sshll.u32 s3, $0x7;
	s5 =	ssub.s32 s5, s6  }
0x4c: {  	s3 =	sand.u32 $0x1FFFFF80, s3;
	s6 =	sshll.u32 s5, $0x7;
	s5 =	spop (v2sf);
	(v2sf) =	vpush v3, $0x3  }
0x4d: {  	s3 =	sadd.s32 s14, s3  }
0x4e: {  	[tilespmem:s23], [sflag:$0x2] =	stream.strided.gather [hbm4b:s3+s12], $0x1000, s26, s12, $0x38;
	[tilespmem:$0x10A00] =	vst v63  }
0x4f: {  	s8 =	spop (v2sf);
	(v2sf) =	vpush v2, $0x3  }
0x50: {  	s3 =	sand.u32 $0x1FFFFF80, s6;
	s7 =	sand.u32 $0x7F, s5  }
0x51: {  	s10 =	sshra.s32 s5, $0x1F;
	s6 =	simm.s32 $0x1;
	s3 =	sadd.s32 s2, s3  }
0x52: {  	[tilespmem:s25], [sflag:$0xA] =	stream.strided.gather [hbm4b:s3+s12], $0x1000, s26, s12, $0x38;
	[tilespmem:$0x10A00] =	vst v63  }
0x53: {  	p6 =	slt.s32 s5, $0x1;
	p3 =	sne.s32 s7, $0x0;
	s19 =	sand.u32 $0x7F, s8  }
0x54: {  	s20 =	sshra.s32 s8, $0x1F;
	p5 =	slt.s32 s8, $0x1;
	p4 =	sne.s32 s19, $0x0  }
0x55: {  	s7 =	sshrl.u32 s10, $0x19;
	s3 =	sshrl.u32 s20, $0x19;
	p1 =	por !p5, !p4  }
0x56: {  	s5 =	sadd.s32 s7, s5;
	s3 =	sadd.s32 s3, s8;
	p1 =	por !p1, !p1  }
0x57: {  	p0 =	por !p6, !p3;
	s3 =	sshrl.u32 s3, $0x7;
	s6 =	simm.s32 @!p1 $0x0  }
0x58: {  	p0 =	por !p0, !p0;
	s3 =	ssub.s32 s3, s6;
	s6 =	simm.s32 $0x1  }
0x59: {  	s5 =	sshrl.u32 s5, $0x7;
	s6 =	simm.s32 @!p0 $0x0  }
0x5a: {  	s3 =	sshll.u32 s3, $0x7;
	s5 =	ssub.s32 s5, s6  }
0x5b: {  	s3 =	sand.u32 $0x1FFFFF80, s3;
	s6 =	sshll.u32 s5, $0x7;
	s5 =	spop (v2sf);
	(v2sf) =	vpush v3, $0x4  }
0x5c: {  	s3 =	sadd.s32 s14, s3  }
0x5d: {  	[tilespmem:s21], [sflag:$0x3] =	stream.strided.gather [hbm4b:s3+s12], $0x1000, s26, s12, $0x38;
	[tilespmem:$0x10A00] =	vst v63  }
0x5e: {  	s8 =	spop (v2sf);
	(v2sf) =	vpush v2, $0x4  }
0x5f: {  	s3 =	sand.u32 $0x1FFFFF80, s6;
	s7 =	sand.u32 $0x7F, s5  }
0x60: {  	s10 =	sshra.s32 s5, $0x1F;
	s6 =	simm.s32 $0x1;
	s3 =	sadd.s32 s2, s3  }
0x61: {  	[tilespmem:s22], [sflag:$0xB] =	stream.strided.gather [hbm4b:s3+s12], $0x1000, s26, s12, $0x38;
	[tilespmem:$0x10A00] =	vst v63  }
0x62: {  	p6 =	slt.s32 s5, $0x1;
	p3 =	sne.s32 s7, $0x0;
	s19 =	sand.u32 $0x7F, s8  }
0x63: {  	s20 =	sshra.s32 s8, $0x1F;
	p5 =	slt.s32 s8, $0x1;
	p4 =	sne.s32 s19, $0x0  }
0x64: {  	s7 =	sshrl.u32 s10, $0x19;
	s3 =	sshrl.u32 s20, $0x19;
	p1 =	por !p5, !p4  }
0x65: {  	s5 =	sadd.s32 s7, s5;
	s3 =	sadd.s32 s3, s8;
	p1 =	por !p1, !p1  }
0x66: {  	p0 =	por !p6, !p3;
	s3 =	sshrl.u32 s3, $0x7;
	s6 =	simm.s32 @!p1 $0x0  }
0x67: {  	p0 =	por !p0, !p0;
	s3 =	ssub.s32 s3, s6;
	s6 =	simm.s32 $0x1  }
0x68: {  	s5 =	sshrl.u32 s5, $0x7;
	s3 =	sshll.u32 s3, $0x7;
	s6 =	simm.s32 @!p0 $0x0  }
0x69: {  	s3 =	sand.u32 $0x1FFFFF80, s3;
	s5 =	ssub.s32 s5, s6  }
0x6a: {  	s3 =	sadd.s32 s14, s3;
	s6 =	sshll.u32 s5, $0x7;
	s5 =	spop (v2sf);
	(v2sf) =	vpush v3, $0x5  }
0x6b: {  	[tilespmem:s24], [sflag:$0x4] =	stream.strided.gather [hbm4b:s3+s12], $0x1000, s26, s12, $0x38;
	[tilespmem:$0x10A00] =	vst v63  }
0x6c: {  	s3 =	sand.u32 $0x1FFFFF80, s6;
	s7 =	sand.u32 $0x7F, s5;
	s10 =	sshra.s32 s5, $0x1F  }
0x6d: {  	s6 =	simm.s32 $0x1;
	s3 =	sadd.s32 s2, s3;
	s8 =	spop (v2sf);
	(v2sf) =	vpush v2, $0x5  }
0x6e: {  	[tilespmem:s30], [sflag:$0xC] =	stream.strided.gather [hbm4b:s3+s12], $0x1000, s26, s12, $0x38;
	[tilespmem:$0x10A00] =	vst v63  }
0x6f: {  	p6 =	slt.s32 s5, $0x1;
	p3 =	sne.s32 s7, $0x0;
	s19 =	sand.u32 $0x7F, s8  }
0x70: {  	s20 =	sshra.s32 s8, $0x1F;
	p5 =	slt.s32 s8, $0x1;
	p4 =	sne.s32 s19, $0x0  }
0x71: {  	s7 =	sshrl.u32 s10, $0x19;
	s3 =	sshrl.u32 s20, $0x19;
	p1 =	por !p5, !p4  }
0x72: {  	s5 =	sadd.s32 s7, s5;
	s3 =	sadd.s32 s3, s8;
	p1 =	por !p1, !p1  }
0x73: {  	p0 =	por !p6, !p3;
	s3 =	sshrl.u32 s3, $0x7;
	s6 =	simm.s32 @!p1 $0x0  }
0x74: {  	p0 =	por !p0, !p0;
	s3 =	ssub.s32 s3, s6;
	s6 =	simm.s32 $0x1  }
0x75: {  	s5 =	sshrl.u32 s5, $0x7;
	s3 =	sshll.u32 s3, $0x7;
	s6 =	simm.s32 @!p0 $0x0  }
0x76: {  	s3 =	sand.u32 $0x1FFFFF80, s3;
	s5 =	ssub.s32 s5, s6  }
0x77: {  	s3 =	sadd.s32 s14, s3;
	s7 =	sshll.u32 s5, $0x7  }
0x78: {  	[tilespmem:s31], [sflag:$0x5] =	stream.strided.gather [hbm4b:s3+s12], $0x1000, s26, s12, $0x38;
	[tilespmem:$0x10A00] =	vst v63  }
0x79: {  	s5 =	spop (v2sf);
	(v2sf) =	vpush v3, $0x6;
	s3 =	sand.u32 $0x1FFFFF80, s7  }
0x7a: {  	s3 =	sadd.s32 s2, s3  }
0x7b: {  	[tilespmem:s9], [sflag:$0xD] =	stream.strided.gather [hbm4b:s3+s12], $0x1000, s26, s12, $0x38;
	[tilespmem:$0x10A00] =	vst v63  }
0x7c: {  	s9 =	spop (v2sf);
	(v2sf) =	vpush v2, $0x6;
	_ =	sdelay $0x2  }
0x7d: {  	s6 =	simm.s32 $0x1;
	s8 =	sand.u32 $0x7F, s5;
	s10 =	sshra.s32 s5, $0x1F  }
0x7e: {  	p6 =	slt.s32 s5, $0x1;
	p3 =	sne.s32 s8, $0x0;
	s19 =	sand.u32 $0x7F, s9  }
0x7f: {  	s20 =	sshra.s32 s9, $0x1F;
	p5 =	slt.s32 s9, $0x1;
	p4 =	sne.s32 s19, $0x0  }
0x80: {  	s7 =	sshrl.u32 s10, $0x19;
	s3 =	sshrl.u32 s20, $0x19;
	p1 =	por !p5, !p4  }
0x81: {  	s5 =	sadd.s32 s7, s5;
	s3 =	sadd.s32 s3, s9;
	p1 =	por !p1, !p1  }
0x82: {  	p0 =	por !p6, !p3;
	s3 =	sshrl.u32 s3, $0x7;
	s6 =	simm.s32 @!p1 $0x0  }
0x83: {  	p0 =	por !p0, !p0;
	s3 =	ssub.s32 s3, s6;
	s6 =	simm.s32 $0x1  }
0x84: {  	s5 =	sshrl.u32 s5, $0x7;
	s3 =	sshll.u32 s3, $0x7;
	s6 =	simm.s32 @!p0 $0x0  }
0x85: {  	s3 =	sand.u32 $0x1FFFFF80, s3;
	s5 =	ssub.s32 s5, s6  }
0x86: {  	s3 =	sadd.s32 s14, s3;
	s8 =	sshll.u32 s5, $0x7;
	s9 =	spop (v2sf)  }
0x87: {  	(v2sf) =	vpush v3, $0x7;
	[tilespmem:s11], [sflag:$0x6] =	stream.strided.gather [hbm4b:s3+s12], $0x1000, s26, s12, $0x38;
	[tilespmem:$0x10A00] =	vst v63  }
0x88: {  	s6 =	simm.s32 $0x1;
	s3 =	sand.u32 $0x1FFFFF80, s8;
	s10 =	sand.u32 $0x7F, s9  }
0x89: {  	p6 =	slt.s32 s9, $0x1;
	s3 =	sadd.s32 s2, s3;
	s11 =	spop (v2sf);
	(v2sf) =	vpush v2, $0x7  }
0x8a: {  	[tilespmem:s13], [sflag:$0xE] =	stream.strided.gather [hbm4b:s3+s12], $0x1000, s26, s12, $0x38;
	[tilespmem:$0x10A00] =	vst v63  }
0x8b: {  	p3 =	sne.s32 s10, $0x0;
	s13 =	sshra.s32 s9, $0x1F;
	s19 =	sand.u32 $0x7F, s11  }
0x8c: {  	s20 =	sshra.s32 s11, $0x1F;
	p5 =	slt.s32 s11, $0x1;
	p4 =	sne.s32 s19, $0x0  }
0x8d: {  	p0 =	por !p6, !p3;
	s3 =	sshrl.u32 s20, $0x19;
	p1 =	por !p5, !p4  }
0x8e: {  	s7 =	sshrl.u32 s13, $0x19;
	s3 =	sadd.s32 s3, s11;
	p1 =	por !p1, !p1  }
0x8f: {  	p0 =	por !p0, !p0;
	s3 =	sshrl.u32 s3, $0x7;
	s6 =	simm.s32 @!p1 $0x0  }
0x90: {  	s5 =	sadd.s32 s7, s9;
	s3 =	ssub.s32 s3, s6;
	s6 =	simm.s32 $0x1  }
0x91: {  	s5 =	sshrl.u32 s5, $0x7;
	s3 =	sshll.u32 s3, $0x7;
	s6 =	simm.s32 @!p0 $0x0  }
0x92: {  	s3 =	sand.u32 $0x1FFFFF80, s3;
	s5 =	ssub.s32 s5, s6  }
0x93: {  	s3 =	sadd.s32 s14, s3;
	s8 =	sshll.u32 s5, $0x7  }
0x94: {  	[tilespmem:s15], [sflag:$0x7] =	stream.strided.gather [hbm4b:s3+s12], $0x1000, s26, s12, $0x38;
	[tilespmem:$0x10A00] =	vst v63  }
0x95: {  	s3 =	sand.u32 $0x1FFFFF80, s8  }
0x96: {  	s6 =	simm.s32 $0x1;
	s9 =	spop (v2sf);
	s3 =	sadd.s32 s2, s3  }
0x97: {  	[tilespmem:s16], [sflag:$0xF] =	stream.strided.gather [hbm4b:s3+s12], $0x1000, s26, s12, $0x38;
	[tilespmem:$0x10A00] =	vst v63  }
0x98: {  	s10 =	sand.u32 $0x7F, s9;
	s13 =	sshra.s32 s9, $0x1F;
	s11 =	spop (v2sf)  }
0x99: {  	p6 =	slt.s32 s9, $0x1;
	p3 =	sne.s32 s10, $0x0;
	s15 =	sand.u32 $0x7F, s11  }
0x9a: {  	s16 =	sshra.s32 s11, $0x1F;
	p5 =	slt.s32 s11, $0x1;
	p4 =	sne.s32 s15, $0x0  }
0x9b: {  	s7 =	sshrl.u32 s13, $0x19;
	s3 =	sshrl.u32 s16, $0x19;
	p1 =	por !p5, !p4  }
0x9c: {  	s5 =	sadd.s32 s7, s9;
	s3 =	sadd.s32 s3, s11;
	p1 =	por !p1, !p1  }
0x9d: {  	p0 =	por !p6, !p3;
	s3 =	sshrl.u32 s3, $0x7;
	s6 =	simm.s32 @!p1 $0x0  }
0x9e: {  	p0 =	por !p0, !p0;
	s3 =	ssub.s32 s3, s6;
	s6 =	simm.s32 $0x1  }
0x9f: {  	s5 =	sshrl.u32 s5, $0x7;
	s3 =	sshll.u32 s3, $0x7;
	s6 =	simm.s32 @!p0 $0x0  }
0xa0: {  	s3 =	sand.u32 $0x1FFFFF80, s3;
	s5 =	ssub.s32 s5, s6  }
0xa1: {  	s3 =	sadd.s32 s14, s3;
	s19 =	sshll.u32 s5, $0x7  }
0xa2: {  	[tilespmem:s17], [sflag:$0x8] =	stream.strided.gather [hbm4b:s3+s12], $0x1000, s26, s12, $0x38;
	[tilespmem:$0x10A00] =	vst v63  }
0xa3: {  	s3 =	sand.u32 $0x1FFFFF80, s19  }
0xa4: {  	s20 =	simm.s32 $0x11;
	s3 =	sadd.s32 s2, s3  }
0xa5: {  	[tilespmem:s18], [sflag:$0x10] =	stream.strided.gather [hbm4b:s3+s12], $0x1000, s26, s12, $0x38;
	[tilespmem:$0x10A00] =	vst v63  }
0xa6: {  	_ =	swait.ge [sflag:s20], $0x80  }
0xa7: {  	[sflag:s20] =	ssyncset.done $0x0  }
0xa8: {  	[sflag:s20] =	ssyncadd.s32 $0xFFFFFF80  }
0xa9: {  	_ =	swait.ge [sflag:s20], $0x80  }
0xaa: {  	[sflag:s20] =	ssyncset.done $0x0  }
0xab: {  	[sflag:s20] =	ssyncadd.s32 $0xFFFFFF80  }
0xac: {  	_ =	swait.ge [sflag:s20], $0x80  }
0xad: {  	[sflag:s20] =	ssyncset.done $0x0  }
0xae: {  	[sflag:s20] =	ssyncadd.s32 $0xFFFFFF80  }
0xaf: {  	_ =	swait.ge [sflag:s20], $0x80  }
0xb0: {  	[sflag:s20] =	ssyncset.done $0x0  }
0xb1: {  	[sflag:s20] =	ssyncadd.s32 $0xFFFFFF80  }
0xb2: {  	_ =	swait.ge [sflag:s20], $0x80  }
0xb3: {  	[sflag:s20] =	ssyncset.done $0x0  }
0xb4: {  	[sflag:s20] =	ssyncadd.s32 $0xFFFFFF80  }
0xb5: {  	_ =	swait.ge [sflag:s20], $0x80  }
0xb6: {  	[sflag:s20] =	ssyncset.done $0x0  }
0xb7: {  	[sflag:s20] =	ssyncadd.s32 $0xFFFFFF80  }
0xb8: {  	_ =	swait.ge [sflag:s20], $0x80  }
0xb9: {  	[sflag:s20] =	ssyncset.done $0x0  }
0xba: {  	[sflag:s20] =	ssyncadd.s32 $0xFFFFFF80  }
0xbb: {  	_ =	swait.ge [sflag:s20], $0x80  }
0xbc: {  	s5 =	simm.s32 $0x0;
	[sflag:s20] =	ssyncset.done $0x0  }
0xbd: {  	s17 =	simm.s32 $0x0;
	s3 =	simm.s32 $0x10800;
	[sflag:s20] =	ssyncadd.s32 $0xFFFFFF80  }
.LBB2_2:
0xbe: {  	[dreg:$0x11] =	wrdreg s5  }
0xbf: {  	[dreg:$0x10] =	wrdreg s3  }
0xc0: {  	[dreg:$0xf] =	wrdreg s4;
	v11 =	vld [tilespmem:s5+$0x0]  }
0xc1: {  	[dreg:$0xe] =	wrdreg s1;
	s19 =	smin.u32 s17, $0x1E0;
	v12 =	vld [tilespmem:s0+$0x0]  }
0xc2: {  	[dreg:$0xd] =	wrdreg s0;
	v2 =	vld [tilespmem:s19+$0x10]  }
0xc3: {  	v3 =	vld [tilespmem:s19+$0x210];
	_ =	swait.ge [sflag:s29], $0x1000  }
0xc4: {  	[sflag:s29] =	ssyncset.done $0x0  }
0xc5: {  	s20 =	simm.s32 $0x9;
	[sflag:s29] =	ssyncadd.s32 $0xFFFFF000  }
0xc6: {  	_ =	swait.ge [sflag:s20], $0x1000  }
0xc7: {  	(v2sf) =	vpush v11, $0x0;
	_ =	sdelay $0x1  }
0xc8: {  	(v2sf) =	vpush v12, $0x0;
	_ =	sdelay $0xa  }
0xc9: {  	(v2sf) =	vpush v11, $0x8;
	_ =	sdelay $0x1  }
0xca: {  	(v2sf) =	vpush v12, $0x8;
	s0 =	spop (v2sf)  }
0xcb: {  	s3 =	sand.u32 $0x7F, s0  }
0xcc: {  	s1 =	spop (v2sf);
	v4 =	vor.u32 s3, v0  }
0xcd: {  	s5 =	sand.u32 $0x7F, s1;
	v5 =	vor.u32 s3, v1  }
0xce: {  	s4 =	simm.s32 $0x9;
	v6 =	vor.u32 s5, v0  }
0xcf: {  	[sflag:s4] =	ssyncset.done $0x0;
	v7 =	vor.u32 s5, v1  }
0xd0: {  	[sflag:s4] =	ssyncadd.s32 $0xFFFFF000  }
0xd1: {  	v4 =	vld.idx.msk [tilespmem:v4+s12+$0x0], $0xffff  }
0xd2: {  	v5 =	vld.idx.msk [tilespmem:v5+s12+$0x0], $0xffff  }
0xd3: {  	v6 =	vld.idx.msk [tilespmem:v6+s28+$0x0], $0xffff  }
0xd4: {  	v7 =	vld.idx.msk [tilespmem:v7+s28+$0x0], $0xffff;
	_ =	sdelay $0x2  }
0xd5: {  	s18 =	spop (v2sf)  }
0xd6: {  	s6 =	sshra.s32 s18, $0x1F  }
0xd7: {  	s19 =	spop (v2sf);
	s3 =	sshrl.u32 s6, $0x19;
	v4 =	vmul.f32 v6, v4;
	v5 =	vmul.f32 v7, v5  }
0xd8: {  	s6 =	sshra.s32 s19, $0x1F;
	s3 =	sadd.s32 s3, s18  }
0xd9: {  	s6 =	sshrl.u32 s6, $0x19;
	s7 =	sand.u32 $0xFFFFFF80, s3;
	v4 =	vadd.f32 v5, v4  }
0xda: {  	p0 =	slt.s32 s18, $0x1;
	s8 =	sadd.s32 s6, s19;
	p1 =	sne.s32 s18, s7  }
0xdb: {  	p6 =	slt.s32 s19, $0x1;
	s6 =	sand.u32 $0xFFFFFF80, s8;
	p0 =	por !p0, !p1;
	(xrf2) =	vadd.scan.msk.f32 $0xffff, v4  }
0xdc: {  	s7 =	simm.s32 $0x1;
	p2 =	sne.s32 s19, s6;
	p0 =	por !p0, !p0  }
0xdd: {  	s3 =	sshrl.u32 s3, $0x7;
	p2 =	por !p6, !p2;
	s7 =	simm.s32 @!p0 $0x0  }
0xde: {  	s6 =	simm.s32 $0x1;
	p0 =	por !p2, !p2;
	s3 =	ssub.s32 s3, s7  }
0xdf: {  	s5 =	sshrl.u32 s8, $0x7;
	s6 =	simm.s32 @!p0 $0x0;
	s3 =	sshll.u32 s3, $0x7  }
0xe0: {  	s5 =	ssub.s32 s5, s6;
	s3 =	sand.u32 $0x1FFFFF80, s3  }
0xe1: {  	s9 =	sshll.u32 s5, $0x7;
	s3 =	sadd.s32 s14, s3  }
0xe2: {  	[tilespmem:s12], [sflag:$0x1] =	stream.strided.gather [hbm4b:s3+s12], $0x1000, s26, s12, $0x38;
	[tilespmem:$0x10A00] =	vst v63  }
0xe3: {  	s3 =	sand.u32 $0x1FFFFF80, s9  }
0xe4: {  	s10 =	simm.s32 $0x2;
	s3 =	sadd.s32 s2, s3  }
0xe5: {  	[tilespmem:s28], [sflag:$0x9] =	stream.strided.gather [hbm4b:s3+s12], $0x1000, s26, s12, $0x38;
	v4, _, _ =	vpop (xrf2);
	[tilespmem:$0x10A00] =	vst v63  }
0xe6: {  	_ =	swait.ge [sflag:s10], $0x1000  }
0xe7: {  	[sflag:s10] =	ssyncset.done $0x0  }
0xe8: {  	s11 =	simm.s32 $0xA;
	[sflag:s10] =	ssyncadd.s32 $0xFFFFF000  }
0xe9: {  	_ =	swait.ge [sflag:s11], $0x1000  }
0xea: {  	(v2sf) =	vpush v11, $0x1  }
0xeb: {  	(v2sf) =	vpush v12, $0x1;
	_ =	sdelay $0x7  }
0xec: {  	(v2sf) =	vpush v11, $0x9;
	_ =	sdelay $0x5  }
0xed: {  	s13 =	spop (v2sf);
	(v2sf) =	vpush v12, $0x9  }
0xee: {  	s15 =	spop (v2sf)  }
0xef: {  	s5 =	sand.u32 $0x7F, s15  }
0xf0: {  	v60 =	vor.u32 s5, v0  }
0xf1: {  	s3 =	sand.u32 $0x7F, s13;
	v8 =	vor.u32 s5, v1  }
0xf2: {  	s16 =	simm.s32 $0xA;
	v58 =	vor.u32 s3, v0  }
0xf3: {  	[sflag:s16] =	ssyncset.done $0x0;
	v59 =	vor.u32 s3, v1  }
0xf4: {  	[sflag:s16] =	ssyncadd.s32 $0xFFFFF000  }
0xf5: {  	v7 =	vld.idx.msk [tilespmem:v60+s25+$0x0], $0xffff  }
0xf6: {  	v8 =	vld.idx.msk [tilespmem:v8+s25+$0x0], $0xffff;
	s25 =	spop (v2sf)  }
0xf7: {  	v5 =	vld.idx.msk [tilespmem:v58+s23+$0x0], $0xffff;
	s20 =	sshra.s32 s25, $0x1F  }
0xf8: {  	v6 =	vld.idx.msk [tilespmem:v59+s23+$0x0], $0xffff;
	s3 =	sshrl.u32 s20, $0x19  }
0xf9: {  	s3 =	sadd.s32 s3, s25  }
0xfa: {  	s0 =	sand.u32 $0xFFFFFF80, s3  }
0xfb: {  	p3 =	slt.s32 s25, $0x1;
	p4 =	sne.s32 s25, s0  }
0xfc: {  	p0 =	por !p3, !p4;
	s20 =	spop (v2sf)  }
0xfd: {  	s7 =	simm.s32 $0x1;
	v5 =	vmul.f32 v7, v5;
	v6 =	vmul.f32 v8, v6;
	p0 =	por !p0, !p0;
	s1 =	sshra.s32 s20, $0x1F  }
0xfe: {  	s3 =	sshrl.u32 s3, $0x7;
	s7 =	simm.s32 @!p0 $0x0;
	s6 =	sshrl.u32 s1, $0x19  }
0xff: {  	v5 =	vadd.f32 v6, v5;
	s3 =	ssub.s32 s3, s7;
	s4 =	sadd.s32 s6, s20  }
0x100: {  	s3 =	sshll.u32 s3, $0x7;
	s6 =	sand.u32 $0xFFFFFF80, s4  }
0x101: {  	p5 =	slt.s32 s20, $0x1;
	(xrf2) =	vadd.scan.msk.f32 $0xffff, v5;
	s3 =	sand.u32 $0x1FFFFF80, s3;
	p6 =	sne.s32 s20, s6  }
0x102: {  	s3 =	sadd.s32 s14, s3;
	p2 =	por !p5, !p6  }
0x103: {  	[tilespmem:s23], [sflag:$0x2] =	stream.strided.gather [hbm4b:s3+s12], $0x1000, s26, s12, $0x38;
	[tilespmem:$0x10A00] =	vst v63  }
0x104: {  	s6 =	simm.s32 $0x1;
	p0 =	por !p2, !p2  }
0x105: {  	s5 =	sshrl.u32 s4, $0x7;
	s6 =	simm.s32 @!p0 $0x0  }
0x106: {  	s5 =	ssub.s32 s5, s6  }
0x107: {  	s7 =	sshll.u32 s5, $0x7  }
0x108: {  	s3 =	sand.u32 $0x1FFFFF80, s7  }
0x109: {  	s8 =	simm.s32 $0x9400;
	s3 =	sadd.s32 s2, s3  }
0x10a: {  	[tilespmem:s8], [sflag:$0xA] =	stream.strided.gather [hbm4b:s3+s12], $0x1000, s26, s12, $0x38;
	[tilespmem:$0x10A00] =	vst v63  }
0x10b: {  	v5, _, _ =	vpop (xrf2);
	s8 =	simm.s32 $0x3  }
0x10c: {  	_ =	swait.ge [sflag:s8], $0x1000  }
0x10d: {  	[sflag:s8] =	ssyncset.done $0x0  }
0x10e: {  	s9 =	simm.s32 $0xB;
	[sflag:s8] =	ssyncadd.s32 $0xFFFFF000  }
0x10f: {  	_ =	swait.ge [sflag:s9], $0x1000  }
0x110: {  	(v2sf) =	vpush v11, $0x2;
	_ =	sdelay $0x1  }
0x111: {  	(v2sf) =	vpush v12, $0x2;
	_ =	sdelay $0x5  }
0x112: {  	(v2sf) =	vpush v11, $0xA;
	_ =	sdelay $0x6  }
0x113: {  	s10 =	spop (v2sf);
	(v2sf) =	vpush v12, $0xA  }
0x114: {  	s3 =	sand.u32 $0x7F, s10  }
0x115: {  	s11 =	spop (v2sf);
	v61 =	vor.u32 s3, v0  }
0x116: {  	s5 =	sand.u32 $0x7F, s11;
	v62 =	vor.u32 s3, v1  }
0x117: {  	s13 =	simm.s32 $0xB;
	v63 =	vor.u32 s5, v0  }
0x118: {  	[sflag:s13] =	ssyncset.done $0x0;
	v9 =	vor.u32 s5, v1  }
0x119: {  	[sflag:s13] =	ssyncadd.s32 $0xFFFFF000  }
0x11a: {  	v6 =	vld.idx.msk [tilespmem:v61+s21+$0x0], $0xffff  }
0x11b: {  	v7 =	vld.idx.msk [tilespmem:v62+s21+$0x0], $0xffff;
	s21 =	spop (v2sf)  }
0x11c: {  	v8 =	vld.idx.msk [tilespmem:v63+s22+$0x0], $0xffff;
	s15 =	sshra.s32 s21, $0x1F  }
0x11d: {  	v9 =	vld.idx.msk [tilespmem:v9+s22+$0x0], $0xffff;
	s3 =	sshrl.u32 s15, $0x19  }
0x11e: {  	s3 =	sadd.s32 s3, s21  }
0x11f: {  	s23 =	sand.u32 $0xFFFFFF80, s3  }
0x120: {  	p3 =	slt.s32 s21, $0x1;
	p4 =	sne.s32 s21, s23  }
0x121: {  	p0 =	por !p3, !p4  }
0x122: {  	s7 =	simm.s32 $0x1;
	v6 =	vmul.f32 v8, v6;
	v7 =	vmul.f32 v9, v7;
	p0 =	por !p0, !p0;
	s22 =	spop (v2sf)  }
0x123: {  	s3 =	sshrl.u32 s3, $0x7;
	s7 =	simm.s32 @!p0 $0x0;
	s0 =	sshra.s32 s22, $0x1F  }
0x124: {  	v6 =	vadd.f32 v7, v6;
	s3 =	ssub.s32 s3, s7;
	s6 =	sshrl.u32 s0, $0x19  }
0x125: {  	s3 =	sshll.u32 s3, $0x7;
	s1 =	sadd.s32 s6, s22  }
0x126: {  	s4 =	simm.s32 $0x2400;
	(xrf2) =	vadd.scan.msk.f32 $0xffff, v6;
	s3 =	sand.u32 $0x1FFFFF80, s3;
	s6 =	sand.u32 $0xFFFFFF80, s1  }
0x127: {  	p5 =	slt.s32 s22, $0x1;
	s3 =	sadd.s32 s14, s3;
	p6 =	sne.s32 s22, s6  }
0x128: {  	[tilespmem:s4], [sflag:$0x3] =	stream.strided.gather [hbm4b:s3+s12], $0x1000, s26, s12, $0x38;
	[tilespmem:$0x10A00] =	vst v63  }
0x129: {  	p2 =	por !p5, !p6  }
0x12a: {  	s6 =	simm.s32 $0x1;
	p0 =	por !p2, !p2  }
0x12b: {  	s5 =	sshrl.u32 s1, $0x7;
	s6 =	simm.s32 @!p0 $0x0  }
0x12c: {  	s5 =	ssub.s32 s5, s6  }
0x12d: {  	s7 =	sshll.u32 s5, $0x7  }
0x12e: {  	s3 =	sand.u32 $0x1FFFFF80, s7  }
0x12f: {  	s16 =	simm.s32 $0xA400;
	s8 =	simm.s32 $0x4;
	s3 =	sadd.s32 s2, s3  }
0x130: {  	v6, _, _ =	vpop (xrf2);
	[tilespmem:s16], [sflag:$0xB] =	stream.strided.gather [hbm4b:s3+s12], $0x1000, s26, s12, $0x38;
	[tilespmem:$0x10A00] =	vst v63  }
0x131: {  	_ =	swait.ge [sflag:s8], $0x1000  }
0x132: {  	[sflag:s8] =	ssyncset.done $0x0  }
0x133: {  	s9 =	simm.s32 $0xC;
	[sflag:s8] =	ssyncadd.s32 $0xFFFFF000  }
0x134: {  	_ =	swait.ge [sflag:s9], $0x1000  }
0x135: {  	(v2sf) =	vpush v11, $0x3;
	_ =	sdelay $0x1  }
0x136: {  	(v2sf) =	vpush v12, $0x3;
	_ =	sdelay $0x5  }
0x137: {  	(v2sf) =	vpush v11, $0xB;
	_ =	sdelay $0x6  }
0x138: {  	s10 =	spop (v2sf);
	(v2sf) =	vpush v12, $0xB  }
0x139: {  	s3 =	sand.u32 $0x7F, s10  }
0x13a: {  	s11 =	spop (v2sf);
	v13 =	vor.u32 s3, v0  }
0x13b: {  	s5 =	sand.u32 $0x7F, s11;
	v14 =	vor.u32 s3, v1  }
0x13c: {  	s13 =	simm.s32 $0xC;
	v15 =	vor.u32 s5, v0  }
0x13d: {  	[sflag:s13] =	ssyncset.done $0x0;
	v10 =	vor.u32 s5, v1  }
0x13e: {  	[sflag:s13] =	ssyncadd.s32 $0xFFFFF000  }
0x13f: {  	v7 =	vld.idx.msk [tilespmem:v13+s24+$0x0], $0xffff  }
0x140: {  	v8 =	vld.idx.msk [tilespmem:v14+s24+$0x0], $0xffff;
	s24 =	spop (v2sf)  }
0x141: {  	v9 =	vld.idx.msk [tilespmem:v15+s30+$0x0], $0xffff;
	s15 =	sshra.s32 s24, $0x1F  }
0x142: {  	v10 =	vld.idx.msk [tilespmem:v10+s30+$0x0], $0xffff;
	s3 =	sshrl.u32 s15, $0x19  }
0x143: {  	s3 =	sadd.s32 s3, s24  }
0x144: {  	s16 =	sand.u32 $0xFFFFFF80, s3  }
0x145: {  	p3 =	slt.s32 s24, $0x1;
	p4 =	sne.s32 s24, s16  }
0x146: {  	p0 =	por !p3, !p4  }
0x147: {  	s8 =	simm.s32 $0x1;
	v7 =	vmul.f32 v9, v7;
	v8 =	vmul.f32 v10, v8;
	p0 =	por !p0, !p0;
	s7 =	spop (v2sf)  }
0x148: {  	s3 =	sshrl.u32 s3, $0x7;
	s8 =	simm.s32 @!p0 $0x0;
	s23 =	sshra.s32 s7, $0x1F  }
0x149: {  	v7 =	vadd.f32 v8, v7;
	s3 =	ssub.s32 s3, s8;
	s6 =	sshrl.u32 s23, $0x19  }
0x14a: {  	s3 =	sshll.u32 s3, $0x7;
	s0 =	sadd.s32 s6, s7  }
0x14b: {  	s9 =	simm.s32 $0x3400;
	(xrf2) =	vadd.scan.msk.f32 $0xffff, v7;
	s3 =	sand.u32 $0x1FFFFF80, s3;
	s6 =	sand.u32 $0xFFFFFF80, s0  }
0x14c: {  	p5 =	slt.s32 s7, $0x1;
	s3 =	sadd.s32 s14, s3;
	p6 =	sne.s32 s7, s6  }
0x14d: {  	[tilespmem:s9], [sflag:$0x4] =	stream.strided.gather [hbm4b:s3+s12], $0x1000, s26, s12, $0x38;
	[tilespmem:$0x10A00] =	vst v63  }
0x14e: {  	p2 =	por !p5, !p6  }
0x14f: {  	s6 =	simm.s32 $0x1;
	p0 =	por !p2, !p2  }
0x150: {  	s5 =	sshrl.u32 s0, $0x7;
	s6 =	simm.s32 @!p0 $0x0  }
0x151: {  	s5 =	ssub.s32 s5, s6  }
0x152: {  	s1 =	sshll.u32 s5, $0x7  }
0x153: {  	s3 =	sand.u32 $0x1FFFFF80, s1  }
0x154: {  	s4 =	simm.s32 $0x5;
	s3 =	sadd.s32 s2, s3  }
0x155: {  	v7, _, _ =	vpop (xrf2);
	[tilespmem:s30], [sflag:$0xC] =	stream.strided.gather [hbm4b:s3+s12], $0x1000, s26, s12, $0x38;
	[tilespmem:$0x10A00] =	vst v63  }
0x156: {  	_ =	swait.ge [sflag:s4], $0x1000  }
0x157: {  	[sflag:s4] =	ssyncset.done $0x0  }
0x158: {  	s5 =	simm.s32 $0xD;
	[sflag:s4] =	ssyncadd.s32 $0xFFFFF000  }
0x159: {  	_ =	swait.ge [sflag:s5], $0x1000  }
0x15a: {  	(v2sf) =	vpush v11, $0x4;
	_ =	sdelay $0x1  }
0x15b: {  	(v2sf) =	vpush v12, $0x4  }
0x15c: {  	(v2sf) =	vpush v11, $0xC;
	_ =	sdelay $0xb  }
0x15d: {  	s6 =	spop (v2sf);
	(v2sf) =	vpush v12, $0xC  }
0x15e: {  	s3 =	sand.u32 $0x7F, s6  }
0x15f: {  	s8 =	spop (v2sf);
	v16 =	vor.u32 s3, v0  }
0x160: {  	s5 =	sand.u32 $0x7F, s8;
	v17 =	vor.u32 s3, v1;
	s8 =	spop (v2sf)  }
0x161: {  	s9 =	simm.s32 $0xD;
	v18 =	vor.u32 s5, v0;
	s13 =	sshra.s32 s8, $0x1F  }
0x162: {  	[sflag:s9] =	ssyncset.done $0x0;
	v13 =	vor.u32 s5, v1;
	s3 =	sshrl.u32 s13, $0x19  }
0x163: {  	[sflag:s9] =	ssyncadd.s32 $0xFFFFF000;
	s3 =	sadd.s32 s3, s8  }
0x164: {  	s15 =	sand.u32 $0xFFFFFF80, s3;
	v8 =	vld.idx.msk [tilespmem:v16+s31+$0x0], $0xffff  }
0x165: {  	s10 =	simm.s32 $0xC400;
	p3 =	slt.s32 s8, $0x1;
	v9 =	vld.idx.msk [tilespmem:v17+s31+$0x0], $0xffff;
	p4 =	sne.s32 s8, s15  }
0x166: {  	v10 =	vld.idx.msk [tilespmem:v18+s10+$0x0], $0xffff;
	p0 =	por !p3, !p4  }
0x167: {  	v13 =	vld.idx.msk [tilespmem:v13+s10+$0x0], $0xffff;
	s10 =	simm.s32 $0x1;
	p0 =	por !p0, !p0  }
0x168: {  	s3 =	sshrl.u32 s3, $0x7;
	s10 =	simm.s32 @!p0 $0x0  }
0x169: {  	s3 =	ssub.s32 s3, s10  }
0x16a: {  	s3 =	sshll.u32 s3, $0x7  }
0x16b: {  	s3 =	sand.u32 $0x1FFFFF80, s3  }
0x16c: {  	v8 =	vmul.f32 v10, v8;
	v9 =	vmul.f32 v13, v9;
	s3 =	sadd.s32 s14, s3;
	s9 =	spop (v2sf)  }
0x16d: {  	[tilespmem:s31], [sflag:$0x5] =	stream.strided.gather [hbm4b:s3+s12], $0x1000, s26, s12, $0x38;
	[tilespmem:$0x10A00] =	vst v63  }
0x16e: {  	v8 =	vadd.f32 v9, v8;
	s16 =	sshra.s32 s9, $0x1F  }
0x16f: {  	s6 =	sshrl.u32 s16, $0x19  }
0x170: {  	(xrf2) =	vadd.scan.msk.f32 $0xffff, v8;
	s23 =	sadd.s32 s6, s9  }
0x171: {  	s6 =	sand.u32 $0xFFFFFF80, s23  }
0x172: {  	p5 =	slt.s32 s9, $0x1;
	p6 =	sne.s32 s9, s6  }
0x173: {  	p2 =	por !p5, !p6  }
0x174: {  	s6 =	simm.s32 $0x1;
	p0 =	por !p2, !p2  }
0x175: {  	s5 =	sshrl.u32 s23, $0x7;
	s6 =	simm.s32 @!p0 $0x0  }
0x176: {  	s5 =	ssub.s32 s5, s6  }
0x177: {  	s1 =	sshll.u32 s5, $0x7  }
0x178: {  	s3 =	sand.u32 $0x1FFFFF80, s1  }
0x179: {  	s11 =	simm.s32 $0xC400;
	s15 =	simm.s32 $0x6;
	s3 =	sadd.s32 s2, s3  }
0x17a: {  	v8, _, _ =	vpop (xrf2);
	[tilespmem:s11], [sflag:$0xD] =	stream.strided.gather [hbm4b:s3+s12], $0x1000, s26, s12, $0x38;
	[tilespmem:$0x10A00] =	vst v63  }
0x17b: {  	_ =	swait.ge [sflag:s15], $0x1000  }
0x17c: {  	[sflag:s15] =	ssyncset.done $0x0  }
0x17d: {  	s4 =	simm.s32 $0xE;
	[sflag:s15] =	ssyncadd.s32 $0xFFFFF000  }
0x17e: {  	_ =	swait.ge [sflag:s4], $0x1000  }
0x17f: {  	(v2sf) =	vpush v11, $0x5;
	_ =	sdelay $0x1  }
0x180: {  	(v2sf) =	vpush v12, $0x5  }
0x181: {  	(v2sf) =	vpush v11, $0xD;
	_ =	sdelay $0xb  }
0x182: {  	s5 =	spop (v2sf);
	(v2sf) =	vpush v12, $0xD  }
0x183: {  	s10 =	simm.s32 $0xE;
	s3 =	sand.u32 $0x7F, s5  }
0x184: {  	[sflag:s10] =	ssyncset.done $0x0;
	s6 =	spop (v2sf);
	v19 =	vor.u32 s3, v0  }
0x185: {  	[sflag:s10] =	ssyncadd.s32 $0xFFFFF000;
	s5 =	sand.u32 $0x7F, s6;
	v20 =	vor.u32 s3, v1;
	s10 =	spop (v2sf)  }
0x186: {  	v21 =	vor.u32 s5, v0;
	s16 =	sshra.s32 s10, $0x1F  }
0x187: {  	v14 =	vor.u32 s5, v1;
	s3 =	sshrl.u32 s16, $0x19  }
0x188: {  	s11 =	simm.s32 $0x5400;
	s3 =	sadd.s32 s3, s10  }
0x189: {  	s23 =	sand.u32 $0xFFFFFF80, s3;
	v9 =	vld.idx.msk [tilespmem:v19+s11+$0x0], $0xffff  }
0x18a: {  	s13 =	simm.s32 $0xD400;
	p3 =	slt.s32 s10, $0x1;
	v10 =	vld.idx.msk [tilespmem:v20+s11+$0x0], $0xffff;
	p4 =	sne.s32 s10, s23  }
0x18b: {  	v13 =	vld.idx.msk [tilespmem:v21+s13+$0x0], $0xffff;
	p0 =	por !p3, !p4  }
0x18c: {  	v14 =	vld.idx.msk [tilespmem:v14+s13+$0x0], $0xffff;
	s13 =	simm.s32 $0x1;
	p0 =	por !p0, !p0  }
0x18d: {  	s3 =	sshrl.u32 s3, $0x7;
	s13 =	simm.s32 @!p0 $0x0  }
0x18e: {  	s3 =	ssub.s32 s3, s13  }
0x18f: {  	s3 =	sshll.u32 s3, $0x7  }
0x190: {  	s3 =	sand.u32 $0x1FFFFF80, s3  }
0x191: {  	s1 =	simm.s32 $0x5400;
	v9 =	vmul.f32 v13, v9;
	v10 =	vmul.f32 v14, v10;
	s3 =	sadd.s32 s14, s3;
	s6 =	spop (v2sf)  }
0x192: {  	[tilespmem:s1], [sflag:$0x6] =	stream.strided.gather [hbm4b:s3+s12], $0x1000, s26, s12, $0x38;
	[tilespmem:$0x10A00] =	vst v63  }
0x193: {  	v9 =	vadd.f32 v10, v9;
	s11 =	sshra.s32 s6, $0x1F  }
0x194: {  	s11 =	sshrl.u32 s11, $0x19  }
0x195: {  	(xrf2) =	vadd.scan.msk.f32 $0xffff, v9;
	s4 =	sadd.s32 s11, s6  }
0x196: {  	s11 =	sand.u32 $0xFFFFFF80, s4  }
0x197: {  	p5 =	slt.s32 s6, $0x1;
	p6 =	sne.s32 s6, s11  }
0x198: {  	p2 =	por !p5, !p6  }
0x199: {  	s11 =	simm.s32 $0x1;
	p0 =	por !p2, !p2  }
0x19a: {  	s5 =	sshrl.u32 s4, $0x7;
	s11 =	simm.s32 @!p0 $0x0  }
0x19b: {  	s5 =	ssub.s32 s5, s11  }
0x19c: {  	s11 =	sshll.u32 s5, $0x7  }
0x19d: {  	s3 =	sand.u32 $0x1FFFFF80, s11  }
0x19e: {  	s0 =	simm.s32 $0xD400;
	s1 =	simm.s32 $0x7;
	s3 =	sadd.s32 s2, s3  }
0x19f: {  	v9, _, _ =	vpop (xrf2);
	[tilespmem:s0], [sflag:$0xE] =	stream.strided.gather [hbm4b:s3+s12], $0x1000, s26, s12, $0x38;
	[tilespmem:$0x10A00] =	vst v63  }
0x1a0: {  	_ =	swait.ge [sflag:s1], $0x1000  }
0x1a1: {  	[sflag:s1] =	ssyncset.done $0x0  }
0x1a2: {  	s13 =	simm.s32 $0xF;
	[sflag:s1] =	ssyncadd.s32 $0xFFFFF000  }
0x1a3: {  	_ =	swait.ge [sflag:s13], $0x1000  }
0x1a4: {  	(v2sf) =	vpush v11, $0x6;
	_ =	sdelay $0x1  }
0x1a5: {  	(v2sf) =	vpush v12, $0x6  }
0x1a6: {  	(v2sf) =	vpush v11, $0xE;
	_ =	sdelay $0xb  }
0x1a7: {  	s16 =	spop (v2sf);
	(v2sf) =	vpush v12, $0xE  }
0x1a8: {  	s3 =	sand.u32 $0x7F, s16  }
0x1a9: {  	s23 =	spop (v2sf);
	v22 =	vor.u32 s3, v0  }
0x1aa: {  	s5 =	sand.u32 $0x7F, s23;
	v23 =	vor.u32 s3, v1;
	s3 =	spop (v2sf)  }
0x1ab: {  	[sflag:s13] =	ssyncset.done $0x0;
	v24 =	vor.u32 s5, v0;
	s11 =	sshra.s32 s3, $0x1F  }
0x1ac: {  	[sflag:s13] =	ssyncadd.s32 $0xFFFFF000;
	v15 =	vor.u32 s5, v1;
	s13 =	sshrl.u32 s11, $0x19  }
0x1ad: {  	s4 =	simm.s32 $0x6400;
	s11 =	sadd.s32 s13, s3  }
0x1ae: {  	s13 =	sand.u32 $0xFFFFFF80, s11;
	v10 =	vld.idx.msk [tilespmem:v22+s4+$0x0], $0xffff  }
0x1af: {  	s5 =	simm.s32 $0xE400;
	p3 =	slt.s32 s3, $0x1;
	v13 =	vld.idx.msk [tilespmem:v23+s4+$0x0], $0xffff;
	p4 =	sne.s32 s3, s13  }
0x1b0: {  	v14 =	vld.idx.msk [tilespmem:v24+s5+$0x0], $0xffff;
	p0 =	por !p3, !p4  }
0x1b1: {  	s28 =	simm.s32 $0x1;
	v15 =	vld.idx.msk [tilespmem:v15+s5+$0x0], $0xffff;
	p0 =	por !p0, !p0  }
0x1b2: {  	s11 =	sshrl.u32 s11, $0x7;
	s28 =	simm.s32 @!p0 $0x0  }
0x1b3: {  	s11 =	ssub.s32 s11, s28  }
0x1b4: {  	s11 =	sshll.u32 s11, $0x7  }
0x1b5: {  	s11 =	sand.u32 $0x1FFFFF80, s11  }
0x1b6: {  	s4 =	simm.s32 $0x6400;
	v10 =	vmul.f32 v14, v10;
	v13 =	vmul.f32 v15, v13;
	s11 =	sadd.s32 s14, s11;
	s5 =	spop (v2sf)  }
0x1b7: {  	[tilespmem:s4], [sflag:$0x7] =	stream.strided.gather [hbm4b:s11+s12], $0x1000, s26, s12, $0x38;
	[tilespmem:$0x10A00] =	vst v63  }
0x1b8: {  	v10 =	vadd.f32 v13, v10;
	s16 =	sshra.s32 s5, $0x1F  }
0x1b9: {  	s23 =	sshrl.u32 s16, $0x19  }
0x1ba: {  	(xrf2) =	vadd.scan.msk.f32 $0xffff, v10;
	s16 =	sadd.s32 s23, s5  }
0x1bb: {  	s23 =	sand.u32 $0xFFFFFF80, s16  }
0x1bc: {  	p5 =	slt.s32 s5, $0x1;
	p6 =	sne.s32 s5, s23  }
0x1bd: {  	p2 =	por !p5, !p6  }
0x1be: {  	s23 =	simm.s32 $0x1;
	p0 =	por !p2, !p2  }
0x1bf: {  	s13 =	sshrl.u32 s16, $0x7;
	s23 =	simm.s32 @!p0 $0x0  }
0x1c0: {  	s13 =	ssub.s32 s13, s23  }
0x1c1: {  	s4 =	sshll.u32 s13, $0x7  }
0x1c2: {  	s11 =	sand.u32 $0x1FFFFF80, s4  }
0x1c3: {  	s0 =	simm.s32 $0xE400;
	s4 =	simm.s32 $0x8;
	s11 =	sadd.s32 s2, s11  }
0x1c4: {  	v10, _, _ =	vpop (xrf2);
	[tilespmem:s0], [sflag:$0xF] =	stream.strided.gather [hbm4b:s11+s12], $0x1000, s26, s12, $0x38;
	[tilespmem:$0x10A00] =	vst v63  }
0x1c5: {  	_ =	swait.ge [sflag:s4], $0x1000  }
0x1c6: {  	[sflag:s4] =	ssyncset.done $0x0  }
0x1c7: {  	s16 =	simm.s32 $0x10;
	[sflag:s4] =	ssyncadd.s32 $0xFFFFF000  }
0x1c8: {  	_ =	swait.ge [sflag:s16], $0x1000  }
0x1c9: {  	(v2sf) =	vpush v11, $0x7;
	_ =	sdelay $0x1  }
0x1ca: {  	(v2sf) =	vpush v12, $0x7;
	_ =	sdelay $0x9  }
0x1cb: {  	(v2sf) =	vpush v11, $0xF;
	_ =	sdelay $0x1  }
0x1cc: {  	(v2sf) =	vpush v12, $0xF  }
0x1cd: {  	s13 =	spop (v2sf)  }
0x1ce: {  	s11 =	sand.u32 $0x7F, s13  }
0x1cf: {  	s23 =	spop (v2sf);
	v25 =	vor.u32 s11, v0  }
0x1d0: {  	s13 =	sand.u32 $0x7F, s23;
	v26 =	vor.u32 s11, v1  }
0x1d1: {  	v27 =	vor.u32 s13, v0  }
0x1d2: {  	[sflag:s16] =	ssyncset.done $0x0;
	v28 =	vor.u32 s13, v1  }
0x1d3: {  	s0 =	simm.s32 $0x7400;
	[sflag:s16] =	ssyncadd.s32 $0xFFFFF000  }
0x1d4: {  	v11 =	vld.idx.msk [tilespmem:v25+s0+$0x0], $0xffff  }
0x1d5: {  	s13 =	simm.s32 $0xF400;
	v12 =	vld.idx.msk [tilespmem:v26+s0+$0x0], $0xffff  }
0x1d6: {  	s23 =	simm.s32 $0xF400;
	v13 =	vld.idx.msk [tilespmem:v27+s13+$0x0], $0xffff  }
0x1d7: {  	v14 =	vld.idx.msk [tilespmem:v28+s23+$0x0], $0xffff;
	_ =	sdelay $0x1  }
0x1d8: {  	s13 =	spop (v2sf)  }
0x1d9: {  	s23 =	sshra.s32 s13, $0x1F  }
0x1da: {  	s11 =	spop (v2sf);
	s23 =	sshrl.u32 s23, $0x19  }
0x1db: {  	s28 =	sshra.s32 s11, $0x1F;
	s23 =	sadd.s32 s23, s13;
	v11 =	vmul.f32 v13, v11;
	v12 =	vmul.f32 v14, v12  }
0x1dc: {  	s28 =	sshrl.u32 s28, $0x19;
	s29 =	sand.u32 $0xFFFFFF80, s23  }
0x1dd: {  	p3 =	slt.s32 s13, $0x1;
	s28 =	sadd.s32 s28, s11;
	p4 =	sne.s32 s13, s29;
	v11 =	vadd.f32 v12, v11  }
0x1de: {  	s29 =	sand.u32 $0xFFFFFF80, s28;
	p0 =	por !p3, !p4  }
0x1df: {  	p5 =	sne.s32 s11, s29;
	s29 =	simm.s32 $0x1;
	p0 =	por !p0, !p0;
	(xrf2) =	vadd.scan.msk.f32 $0xffff, v11  }
0x1e0: {  	p6 =	slt.s32 s11, $0x1;
	s23 =	sshrl.u32 s23, $0x7;
	s29 =	simm.s32 @!p0 $0x0  }
0x1e1: {  	p2 =	por !p6, !p5;
	s23 =	ssub.s32 s23, s29  }
0x1e2: {  	p0 =	por !p2, !p2;
	s29 =	simm.s32 $0x1;
	s23 =	sshll.u32 s23, $0x7  }
0x1e3: {  	s28 =	sshrl.u32 s28, $0x7;
	s29 =	simm.s32 @!p0 $0x0;
	s23 =	sand.u32 $0x1FFFFF80, s23  }
0x1e4: {  	s0 =	simm.s32 $0x7400;
	s28 =	ssub.s32 s28, s29;
	s23 =	sadd.s32 s14, s23  }
0x1e5: {  	[tilespmem:s0], [sflag:$0x8] =	stream.strided.gather [hbm4b:s23+s12], $0x1000, s26, s12, $0x38;
	[tilespmem:$0x10A00] =	vst v63  }
0x1e6: {  	s0 =	sshll.u32 s28, $0x7  }
0x1e7: {  	s23 =	sand.u32 $0x1FFFFF80, s0  }
0x1e8: {  	s29 =	simm.s32 $0x1;
	s28 =	simm.s32 $0xF400;
	s23 =	sadd.s32 s2, s23  }
0x1e9: {  	[tilespmem:s28], [sflag:$0x10] =	stream.strided.gather [hbm4b:s23+s12], $0x1000, s26, s12, $0x38;
	v11, _, _ =	vpop (xrf2);
	[tilespmem:$0x10A00] =	vst v63  }
0x1ea: {  	_ =	swait.ge [sflag:s29], $0x1000  }
0x1eb: {  	[sflag:s29] =	ssyncset.done $0x0  }
0x1ec: {  	s23 =	simm.s32 $0x9;
	[sflag:s29] =	ssyncadd.s32 $0xFFFFF000  }
0x1ed: {  	_ =	swait.ge [sflag:s23], $0x1000  }
0x1ee: {  	(v2sf) =	vpush v3, $0x0;
	_ =	sdelay $0x1  }
0x1ef: {  	s18 =	sand.u32 $0x7F, s18;
	(v2sf) =	vpush v2, $0x0  }
0x1f0: {  	v29 =	vor.u32 s18, v0  }
0x1f1: {  	s19 =	sand.u32 $0x7F, s19;
	v30 =	vor.u32 s18, v1  }
0x1f2: {  	v31 =	vor.u32 s19, v0  }
0x1f3: {  	v32 =	vor.u32 s19, v1;
	[sflag:s23] =	ssyncset.done $0x0;
	s23 =	simm.s32 $0x9  }
0x1f4: {  	[sflag:s23] =	ssyncadd.s32 $0xFFFFF000  }
0x1f5: {  	v12 =	vld.idx.msk [tilespmem:v29+s12+$0x0], $0xffff  }
0x1f6: {  	s30 =	simm.s32 $0x8400;
	v13 =	vld.idx.msk [tilespmem:v30+s12+$0x0], $0xffff  }
0x1f7: {  	v14 =	vld.idx.msk [tilespmem:v31+s30+$0x0], $0xffff  }
0x1f8: {  	v15 =	vld.idx.msk [tilespmem:v32+s30+$0x0], $0xffff;
	_ =	sdelay $0x3  }
0x1f9: {  	s18 =	spop (v2sf)  }
0x1fa: {  	v12 =	vmul.f32 v14, v12;
	v13 =	vmul.f32 v15, v13;
	s0 =	sand.u32 $0x7F, s18  }
0x1fb: {  	s23 =	spop (v2sf);
	s28 =	sshra.s32 s18, $0x1F;
	p6 =	slt.s32 s18, $0x1  }
0x1fc: {  	v12 =	vadd.f32 v13, v12;
	p3 =	sne.s32 s0, $0x0;
	s0 =	sand.u32 $0x7F, s23;
	p5 =	slt.s32 s23, $0x1  }
0x1fd: {  	s28 =	sshrl.u32 s28, $0x19;
	p4 =	sne.s32 s0, $0x0;
	s0 =	sshra.s32 s23, $0x1F  }
0x1fe: {  	(xrf2) =	vadd.scan.msk.f32 $0xffff, v12;
	s18 =	sadd.s32 s28, s18;
	s19 =	sshrl.u32 s0, $0x19;
	p1 =	por !p5, !p4  }
0x1ff: {  	s19 =	sadd.s32 s19, s23;
	p1 =	por !p1, !p1;
	s23 =	simm.s32 $0x1  }
0x200: {  	p0 =	por !p6, !p3;
	s19 =	sshrl.u32 s19, $0x7;
	s23 =	simm.s32 @!p1 $0x0  }
0x201: {  	p0 =	por !p0, !p0;
	s19 =	ssub.s32 s19, s23;
	s23 =	simm.s32 $0x1  }
0x202: {  	s18 =	sshrl.u32 s18, $0x7;
	s19 =	sshll.u32 s19, $0x7;
	s23 =	simm.s32 @!p0 $0x0  }
0x203: {  	s19 =	sand.u32 $0x1FFFFF80, s19;
	s18 =	ssub.s32 s18, s23  }
0x204: {  	s19 =	sadd.s32 s14, s19;
	s18 =	sshll.u32 s18, $0x7  }
0x205: {  	[tilespmem:s12], [sflag:$0x1] =	stream.strided.gather [hbm4b:s19+s12], $0x1000, s26, s12, $0x38;
	[tilespmem:$0x10A00] =	vst v63  }
0x206: {  	s18 =	sand.u32 $0x1FFFFF80, s18  }
0x207: {  	s28 =	simm.s32 $0x8400;
	s19 =	simm.s32 $0x2;
	s18 =	sadd.s32 s2, s18  }
0x208: {  	v12, _, _ =	vpop (xrf2);
	[tilespmem:s28], [sflag:$0x9] =	stream.strided.gather [hbm4b:s18+s12], $0x1000, s26, s12, $0x38;
	[tilespmem:$0x10A00] =	vst v63  }
0x209: {  	_ =	swait.ge [sflag:s19], $0x1000  }
0x20a: {  	[sflag:s19] =	ssyncset.done $0x0  }
0x20b: {  	s23 =	simm.s32 $0xA;
	[sflag:s19] =	ssyncadd.s32 $0xFFFFF000  }
0x20c: {  	_ =	swait.ge [sflag:s23], $0x1000  }
0x20d: {  	(v2sf) =	vpush v3, $0x1;
	_ =	sdelay $0x1  }
0x20e: {  	(v2sf) =	vpush v2, $0x1  }
0x20f: {  	s20 =	sand.u32 $0x7F, s20  }
0x210: {  	v35 =	vor.u32 s20, v0  }
0x211: {  	v16 =	vor.u32 s20, v1;
	s19 =	sand.u32 $0x7F, s25  }
0x212: {  	v33 =	vor.u32 s19, v0  }
0x213: {  	v34 =	vor.u32 s19, v1;
	[sflag:s23] =	ssyncset.done $0x0;
	s23 =	simm.s32 $0xA  }
0x214: {  	s25 =	simm.s32 $0x9400;
	[sflag:s23] =	ssyncadd.s32 $0xFFFFF000  }
0x215: {  	v15 =	vld.idx.msk [tilespmem:v35+s25+$0x0], $0xffff  }
0x216: {  	s31 =	simm.s32 $0x1400;
	v16 =	vld.idx.msk [tilespmem:v16+s25+$0x0], $0xffff  }
0x217: {  	v13 =	vld.idx.msk [tilespmem:v33+s31+$0x0], $0xffff  }
0x218: {  	v14 =	vld.idx.msk [tilespmem:v34+s31+$0x0], $0xffff;
	_ =	sdelay $0x2  }
0x219: {  	s18 =	spop (v2sf)  }
0x21a: {  	s0 =	sand.u32 $0x7F, s18  }
0x21b: {  	v13 =	vmul.f32 v15, v13;
	v14 =	vmul.f32 v16, v14;
	s20 =	spop (v2sf);
	s23 =	sshra.s32 s18, $0x1F;
	p6 =	slt.s32 s18, $0x1  }
0x21c: {  	p3 =	sne.s32 s0, $0x0;
	s0 =	sand.u32 $0x7F, s20;
	p5 =	slt.s32 s20, $0x1  }
0x21d: {  	v13 =	vadd.f32 v14, v13;
	s23 =	sshrl.u32 s23, $0x19;
	p4 =	sne.s32 s0, $0x0;
	s0 =	sshra.s32 s20, $0x1F  }
0x21e: {  	s18 =	sadd.s32 s23, s18;
	s19 =	sshrl.u32 s0, $0x19;
	p1 =	por !p5, !p4  }
0x21f: {  	(xrf2) =	vadd.scan.msk.f32 $0xffff, v13;
	s19 =	sadd.s32 s19, s20;
	p1 =	por !p1, !p1;
	s20 =	simm.s32 $0x1  }
0x220: {  	p0 =	por !p6, !p3;
	s19 =	sshrl.u32 s19, $0x7;
	s20 =	simm.s32 @!p1 $0x0  }
0x221: {  	p0 =	por !p0, !p0;
	s19 =	ssub.s32 s19, s20;
	s20 =	simm.s32 $0x1  }
0x222: {  	s18 =	sshrl.u32 s18, $0x7;
	s19 =	sshll.u32 s19, $0x7;
	s20 =	simm.s32 @!p0 $0x0  }
0x223: {  	s19 =	sand.u32 $0x1FFFFF80, s19;
	s18 =	ssub.s32 s18, s20  }
0x224: {  	s23 =	simm.s32 $0x1400;
	s19 =	sadd.s32 s14, s19;
	s18 =	sshll.u32 s18, $0x7  }
0x225: {  	[tilespmem:s23], [sflag:$0x2] =	stream.strided.gather [hbm4b:s19+s12], $0x1000, s26, s12, $0x38;
	[tilespmem:$0x10A00] =	vst v63  }
0x226: {  	s18 =	sand.u32 $0x1FFFFF80, s18  }
0x227: {  	s18 =	sadd.s32 s2, s18  }
0x228: {  	[tilespmem:s25], [sflag:$0xA] =	stream.strided.gather [hbm4b:s18+s12], $0x1000, s26, s12, $0x38;
	[tilespmem:$0x10A00] =	vst v63  }
0x229: {  	v13, _, _ =	vpop (xrf2);
	s18 =	simm.s32 $0x3  }
0x22a: {  	_ =	swait.ge [sflag:s18], $0x1000  }
0x22b: {  	[sflag:s18] =	ssyncset.done $0x0  }
0x22c: {  	s19 =	simm.s32 $0xB;
	[sflag:s18] =	ssyncadd.s32 $0xFFFFF000  }
0x22d: {  	_ =	swait.ge [sflag:s19], $0x1000  }
0x22e: {  	(v2sf) =	vpush v3, $0x2;
	_ =	sdelay $0x1  }
0x22f: {  	s20 =	sand.u32 $0x7F, s21;
	(v2sf) =	vpush v2, $0x2  }
0x230: {  	v36 =	vor.u32 s20, v0  }
0x231: {  	s21 =	sand.u32 $0x7F, s22;
	v37 =	vor.u32 s20, v1  }
0x232: {  	v38 =	vor.u32 s21, v0  }
0x233: {  	v17 =	vor.u32 s21, v1;
	s18 =	simm.s32 $0xB;
	[sflag:s19] =	ssyncset.done $0x0  }
0x234: {  	s20 =	simm.s32 $0x2400;
	[sflag:s18] =	ssyncadd.s32 $0xFFFFF000  }
0x235: {  	s21 =	simm.s32 $0x2400;
	v14 =	vld.idx.msk [tilespmem:v36+s20+$0x0], $0xffff  }
0x236: {  	s22 =	simm.s32 $0xA400;
	v15 =	vld.idx.msk [tilespmem:v37+s21+$0x0], $0xffff  }
0x237: {  	v16 =	vld.idx.msk [tilespmem:v38+s22+$0x0], $0xffff  }
0x238: {  	v17 =	vld.idx.msk [tilespmem:v17+s22+$0x0], $0xffff;
	_ =	sdelay $0x3  }
0x239: {  	s18 =	spop (v2sf)  }
0x23a: {  	v14 =	vmul.f32 v16, v14;
	v15 =	vmul.f32 v17, v15;
	s0 =	sand.u32 $0x7F, s18  }
0x23b: {  	s20 =	spop (v2sf);
	s21 =	sshra.s32 s18, $0x1F;
	p6 =	slt.s32 s18, $0x1  }
0x23c: {  	v14 =	vadd.f32 v15, v14;
	p3 =	sne.s32 s0, $0x0;
	s0 =	sand.u32 $0x7F, s20;
	p5 =	slt.s32 s20, $0x1  }
0x23d: {  	s21 =	sshrl.u32 s21, $0x19;
	p4 =	sne.s32 s0, $0x0;
	s0 =	sshra.s32 s20, $0x1F  }
0x23e: {  	(xrf2) =	vadd.scan.msk.f32 $0xffff, v14;
	s18 =	sadd.s32 s21, s18;
	s19 =	sshrl.u32 s0, $0x19;
	p1 =	por !p5, !p4  }
0x23f: {  	s19 =	sadd.s32 s19, s20;
	p1 =	por !p1, !p1;
	s20 =	simm.s32 $0x1  }
0x240: {  	p0 =	por !p6, !p3;
	s19 =	sshrl.u32 s19, $0x7;
	s20 =	simm.s32 @!p1 $0x0  }
0x241: {  	p0 =	por !p0, !p0;
	s19 =	ssub.s32 s19, s20;
	s20 =	simm.s32 $0x1  }
0x242: {  	s18 =	sshrl.u32 s18, $0x7;
	s19 =	sshll.u32 s19, $0x7;
	s20 =	simm.s32 @!p0 $0x0  }
0x243: {  	s19 =	sand.u32 $0x1FFFFF80, s19;
	s18 =	ssub.s32 s18, s20  }
0x244: {  	s21 =	simm.s32 $0x2400;
	s19 =	sadd.s32 s14, s19;
	s18 =	sshll.u32 s18, $0x7  }
0x245: {  	[tilespmem:s21], [sflag:$0x3] =	stream.strided.gather [hbm4b:s19+s12], $0x1000, s26, s12, $0x38;
	[tilespmem:$0x10A00] =	vst v63  }
0x246: {  	s18 =	sand.u32 $0x1FFFFF80, s18  }
0x247: {  	s19 =	simm.s32 $0x4;
	s18 =	sadd.s32 s2, s18  }
0x248: {  	v14, _, _ =	vpop (xrf2);
	[tilespmem:s22], [sflag:$0xB] =	stream.strided.gather [hbm4b:s18+s12], $0x1000, s26, s12, $0x38;
	[tilespmem:$0x10A00] =	vst v63  }
0x249: {  	_ =	swait.ge [sflag:s19], $0x1000  }
0x24a: {  	[sflag:s19] =	ssyncset.done $0x0  }
0x24b: {  	s20 =	simm.s32 $0xC;
	[sflag:s19] =	ssyncadd.s32 $0xFFFFF000  }
0x24c: {  	_ =	swait.ge [sflag:s20], $0x1000  }
0x24d: {  	(v2sf) =	vpush v3, $0x3;
	_ =	sdelay $0x1  }
0x24e: {  	s7 =	sand.u32 $0x7F, s7;
	(v2sf) =	vpush v2, $0x3  }
0x24f: {  	v41 =	vor.u32 s7, v0  }
0x250: {  	v18 =	vor.u32 s7, v1;
	s19 =	sand.u32 $0x7F, s24  }
0x251: {  	v39 =	vor.u32 s19, v0  }
0x252: {  	v40 =	vor.u32 s19, v1;
	[sflag:s20] =	ssyncset.done $0x0;
	s20 =	simm.s32 $0xC  }
0x253: {  	s30 =	simm.s32 $0xB400;
	[sflag:s20] =	ssyncadd.s32 $0xFFFFF000  }
0x254: {  	v17 =	vld.idx.msk [tilespmem:v41+s30+$0x0], $0xffff  }
0x255: {  	s24 =	simm.s32 $0x3400;
	v18 =	vld.idx.msk [tilespmem:v18+s30+$0x0], $0xffff  }
0x256: {  	v15 =	vld.idx.msk [tilespmem:v39+s24+$0x0], $0xffff  }
0x257: {  	v16 =	vld.idx.msk [tilespmem:v40+s24+$0x0], $0xffff;
	_ =	sdelay $0x3  }
0x258: {  	s7 =	spop (v2sf)  }
0x259: {  	v15 =	vmul.f32 v17, v15;
	v16 =	vmul.f32 v18, v16;
	s0 =	sand.u32 $0x7F, s7  }
0x25a: {  	s19 =	spop (v2sf);
	s20 =	sshra.s32 s7, $0x1F;
	p6 =	slt.s32 s7, $0x1  }
0x25b: {  	v15 =	vadd.f32 v16, v15;
	p3 =	sne.s32 s0, $0x0;
	s0 =	sand.u32 $0x7F, s19;
	p5 =	slt.s32 s19, $0x1  }
0x25c: {  	s20 =	sshrl.u32 s20, $0x19;
	p4 =	sne.s32 s0, $0x0;
	s0 =	sshra.s32 s19, $0x1F  }
0x25d: {  	(xrf2) =	vadd.scan.msk.f32 $0xffff, v15;
	s7 =	sadd.s32 s20, s7;
	s18 =	sshrl.u32 s0, $0x19;
	p1 =	por !p5, !p4  }
0x25e: {  	s18 =	sadd.s32 s18, s19;
	p1 =	por !p1, !p1;
	s19 =	simm.s32 $0x1  }
0x25f: {  	p0 =	por !p6, !p3;
	s18 =	sshrl.u32 s18, $0x7;
	s19 =	simm.s32 @!p1 $0x0  }
0x260: {  	p0 =	por !p0, !p0;
	s18 =	ssub.s32 s18, s19;
	s19 =	simm.s32 $0x1  }
0x261: {  	s7 =	sshrl.u32 s7, $0x7;
	s18 =	sshll.u32 s18, $0x7;
	s19 =	simm.s32 @!p0 $0x0  }
0x262: {  	s18 =	sand.u32 $0x1FFFFF80, s18;
	s7 =	ssub.s32 s7, s19  }
0x263: {  	s18 =	sadd.s32 s14, s18;
	s7 =	sshll.u32 s7, $0x7  }
0x264: {  	[tilespmem:s24], [sflag:$0x4] =	stream.strided.gather [hbm4b:s18+s12], $0x1000, s26, s12, $0x38;
	[tilespmem:$0x10A00] =	vst v63  }
0x265: {  	s7 =	sand.u32 $0x1FFFFF80, s7  }
0x266: {  	s19 =	simm.s32 $0x5;
	s7 =	sadd.s32 s2, s7  }
0x267: {  	v15, _, _ =	vpop (xrf2);
	[tilespmem:s30], [sflag:$0xC] =	stream.strided.gather [hbm4b:s7+s12], $0x1000, s26, s12, $0x38;
	[tilespmem:$0x10A00] =	vst v63  }
0x268: {  	_ =	swait.ge [sflag:s19], $0x1000  }
0x269: {  	[sflag:s19] =	ssyncset.done $0x0  }
0x26a: {  	s20 =	simm.s32 $0xD;
	[sflag:s19] =	ssyncadd.s32 $0xFFFFF000  }
0x26b: {  	_ =	swait.ge [sflag:s20], $0x1000  }
0x26c: {  	(v2sf) =	vpush v3, $0x4;
	_ =	sdelay $0x1  }
0x26d: {  	s8 =	sand.u32 $0x7F, s8;
	(v2sf) =	vpush v2, $0x4  }
0x26e: {  	v42 =	vor.u32 s8, v0  }
0x26f: {  	v43 =	vor.u32 s8, v1;
	s18 =	sand.u32 $0x7F, s9  }
0x270: {  	v44 =	vor.u32 s18, v0  }
0x271: {  	v19 =	vor.u32 s18, v1;
	s19 =	simm.s32 $0xD;
	[sflag:s20] =	ssyncset.done $0x0  }
0x272: {  	s31 =	simm.s32 $0x4400;
	[sflag:s19] =	ssyncadd.s32 $0xFFFFF000  }
0x273: {  	v16 =	vld.idx.msk [tilespmem:v42+s31+$0x0], $0xffff  }
0x274: {  	s20 =	simm.s32 $0xC400;
	v17 =	vld.idx.msk [tilespmem:v43+s31+$0x0], $0xffff  }
0x275: {  	v18 =	vld.idx.msk [tilespmem:v44+s20+$0x0], $0xffff  }
0x276: {  	v19 =	vld.idx.msk [tilespmem:v19+s20+$0x0], $0xffff;
	_ =	sdelay $0x3  }
0x277: {  	s7 =	spop (v2sf)  }
0x278: {  	v16 =	vmul.f32 v18, v16;
	v17 =	vmul.f32 v19, v17;
	s0 =	sand.u32 $0x7F, s7  }
0x279: {  	s9 =	spop (v2sf);
	s18 =	sshra.s32 s7, $0x1F;
	p6 =	slt.s32 s7, $0x1  }
0x27a: {  	v16 =	vadd.f32 v17, v16;
	p3 =	sne.s32 s0, $0x0;
	s20 =	sand.u32 $0x7F, s9;
	s0 =	sshra.s32 s9, $0x1F  }
0x27b: {  	p5 =	slt.s32 s9, $0x1;
	s18 =	sshrl.u32 s18, $0x19;
	p4 =	sne.s32 s20, $0x0  }
0x27c: {  	(xrf2) =	vadd.scan.msk.f32 $0xffff, v16;
	s8 =	sshrl.u32 s0, $0x19;
	s7 =	sadd.s32 s18, s7;
	p1 =	por !p5, !p4  }
0x27d: {  	s8 =	sadd.s32 s8, s9;
	s9 =	simm.s32 $0x1;
	p1 =	por !p1, !p1  }
0x27e: {  	p0 =	por !p6, !p3;
	s8 =	sshrl.u32 s8, $0x7;
	s9 =	simm.s32 @!p1 $0x0  }
0x27f: {  	p0 =	por !p0, !p0;
	s8 =	ssub.s32 s8, s9;
	s9 =	simm.s32 $0x1  }
0x280: {  	s7 =	sshrl.u32 s7, $0x7;
	s8 =	sshll.u32 s8, $0x7;
	s9 =	simm.s32 @!p0 $0x0  }
0x281: {  	s8 =	sand.u32 $0x1FFFFF80, s8;
	s7 =	ssub.s32 s7, s9  }
0x282: {  	s8 =	sadd.s32 s14, s8;
	s7 =	sshll.u32 s7, $0x7  }
0x283: {  	[tilespmem:s31], [sflag:$0x5] =	stream.strided.gather [hbm4b:s8+s12], $0x1000, s26, s12, $0x38;
	[tilespmem:$0x10A00] =	vst v63  }
0x284: {  	s7 =	sand.u32 $0x1FFFFF80, s7  }
0x285: {  	s19 =	simm.s32 $0xC400;
	s7 =	sadd.s32 s2, s7  }
0x286: {  	v16, _, _ =	vpop (xrf2);
	[tilespmem:s19], [sflag:$0xD] =	stream.strided.gather [hbm4b:s7+s12], $0x1000, s26, s12, $0x38;
	[tilespmem:$0x10A00] =	vst v63  }
0x287: {  	_ =	swait.ge [sflag:s15], $0x1000  }
0x288: {  	[sflag:s15] =	ssyncset.done $0x0  }
0x289: {  	[sflag:s15] =	ssyncadd.s32 $0xFFFFF000;
	s15 =	simm.s32 $0xE  }
0x28a: {  	_ =	swait.ge [sflag:s15], $0x1000  }
0x28b: {  	(v2sf) =	vpush v3, $0x5;
	_ =	sdelay $0x1  }
0x28c: {  	s19 =	sand.u32 $0x7F, s10;
	(v2sf) =	vpush v2, $0x5  }
0x28d: {  	v45 =	vor.u32 s19, v0  }
0x28e: {  	s6 =	sand.u32 $0x7F, s6;
	v46 =	vor.u32 s19, v1  }
0x28f: {  	v47 =	vor.u32 s6, v0  }
0x290: {  	v20 =	vor.u32 s6, v1;
	s20 =	simm.s32 $0xE;
	[sflag:s15] =	ssyncset.done $0x0  }
0x291: {  	s7 =	simm.s32 $0x5400;
	[sflag:s20] =	ssyncadd.s32 $0xFFFFF000  }
0x292: {  	v17 =	vld.idx.msk [tilespmem:v45+s7+$0x0], $0xffff  }
0x293: {  	s8 =	simm.s32 $0xD400;
	v18 =	vld.idx.msk [tilespmem:v46+s7+$0x0], $0xffff  }
0x294: {  	v19 =	vld.idx.msk [tilespmem:v47+s8+$0x0], $0xffff  }
0x295: {  	v20 =	vld.idx.msk [tilespmem:v20+s8+$0x0], $0xffff;
	_ =	sdelay $0x3  }
0x296: {  	s6 =	spop (v2sf)  }
0x297: {  	v17 =	vmul.f32 v19, v17;
	v18 =	vmul.f32 v20, v18;
	s9 =	sand.u32 $0x7F, s6  }
0x298: {  	s8 =	spop (v2sf);
	s15 =	sshra.s32 s6, $0x1F;
	p6 =	slt.s32 s6, $0x1  }
0x299: {  	v17 =	vadd.f32 v18, v17;
	p3 =	sne.s32 s9, $0x0;
	s19 =	sand.u32 $0x7F, s8;
	s20 =	sshra.s32 s8, $0x1F  }
0x29a: {  	p5 =	slt.s32 s8, $0x1;
	s9 =	sshrl.u32 s15, $0x19;
	p4 =	sne.s32 s19, $0x0  }
0x29b: {  	(xrf2) =	vadd.scan.msk.f32 $0xffff, v17;
	s7 =	sshrl.u32 s20, $0x19;
	s6 =	sadd.s32 s9, s6;
	p1 =	por !p5, !p4  }
0x29c: {  	s7 =	sadd.s32 s7, s8;
	s8 =	simm.s32 $0x1;
	p1 =	por !p1, !p1  }
0x29d: {  	p0 =	por !p6, !p3;
	s7 =	sshrl.u32 s7, $0x7;
	s8 =	simm.s32 @!p1 $0x0  }
0x29e: {  	p0 =	por !p0, !p0;
	s7 =	ssub.s32 s7, s8;
	s8 =	simm.s32 $0x1  }
0x29f: {  	s6 =	sshrl.u32 s6, $0x7;
	s7 =	sshll.u32 s7, $0x7;
	s8 =	simm.s32 @!p0 $0x0  }
0x2a0: {  	s7 =	sand.u32 $0x1FFFFF80, s7;
	s6 =	ssub.s32 s6, s8  }
0x2a1: {  	s10 =	simm.s32 $0x5400;
	s7 =	sadd.s32 s14, s7;
	s6 =	sshll.u32 s6, $0x7  }
0x2a2: {  	[tilespmem:s10], [sflag:$0x6] =	stream.strided.gather [hbm4b:s7+s12], $0x1000, s26, s12, $0x38;
	[tilespmem:$0x10A00] =	vst v63  }
0x2a3: {  	s6 =	sand.u32 $0x1FFFFF80, s6  }
0x2a4: {  	s0 =	simm.s32 $0xD400;
	s6 =	sadd.s32 s2, s6  }
0x2a5: {  	v17, _, _ =	vpop (xrf2);
	[tilespmem:s0], [sflag:$0xE] =	stream.strided.gather [hbm4b:s6+s12], $0x1000, s26, s12, $0x38;
	[tilespmem:$0x10A00] =	vst v63  }
0x2a6: {  	_ =	swait.ge [sflag:s1], $0x1000  }
0x2a7: {  	[sflag:s1] =	ssyncset.done $0x0  }
0x2a8: {  	s7 =	simm.s32 $0xF;
	[sflag:s1] =	ssyncadd.s32 $0xFFFFF000  }
0x2a9: {  	s0 =	rddreg [dreg:$0xd];
	_ =	swait.ge [sflag:s7], $0x1000  }
0x2aa: {  	(v2sf) =	vpush v3, $0x6  }
0x2ab: {  	s3 =	sand.u32 $0x7F, s3;
	(v2sf) =	vpush v2, $0x6  }
0x2ac: {  	v48 =	vor.u32 s3, v0  }
0x2ad: {  	v49 =	vor.u32 s3, v1;
	s5 =	sand.u32 $0x7F, s5  }
0x2ae: {  	v50 =	vor.u32 s5, v0  }
0x2af: {  	v21 =	vor.u32 s5, v1;
	s8 =	simm.s32 $0xF;
	[sflag:s7] =	ssyncset.done $0x0  }
0x2b0: {  	s9 =	simm.s32 $0x6400;
	[sflag:s8] =	ssyncadd.s32 $0xFFFFF000  }
0x2b1: {  	v18 =	vld.idx.msk [tilespmem:v48+s9+$0x0], $0xffff  }
0x2b2: {  	s10 =	simm.s32 $0xE400;
	v19 =	vld.idx.msk [tilespmem:v49+s9+$0x0], $0xffff  }
0x2b3: {  	v20 =	vld.idx.msk [tilespmem:v50+s10+$0x0], $0xffff  }
0x2b4: {  	v21 =	vld.idx.msk [tilespmem:v21+s10+$0x0], $0xffff;
	_ =	sdelay $0x4  }
0x2b5: {  	s6 =	simm.s32 $0x1;
	v18 =	vmul.f32 v20, v18;
	v19 =	vmul.f32 v21, v19;
	s3 =	spop (v2sf)  }
0x2b6: {  	s15 =	sand.u32 $0x7F, s3;
	s19 =	spop (v2sf);
	s20 =	sshra.s32 s3, $0x1F  }
0x2b7: {  	v18 =	vadd.f32 v19, v18;
	p6 =	slt.s32 s3, $0x1;
	p3 =	sne.s32 s15, $0x0;
	s9 =	sand.u32 $0x7F, s19  }
0x2b8: {  	s10 =	sshra.s32 s19, $0x1F;
	p5 =	slt.s32 s19, $0x1;
	p4 =	sne.s32 s9, $0x0  }
0x2b9: {  	(xrf2) =	vadd.scan.msk.f32 $0xffff, v18;
	s7 =	sshrl.u32 s20, $0x19;
	s5 =	sshrl.u32 s10, $0x19;
	p1 =	por !p5, !p4  }
0x2ba: {  	s3 =	sadd.s32 s7, s3;
	s5 =	sadd.s32 s5, s19;
	p1 =	por !p1, !p1  }
0x2bb: {  	p0 =	por !p6, !p3;
	s5 =	sshrl.u32 s5, $0x7;
	s6 =	simm.s32 @!p1 $0x0  }
0x2bc: {  	p0 =	por !p0, !p0;
	s5 =	ssub.s32 s5, s6;
	s6 =	simm.s32 $0x1  }
0x2bd: {  	s3 =	sshrl.u32 s3, $0x7;
	s5 =	sshll.u32 s5, $0x7;
	s6 =	simm.s32 @!p0 $0x0  }
0x2be: {  	s5 =	sand.u32 $0x1FFFFF80, s5;
	s3 =	ssub.s32 s3, s6  }
0x2bf: {  	s8 =	simm.s32 $0x6400;
	s5 =	sadd.s32 s14, s5;
	s3 =	sshll.u32 s3, $0x7  }
0x2c0: {  	[tilespmem:s8], [sflag:$0x7] =	stream.strided.gather [hbm4b:s5+s12], $0x1000, s26, s12, $0x38;
	[tilespmem:$0x10A00] =	vst v63  }
0x2c1: {  	s3 =	sand.u32 $0x1FFFFF80, s3  }
0x2c2: {  	s1 =	simm.s32 $0xE400;
	s3 =	sadd.s32 s2, s3  }
0x2c3: {  	v18, _, _ =	vpop (xrf2);
	[tilespmem:s1], [sflag:$0xF] =	stream.strided.gather [hbm4b:s3+s12], $0x1000, s26, s12, $0x38;
	[tilespmem:$0x10A00] =	vst v63  }
0x2c4: {  	_ =	swait.ge [sflag:s4], $0x1000  }
0x2c5: {  	[sflag:s4] =	ssyncset.done $0x0  }
0x2c6: {  	[sflag:s4] =	ssyncadd.s32 $0xFFFFF000  }
0x2c7: {  	s4 =	rddreg [dreg:$0xf];
	_ =	swait.ge [sflag:s16], $0x1000  }
0x2c8: {  	(v2sf) =	vpush v3, $0x7  }
0x2c9: {  	(v2sf) =	vpush v2, $0x7;
	_ =	sdelay $0x1  }
0x2ca: {  	s13 =	sand.u32 $0x7F, s13  }
0x2cb: {  	v51 =	vor.u32 s13, v1;
	s15 =	sand.u32 $0x7F, s11  }
0x2cc: {  	v3 =	vor.u32 s15, v0  }
0x2cd: {  	v2 =	vor.u32 s13, v0  }
0x2ce: {  	v52 =	vor.u32 s15, v1;
	[sflag:s16] =	ssyncset.done $0x0  }
0x2cf: {  	s19 =	simm.s32 $0x7400;
	[sflag:s16] =	ssyncadd.s32 $0xFFFFF000  }
0x2d0: {  	s18 =	simm.s32 $0xF400;
	v19 =	vld.idx.msk [tilespmem:v51+s19+$0x0], $0xffff  }
0x2d1: {  	v3 =	vld.idx.msk [tilespmem:v3+s18+$0x0], $0xffff  }
0x2d2: {  	v2 =	vld.idx.msk [tilespmem:v2+s19+$0x0], $0xffff  }
0x2d3: {  	v20 =	vld.idx.msk [tilespmem:v52+s18+$0x0], $0xffff;
	_ =	sdelay $0x2  }
0x2d4: {  	v53 =	vbroadcast v5, $0xF;
	s6 =	simm.s32 $0x1;
	s9 =	spop (v2sf)  }
0x2d5: {  	v2 =	vmul.f32 v3, v2;
	v3 =	vbroadcast v4, $0xF;
	s10 =	sand.u32 $0x7F, s9;
	s11 =	spop (v2sf);
	s13 =	sshra.s32 s9, $0x1F  }
0x2d6: {  	v6 =	vbroadcast v6, $0xF;
	v54 =	vmul.f32 v20, v19;
	p6 =	slt.s32 s9, $0x1;
	p3 =	sne.s32 s10, $0x0;
	s15 =	sand.u32 $0x7F, s11  }
0x2d7: {  	v55 =	vbroadcast v7, $0xF;
	v3 =	vsel vm0, v3, v53;
	s16 =	sshra.s32 s11, $0x1F;
	p5 =	slt.s32 s11, $0x1;
	p4 =	sne.s32 s15, $0x0  }
0x2d8: {  	v56 =	vbroadcast v8, $0xF;
	v2 =	vadd.f32 v54, v2;
	v3 =	vsel vm1, v3, v6;
	s7 =	sshrl.u32 s13, $0x19;
	s5 =	sshrl.u32 s16, $0x19;
	p1 =	por !p5, !p4  }
0x2d9: {  	v57 =	vbroadcast v9, $0xF;
	v3 =	vsel vm2, v3, v55;
	s3 =	sadd.s32 s7, s9;
	s5 =	sadd.s32 s5, s11;
	p1 =	por !p1, !p1  }
0x2da: {  	(xrf2) =	vadd.scan.msk.f32 $0xffff, v2;
	v2 =	vbroadcast v10, $0xF;
	v3 =	vsel vm3, v3, v56;
	p0 =	por !p6, !p3;
	s5 =	sshrl.u32 s5, $0x7;
	s6 =	simm.s32 @!p1 $0x0  }
0x2db: {  	v58 =	vbroadcast v11, $0xF;
	v3 =	vsel vm4, v3, v57;
	p0 =	por !p0, !p0;
	s5 =	ssub.s32 s5, s6;
	s6 =	simm.s32 $0x1  }
0x2dc: {  	v2 =	vsel vm5, v3, v2;
	v3 =	vbroadcast v12, $0xF;
	s3 =	sshrl.u32 s3, $0x7;
	s5 =	sshll.u32 s5, $0x7;
	s6 =	simm.s32 @!p0 $0x0  }
0x2dd: {  	v59 =	vbroadcast v13, $0xF;
	v2 =	vsel vm6, v2, v58;
	s5 =	sand.u32 $0x1FFFFF80, s5;
	s3 =	ssub.s32 s3, s6  }
0x2de: {  	s20 =	simm.s32 $0x7400;
	v2 =	vsel vm7, v2, v3;
	v3 =	vbroadcast v14, $0xF;
	s5 =	sadd.s32 s14, s5;
	s3 =	sshll.u32 s3, $0x7  }
0x2df: {  	v60 =	vbroadcast v15, $0xF;
	v2 =	vsel vm8, v2, v59;
	[tilespmem:s20], [sflag:$0x8] =	stream.strided.gather [hbm4b:s5+s12], $0x1000, s26, s12, $0x38;
	[tilespmem:$0x10A00] =	vst v63  }
0x2e0: {  	v2 =	vsel vm9, v2, v3;
	v3 =	vbroadcast v16, $0xF;
	s3 =	sand.u32 $0x1FFFFF80, s3  }
0x2e1: {  	s1 =	rddreg [dreg:$0xe];
	v2 =	vsel vm10, v2, v60;
	s3 =	sadd.s32 s2, s3  }
0x2e2: {  	v2 =	vsel vm11, v2, v3;
	v3 =	vbroadcast v18, $0xF;
	[tilespmem:s18], [sflag:$0x10] =	stream.strided.gather [hbm4b:s3+s12], $0x1000, s26, s12, $0x38;
	[tilespmem:$0x10A00] =	vst v63  }
0x2e3: {  	v61 =	vbroadcast v17, $0xF;
	v62 =	vld [tilespmem:s1+$0x0];
	_ =	sdelay $0x1  }
0x2e4: {  	v2 =	vsel vm12, v2, v61;
	v63 =	vld [tilespmem:s4+$0x0]  }
0x2e5: {  	v2 =	vsel vm13, v2, v3;
	v3, _, _ =	vpop (xrf2)  }
0x2e6: {  	p0 =	sne.s32 s17, $0x1F0;
	v2 =	vsel vm14, v2, v3  }
.Ltmp0:
0x2e7: {  	v2 =	vadd.f32 v62, v2;
	(pc) =	sbr.rel @p0 .LBB2_2-.Ltmp0, $4  }
0x2e8: {  	_ = 	snop  }
0x2e9: {  	s0 =	sadd.s32 $0x10, s0;
	s19 =	rddreg [dreg:$0x11];
	v2 =	vadd.f32 v63, v2  }
0x2ea: {  	s17 =	sadd.s32 $0x10, s17;
	s20 =	rddreg [dreg:$0x10];
	s5 =	sadd.s32 $0x10, s19  }
0x2eb: {  	s3 =	sadd.s32 $0x10, s20;
	s1 =	sadd.s32 $0x10, s1;
	s4 =	sadd.s32 $0x10, s4;
	[tilespmem:s20+$0x0] =	vst v2  }
0x2ec: {  	_ =	swait.ge [sflag:s29], $0x1000  }
0x2ed: {  	[sflag:s29] =	ssyncset.done $0x0  }
0x2ee: {  	s0 =	simm.s32 $0x9;
	[sflag:s29] =	ssyncadd.s32 $0xFFFFF000  }
0x2ef: {  	_ =	swait.ge [sflag:s0], $0x1000  }
0x2f0: {  	[sflag:s0] =	ssyncset.done $0x0  }
0x2f1: {  	s3 =	simm.s32 $0x2;
	[sflag:s0] =	ssyncadd.s32 $0xFFFFF000  }
0x2f2: {  	_ =	swait.ge [sflag:s3], $0x1000  }
0x2f3: {  	[sflag:s3] =	ssyncset.done $0x0  }
0x2f4: {  	s4 =	simm.s32 $0xA;
	[sflag:s3] =	ssyncadd.s32 $0xFFFFF000  }
0x2f5: {  	_ =	swait.ge [sflag:s4], $0x1000  }
0x2f6: {  	[sflag:s4] =	ssyncset.done $0x0  }
0x2f7: {  	s5 =	simm.s32 $0x3;
	[sflag:s4] =	ssyncadd.s32 $0xFFFFF000  }
0x2f8: {  	_ =	swait.ge [sflag:s5], $0x1000  }
0x2f9: {  	[sflag:s5] =	ssyncset.done $0x0  }
0x2fa: {  	s6 =	simm.s32 $0xB;
	[sflag:s5] =	ssyncadd.s32 $0xFFFFF000  }
0x2fb: {  	_ =	swait.ge [sflag:s6], $0x1000  }
0x2fc: {  	[sflag:s6] =	ssyncset.done $0x0  }
0x2fd: {  	s7 =	simm.s32 $0x4;
	[sflag:s6] =	ssyncadd.s32 $0xFFFFF000  }
0x2fe: {  	_ =	swait.ge [sflag:s7], $0x1000  }
0x2ff: {  	[sflag:s7] =	ssyncset.done $0x0  }
0x300: {  	s8 =	simm.s32 $0xC;
	[sflag:s7] =	ssyncadd.s32 $0xFFFFF000  }
0x301: {  	_ =	swait.ge [sflag:s8], $0x1000  }
0x302: {  	[sflag:s8] =	ssyncset.done $0x0  }
0x303: {  	s9 =	simm.s32 $0x5;
	[sflag:s8] =	ssyncadd.s32 $0xFFFFF000  }
0x304: {  	_ =	swait.ge [sflag:s9], $0x1000  }
0x305: {  	[sflag:s9] =	ssyncset.done $0x0  }
0x306: {  	s10 =	simm.s32 $0xD;
	[sflag:s9] =	ssyncadd.s32 $0xFFFFF000  }
0x307: {  	_ =	swait.ge [sflag:s10], $0x1000  }
0x308: {  	[sflag:s10] =	ssyncset.done $0x0  }
0x309: {  	s11 =	simm.s32 $0x6;
	[sflag:s10] =	ssyncadd.s32 $0xFFFFF000  }
0x30a: {  	_ =	swait.ge [sflag:s11], $0x1000  }
0x30b: {  	[sflag:s11] =	ssyncset.done $0x0  }
0x30c: {  	s13 =	simm.s32 $0xE;
	[sflag:s11] =	ssyncadd.s32 $0xFFFFF000  }
0x30d: {  	_ =	swait.ge [sflag:s13], $0x1000  }
0x30e: {  	[sflag:s13] =	ssyncset.done $0x0  }
0x30f: {  	s15 =	simm.s32 $0x7;
	[sflag:s13] =	ssyncadd.s32 $0xFFFFF000  }
0x310: {  	_ =	swait.ge [sflag:s15], $0x1000  }
0x311: {  	[sflag:s15] =	ssyncset.done $0x0  }
0x312: {  	s1 =	simm.s32 $0xF;
	[sflag:s15] =	ssyncadd.s32 $0xFFFFF000  }
0x313: {  	_ =	swait.ge [sflag:s1], $0x1000  }
0x314: {  	[sflag:s1] =	ssyncset.done $0x0  }
0x315: {  	s16 =	simm.s32 $0x8;
	[sflag:s1] =	ssyncadd.s32 $0xFFFFF000  }
0x316: {  	_ =	swait.ge [sflag:s16], $0x1000  }
0x317: {  	[sflag:s16] =	ssyncset.done $0x0  }
0x318: {  	s17 =	simm.s32 $0x10;
	[sflag:s16] =	ssyncadd.s32 $0xFFFFF000  }
0x319: {  	_ =	swait.ge [sflag:s17], $0x1000  }
0x31a: {  	s3 =	simm.s32 $0x10800;
	[sflag:s17] =	ssyncset.done $0x0  }
0x31b: {  	s10 =	simm.s32 $0x0;
	s19 =	rddreg [dreg:$0xa];
	[sflag:s17] =	ssyncadd.s32 $0xFFFFF000  }
0x31c: {  	[hbm4b:s19+s10] =	stream.linear.scatter [tilespmem:s3], [sflag:$0x12], $0x200, $0x38;
	[tilespmem:$0x10A00] =	vst v63  }
0x31d: {  	s3 =	simm.s32 $0x12  }
0x31e: {  	_ =	swait.ge [sflag:s3], $0x200  }
0x31f: {  	s4 =	rddreg [dreg:$0xc]  }
0x320: {  	s20 =	rddreg [dreg:$0xb];
	s4 =	sadd.s32 $0x1, s4  }
0x321: {  	p0 =	sne.s32 s4, s20  }
.Ltmp1:
0x322: {  	_ = 	snop;
	(pc) =	sbr.rel @p0 .LBB2_1-.Ltmp1, $4  }
0x323: {  	_ = 	snop  }
0x324: {  	s9 =	simm.s32 $0xC400;
	s11 =	simm.s32 $0x5400  }
0x325: {  	s13 =	simm.s32 $0xD400;
	s15 =	simm.s32 $0x6400;
	[sflag:s3] =	ssyncset.done $0x0  }
0x326: {  	s16 =	simm.s32 $0xE400;
	s17 =	simm.s32 $0x7400;
	[sflag:s3] =	ssyncadd.s32 $0xFFFFFE00  }
0x327: {  	_ =	sfence.sel $0x180000  }
0x328: {  	[bflag:$0x0] =	sbarrier.arrive $0xFFFF  }
0x329: {  	_ =	strace $0x90000047  }
0x32a: {  	s0 =	stileid.u32;
	[bflag:$0x2] =	sbarrier.arrive $0xFFFF  }
0x32b: {  	p0 =	sne.s32 s0, $0x0;
	s0 =	rddreg [dreg:$0x7]  }
0x32c: {  	s0 =	sadd.s32 @!p0 $0x100000, s0  }
0x32d: {  	[sflag:s0] =	ssyncadd.tile.s32 @!p0 $0x1;
	_ =	shalt  }
.Lfunc_end2:
_tile_overlayer_lowered:
.L_overlay_start_2:
0x32e: {  	(tag) =	ssettag $0x2  }
0x32f: {  	s0 =	rddreg [dreg:$0x0];
	s2 =	stileid.u32  }
0x330: {  	s1 =	rddreg [dreg:$0x1];
	p0 =	sne.s32 s2, $0x0  }
0x331: {  	s3 =	rddreg [dreg:$0x2];
	[bflag:$0x3] =	sbarrier.arrive $0xFFFF;
	s2 =	simm.s32 @!p0 $0x1C12  }
0x332: {  	[timem:s3], [sflag:s2] =	dma.local @!p0 [hbm:s0], s1  }
0x333: {  	s0 =	simm.s32 @!p0 $0x12  }
0x334: {  	_ =	swait.ge @!p0 [sflag:s0], s1  }
0x335: {  	s1 =	ssub.s32 @!p0 $0x0, s1;
	[sflag:s0] =	ssyncset.done @!p0 $0x0  }
0x336: {  	[sflag:s0] =	ssyncadd.s32 @!p0 s1  }
0x337: {  	[bflag:$0x3] =	sbarrier.arrive $0xFFFF  }
0x338: {  	_ =	shalt  }

</sc_bundles>
